<compile_context>
chip_gen: v7x
topology: tpu7x:2x2x1
jax: 0.10.2.dev20260603
libtpu: 0.0.44.dev20260713+nightly
codegen_flags: <defaults>
</compile_context>

<pallas_src>
import functools

import jax
import jax.numpy as jnp
from jax import lax
from jax.experimental import pallas as pl
from jax.experimental.pallas import tpu as pltpu
from jax.experimental.pallas import tpu_sc as plsc

HIS = 10
ROLL = 2
MP = 2

NC = 2
NS = 16
NW = NC * NS
CHUNK = 80



def _sc_gather2(tab_a, tab_b, srcv, dstv):
    E = srcv.shape[0]
    W = tab_a.shape[1]
    ew = E // NW
    nch = ew // CHUNK
    assert ew % CHUNK == 0
    mesh = plsc.VectorSubcoreMesh(core_axis_name="c", subcore_axis_name="s")

    @functools.partial(
        pl.kernel,
        out_type=[jax.ShapeDtypeStruct((E, W), jnp.float32),
                  jax.ShapeDtypeStruct((E, W), jnp.float32)],
        mesh=mesh,
        compiler_params=pltpu.CompilerParams(use_tc_tiling_on_sc=False),
        scratch_types=[
            pltpu.VMEM((CHUNK,), jnp.int32),
            pltpu.VMEM((CHUNK,), jnp.int32),
            pltpu.VMEM((CHUNK, W), jnp.float32),
            pltpu.VMEM((CHUNK, W), jnp.float32),
            pltpu.SemaphoreType.DMA,
            pltpu.SemaphoreType.DMA,
        ],
    )
    def k(a_h, b_h, s_h, d_h, ga_h, gb_h, si, di, ra, rb, sa, sb):
        wid = lax.axis_index("s") * NC + lax.axis_index("c")
        base = wid * ew

        def body(i, carry):
            off = base + i * CHUNK
            pltpu.sync_copy(s_h.at[pl.ds(off, CHUNK)], si)
            pltpu.sync_copy(d_h.at[pl.ds(off, CHUNK)], di)
            cpa = pltpu.async_copy(a_h.at[si], ra, sa)
            cpb = pltpu.async_copy(b_h.at[di], rb, sb)
            cpa.wait()
            cpb.wait()
            pltpu.sync_copy(ra, ga_h.at[pl.ds(off, CHUNK)])
            pltpu.sync_copy(rb, gb_h.at[pl.ds(off, CHUNK)])
            return carry

        lax.fori_loop(0, nch, body, 0)

    return k(tab_a, tab_b, srcv, dstv)


def _sc_scatter_add(f, srcv, dstv, n_nodes, zeros_tab):
    E, Wf = f.shape
    ew = E // NW
    nch = ew // CHUNK
    assert ew % CHUNK == 0
    rows = n_nodes // NS
    mesh = plsc.VectorSubcoreMesh(core_axis_name="c", subcore_axis_name="s")

    @functools.partial(
        pl.kernel,
        out_type=jax.ShapeDtypeStruct((2, n_nodes, Wf), jnp.float32),
        mesh=mesh,
        compiler_params=pltpu.CompilerParams(use_tc_tiling_on_sc=False),
        scratch_types=[
            pltpu.VMEM((CHUNK,), jnp.int32),
            pltpu.VMEM((CHUNK,), jnp.int32),
            pltpu.VMEM((CHUNK, Wf), jnp.float32),
            pltpu.VMEM_SHARED((n_nodes, Wf), jnp.float32),
        ],
    )
    def k(f_h, s_h, d_h, z_h, out_h, si, di, fb, shared):
        cid = lax.axis_index("c")
        sid = lax.axis_index("s")
        pltpu.sync_copy(z_h.at[pl.ds(sid * rows, rows)],
                        shared.at[pl.ds(sid * rows, rows)])
        plsc.subcore_barrier()
        base = cid * (E // 2) + sid * ew

        def body(i, carry):
            off = base + i * CHUNK
            pltpu.sync_copy(s_h.at[pl.ds(off, CHUNK)], si)
            pltpu.sync_copy(d_h.at[pl.ds(off, CHUNK)], di)
            pltpu.sync_copy(f_h.at[pl.ds(off, CHUNK)], fb)
            pltpu.sync_copy(fb, shared.at[si], add=True)
            pltpu.sync_copy(fb, shared.at[di], add=True)
            return carry

        lax.fori_loop(0, nch, body, 0)
        plsc.subcore_barrier()
        pltpu.sync_copy(shared.at[pl.ds(sid * rows, rows)],
                        out_h.at[cid, pl.ds(sid * rows, rows)])

    return k(f, srcv, dstv, zeros_tab)


def _sc_count(srcv, dstv, n_nodes, zeros_tab, ones_chunk):
    E = srcv.shape[0]
    ew = E // NW
    nch = ew // CHUNK
    rows = n_nodes // NS
    mesh = plsc.VectorSubcoreMesh(core_axis_name="c", subcore_axis_name="s")

    @functools.partial(
        pl.kernel,
        out_type=jax.ShapeDtypeStruct((2, n_nodes, 16), jnp.float32),
        mesh=mesh,
        compiler_params=pltpu.CompilerParams(use_tc_tiling_on_sc=False),
        scratch_types=[
            pltpu.VMEM((CHUNK,), jnp.int32),
            pltpu.VMEM((CHUNK,), jnp.int32),
            pltpu.VMEM((CHUNK, 16), jnp.float32),
            pltpu.VMEM_SHARED((n_nodes, 16), jnp.float32),
        ],
    )
    def k(s_h, d_h, z_h, o_h, out_h, si, di, ob, shared):
        cid = lax.axis_index("c")
        sid = lax.axis_index("s")
        pltpu.sync_copy(z_h.at[pl.ds(sid * rows, rows)],
                        shared.at[pl.ds(sid * rows, rows)])
        pltpu.sync_copy(o_h, ob)
        plsc.subcore_barrier()
        base = cid * (E // 2) + sid * ew

        def body(i, carry):
            off = base + i * CHUNK
            pltpu.sync_copy(s_h.at[pl.ds(off, CHUNK)], si)
            pltpu.sync_copy(d_h.at[pl.ds(off, CHUNK)], di)
            pltpu.sync_copy(ob, shared.at[si], add=True)
            pltpu.sync_copy(ob, shared.at[di], add=True)
            return carry

        lax.fori_loop(0, nch, body, 0)
        plsc.subcore_barrier()
        pltpu.sync_copy(shared.at[pl.ds(sid * rows, rows)],
                        out_h.at[cid, pl.ds(sid * rows, rows)])

    return k(srcv, dstv, zeros_tab, ones_chunk)



def _elu(x):
    return jnp.where(x > 0, x, jnp.exp(jnp.minimum(x, 0.0)) - 1.0)


def _stats_from_sums(sums_pad, n_rows, width):
    s1 = sums_pad[0, :width]
    s2 = sums_pad[1, :width]
    mu = s1 / n_rows
    var = s2 / n_rows - mu * mu
    sg = jnp.sqrt(var + 1e-5)
    return mu, sg


def _pack_sums(f):
    s1 = jnp.sum(f, axis=0)
    s2 = jnp.sum(f * f, axis=0)
    w = f.shape[1]
    z = jnp.zeros((128 - w,), jnp.float32)
    row1 = jnp.concatenate([s1, z])[None]
    row2 = jnp.concatenate([s2, z])[None]
    return jnp.concatenate([row1, row2, jnp.zeros((6, 128), jnp.float32)],
                           axis=0)


def _tc_ee(edge_attr, gs, gd, ps, pd, ee_W1, ee_b1, ee_W2, ee_b2, first):
    E = edge_attr.shape[0]
    BE = 2000
    grid = E // BE

    def body(ea_r, gs_r, gd_r, *rest):
        if first:
            (w1_r, b1_r, w2_r, b2_r, out_r, sums_r) = rest
        else:
            (ps_r, pd_r, w1_r, b1_r, w2_r, b2_r, out_r, sums_r) = rest
        i = pl.program_id(0)
        d0 = jnp.abs(gs_r[...] - gd_r[...])
        if first:
            ea = jnp.concatenate([ea_r[...], d0[:, :6]], axis=1)
        else:
            dp = jnp.abs(ps_r[...] - pd_r[...])
            ea = jnp.concatenate([ea_r[...], d0[:, :2], dp[:, :4]], axis=1)
        h = _elu(jnp.dot(ea, w1_r[...], preferred_element_type=jnp.float32) + b1_r[...])
        f = _elu(jnp.dot(h, w2_r[...], preferred_element_type=jnp.float32) + b2_r[...])
        out_r[...] = f

        @pl.when(i == 0)
        def _():
            sums_r[...] = jnp.zeros((8, 128), jnp.float32)

        sums_r[...] += _pack_sums(f)

    full = lambda s: pl.BlockSpec(s, lambda i: tuple(0 for _ in s))
    pos_specs = [] if first else [pl.BlockSpec((BE, 16), lambda i: (i, 0))] * 2
    pos_args = [] if first else [ps, pd]
    return pl.pallas_call(
        body,
        grid=(grid,),
        in_specs=[
            pl.BlockSpec((BE, 2), lambda i: (i, 0)),
            pl.BlockSpec((BE, 16), lambda i: (i, 0)),
            pl.BlockSpec((BE, 16), lambda i: (i, 0)),
            *pos_specs,
            full((8, 32)),
            full((32,)),
            full((32, 32)),
            full((32,)),
        ],
        out_specs=[
            pl.BlockSpec((BE, 32), lambda i: (i, 0)),
            pl.BlockSpec((8, 128), lambda i: (0, 0)),
        ],
        out_shape=[
            jax.ShapeDtypeStruct((E, 32), jnp.float32),
            jax.ShapeDtypeStruct((8, 128), jnp.float32),
        ],
    )(edge_attr, gs, gd, *pos_args,
      jnp.pad(ee_W1, ((0, 2), (0, 0))), ee_b1, ee_W2, ee_b2)


def _tc_edge(ga, gb, le_raw, le_sums, f_prev, fp_sums, We, ge_b1, ge_W2, ge_b2,
             have_prev):
    E = ga.shape[0]
    BE = 2000
    grid = E // BE

    def body(ga_r, gb_r, le_r, ls_r, *rest):
        if have_prev:
            (fp_r, fs_r, we_r, b1_r, w2_r, b2_r, out_r, sums_r) = rest
        else:
            (we_r, b1_r, w2_r, b2_r, out_r, sums_r) = rest
        i = pl.program_id(0)
        mule, sgle = _stats_from_sums(ls_r[...], float(E), 32)
        le = (le_r[...] - mule) / sgle
        if have_prev:
            mup, sgp = _stats_from_sums(fs_r[...], float(E), 32)
            le = le + (fp_r[...] - mup) / sgp
        ce = jnp.dot(le, we_r[...], preferred_element_type=jnp.float32) + b1_r[...]
        h = _elu(ga_r[...] + gb_r[...] + ce)
        f = _elu(jnp.dot(h, w2_r[...], preferred_element_type=jnp.float32) + b2_r[...])
        out_r[...] = f

        @pl.when(i == 0)
        def _():
            sums_r[...] = jnp.zeros((8, 128), jnp.float32)

        sums_r[...] += _pack_sums(f)

    full = lambda s: pl.BlockSpec(s, lambda i: tuple(0 for _ in s))
    prev_specs = ([pl.BlockSpec((BE, 32), lambda i: (i, 0)), full((8, 128))]
                  if have_prev else [])
    prev_args = [f_prev, fp_sums] if have_prev else []
    return pl.pallas_call(
        body,
        grid=(grid,),
        in_specs=[
            pl.BlockSpec((BE, 128), lambda i: (i, 0)),
            pl.BlockSpec((BE, 128), lambda i: (i, 0)),
            pl.BlockSpec((BE, 32), lambda i: (i, 0)),
            full((8, 128)),
            *prev_specs,
            full((32, 128)),
            full((128,)),
            full((128, 32)),
            full((32,)),
        ],
        out_specs=[
            pl.BlockSpec((BE, 32), lambda i: (i, 0)),
            pl.BlockSpec((8, 128), lambda i: (0, 0)),
        ],
        out_shape=[
            jax.ShapeDtypeStruct((E, 32), jnp.float32),
            jax.ShapeDtypeStruct((8, 128), jnp.float32),
        ],
    )(ga, gb, le_raw, le_sums, *prev_args, We, ge_b1, ge_W2, ge_b2)


def _tc_node_front(hist, en_W1, en_b1, en_W2, en_b2, Ws, Wd):
    N = hist.shape[0]

    def body(h_r, w1_r, b1_r, w2_r, b2_r, ws_r, wd_r, ln_r, a_r, b_r):
        h = _elu(jnp.dot(h_r[...], w1_r[...], preferred_element_type=jnp.float32) + b1_r[...])
        f = _elu(jnp.dot(h, w2_r[...], preferred_element_type=jnp.float32) + b2_r[...])
        mu = jnp.mean(f, axis=0)
        var = jnp.mean(f * f, axis=0) - mu * mu
        ln = (f - mu) / jnp.sqrt(var + 1e-5)
        ln_r[...] = ln
        a_r[...] = jnp.dot(ln, ws_r[...], preferred_element_type=jnp.float32)
        b_r[...] = jnp.dot(ln, wd_r[...], preferred_element_type=jnp.float32)

    return pl.pallas_call(
        body,
        out_shape=[jax.ShapeDtypeStruct((N, 128), jnp.float32)] * 3,
    )(hist, en_W1, en_b1, en_W2, en_b2, Ws, Wd)


def _tc_node(ln, parts, cntp, f_sums, n_edges, gn_W1a, gn_W1b, gn_b1, gn_W2,
             gn_b2, Ws, Wd, d_W1, d_b1, d_W2p, d_b2p, last):
    N = ln.shape[0]

    if last:
        def body_last(ln_r, pa_r, cp_r, fs_r, w1a_r, w1b_r, b1_r, w2_r, b2_r,
                      dw1_r, db1_r, dw2_r, db2_r, acc_r):
            mu, sg = _stats_from_sums(fs_r[...], float(n_edges), 32)
            cnt = (cp_r[0, :, 0] + cp_r[1, :, 0])[:, None]
            rawagg = pa_r[0] + pa_r[1]
            agg = (rawagg - cnt * mu) / sg
            h = _elu(jnp.dot(ln_r[...], w1a_r[...], preferred_element_type=jnp.float32)
                     + jnp.dot(agg, w1b_r[...], preferred_element_type=jnp.float32)
                     + b1_r[...])
            g = _elu(jnp.dot(h, w2_r[...], preferred_element_type=jnp.float32) + b2_r[...])
            gmu = jnp.mean(g, axis=0)
            gvar = jnp.mean(g * g, axis=0) - gmu * gmu
            ln2 = (g - gmu) / jnp.sqrt(gvar + 1e-5) + ln_r[...]
            t = jnp.tanh(jnp.dot(ln2, dw1_r[...], preferred_element_type=jnp.float32) + db1_r[...])
            acc_r[...] = jnp.dot(t, dw2_r[...], preferred_element_type=jnp.float32) + db2_r[...]

        return pl.pallas_call(
            body_last,
            out_shape=jax.ShapeDtypeStruct((N, 8), jnp.float32),
        )(ln, parts, cntp, f_sums, gn_W1a, gn_W1b, gn_b1, gn_W2, gn_b2,
          d_W1, d_b1, d_W2p, d_b2p)

    def body_mid(ln_r, pa_r, cp_r, fs_r, w1a_r, w1b_r, b1_r, w2_r, b2_r,
                 ws_r, wd_r, ln2_r, a_r, b_r):
        mu, sg = _stats_from_sums(fs_r[...], float(n_edges), 32)
        cnt = (cp_r[0, :, 0] + cp_r[1, :, 0])[:, None]
        rawagg = pa_r[0] + pa_r[1]
        agg = (rawagg - cnt * mu) / sg
        h = _elu(jnp.dot(ln_r[...], w1a_r[...], preferred_element_type=jnp.float32)
                 + jnp.dot(agg, w1b_r[...], preferred_element_type=jnp.float32)
                 + b1_r[...])
        g = _elu(jnp.dot(h, w2_r[...], preferred_element_type=jnp.float32) + b2_r[...])
        gmu = jnp.mean(g, axis=0)
        gvar = jnp.mean(g * g, axis=0) - gmu * gmu
        ln2 = (g - gmu) / jnp.sqrt(gvar + 1e-5) + ln_r[...]
        ln2_r[...] = ln2
        a_r[...] = jnp.dot(ln2, ws_r[...], preferred_element_type=jnp.float32)
        b_r[...] = jnp.dot(ln2, wd_r[...], preferred_element_type=jnp.float32)

    return pl.pallas_call(
        body_mid,
        out_shape=[jax.ShapeDtypeStruct((N, 128), jnp.float32)] * 3,
    )(ln, parts, cntp, f_sums, gn_W1a, gn_W1b, gn_b1, gn_W2, gn_b2, Ws, Wd)



def kernel(nodes, edge_pair, edge_attr, en_W1, en_b1, en_W2, en_b2, ee_W1,
           ee_b1, ee_W2, ee_b2, ge_W1, ge_b1, ge_W2, ge_b2, gn_W1, gn_b1,
           gn_W2, gn_b2, d_W1, d_b1, d_W2, d_b2):
    window = nodes[0]
    N = window.shape[1]
    E = edge_pair.shape[0]
    src = edge_pair[:, 0]
    dst = edge_pair[:, 1]
    gt_future = window[HIS:]
    n10 = window[HIS]
    hist = jnp.transpose(window[:HIS], (1, 0, 2)).reshape(N, HIS * 4)

    Ws, Wd, We = ge_W1[:128], ge_W1[128:256], ge_W1[256:]
    Gn1a, Gn1b = gn_W1[:128], gn_W1[128:]
    d_W2p = jnp.pad(d_W2, ((0, 0), (0, 6)))
    d_b2p = jnp.pad(d_b2, (0, 6))

    zeros32 = jnp.zeros((N, 32), jnp.float32)
    zeros16 = jnp.zeros((N, 16), jnp.float32)
    ones16 = jnp.ones((CHUNK, 16), jnp.float32)
    cntp = _sc_count(src, dst, N, zeros16, ones16)

    n10p = jnp.pad(n10, ((0, 0), (0, 12)))
    n10s, n10d = _sc_gather2(n10p, n10p, src, dst)

    cur_pos = window[HIS - 1, :, :2]
    cur_vel = window[HIS - 1, :, 2:]
    preds = []
    pos_s = pos_d = None
    for r in range(ROLL):
        ln, A, B = _tc_node_front(hist, en_W1, en_b1, en_W2, en_b2, Ws, Wd)
        le_raw, le_sums = _tc_ee(edge_attr, n10s, n10d, pos_s, pos_d,
                                 ee_W1, ee_b1, ee_W2, ee_b2, r == 0)
        f_prev, fp_sums = None, None
        for m in range(MP):
            ga, gb = _sc_gather2(A, B, src, dst)
            f, f_sums = _tc_edge(ga, gb, le_raw, le_sums, f_prev, fp_sums,
                                 We, ge_b1, ge_W2, ge_b2, m > 0)
            parts = _sc_scatter_add(f, src, dst, N, zeros32)
            last = m == MP - 1
            if last:
                acc8 = _tc_node(ln, parts, cntp, f_sums, E, Gn1a, Gn1b, gn_b1,
                                gn_W2, gn_b2, Ws, Wd, d_W1, d_b1, d_W2p,
                                d_b2p, True)
            else:
                ln, A, B = _tc_node(ln, parts, cntp, f_sums, E, Gn1a, Gn1b,
                                    gn_b1, gn_W2, gn_b2, Ws, Wd, d_W1, d_b1,
                                    d_W2p, d_b2p, False)
                f_prev, fp_sums = f, f_sums
        acc = acc8[:, :2]
        prev_pos = cur_pos
        cur_pos = 2 * cur_pos + acc - prev_pos
        cur_vel = cur_vel + acc
        preds.append(cur_pos)
        if r + 1 < ROLL:
            posp = jnp.pad(cur_pos, ((0, 0), (0, 14)))
            pos_s, pos_d = _sc_gather2(posp, posp, src, dst)
            hist = jnp.concatenate(
                [hist.reshape(N, HIS, 4)[:, 1:].reshape(N, (HIS - 1) * 4),
                 cur_pos, cur_vel], axis=-1)

    preds = jnp.stack(preds, axis=0)[None]
    target = gt_future[:, :, :2]
    diff = preds[0] - target
    loss_nll = (diff ** 2 / (2 * 5e-05)).sum() / (target.shape[0] * target.shape[1])
    loss_mse = (diff ** 2).mean()
    return (preds, loss_nll, loss_mse, gt_future)

# --- scband reference (transcript-rebuilt; emitter-appended) ---
"""Pipeline reference for scband-mesh-graph-44143673869054 (READ-ONLY COPY).

The authoritative reference and input builder live on the scoring server;
editing this copy changes nothing except your own understanding.
"""

import jax, jax.numpy as jnp
import numpy as np

HIS = 10
ROLL = 2
MP = 2

def _mlp(x, W1, b1, W2, b2):
    h = jax.nn.elu(x @ W1 + b1)
    h = jax.nn.elu(h @ W2 + b2)
    B, M, D = h.shape
    f = h.reshape(B * M, D)
    f = (f - f.mean(axis=0)) / jnp.sqrt(f.var(axis=0) + 1e-5)
    return f.reshape(B, M, D)

def _xavier(k, shape):
    return jax.random.normal(k, shape, jnp.float32) * np.sqrt(2.0 / (shape[0] + shape[1]))

def setup_inputs(seed: int = 0):
    key = jax.random.key(seed)
    ks = jax.random.split(key, 20)
    N, E = 10000, 320000
    T = HIS + ROLL
    inp = {}
    inp['nodes'] = jax.random.normal(ks[0], (1, T, N, 4), jnp.float32)
    inp['edge_pair'] = jax.random.randint(ks[1], (E, 2), 0, N, jnp.int32)
    inp['edge_attr'] = jax.random.normal(ks[2], (E, 2), jnp.float32)
    inp['en_W1'] = _xavier(ks[3], (40, 128)); inp['en_b1'] = jnp.full((128,), 0.1, jnp.float32)
    inp['en_W2'] = _xavier(ks[4], (128, 128)); inp['en_b2'] = jnp.full((128,), 0.1, jnp.float32)
    inp['ee_W1'] = _xavier(ks[5], (6, 32)); inp['ee_b1'] = jnp.full((32,), 0.1, jnp.float32)
    inp['ee_W2'] = _xavier(ks[6], (32, 32)); inp['ee_b2'] = jnp.full((32,), 0.1, jnp.float32)
    inp['ge_W1'] = _xavier(ks[7], (288, 128)); inp['ge_b1'] = jnp.full((128,), 0.1, jnp.float32)
    inp['ge_W2'] = _xavier(ks[8], (128, 32)); inp['ge_b2'] = jnp.full((32,), 0.1, jnp.float32)
    inp['gn_W1'] = _xavier(ks[9], (160, 256)); inp['gn_b1'] = jnp.full((256,), 0.1, jnp.float32)
    inp['gn_W2'] = _xavier(ks[10], (256, 128)); inp['gn_b2'] = jnp.full((128,), 0.1, jnp.float32)
    inp['d_W1'] = _xavier(ks[11], (128, 128)); inp['d_b1'] = jnp.zeros((128,), jnp.float32)
    inp['d_W2'] = _xavier(ks[12], (128, 2)); inp['d_b2'] = jnp.zeros((2,), jnp.float32)
    return inp

def reference(nodes, edge_pair, edge_attr, en_W1, en_b1, en_W2, en_b2, ee_W1, ee_b1, ee_W2, ee_b2, ge_W1, ge_b1, ge_W2, ge_b2, gn_W1, gn_b1, gn_W2, gn_b2, d_W1, d_b1, d_W2, d_b2):
    window = nodes[0]
    N = window.shape[1]
    E = edge_pair.shape[0]
    src = edge_pair[:, 0]
    dst = edge_pair[:, 1]
    hist = jnp.transpose(window[:HIS], (1, 0, 2)).reshape(1, N, HIS * 4)
    gt_history = window[:HIS]
    gt_future = window[HIS:]
    ea = edge_attr.reshape(1, E, -1)
    pd0 = jnp.abs(window[HIS][src] - window[HIS][dst])
    ea = jnp.concatenate([ea, pd0.reshape(1, E, 4)], axis=-1)
    cur_pos = gt_history[-1, :, :2]
    cur_vel = gt_history[-1, :, 2:]
    preds = []
    for _ in range(ROLL):
        ln = _mlp(hist, en_W1, en_b1, en_W2, en_b2)
        le = _mlp(ea, ee_W1, ee_b1, ee_W2, ee_b2)
        for _ in range(MP):
            ef = jnp.concatenate([ln[:, src], ln[:, dst], le], axis=-1)
            ne = _mlp(ef, ge_W1, ge_b1, ge_W2, ge_b2)
            agg = jnp.zeros((N, ne.shape[-1]), ne.dtype).at[src].add(ne[0]).at[dst].add(ne[0])
            nf = jnp.concatenate([ln, agg.reshape(1, N, -1)], axis=-1)
            ln = _mlp(nf, gn_W1, gn_b1, gn_W2, gn_b2) + ln
            le = ne + le
        acc = jnp.tanh(ln @ d_W1 + d_b1) @ d_W2 + d_b2
        prev_pos = cur_pos
        cur_pos = 2 * cur_pos + acc - prev_pos
        cur_vel = cur_vel + acc
        pd = jnp.abs(cur_pos[:, src] - cur_pos[:, dst])
        ea = ea.at[:, :, -2:].set(pd)
        preds.append(cur_pos)
        h4 = hist.reshape(1, N, HIS, 4)
        new_state = jnp.concatenate([cur_pos.reshape(1, N, 1, 2), cur_vel.reshape(1, N, 1, 2)], axis=-1)
        hist = jnp.concatenate([h4[:, :, 1:, :], new_state], axis=-2).reshape(1, N, HIS * 4)
    preds = jnp.stack(preds, axis=1)
    target = gt_future[:, :, :2]
    diff = preds[0] - target
    loss_nll = (diff ** 2 / (2 * 5e-05)).sum() / (target.shape[0] * target.shape[1])
    loss_mse = (diff ** 2).mean()
    return (preds, loss_nll, loss_mse, gt_future)

if __name__ == "__main__":
    import jax
    _d = setup_inputs()
    print(jax.jit(kernel)(*tuple(_d.values())))

</pallas_src>

<mosaic_0001>
#map = affine_map<(d0, d1) -> (0, 0)>
#map1 = affine_map<(d0, d1) -> (0)>
module attributes {stable_mosaic.version = 14 : i64} {
  func.func @k(%arg0: i32, %arg1: i32, %arg2: memref<10000x128xf32, #tpu.memory_space<hbm>>, %arg3: memref<10000x128xf32, #tpu.memory_space<hbm>>, %arg4: memref<320000xi32, #tpu.memory_space<hbm>>, %arg5: memref<320000xi32, #tpu.memory_space<hbm>>, %arg6: memref<320000x128xf32, #tpu.memory_space<hbm>>, %arg7: memref<320000x128xf32, #tpu.memory_space<hbm>>, %arg8: memref<80xi32, #tpu.memory_space<vmem>>, %arg9: memref<80xi32, #tpu.memory_space<vmem>>, %arg10: memref<80x128xf32, #tpu.memory_space<vmem>>, %arg11: memref<80x128xf32, #tpu.memory_space<vmem>>, %arg12: memref<!tpu.dma_semaphore, #tpu.memory_space<semaphore_mem>>, %arg13: memref<!tpu.dma_semaphore, #tpu.memory_space<semaphore_mem>>) attributes {dimension_semantics = [#tpu.dimension_semantics<core_parallel>, #tpu.dimension_semantics<subcore_parallel>], iteration_bounds = array<i64: 2, 16>, scalar_prefetch = 0 : i64, scratch_operands = 6 : i64, tpu.core_type = #tpu.core_type<sc_vector_subcore>, window_params = [{transform_indices = #map}, {transform_indices = #map}, {transform_indices = #map1}, {transform_indices = #map1}, {transform_indices = #map}, {transform_indices = #map}]} {
    %mul3A = arith.constant 2 : i32
    %mul3A_0 = arith.muli %arg1, %mul3A : i32
    %add3A = arith.addi %mul3A_0, %arg0 : i32
    %mul3A_1 = arith.constant 10000 : i32
    %mul3A_2 = arith.muli %add3A, %mul3A_1 : i32
    %scan3A = arith.constant 0 : i32
    %scan3A_3 = arith.constant 0 : i32
    %scan3A_4 = arith.constant 125 : i32
    %scan3A_5 = arith.addi %scan3A_3, %scan3A_4 : i32
    %scan3A_6 = arith.constant 1 : i32
    scf.for %scan3A_8 = %scan3A_3 to %scan3A_5 step %scan3A_6  : i32 {
      %mul3A_9 = arith.constant 80 : i32
      %mul3A_10 = arith.muli %scan3A_8, %mul3A_9 : i32
      %add3A_11 = arith.addi %mul3A_2, %mul3A_10 : i32
      "tpu.region"() ({
        %run_scoped3A = tpu.sem_alloc : memref<!tpu.dma_semaphore, #tpu.memory_space<semaphore_mem>>
        %dma_start3A_22 = tpu.memref_slice %arg4[%add3A_11] : memref<320000xi32, #tpu.memory_space<hbm>> -> memref<80xi32, #tpu.memory_space<hbm>>
        %dma_start3A_23 = tpu.memref_slice %arg4[%add3A_11] : memref<320000xi32, #tpu.memory_space<hbm>> -> memref<80xi32, #tpu.memory_space<hbm>>
        tpu.enqueue_dma source(%dma_start3A_23 : memref<80xi32, #tpu.memory_space<hbm>>) target(%arg8 : memref<80xi32, #tpu.memory_space<vmem>>) target_semaphore(%run_scoped3A : memref<!tpu.dma_semaphore, #tpu.memory_space<semaphore_mem>>)
        %dma_wait3A_24 = tpu.memref_slice %arg4[%add3A_11] : memref<320000xi32, #tpu.memory_space<hbm>> -> memref<80xi32, #tpu.memory_space<hbm>>
        %dma_wait3A_25 = tpu.memref_slice %arg4[%add3A_11] : memref<320000xi32, #tpu.memory_space<hbm>> -> memref<80xi32, #tpu.memory_space<hbm>>
        tpu.wait_dma2 semaphore(%run_scoped3A : memref<!tpu.dma_semaphore, #tpu.memory_space<semaphore_mem>>) src(%dma_wait3A_25 : memref<80xi32, #tpu.memory_space<hbm>>) dst(%arg8 : memref<80xi32, #tpu.memory_space<vmem>>)
        tpu.yield
      }) : () -> ()
      "tpu.region"() ({
        %run_scoped3A = tpu.sem_alloc : memref<!tpu.dma_semaphore, #tpu.memory_space<semaphore_mem>>
        %dma_start3A_22 = tpu.memref_slice %arg5[%add3A_11] : memref<320000xi32, #tpu.memory_space<hbm>> -> memref<80xi32, #tpu.memory_space<hbm>>
        %dma_start3A_23 = tpu.memref_slice %arg5[%add3A_11] : memref<320000xi32, #tpu.memory_space<hbm>> -> memref<80xi32, #tpu.memory_space<hbm>>
        tpu.enqueue_dma source(%dma_start3A_23 : memref<80xi32, #tpu.memory_space<hbm>>) target(%arg9 : memref<80xi32, #tpu.memory_space<vmem>>) target_semaphore(%run_scoped3A : memref<!tpu.dma_semaphore, #tpu.memory_space<semaphore_mem>>)
        %dma_wait3A_24 = tpu.memref_slice %arg5[%add3A_11] : memref<320000xi32, #tpu.memory_space<hbm>> -> memref<80xi32, #tpu.memory_space<hbm>>
        %dma_wait3A_25 = tpu.memref_slice %arg5[%add3A_11] : memref<320000xi32, #tpu.memory_space<hbm>> -> memref<80xi32, #tpu.memory_space<hbm>>
        tpu.wait_dma2 semaphore(%run_scoped3A : memref<!tpu.dma_semaphore, #tpu.memory_space<semaphore_mem>>) src(%dma_wait3A_25 : memref<80xi32, #tpu.memory_space<hbm>>) dst(%arg9 : memref<80xi32, #tpu.memory_space<vmem>>)
        tpu.yield
      }) : () -> ()
      %dma_start3A = arith.constant 0 : i32
      %dma_start3A_12 = arith.constant 0 : i32
      %dma_start3A_13 = tpu.memref_slice %arg2[%dma_start3A, %dma_start3A_12] : memref<10000x128xf32, #tpu.memory_space<hbm>> -> memref<10000x128xf32, #tpu.memory_space<hbm>>
      tpu.enqueue_indirect_dma source(%dma_start3A_13 : memref<10000x128xf32, #tpu.memory_space<hbm>>) target(%arg10 : memref<80x128xf32, #tpu.memory_space<vmem>>) offsets(%arg8 : memref<80xi32, #tpu.memory_space<vmem>>) semaphore(%arg12 : memref<!tpu.dma_semaphore, #tpu.memory_space<semaphore_mem>>)
      %dma_start3A_14 = arith.constant 0 : i32
      %dma_start3A_15 = arith.constant 0 : i32
      %dma_start3A_16 = tpu.memref_slice %arg3[%dma_start3A_14, %dma_start3A_15] : memref<10000x128xf32, #tpu.memory_space<hbm>> -> memref<10000x128xf32, #tpu.memory_space<hbm>>
      tpu.enqueue_indirect_dma source(%dma_start3A_16 : memref<10000x128xf32, #tpu.memory_space<hbm>>) target(%arg11 : memref<80x128xf32, #tpu.memory_space<vmem>>) offsets(%arg9 : memref<80xi32, #tpu.memory_space<vmem>>) semaphore(%arg13 : memref<!tpu.dma_semaphore, #tpu.memory_space<semaphore_mem>>)
      %dma_wait3A = arith.constant 0 : i32
      %dma_wait3A_17 = arith.constant 0 : i32
      %dma_wait3A_18 = tpu.memref_slice %arg2[%dma_wait3A, %dma_wait3A_17] : memref<10000x128xf32, #tpu.memory_space<hbm>> -> memref<10000x128xf32, #tpu.memory_space<hbm>>
      tpu.wait_indirect_dma semaphore(%arg12 : memref<!tpu.dma_semaphore, #tpu.memory_space<semaphore_mem>>) src(%dma_wait3A_18 : memref<10000x128xf32, #tpu.memory_space<hbm>>) dst(%arg10 : memref<80x128xf32, #tpu.memory_space<vmem>>)
      %dma_wait3A_19 = arith.constant 0 : i32
      %dma_wait3A_20 = arith.constant 0 : i32
      %dma_wait3A_21 = tpu.memref_slice %arg3[%dma_wait3A_19, %dma_wait3A_20] : memref<10000x128xf32, #tpu.memory_space<hbm>> -> memref<10000x128xf32, #tpu.memory_space<hbm>>
      tpu.wait_indirect_dma semaphore(%arg13 : memref<!tpu.dma_semaphore, #tpu.memory_space<semaphore_mem>>) src(%dma_wait3A_21 : memref<10000x128xf32, #tpu.memory_space<hbm>>) dst(%arg11 : memref<80x128xf32, #tpu.memory_space<vmem>>)
      "tpu.region"() ({
        %run_scoped3A = tpu.sem_alloc : memref<!tpu.dma_semaphore, #tpu.memory_space<semaphore_mem>>
        %dma_start3A_22 = arith.constant 0 : i32
        %dma_start3A_23 = tpu.memref_slice %arg6[%add3A_11, %dma_start3A_22] : memref<320000x128xf32, #tpu.memory_space<hbm>> -> memref<80x128xf32, #tpu.memory_space<hbm>>
        %dma_start3A_24 = arith.constant 0 : i32
        %dma_start3A_25 = tpu.memref_slice %arg6[%add3A_11, %dma_start3A_24] : memref<320000x128xf32, #tpu.memory_space<hbm>> -> memref<80x128xf32, #tpu.memory_space<hbm>>
        tpu.enqueue_dma source(%arg10 : memref<80x128xf32, #tpu.memory_space<vmem>>) target(%dma_start3A_25 : memref<80x128xf32, #tpu.memory_space<hbm>>) target_semaphore(%run_scoped3A : memref<!tpu.dma_semaphore, #tpu.memory_space<semaphore_mem>>)
        %dma_wait3A_26 = arith.constant 0 : i32
        %dma_wait3A_27 = tpu.memref_slice %arg6[%add3A_11, %dma_wait3A_26] : memref<320000x128xf32, #tpu.memory_space<hbm>> -> memref<80x128xf32, #tpu.memory_space<hbm>>
        %dma_wait3A_28 = arith.constant 0 : i32
        %dma_wait3A_29 = tpu.memref_slice %arg6[%add3A_11, %dma_wait3A_28] : memref<320000x128xf32, #tpu.memory_space<hbm>> -> memref<80x128xf32, #tpu.memory_space<hbm>>
        tpu.wait_dma2 semaphore(%run_scoped3A : memref<!tpu.dma_semaphore, #tpu.memory_space<semaphore_mem>>) src(%arg10 : memref<80x128xf32, #tpu.memory_space<vmem>>) dst(%dma_wait3A_29 : memref<80x128xf32, #tpu.memory_space<hbm>>)
        tpu.yield
      }) : () -> ()
      "tpu.region"() ({
        %run_scoped3A = tpu.sem_alloc : memref<!tpu.dma_semaphore, #tpu.memory_space<semaphore_mem>>
        %dma_start3A_22 = arith.constant 0 : i32
        %dma_start3A_23 = tpu.memref_slice %arg7[%add3A_11, %dma_start3A_22] : memref<320000x128xf32, #tpu.memory_space<hbm>> -> memref<80x128xf32, #tpu.memory_space<hbm>>
        %dma_start3A_24 = arith.constant 0 : i32
        %dma_start3A_25 = tpu.memref_slice %arg7[%add3A_11, %dma_start3A_24] : memref<320000x128xf32, #tpu.memory_space<hbm>> -> memref<80x128xf32, #tpu.memory_space<hbm>>
        tpu.enqueue_dma source(%arg11 : memref<80x128xf32, #tpu.memory_space<vmem>>) target(%dma_start3A_25 : memref<80x128xf32, #tpu.memory_space<hbm>>) target_semaphore(%run_scoped3A : memref<!tpu.dma_semaphore, #tpu.memory_space<semaphore_mem>>)
        %dma_wait3A_26 = arith.constant 0 : i32
        %dma_wait3A_27 = tpu.memref_slice %arg7[%add3A_11, %dma_wait3A_26] : memref<320000x128xf32, #tpu.memory_space<hbm>> -> memref<80x128xf32, #tpu.memory_space<hbm>>
        %dma_wait3A_28 = arith.constant 0 : i32
        %dma_wait3A_29 = tpu.memref_slice %arg7[%add3A_11, %dma_wait3A_28] : memref<320000x128xf32, #tpu.memory_space<hbm>> -> memref<80x128xf32, #tpu.memory_space<hbm>>
        tpu.wait_dma2 semaphore(%run_scoped3A : memref<!tpu.dma_semaphore, #tpu.memory_space<semaphore_mem>>) src(%arg11 : memref<80x128xf32, #tpu.memory_space<vmem>>) dst(%dma_wait3A_29 : memref<80x128xf32, #tpu.memory_space<hbm>>)
        tpu.yield
      }) : () -> ()
    }
    %scan3A_7 = arith.constant 125 : i32
    return
  }
}

#map = affine_map<(d0, d1) -> (0, 0)>
#map1 = affine_map<(d0, d1) -> (0)>
module attributes {stable_mosaic.version = 14 : i64} {
  func.func @k(%arg0: i32, %arg1: i32, %arg2: memref<10000x16xf32, #tpu.memory_space<hbm>>, %arg3: memref<10000x16xf32, #tpu.memory_space<hbm>>, %arg4: memref<320000xi32, #tpu.memory_space<hbm>>, %arg5: memref<320000xi32, #tpu.memory_space<hbm>>, %arg6: memref<320000x16xf32, #tpu.memory_space<hbm>>, %arg7: memref<320000x16xf32, #tpu.memory_space<hbm>>, %arg8: memref<80xi32, #tpu.memory_space<vmem>>, %arg9: memref<80xi32, #tpu.memory_space<vmem>>, %arg10: memref<80x16xf32, #tpu.memory_space<vmem>>, %arg11: memref<80x16xf32, #tpu.memory_space<vmem>>, %arg12: memref<!tpu.dma_semaphore, #tpu.memory_space<semaphore_mem>>, %arg13: memref<!tpu.dma_semaphore, #tpu.memory_space<semaphore_mem>>) attributes {dimension_semantics = [#tpu.dimension_semantics<core_parallel>, #tpu.dimension_semantics<subcore_parallel>], iteration_bounds = array<i64: 2, 16>, scalar_prefetch = 0 : i64, scratch_operands = 6 : i64, tpu.core_type = #tpu.core_type<sc_vector_subcore>, window_params = [{transform_indices = #map}, {transform_indices = #map}, {transform_indices = #map1}, {transform_indices = #map1}, {transform_indices = #map}, {transform_indices = #map}]} {
    %mul3A = arith.constant 2 : i32
    %mul3A_0 = arith.muli %arg1, %mul3A : i32
    %add3A = arith.addi %mul3A_0, %arg0 : i32
    %mul3A_1 = arith.constant 10000 : i32
    %mul3A_2 = arith.muli %add3A, %mul3A_1 : i32
    %scan3A = arith.constant 0 : i32
    %scan3A_3 = arith.constant 0 : i32
    %scan3A_4 = arith.constant 125 : i32
    %scan3A_5 = arith.addi %scan3A_3, %scan3A_4 : i32
    %scan3A_6 = arith.constant 1 : i32
    scf.for %scan3A_8 = %scan3A_3 to %scan3A_5 step %scan3A_6  : i32 {
      %mul3A_9 = arith.constant 80 : i32
      %mul3A_10 = arith.muli %scan3A_8, %mul3A_9 : i32
      %add3A_11 = arith.addi %mul3A_2, %mul3A_10 : i32
      "tpu.region"() ({
        %run_scoped3A = tpu.sem_alloc : memref<!tpu.dma_semaphore, #tpu.memory_space<semaphore_mem>>
        %dma_start3A_22 = tpu.memref_slice %arg4[%add3A_11] : memref<320000xi32, #tpu.memory_space<hbm>> -> memref<80xi32, #tpu.memory_space<hbm>>
        %dma_start3A_23 = tpu.memref_slice %arg4[%add3A_11] : memref<320000xi32, #tpu.memory_space<hbm>> -> memref<80xi32, #tpu.memory_space<hbm>>
        tpu.enqueue_dma source(%dma_start3A_23 : memref<80xi32, #tpu.memory_space<hbm>>) target(%arg8 : memref<80xi32, #tpu.memory_space<vmem>>) target_semaphore(%run_scoped3A : memref<!tpu.dma_semaphore, #tpu.memory_space<semaphore_mem>>)
        %dma_wait3A_24 = tpu.memref_slice %arg4[%add3A_11] : memref<320000xi32, #tpu.memory_space<hbm>> -> memref<80xi32, #tpu.memory_space<hbm>>
        %dma_wait3A_25 = tpu.memref_slice %arg4[%add3A_11] : memref<320000xi32, #tpu.memory_space<hbm>> -> memref<80xi32, #tpu.memory_space<hbm>>
        tpu.wait_dma2 semaphore(%run_scoped3A : memref<!tpu.dma_semaphore, #tpu.memory_space<semaphore_mem>>) src(%dma_wait3A_25 : memref<80xi32, #tpu.memory_space<hbm>>) dst(%arg8 : memref<80xi32, #tpu.memory_space<vmem>>)
        tpu.yield
      }) : () -> ()
      "tpu.region"() ({
        %run_scoped3A = tpu.sem_alloc : memref<!tpu.dma_semaphore, #tpu.memory_space<semaphore_mem>>
        %dma_start3A_22 = tpu.memref_slice %arg5[%add3A_11] : memref<320000xi32, #tpu.memory_space<hbm>> -> memref<80xi32, #tpu.memory_space<hbm>>
        %dma_start3A_23 = tpu.memref_slice %arg5[%add3A_11] : memref<320000xi32, #tpu.memory_space<hbm>> -> memref<80xi32, #tpu.memory_space<hbm>>
        tpu.enqueue_dma source(%dma_start3A_23 : memref<80xi32, #tpu.memory_space<hbm>>) target(%arg9 : memref<80xi32, #tpu.memory_space<vmem>>) target_semaphore(%run_scoped3A : memref<!tpu.dma_semaphore, #tpu.memory_space<semaphore_mem>>)
        %dma_wait3A_24 = tpu.memref_slice %arg5[%add3A_11] : memref<320000xi32, #tpu.memory_space<hbm>> -> memref<80xi32, #tpu.memory_space<hbm>>
        %dma_wait3A_25 = tpu.memref_slice %arg5[%add3A_11] : memref<320000xi32, #tpu.memory_space<hbm>> -> memref<80xi32, #tpu.memory_space<hbm>>
        tpu.wait_dma2 semaphore(%run_scoped3A : memref<!tpu.dma_semaphore, #tpu.memory_space<semaphore_mem>>) src(%dma_wait3A_25 : memref<80xi32, #tpu.memory_space<hbm>>) dst(%arg9 : memref<80xi32, #tpu.memory_space<vmem>>)
        tpu.yield
      }) : () -> ()
      %dma_start3A = arith.constant 0 : i32
      %dma_start3A_12 = arith.constant 0 : i32
      %dma_start3A_13 = tpu.memref_slice %arg2[%dma_start3A, %dma_start3A_12] : memref<10000x16xf32, #tpu.memory_space<hbm>> -> memref<10000x16xf32, #tpu.memory_space<hbm>>
      tpu.enqueue_indirect_dma source(%dma_start3A_13 : memref<10000x16xf32, #tpu.memory_space<hbm>>) target(%arg10 : memref<80x16xf32, #tpu.memory_space<vmem>>) offsets(%arg8 : memref<80xi32, #tpu.memory_space<vmem>>) semaphore(%arg12 : memref<!tpu.dma_semaphore, #tpu.memory_space<semaphore_mem>>)
      %dma_start3A_14 = arith.constant 0 : i32
      %dma_start3A_15 = arith.constant 0 : i32
      %dma_start3A_16 = tpu.memref_slice %arg3[%dma_start3A_14, %dma_start3A_15] : memref<10000x16xf32, #tpu.memory_space<hbm>> -> memref<10000x16xf32, #tpu.memory_space<hbm>>
      tpu.enqueue_indirect_dma source(%dma_start3A_16 : memref<10000x16xf32, #tpu.memory_space<hbm>>) target(%arg11 : memref<80x16xf32, #tpu.memory_space<vmem>>) offsets(%arg9 : memref<80xi32, #tpu.memory_space<vmem>>) semaphore(%arg13 : memref<!tpu.dma_semaphore, #tpu.memory_space<semaphore_mem>>)
      %dma_wait3A = arith.constant 0 : i32
      %dma_wait3A_17 = arith.constant 0 : i32
      %dma_wait3A_18 = tpu.memref_slice %arg2[%dma_wait3A, %dma_wait3A_17] : memref<10000x16xf32, #tpu.memory_space<hbm>> -> memref<10000x16xf32, #tpu.memory_space<hbm>>
      tpu.wait_indirect_dma semaphore(%arg12 : memref<!tpu.dma_semaphore, #tpu.memory_space<semaphore_mem>>) src(%dma_wait3A_18 : memref<10000x16xf32, #tpu.memory_space<hbm>>) dst(%arg10 : memref<80x16xf32, #tpu.memory_space<vmem>>)
      %dma_wait3A_19 = arith.constant 0 : i32
      %dma_wait3A_20 = arith.constant 0 : i32
      %dma_wait3A_21 = tpu.memref_slice %arg3[%dma_wait3A_19, %dma_wait3A_20] : memref<10000x16xf32, #tpu.memory_space<hbm>> -> memref<10000x16xf32, #tpu.memory_space<hbm>>
      tpu.wait_indirect_dma semaphore(%arg13 : memref<!tpu.dma_semaphore, #tpu.memory_space<semaphore_mem>>) src(%dma_wait3A_21 : memref<10000x16xf32, #tpu.memory_space<hbm>>) dst(%arg11 : memref<80x16xf32, #tpu.memory_space<vmem>>)
      "tpu.region"() ({
        %run_scoped3A = tpu.sem_alloc : memref<!tpu.dma_semaphore, #tpu.memory_space<semaphore_mem>>
        %dma_start3A_22 = arith.constant 0 : i32
        %dma_start3A_23 = tpu.memref_slice %arg6[%add3A_11, %dma_start3A_22] : memref<320000x16xf32, #tpu.memory_space<hbm>> -> memref<80x16xf32, #tpu.memory_space<hbm>>
        %dma_start3A_24 = arith.constant 0 : i32
        %dma_start3A_25 = tpu.memref_slice %arg6[%add3A_11, %dma_start3A_24] : memref<320000x16xf32, #tpu.memory_space<hbm>> -> memref<80x16xf32, #tpu.memory_space<hbm>>
        tpu.enqueue_dma source(%arg10 : memref<80x16xf32, #tpu.memory_space<vmem>>) target(%dma_start3A_25 : memref<80x16xf32, #tpu.memory_space<hbm>>) target_semaphore(%run_scoped3A : memref<!tpu.dma_semaphore, #tpu.memory_space<semaphore_mem>>)
        %dma_wait3A_26 = arith.constant 0 : i32
        %dma_wait3A_27 = tpu.memref_slice %arg6[%add3A_11, %dma_wait3A_26] : memref<320000x16xf32, #tpu.memory_space<hbm>> -> memref<80x16xf32, #tpu.memory_space<hbm>>
        %dma_wait3A_28 = arith.constant 0 : i32
        %dma_wait3A_29 = tpu.memref_slice %arg6[%add3A_11, %dma_wait3A_28] : memref<320000x16xf32, #tpu.memory_space<hbm>> -> memref<80x16xf32, #tpu.memory_space<hbm>>
        tpu.wait_dma2 semaphore(%run_scoped3A : memref<!tpu.dma_semaphore, #tpu.memory_space<semaphore_mem>>) src(%arg10 : memref<80x16xf32, #tpu.memory_space<vmem>>) dst(%dma_wait3A_29 : memref<80x16xf32, #tpu.memory_space<hbm>>)
        tpu.yield
      }) : () -> ()
      "tpu.region"() ({
        %run_scoped3A = tpu.sem_alloc : memref<!tpu.dma_semaphore, #tpu.memory_space<semaphore_mem>>
        %dma_start3A_22 = arith.constant 0 : i32
        %dma_start3A_23 = tpu.memref_slice %arg7[%add3A_11, %dma_start3A_22] : memref<320000x16xf32, #tpu.memory_space<hbm>> -> memref<80x16xf32, #tpu.memory_space<hbm>>
        %dma_start3A_24 = arith.constant 0 : i32
        %dma_start3A_25 = tpu.memref_slice %arg7[%add3A_11, %dma_start3A_24] : memref<320000x16xf32, #tpu.memory_space<hbm>> -> memref<80x16xf32, #tpu.memory_space<hbm>>
        tpu.enqueue_dma source(%arg11 : memref<80x16xf32, #tpu.memory_space<vmem>>) target(%dma_start3A_25 : memref<80x16xf32, #tpu.memory_space<hbm>>) target_semaphore(%run_scoped3A : memref<!tpu.dma_semaphore, #tpu.memory_space<semaphore_mem>>)
        %dma_wait3A_26 = arith.constant 0 : i32
        %dma_wait3A_27 = tpu.memref_slice %arg7[%add3A_11, %dma_wait3A_26] : memref<320000x16xf32, #tpu.memory_space<hbm>> -> memref<80x16xf32, #tpu.memory_space<hbm>>
        %dma_wait3A_28 = arith.constant 0 : i32
        %dma_wait3A_29 = tpu.memref_slice %arg7[%add3A_11, %dma_wait3A_28] : memref<320000x16xf32, #tpu.memory_space<hbm>> -> memref<80x16xf32, #tpu.memory_space<hbm>>
        tpu.wait_dma2 semaphore(%run_scoped3A : memref<!tpu.dma_semaphore, #tpu.memory_space<semaphore_mem>>) src(%arg11 : memref<80x16xf32, #tpu.memory_space<vmem>>) dst(%dma_wait3A_29 : memref<80x16xf32, #tpu.memory_space<hbm>>)
        tpu.yield
      }) : () -> ()
    }
    %scan3A_7 = arith.constant 125 : i32
    return
  }
}

#map = affine_map<(d0, d1) -> (0, 0)>
#map1 = affine_map<(d0, d1) -> (0)>
#map2 = affine_map<(d0, d1) -> (0, 0, 0)>
module attributes {stable_mosaic.version = 14 : i64} {
  func.func @k(%arg0: i32, %arg1: i32, %arg2: memref<320000x32xf32, #tpu.memory_space<hbm>>, %arg3: memref<320000xi32, #tpu.memory_space<hbm>>, %arg4: memref<320000xi32, #tpu.memory_space<hbm>>, %arg5: memref<10000x32xf32, #tpu.memory_space<hbm>>, %arg6: memref<2x10000x32xf32, #tpu.memory_space<hbm>>, %arg7: memref<80xi32, #tpu.memory_space<vmem>>, %arg8: memref<80xi32, #tpu.memory_space<vmem>>, %arg9: memref<80x32xf32, #tpu.memory_space<vmem>>, %arg10: memref<10000x32xf32, #tpu.memory_space<vmem_shared>>) attributes {dimension_semantics = [#tpu.dimension_semantics<core_parallel>, #tpu.dimension_semantics<subcore_parallel>], iteration_bounds = array<i64: 2, 16>, scalar_prefetch = 0 : i64, scratch_operands = 4 : i64, tpu.core_type = #tpu.core_type<sc_vector_subcore>, window_params = [{transform_indices = #map}, {transform_indices = #map1}, {transform_indices = #map1}, {transform_indices = #map}, {transform_indices = #map2}]} {
    %mul3A = arith.constant 625 : i32
    %mul3A_0 = arith.muli %arg1, %mul3A : i32
    %mul3A_1 = arith.constant 625 : i32
    %mul3A_2 = arith.muli %arg1, %mul3A_1 : i32
    "tpu.region"() ({
      %run_scoped3A = tpu.sem_alloc : memref<!tpu.dma_semaphore, #tpu.memory_space<semaphore_mem>>
      %dma_start3A = arith.constant 0 : i32
      %dma_start3A_17 = tpu.memref_slice %arg10[%mul3A_2, %dma_start3A] : memref<10000x32xf32, #tpu.memory_space<vmem_shared>> -> memref<625x32xf32, #tpu.memory_space<vmem_shared>>
      %dma_start3A_18 = arith.constant 0 : i32
      %dma_start3A_19 = tpu.memref_slice %arg5[%mul3A_0, %dma_start3A_18] : memref<10000x32xf32, #tpu.memory_space<hbm>> -> memref<625x32xf32, #tpu.memory_space<hbm>>
      tpu.enqueue_dma source(%dma_start3A_19 : memref<625x32xf32, #tpu.memory_space<hbm>>) target(%dma_start3A_17 : memref<625x32xf32, #tpu.memory_space<vmem_shared>>) target_semaphore(%run_scoped3A : memref<!tpu.dma_semaphore, #tpu.memory_space<semaphore_mem>>)
      %dma_wait3A = arith.constant 0 : i32
      %dma_wait3A_20 = tpu.memref_slice %arg10[%mul3A_2, %dma_wait3A] : memref<10000x32xf32, #tpu.memory_space<vmem_shared>> -> memref<625x32xf32, #tpu.memory_space<vmem_shared>>
      %dma_wait3A_21 = arith.constant 0 : i32
      %dma_wait3A_22 = tpu.memref_slice %arg5[%mul3A_0, %dma_wait3A_21] : memref<10000x32xf32, #tpu.memory_space<hbm>> -> memref<625x32xf32, #tpu.memory_space<hbm>>
      tpu.wait_dma2 semaphore(%run_scoped3A : memref<!tpu.dma_semaphore, #tpu.memory_space<semaphore_mem>>) src(%dma_wait3A_22 : memref<625x32xf32, #tpu.memory_space<hbm>>) dst(%dma_wait3A_20 : memref<625x32xf32, #tpu.memory_space<vmem_shared>>)
      tpu.yield
    }) : () -> ()
    %barrier3A = arith.constant 0 : index
    tpu.barrier barrier_id(%barrier3A)
    %mul3A_3 = arith.constant 160000 : i32
    %mul3A_4 = arith.muli %arg0, %mul3A_3 : i32
    %mul3A_5 = arith.constant 10000 : i32
    %mul3A_6 = arith.muli %arg1, %mul3A_5 : i32
    %add3A = arith.addi %mul3A_4, %mul3A_6 : i32
    %scan3A = arith.constant 0 : i32
    %scan3A_7 = arith.constant 0 : i32
    %scan3A_8 = arith.constant 125 : i32
    %scan3A_9 = arith.addi %scan3A_7, %scan3A_8 : i32
    %scan3A_10 = arith.constant 1 : i32
    scf.for %scan3A_17 = %scan3A_7 to %scan3A_9 step %scan3A_10  : i32 {
      %mul3A_18 = arith.constant 80 : i32
      %mul3A_19 = arith.muli %scan3A_17, %mul3A_18 : i32
      %add3A_20 = arith.addi %add3A, %mul3A_19 : i32
      "tpu.region"() ({
        %run_scoped3A = tpu.sem_alloc : memref<!tpu.dma_semaphore, #tpu.memory_space<semaphore_mem>>
        %dma_start3A = tpu.memref_slice %arg3[%add3A_20] : memref<320000xi32, #tpu.memory_space<hbm>> -> memref<80xi32, #tpu.memory_space<hbm>>
        %dma_start3A_21 = tpu.memref_slice %arg3[%add3A_20] : memref<320000xi32, #tpu.memory_space<hbm>> -> memref<80xi32, #tpu.memory_space<hbm>>
        tpu.enqueue_dma source(%dma_start3A_21 : memref<80xi32, #tpu.memory_space<hbm>>) target(%arg7 : memref<80xi32, #tpu.memory_space<vmem>>) target_semaphore(%run_scoped3A : memref<!tpu.dma_semaphore, #tpu.memory_space<semaphore_mem>>)
        %dma_wait3A = tpu.memref_slice %arg3[%add3A_20] : memref<320000xi32, #tpu.memory_space<hbm>> -> memref<80xi32, #tpu.memory_space<hbm>>
        %dma_wait3A_22 = tpu.memref_slice %arg3[%add3A_20] : memref<320000xi32, #tpu.memory_space<hbm>> -> memref<80xi32, #tpu.memory_space<hbm>>
        tpu.wait_dma2 semaphore(%run_scoped3A : memref<!tpu.dma_semaphore, #tpu.memory_space<semaphore_mem>>) src(%dma_wait3A_22 : memref<80xi32, #tpu.memory_space<hbm>>) dst(%arg7 : memref<80xi32, #tpu.memory_space<vmem>>)
        tpu.yield
      }) : () -> ()
      "tpu.region"() ({
        %run_scoped3A = tpu.sem_alloc : memref<!tpu.dma_semaphore, #tpu.memory_space<semaphore_mem>>
        %dma_start3A = tpu.memref_slice %arg4[%add3A_20] : memref<320000xi32, #tpu.memory_space<hbm>> -> memref<80xi32, #tpu.memory_space<hbm>>
        %dma_start3A_21 = tpu.memref_slice %arg4[%add3A_20] : memref<320000xi32, #tpu.memory_space<hbm>> -> memref<80xi32, #tpu.memory_space<hbm>>
        tpu.enqueue_dma source(%dma_start3A_21 : memref<80xi32, #tpu.memory_space<hbm>>) target(%arg8 : memref<80xi32, #tpu.memory_space<vmem>>) target_semaphore(%run_scoped3A : memref<!tpu.dma_semaphore, #tpu.memory_space<semaphore_mem>>)
        %dma_wait3A = tpu.memref_slice %arg4[%add3A_20] : memref<320000xi32, #tpu.memory_space<hbm>> -> memref<80xi32, #tpu.memory_space<hbm>>
        %dma_wait3A_22 = tpu.memref_slice %arg4[%add3A_20] : memref<320000xi32, #tpu.memory_space<hbm>> -> memref<80xi32, #tpu.memory_space<hbm>>
        tpu.wait_dma2 semaphore(%run_scoped3A : memref<!tpu.dma_semaphore, #tpu.memory_space<semaphore_mem>>) src(%dma_wait3A_22 : memref<80xi32, #tpu.memory_space<hbm>>) dst(%arg8 : memref<80xi32, #tpu.memory_space<vmem>>)
        tpu.yield
      }) : () -> ()
      "tpu.region"() ({
        %run_scoped3A = tpu.sem_alloc : memref<!tpu.dma_semaphore, #tpu.memory_space<semaphore_mem>>
        %dma_start3A = arith.constant 0 : i32
        %dma_start3A_21 = tpu.memref_slice %arg2[%add3A_20, %dma_start3A] : memref<320000x32xf32, #tpu.memory_space<hbm>> -> memref<80x32xf32, #tpu.memory_space<hbm>>
        %dma_start3A_22 = arith.constant 0 : i32
        %dma_start3A_23 = tpu.memref_slice %arg2[%add3A_20, %dma_start3A_22] : memref<320000x32xf32, #tpu.memory_space<hbm>> -> memref<80x32xf32, #tpu.memory_space<hbm>>
        tpu.enqueue_dma source(%dma_start3A_23 : memref<80x32xf32, #tpu.memory_space<hbm>>) target(%arg9 : memref<80x32xf32, #tpu.memory_space<vmem>>) target_semaphore(%run_scoped3A : memref<!tpu.dma_semaphore, #tpu.memory_space<semaphore_mem>>)
        %dma_wait3A = arith.constant 0 : i32
        %dma_wait3A_24 = tpu.memref_slice %arg2[%add3A_20, %dma_wait3A] : memref<320000x32xf32, #tpu.memory_space<hbm>> -> memref<80x32xf32, #tpu.memory_space<hbm>>
        %dma_wait3A_25 = arith.constant 0 : i32
        %dma_wait3A_26 = tpu.memref_slice %arg2[%add3A_20, %dma_wait3A_25] : memref<320000x32xf32, #tpu.memory_space<hbm>> -> memref<80x32xf32, #tpu.memory_space<hbm>>
        tpu.wait_dma2 semaphore(%run_scoped3A : memref<!tpu.dma_semaphore, #tpu.memory_space<semaphore_mem>>) src(%dma_wait3A_26 : memref<80x32xf32, #tpu.memory_space<hbm>>) dst(%arg9 : memref<80x32xf32, #tpu.memory_space<vmem>>)
        tpu.yield
      }) : () -> ()
      "tpu.region"() ({
        %run_scoped3A = tpu.sem_alloc : memref<!tpu.dma_semaphore, #tpu.memory_space<semaphore_mem>>
        %dma_start3A = arith.constant 0 : i32
        %dma_start3A_21 = arith.constant 0 : i32
        %dma_start3A_22 = tpu.memref_slice %arg10[%dma_start3A, %dma_start3A_21] : memref<10000x32xf32, #tpu.memory_space<vmem_shared>> -> memref<10000x32xf32, #tpu.memory_space<vmem_shared>>
        tpu.enqueue_indirect_dma source(%arg9 : memref<80x32xf32, #tpu.memory_space<vmem>>) target(%dma_start3A_22 : memref<10000x32xf32, #tpu.memory_space<vmem_shared>>) offsets(%arg7 : memref<80xi32, #tpu.memory_space<vmem>>) semaphore(%run_scoped3A : memref<!tpu.dma_semaphore, #tpu.memory_space<semaphore_mem>>) {add = true}
        %dma_wait3A = arith.constant 0 : i32
        %dma_wait3A_23 = arith.constant 0 : i32
        %dma_wait3A_24 = tpu.memref_slice %arg10[%dma_wait3A, %dma_wait3A_23] : memref<10000x32xf32, #tpu.memory_space<vmem_shared>> -> memref<10000x32xf32, #tpu.memory_space<vmem_shared>>
        tpu.wait_indirect_dma semaphore(%run_scoped3A : memref<!tpu.dma_semaphore, #tpu.memory_space<semaphore_mem>>) src(%arg9 : memref<80x32xf32, #tpu.memory_space<vmem>>) dst(%dma_wait3A_24 : memref<10000x32xf32, #tpu.memory_space<vmem_shared>>)
        tpu.yield
      }) : () -> ()
      "tpu.region"() ({
        %run_scoped3A = tpu.sem_alloc : memref<!tpu.dma_semaphore, #tpu.memory_space<semaphore_mem>>
        %dma_start3A = arith.constant 0 : i32
        %dma_start3A_21 = arith.constant 0 : i32
        %dma_start3A_22 = tpu.memref_slice %arg10[%dma_start3A, %dma_start3A_21] : memref<10000x32xf32, #tpu.memory_space<vmem_shared>> -> memref<10000x32xf32, #tpu.memory_space<vmem_shared>>
        tpu.enqueue_indirect_dma source(%arg9 : memref<80x32xf32, #tpu.memory_space<vmem>>) target(%dma_start3A_22 : memref<10000x32xf32, #tpu.memory_space<vmem_shared>>) offsets(%arg8 : memref<80xi32, #tpu.memory_space<vmem>>) semaphore(%run_scoped3A : memref<!tpu.dma_semaphore, #tpu.memory_space<semaphore_mem>>) {add = true}
        %dma_wait3A = arith.constant 0 : i32
        %dma_wait3A_23 = arith.constant 0 : i32
        %dma_wait3A_24 = tpu.memref_slice %arg10[%dma_wait3A, %dma_wait3A_23] : memref<10000x32xf32, #tpu.memory_space<vmem_shared>> -> memref<10000x32xf32, #tpu.memory_space<vmem_shared>>
        tpu.wait_indirect_dma semaphore(%run_scoped3A : memref<!tpu.dma_semaphore, #tpu.memory_space<semaphore_mem>>) src(%arg9 : memref<80x32xf32, #tpu.memory_space<vmem>>) dst(%dma_wait3A_24 : memref<10000x32xf32, #tpu.memory_space<vmem_shared>>)
        tpu.yield
      }) : () -> ()
    }
    %scan3A_11 = arith.constant 125 : i32
    %barrier3A_12 = arith.constant 0 : index
    tpu.barrier barrier_id(%barrier3A_12)
    %mul3A_13 = arith.constant 625 : i32
    %mul3A_14 = arith.muli %arg1, %mul3A_13 : i32
    %mul3A_15 = arith.constant 625 : i32
    %mul3A_16 = arith.muli %arg1, %mul3A_15 : i32
    "tpu.region"() ({
      %run_scoped3A = tpu.sem_alloc : memref<!tpu.dma_semaphore, #tpu.memory_space<semaphore_mem>>
      %dma_start3A = arith.constant 0 : i32
      %dma_start3A_17 = tpu.memref_slice %arg6[%arg0, %mul3A_16, %dma_start3A] : memref<2x10000x32xf32, #tpu.memory_space<hbm>> -> memref<1x625x32xf32, #tpu.memory_space<hbm>>
      %dma_start3A_18 = tpu.memref_squeeze %dma_start3A_17 : memref<1x625x32xf32, #tpu.memory_space<hbm>> -> memref<625x32xf32, #tpu.memory_space<hbm>>
      %dma_start3A_19 = arith.constant 0 : i32
      %dma_start3A_20 = tpu.memref_slice %arg10[%mul3A_14, %dma_start3A_19] : memref<10000x32xf32, #tpu.memory_space<vmem_shared>> -> memref<625x32xf32, #tpu.memory_space<vmem_shared>>
      tpu.enqueue_dma source(%dma_start3A_20 : memref<625x32xf32, #tpu.memory_space<vmem_shared>>) target(%dma_start3A_18 : memref<625x32xf32, #tpu.memory_space<hbm>>) target_semaphore(%run_scoped3A : memref<!tpu.dma_semaphore, #tpu.memory_space<semaphore_mem>>)
      %dma_wait3A = arith.constant 0 : i32
      %dma_wait3A_21 = tpu.memref_slice %arg6[%arg0, %mul3A_16, %dma_wait3A] : memref<2x10000x32xf32, #tpu.memory_space<hbm>> -> memref<1x625x32xf32, #tpu.memory_space<hbm>>
      %dma_wait3A_22 = tpu.memref_squeeze %dma_wait3A_21 : memref<1x625x32xf32, #tpu.memory_space<hbm>> -> memref<625x32xf32, #tpu.memory_space<hbm>>
      %dma_wait3A_23 = arith.constant 0 : i32
      %dma_wait3A_24 = tpu.memref_slice %arg10[%mul3A_14, %dma_wait3A_23] : memref<10000x32xf32, #tpu.memory_space<vmem_shared>> -> memref<625x32xf32, #tpu.memory_space<vmem_shared>>
      tpu.wait_dma2 semaphore(%run_scoped3A : memref<!tpu.dma_semaphore, #tpu.memory_space<semaphore_mem>>) src(%dma_wait3A_24 : memref<625x32xf32, #tpu.memory_space<vmem_shared>>) dst(%dma_wait3A_22 : memref<625x32xf32, #tpu.memory_space<hbm>>)
      tpu.yield
    }) : () -> ()
    return
  }
}

#map = affine_map<(d0, d1) -> (0)>
#map1 = affine_map<(d0, d1) -> (0, 0)>
#map2 = affine_map<(d0, d1) -> (0, 0, 0)>
module attributes {stable_mosaic.version = 14 : i64} {
  func.func @k(%arg0: i32, %arg1: i32, %arg2: memref<320000xi32, #tpu.memory_space<hbm>>, %arg3: memref<320000xi32, #tpu.memory_space<hbm>>, %arg4: memref<10000x16xf32, #tpu.memory_space<hbm>>, %arg5: memref<80x16xf32, #tpu.memory_space<hbm>>, %arg6: memref<2x10000x16xf32, #tpu.memory_space<hbm>>, %arg7: memref<80xi32, #tpu.memory_space<vmem>>, %arg8: memref<80xi32, #tpu.memory_space<vmem>>, %arg9: memref<80x16xf32, #tpu.memory_space<vmem>>, %arg10: memref<10000x16xf32, #tpu.memory_space<vmem_shared>>) attributes {dimension_semantics = [#tpu.dimension_semantics<core_parallel>, #tpu.dimension_semantics<subcore_parallel>], iteration_bounds = array<i64: 2, 16>, scalar_prefetch = 0 : i64, scratch_operands = 4 : i64, tpu.core_type = #tpu.core_type<sc_vector_subcore>, window_params = [{transform_indices = #map}, {transform_indices = #map}, {transform_indices = #map1}, {transform_indices = #map1}, {transform_indices = #map2}]} {
    %mul3A = arith.constant 625 : i32
    %mul3A_0 = arith.muli %arg1, %mul3A : i32
    %mul3A_1 = arith.constant 625 : i32
    %mul3A_2 = arith.muli %arg1, %mul3A_1 : i32
    "tpu.region"() ({
      %run_scoped3A = tpu.sem_alloc : memref<!tpu.dma_semaphore, #tpu.memory_space<semaphore_mem>>
      %dma_start3A = arith.constant 0 : i32
      %dma_start3A_17 = tpu.memref_slice %arg10[%mul3A_2, %dma_start3A] : memref<10000x16xf32, #tpu.memory_space<vmem_shared>> -> memref<625x16xf32, #tpu.memory_space<vmem_shared>>
      %dma_start3A_18 = arith.constant 0 : i32
      %dma_start3A_19 = tpu.memref_slice %arg4[%mul3A_0, %dma_start3A_18] : memref<10000x16xf32, #tpu.memory_space<hbm>> -> memref<625x16xf32, #tpu.memory_space<hbm>>
      tpu.enqueue_dma source(%dma_start3A_19 : memref<625x16xf32, #tpu.memory_space<hbm>>) target(%dma_start3A_17 : memref<625x16xf32, #tpu.memory_space<vmem_shared>>) target_semaphore(%run_scoped3A : memref<!tpu.dma_semaphore, #tpu.memory_space<semaphore_mem>>)
      %dma_wait3A = arith.constant 0 : i32
      %dma_wait3A_20 = tpu.memref_slice %arg10[%mul3A_2, %dma_wait3A] : memref<10000x16xf32, #tpu.memory_space<vmem_shared>> -> memref<625x16xf32, #tpu.memory_space<vmem_shared>>
      %dma_wait3A_21 = arith.constant 0 : i32
      %dma_wait3A_22 = tpu.memref_slice %arg4[%mul3A_0, %dma_wait3A_21] : memref<10000x16xf32, #tpu.memory_space<hbm>> -> memref<625x16xf32, #tpu.memory_space<hbm>>
      tpu.wait_dma2 semaphore(%run_scoped3A : memref<!tpu.dma_semaphore, #tpu.memory_space<semaphore_mem>>) src(%dma_wait3A_22 : memref<625x16xf32, #tpu.memory_space<hbm>>) dst(%dma_wait3A_20 : memref<625x16xf32, #tpu.memory_space<vmem_shared>>)
      tpu.yield
    }) : () -> ()
    "tpu.region"() ({
      %run_scoped3A = tpu.sem_alloc : memref<!tpu.dma_semaphore, #tpu.memory_space<semaphore_mem>>
      tpu.enqueue_dma source(%arg5 : memref<80x16xf32, #tpu.memory_space<hbm>>) target(%arg9 : memref<80x16xf32, #tpu.memory_space<vmem>>) target_semaphore(%run_scoped3A : memref<!tpu.dma_semaphore, #tpu.memory_space<semaphore_mem>>)
      tpu.wait_dma2 semaphore(%run_scoped3A : memref<!tpu.dma_semaphore, #tpu.memory_space<semaphore_mem>>) src(%arg5 : memref<80x16xf32, #tpu.memory_space<hbm>>) dst(%arg9 : memref<80x16xf32, #tpu.memory_space<vmem>>)
      tpu.yield
    }) : () -> ()
    %barrier3A = arith.constant 0 : index
    tpu.barrier barrier_id(%barrier3A)
    %mul3A_3 = arith.constant 160000 : i32
    %mul3A_4 = arith.muli %arg0, %mul3A_3 : i32
    %mul3A_5 = arith.constant 10000 : i32
    %mul3A_6 = arith.muli %arg1, %mul3A_5 : i32
    %add3A = arith.addi %mul3A_4, %mul3A_6 : i32
    %scan3A = arith.constant 0 : i32
    %scan3A_7 = arith.constant 0 : i32
    %scan3A_8 = arith.constant 125 : i32
    %scan3A_9 = arith.addi %scan3A_7, %scan3A_8 : i32
    %scan3A_10 = arith.constant 1 : i32
    scf.for %scan3A_17 = %scan3A_7 to %scan3A_9 step %scan3A_10  : i32 {
      %mul3A_18 = arith.constant 80 : i32
      %mul3A_19 = arith.muli %scan3A_17, %mul3A_18 : i32
      %add3A_20 = arith.addi %add3A, %mul3A_19 : i32
      "tpu.region"() ({
        %run_scoped3A = tpu.sem_alloc : memref<!tpu.dma_semaphore, #tpu.memory_space<semaphore_mem>>
        %dma_start3A = tpu.memref_slice %arg2[%add3A_20] : memref<320000xi32, #tpu.memory_space<hbm>> -> memref<80xi32, #tpu.memory_space<hbm>>
        %dma_start3A_21 = tpu.memref_slice %arg2[%add3A_20] : memref<320000xi32, #tpu.memory_space<hbm>> -> memref<80xi32, #tpu.memory_space<hbm>>
        tpu.enqueue_dma source(%dma_start3A_21 : memref<80xi32, #tpu.memory_space<hbm>>) target(%arg7 : memref<80xi32, #tpu.memory_space<vmem>>) target_semaphore(%run_scoped3A : memref<!tpu.dma_semaphore, #tpu.memory_space<semaphore_mem>>)
        %dma_wait3A = tpu.memref_slice %arg2[%add3A_20] : memref<320000xi32, #tpu.memory_space<hbm>> -> memref<80xi32, #tpu.memory_space<hbm>>
        %dma_wait3A_22 = tpu.memref_slice %arg2[%add3A_20] : memref<320000xi32, #tpu.memory_space<hbm>> -> memref<80xi32, #tpu.memory_space<hbm>>
        tpu.wait_dma2 semaphore(%run_scoped3A : memref<!tpu.dma_semaphore, #tpu.memory_space<semaphore_mem>>) src(%dma_wait3A_22 : memref<80xi32, #tpu.memory_space<hbm>>) dst(%arg7 : memref<80xi32, #tpu.memory_space<vmem>>)
        tpu.yield
      }) : () -> ()
      "tpu.region"() ({
        %run_scoped3A = tpu.sem_alloc : memref<!tpu.dma_semaphore, #tpu.memory_space<semaphore_mem>>
        %dma_start3A = tpu.memref_slice %arg3[%add3A_20] : memref<320000xi32, #tpu.memory_space<hbm>> -> memref<80xi32, #tpu.memory_space<hbm>>
        %dma_start3A_21 = tpu.memref_slice %arg3[%add3A_20] : memref<320000xi32, #tpu.memory_space<hbm>> -> memref<80xi32, #tpu.memory_space<hbm>>
        tpu.enqueue_dma source(%dma_start3A_21 : memref<80xi32, #tpu.memory_space<hbm>>) target(%arg8 : memref<80xi32, #tpu.memory_space<vmem>>) target_semaphore(%run_scoped3A : memref<!tpu.dma_semaphore, #tpu.memory_space<semaphore_mem>>)
        %dma_wait3A = tpu.memref_slice %arg3[%add3A_20] : memref<320000xi32, #tpu.memory_space<hbm>> -> memref<80xi32, #tpu.memory_space<hbm>>
        %dma_wait3A_22 = tpu.memref_slice %arg3[%add3A_20] : memref<320000xi32, #tpu.memory_space<hbm>> -> memref<80xi32, #tpu.memory_space<hbm>>
        tpu.wait_dma2 semaphore(%run_scoped3A : memref<!tpu.dma_semaphore, #tpu.memory_space<semaphore_mem>>) src(%dma_wait3A_22 : memref<80xi32, #tpu.memory_space<hbm>>) dst(%arg8 : memref<80xi32, #tpu.memory_space<vmem>>)
        tpu.yield
      }) : () -> ()
      "tpu.region"() ({
        %run_scoped3A = tpu.sem_alloc : memref<!tpu.dma_semaphore, #tpu.memory_space<semaphore_mem>>
        %dma_start3A = arith.constant 0 : i32
        %dma_start3A_21 = arith.constant 0 : i32
        %dma_start3A_22 = tpu.memref_slice %arg10[%dma_start3A, %dma_start3A_21] : memref<10000x16xf32, #tpu.memory_space<vmem_shared>> -> memref<10000x16xf32, #tpu.memory_space<vmem_shared>>
        tpu.enqueue_indirect_dma source(%arg9 : memref<80x16xf32, #tpu.memory_space<vmem>>) target(%dma_start3A_22 : memref<10000x16xf32, #tpu.memory_space<vmem_shared>>) offsets(%arg7 : memref<80xi32, #tpu.memory_space<vmem>>) semaphore(%run_scoped3A : memref<!tpu.dma_semaphore, #tpu.memory_space<semaphore_mem>>) {add = true}
        %dma_wait3A = arith.constant 0 : i32
        %dma_wait3A_23 = arith.constant 0 : i32
        %dma_wait3A_24 = tpu.memref_slice %arg10[%dma_wait3A, %dma_wait3A_23] : memref<10000x16xf32, #tpu.memory_space<vmem_shared>> -> memref<10000x16xf32, #tpu.memory_space<vmem_shared>>
        tpu.wait_indirect_dma semaphore(%run_scoped3A : memref<!tpu.dma_semaphore, #tpu.memory_space<semaphore_mem>>) src(%arg9 : memref<80x16xf32, #tpu.memory_space<vmem>>) dst(%dma_wait3A_24 : memref<10000x16xf32, #tpu.memory_space<vmem_shared>>)
        tpu.yield
      }) : () -> ()
      "tpu.region"() ({
        %run_scoped3A = tpu.sem_alloc : memref<!tpu.dma_semaphore, #tpu.memory_space<semaphore_mem>>
        %dma_start3A = arith.constant 0 : i32
        %dma_start3A_21 = arith.constant 0 : i32
        %dma_start3A_22 = tpu.memref_slice %arg10[%dma_start3A, %dma_start3A_21] : memref<10000x16xf32, #tpu.memory_space<vmem_shared>> -> memref<10000x16xf32, #tpu.memory_space<vmem_shared>>
        tpu.enqueue_indirect_dma source(%arg9 : memref<80x16xf32, #tpu.memory_space<vmem>>) target(%dma_start3A_22 : memref<10000x16xf32, #tpu.memory_space<vmem_shared>>) offsets(%arg8 : memref<80xi32, #tpu.memory_space<vmem>>) semaphore(%run_scoped3A : memref<!tpu.dma_semaphore, #tpu.memory_space<semaphore_mem>>) {add = true}
        %dma_wait3A = arith.constant 0 : i32
        %dma_wait3A_23 = arith.constant 0 : i32
        %dma_wait3A_24 = tpu.memref_slice %arg10[%dma_wait3A, %dma_wait3A_23] : memref<10000x16xf32, #tpu.memory_space<vmem_shared>> -> memref<10000x16xf32, #tpu.memory_space<vmem_shared>>
        tpu.wait_indirect_dma semaphore(%run_scoped3A : memref<!tpu.dma_semaphore, #tpu.memory_space<semaphore_mem>>) src(%arg9 : memref<80x16xf32, #tpu.memory_space<vmem>>) dst(%dma_wait3A_24 : memref<10000x16xf32, #tpu.memory_space<vmem_shared>>)
        tpu.yield
      }) : () -> ()
    }
    %scan3A_11 = arith.constant 125 : i32
    %barrier3A_12 = arith.constant 0 : index
    tpu.barrier barrier_id(%barrier3A_12)
    %mul3A_13 = arith.constant 625 : i32
    %mul3A_14 = arith.muli %arg1, %mul3A_13 : i32
    %mul3A_15 = arith.constant 625 : i32
    %mul3A_16 = arith.muli %arg1, %mul3A_15 : i32
    "tpu.region"() ({
      %run_scoped3A = tpu.sem_alloc : memref<!tpu.dma_semaphore, #tpu.memory_space<semaphore_mem>>
      %dma_start3A = arith.constant 0 : i32
      %dma_start3A_17 = tpu.memref_slice %arg6[%arg0, %mul3A_16, %dma_start3A] : memref<2x10000x16xf32, #tpu.memory_space<hbm>> -> memref<1x625x16xf32, #tpu.memory_space<hbm>>
      %dma_start3A_18 = tpu.memref_squeeze %dma_start3A_17 : memref<1x625x16xf32, #tpu.memory_space<hbm>> -> memref<625x16xf32, #tpu.memory_space<hbm>>
      %dma_start3A_19 = arith.constant 0 : i32
      %dma_start3A_20 = tpu.memref_slice %arg10[%mul3A_14, %dma_start3A_19] : memref<10000x16xf32, #tpu.memory_space<vmem_shared>> -> memref<625x16xf32, #tpu.memory_space<vmem_shared>>
      tpu.enqueue_dma source(%dma_start3A_20 : memref<625x16xf32, #tpu.memory_space<vmem_shared>>) target(%dma_start3A_18 : memref<625x16xf32, #tpu.memory_space<hbm>>) target_semaphore(%run_scoped3A : memref<!tpu.dma_semaphore, #tpu.memory_space<semaphore_mem>>)
      %dma_wait3A = arith.constant 0 : i32
      %dma_wait3A_21 = tpu.memref_slice %arg6[%arg0, %mul3A_16, %dma_wait3A] : memref<2x10000x16xf32, #tpu.memory_space<hbm>> -> memref<1x625x16xf32, #tpu.memory_space<hbm>>
      %dma_wait3A_22 = tpu.memref_squeeze %dma_wait3A_21 : memref<1x625x16xf32, #tpu.memory_space<hbm>> -> memref<625x16xf32, #tpu.memory_space<hbm>>
      %dma_wait3A_23 = arith.constant 0 : i32
      %dma_wait3A_24 = tpu.memref_slice %arg10[%mul3A_14, %dma_wait3A_23] : memref<10000x16xf32, #tpu.memory_space<vmem_shared>> -> memref<625x16xf32, #tpu.memory_space<vmem_shared>>
      tpu.wait_dma2 semaphore(%run_scoped3A : memref<!tpu.dma_semaphore, #tpu.memory_space<semaphore_mem>>) src(%dma_wait3A_24 : memref<625x16xf32, #tpu.memory_space<vmem_shared>>) dst(%dma_wait3A_22 : memref<625x16xf32, #tpu.memory_space<hbm>>)
      tpu.yield
    }) : () -> ()
    return
  }
}

#map = affine_map<(d0, d1) -> (0, 0)>
#map1 = affine_map<(d0, d1) -> (0)>
module attributes {stable_mosaic.version = 14 : i64} {
  func.func @k(%arg0: i32, %arg1: i32, %arg2: memref<10000x128xf32, #tpu.memory_space<hbm>>, %arg3: memref<10000x128xf32, #tpu.memory_space<hbm>>, %arg4: memref<320000xi32, #tpu.memory_space<hbm>>, %arg5: memref<320000xi32, #tpu.memory_space<hbm>>, %arg6: memref<320000x128xf32, #tpu.memory_space<hbm>>, %arg7: memref<320000x128xf32, #tpu.memory_space<hbm>>, %arg8: memref<80xi32, #tpu.memory_space<vmem>>, %arg9: memref<80xi32, #tpu.memory_space<vmem>>, %arg10: memref<80x128xf32, #tpu.memory_space<vmem>>, %arg11: memref<80x128xf32, #tpu.memory_space<vmem>>, %arg12: memref<!tpu.dma_semaphore, #tpu.memory_space<semaphore_mem>>, %arg13: memref<!tpu.dma_semaphore, #tpu.memory_space<semaphore_mem>>) attributes {dimension_semantics = [#tpu.dimension_semantics<core_parallel>, #tpu.dimension_semantics<subcore_parallel>], iteration_bounds = array<i64: 2, 16>, scalar_prefetch = 0 : i64, scratch_operands = 6 : i64, tpu.core_type = #tpu.core_type<sc_vector_subcore>, window_params = [{transform_indices = #map}, {transform_indices = #map}, {transform_indices = #map1}, {transform_indices = #map1}, {transform_indices = #map}, {transform_indices = #map}]} {
    %mul3A = arith.constant 2 : i32
    %mul3A_0 = arith.muli %arg1, %mul3A : i32
    %add3A = arith.addi %mul3A_0, %arg0 : i32
    %mul3A_1 = arith.constant 10000 : i32
    %mul3A_2 = arith.muli %add3A, %mul3A_1 : i32
    %scan3A = arith.constant 0 : i32
    %scan3A_3 = arith.constant 0 : i32
    %scan3A_4 = arith.constant 125 : i32
    %scan3A_5 = arith.addi %scan3A_3, %scan3A_4 : i32
    %scan3A_6 = arith.constant 1 : i32
    scf.for %scan3A_8 = %scan3A_3 to %scan3A_5 step %scan3A_6  : i32 {
      %mul3A_9 = arith.constant 80 : i32
      %mul3A_10 = arith.muli %scan3A_8, %mul3A_9 : i32
      %add3A_11 = arith.addi %mul3A_2, %mul3A_10 : i32
      "tpu.region"() ({
        %run_scoped3A = tpu.sem_alloc : memref<!tpu.dma_semaphore, #tpu.memory_space<semaphore_mem>>
        %dma_start3A_22 = tpu.memref_slice %arg4[%add3A_11] : memref<320000xi32, #tpu.memory_space<hbm>> -> memref<80xi32, #tpu.memory_space<hbm>>
        %dma_start3A_23 = tpu.memref_slice %arg4[%add3A_11] : memref<320000xi32, #tpu.memory_space<hbm>> -> memref<80xi32, #tpu.memory_space<hbm>>
        tpu.enqueue_dma source(%dma_start3A_23 : memref<80xi32, #tpu.memory_space<hbm>>) target(%arg8 : memref<80xi32, #tpu.memory_space<vmem>>) target_semaphore(%run_scoped3A : memref<!tpu.dma_semaphore, #tpu.memory_space<semaphore_mem>>)
        %dma_wait3A_24 = tpu.memref_slice %arg4[%add3A_11] : memref<320000xi32, #tpu.memory_space<hbm>> -> memref<80xi32, #tpu.memory_space<hbm>>
        %dma_wait3A_25 = tpu.memref_slice %arg4[%add3A_11] : memref<320000xi32, #tpu.memory_space<hbm>> -> memref<80xi32, #tpu.memory_space<hbm>>
        tpu.wait_dma2 semaphore(%run_scoped3A : memref<!tpu.dma_semaphore, #tpu.memory_space<semaphore_mem>>) src(%dma_wait3A_25 : memref<80xi32, #tpu.memory_space<hbm>>) dst(%arg8 : memref<80xi32, #tpu.memory_space<vmem>>)
        tpu.yield
      }) : () -> ()
      "tpu.region"() ({
        %run_scoped3A = tpu.sem_alloc : memref<!tpu.dma_semaphore, #tpu.memory_space<semaphore_mem>>
        %dma_start3A_22 = tpu.memref_slice %arg5[%add3A_11] : memref<320000xi32, #tpu.memory_space<hbm>> -> memref<80xi32, #tpu.memory_space<hbm>>
        %dma_start3A_23 = tpu.memref_slice %arg5[%add3A_11] : memref<320000xi32, #tpu.memory_space<hbm>> -> memref<80xi32, #tpu.memory_space<hbm>>
        tpu.enqueue_dma source(%dma_start3A_23 : memref<80xi32, #tpu.memory_space<hbm>>) target(%arg9 : memref<80xi32, #tpu.memory_space<vmem>>) target_semaphore(%run_scoped3A : memref<!tpu.dma_semaphore, #tpu.memory_space<semaphore_mem>>)
        %dma_wait3A_24 = tpu.memref_slice %arg5[%add3A_11] : memref<320000xi32, #tpu.memory_space<hbm>> -> memref<80xi32, #tpu.memory_space<hbm>>
        %dma_wait3A_25 = tpu.memref_slice %arg5[%add3A_11] : memref<320000xi32, #tpu.memory_space<hbm>> -> memref<80xi32, #tpu.memory_space<hbm>>
        tpu.wait_dma2 semaphore(%run_scoped3A : memref<!tpu.dma_semaphore, #tpu.memory_space<semaphore_mem>>) src(%dma_wait3A_25 : memref<80xi32, #tpu.memory_space<hbm>>) dst(%arg9 : memref<80xi32, #tpu.memory_space<vmem>>)
        tpu.yield
      }) : () -> ()
      %dma_start3A = arith.constant 0 : i32
      %dma_start3A_12 = arith.constant 0 : i32
      %dma_start3A_13 = tpu.memref_slice %arg2[%dma_start3A, %dma_start3A_12] : memref<10000x128xf32, #tpu.memory_space<hbm>> -> memref<10000x128xf32, #tpu.memory_space<hbm>>
      tpu.enqueue_indirect_dma source(%dma_start3A_13 : memref<10000x128xf32, #tpu.memory_space<hbm>>) target(%arg10 : memref<80x128xf32, #tpu.memory_space<vmem>>) offsets(%arg8 : memref<80xi32, #tpu.memory_space<vmem>>) semaphore(%arg12 : memref<!tpu.dma_semaphore, #tpu.memory_space<semaphore_mem>>)
      %dma_start3A_14 = arith.constant 0 : i32
      %dma_start3A_15 = arith.constant 0 : i32
      %dma_start3A_16 = tpu.memref_slice %arg3[%dma_start3A_14, %dma_start3A_15] : memref<10000x128xf32, #tpu.memory_space<hbm>> -> memref<10000x128xf32, #tpu.memory_space<hbm>>
      tpu.enqueue_indirect_dma source(%dma_start3A_16 : memref<10000x128xf32, #tpu.memory_space<hbm>>) target(%arg11 : memref<80x128xf32, #tpu.memory_space<vmem>>) offsets(%arg9 : memref<80xi32, #tpu.memory_space<vmem>>) semaphore(%arg13 : memref<!tpu.dma_semaphore, #tpu.memory_space<semaphore_mem>>)
      %dma_wait3A = arith.constant 0 : i32
      %dma_wait3A_17 = arith.constant 0 : i32
      %dma_wait3A_18 = tpu.memref_slice %arg2[%dma_wait3A, %dma_wait3A_17] : memref<10000x128xf32, #tpu.memory_space<hbm>> -> memref<10000x128xf32, #tpu.memory_space<hbm>>
      tpu.wait_indirect_dma semaphore(%arg12 : memref<!tpu.dma_semaphore, #tpu.memory_space<semaphore_mem>>) src(%dma_wait3A_18 : memref<10000x128xf32, #tpu.memory_space<hbm>>) dst(%arg10 : memref<80x128xf32, #tpu.memory_space<vmem>>)
      %dma_wait3A_19 = arith.constant 0 : i32
      %dma_wait3A_20 = arith.constant 0 : i32
      %dma_wait3A_21 = tpu.memref_slice %arg3[%dma_wait3A_19, %dma_wait3A_20] : memref<10000x128xf32, #tpu.memory_space<hbm>> -> memref<10000x128xf32, #tpu.memory_space<hbm>>
      tpu.wait_indirect_dma semaphore(%arg13 : memref<!tpu.dma_semaphore, #tpu.memory_space<semaphore_mem>>) src(%dma_wait3A_21 : memref<10000x128xf32, #tpu.memory_space<hbm>>) dst(%arg11 : memref<80x128xf32, #tpu.memory_space<vmem>>)
      "tpu.region"() ({
        %run_scoped3A = tpu.sem_alloc : memref<!tpu.dma_semaphore, #tpu.memory_space<semaphore_mem>>
        %dma_start3A_22 = arith.constant 0 : i32
        %dma_start3A_23 = tpu.memref_slice %arg6[%add3A_11, %dma_start3A_22] : memref<320000x128xf32, #tpu.memory_space<hbm>> -> memref<80x128xf32, #tpu.memory_space<hbm>>
        %dma_start3A_24 = arith.constant 0 : i32
        %dma_start3A_25 = tpu.memref_slice %arg6[%add3A_11, %dma_start3A_24] : memref<320000x128xf32, #tpu.memory_space<hbm>> -> memref<80x128xf32, #tpu.memory_space<hbm>>
        tpu.enqueue_dma source(%arg10 : memref<80x128xf32, #tpu.memory_space<vmem>>) target(%dma_start3A_25 : memref<80x128xf32, #tpu.memory_space<hbm>>) target_semaphore(%run_scoped3A : memref<!tpu.dma_semaphore, #tpu.memory_space<semaphore_mem>>)
        %dma_wait3A_26 = arith.constant 0 : i32
        %dma_wait3A_27 = tpu.memref_slice %arg6[%add3A_11, %dma_wait3A_26] : memref<320000x128xf32, #tpu.memory_space<hbm>> -> memref<80x128xf32, #tpu.memory_space<hbm>>
        %dma_wait3A_28 = arith.constant 0 : i32
        %dma_wait3A_29 = tpu.memref_slice %arg6[%add3A_11, %dma_wait3A_28] : memref<320000x128xf32, #tpu.memory_space<hbm>> -> memref<80x128xf32, #tpu.memory_space<hbm>>
        tpu.wait_dma2 semaphore(%run_scoped3A : memref<!tpu.dma_semaphore, #tpu.memory_space<semaphore_mem>>) src(%arg10 : memref<80x128xf32, #tpu.memory_space<vmem>>) dst(%dma_wait3A_29 : memref<80x128xf32, #tpu.memory_space<hbm>>)
        tpu.yield
      }) : () -> ()
      "tpu.region"() ({
        %run_scoped3A = tpu.sem_alloc : memref<!tpu.dma_semaphore, #tpu.memory_space<semaphore_mem>>
        %dma_start3A_22 = arith.constant 0 : i32
        %dma_start3A_23 = tpu.memref_slice %arg7[%add3A_11, %dma_start3A_22] : memref<320000x128xf32, #tpu.memory_space<hbm>> -> memref<80x128xf32, #tpu.memory_space<hbm>>
        %dma_start3A_24 = arith.constant 0 : i32
        %dma_start3A_25 = tpu.memref_slice %arg7[%add3A_11, %dma_start3A_24] : memref<320000x128xf32, #tpu.memory_space<hbm>> -> memref<80x128xf32, #tpu.memory_space<hbm>>
        tpu.enqueue_dma source(%arg11 : memref<80x128xf32, #tpu.memory_space<vmem>>) target(%dma_start3A_25 : memref<80x128xf32, #tpu.memory_space<hbm>>) target_semaphore(%run_scoped3A : memref<!tpu.dma_semaphore, #tpu.memory_space<semaphore_mem>>)
        %dma_wait3A_26 = arith.constant 0 : i32
        %dma_wait3A_27 = tpu.memref_slice %arg7[%add3A_11, %dma_wait3A_26] : memref<320000x128xf32, #tpu.memory_space<hbm>> -> memref<80x128xf32, #tpu.memory_space<hbm>>
        %dma_wait3A_28 = arith.constant 0 : i32
        %dma_wait3A_29 = tpu.memref_slice %arg7[%add3A_11, %dma_wait3A_28] : memref<320000x128xf32, #tpu.memory_space<hbm>> -> memref<80x128xf32, #tpu.memory_space<hbm>>
        tpu.wait_dma2 semaphore(%run_scoped3A : memref<!tpu.dma_semaphore, #tpu.memory_space<semaphore_mem>>) src(%arg11 : memref<80x128xf32, #tpu.memory_space<vmem>>) dst(%dma_wait3A_29 : memref<80x128xf32, #tpu.memory_space<hbm>>)
        tpu.yield
      }) : () -> ()
    }
    %scan3A_7 = arith.constant 125 : i32
    return
  }
}

#map = affine_map<(d0, d1) -> (0, 0)>
#map1 = affine_map<(d0, d1) -> (0)>
#map2 = affine_map<(d0, d1) -> (0, 0, 0)>
module attributes {stable_mosaic.version = 14 : i64} {
  func.func @k(%arg0: i32, %arg1: i32, %arg2: memref<320000x32xf32, #tpu.memory_space<hbm>>, %arg3: memref<320000xi32, #tpu.memory_space<hbm>>, %arg4: memref<320000xi32, #tpu.memory_space<hbm>>, %arg5: memref<10000x32xf32, #tpu.memory_space<hbm>>, %arg6: memref<2x10000x32xf32, #tpu.memory_space<hbm>>, %arg7: memref<80xi32, #tpu.memory_space<vmem>>, %arg8: memref<80xi32, #tpu.memory_space<vmem>>, %arg9: memref<80x32xf32, #tpu.memory_space<vmem>>, %arg10: memref<10000x32xf32, #tpu.memory_space<vmem_shared>>) attributes {dimension_semantics = [#tpu.dimension_semantics<core_parallel>, #tpu.dimension_semantics<subcore_parallel>], iteration_bounds = array<i64: 2, 16>, scalar_prefetch = 0 : i64, scratch_operands = 4 : i64, tpu.core_type = #tpu.core_type<sc_vector_subcore>, window_params = [{transform_indices = #map}, {transform_indices = #map1}, {transform_indices = #map1}, {transform_indices = #map}, {transform_indices = #map2}]} {
    %mul3A = arith.constant 625 : i32
    %mul3A_0 = arith.muli %arg1, %mul3A : i32
    %mul3A_1 = arith.constant 625 : i32
    %mul3A_2 = arith.muli %arg1, %mul3A_1 : i32
    "tpu.region"() ({
      %run_scoped3A = tpu.sem_alloc : memref<!tpu.dma_semaphore, #tpu.memory_space<semaphore_mem>>
      %dma_start3A = arith.constant 0 : i32
      %dma_start3A_17 = tpu.memref_slice %arg10[%mul3A_2, %dma_start3A] : memref<10000x32xf32, #tpu.memory_space<vmem_shared>> -> memref<625x32xf32, #tpu.memory_space<vmem_shared>>
      %dma_start3A_18 = arith.constant 0 : i32
      %dma_start3A_19 = tpu.memref_slice %arg5[%mul3A_0, %dma_start3A_18] : memref<10000x32xf32, #tpu.memory_space<hbm>> -> memref<625x32xf32, #tpu.memory_space<hbm>>
      tpu.enqueue_dma source(%dma_start3A_19 : memref<625x32xf32, #tpu.memory_space<hbm>>) target(%dma_start3A_17 : memref<625x32xf32, #tpu.memory_space<vmem_shared>>) target_semaphore(%run_scoped3A : memref<!tpu.dma_semaphore, #tpu.memory_space<semaphore_mem>>)
      %dma_wait3A = arith.constant 0 : i32
      %dma_wait3A_20 = tpu.memref_slice %arg10[%mul3A_2, %dma_wait3A] : memref<10000x32xf32, #tpu.memory_space<vmem_shared>> -> memref<625x32xf32, #tpu.memory_space<vmem_shared>>
      %dma_wait3A_21 = arith.constant 0 : i32
      %dma_wait3A_22 = tpu.memref_slice %arg5[%mul3A_0, %dma_wait3A_21] : memref<10000x32xf32, #tpu.memory_space<hbm>> -> memref<625x32xf32, #tpu.memory_space<hbm>>
      tpu.wait_dma2 semaphore(%run_scoped3A : memref<!tpu.dma_semaphore, #tpu.memory_space<semaphore_mem>>) src(%dma_wait3A_22 : memref<625x32xf32, #tpu.memory_space<hbm>>) dst(%dma_wait3A_20 : memref<625x32xf32, #tpu.memory_space<vmem_shared>>)
      tpu.yield
    }) : () -> ()
    %barrier3A = arith.constant 0 : index
    tpu.barrier barrier_id(%barrier3A)
    %mul3A_3 = arith.constant 160000 : i32
    %mul3A_4 = arith.muli %arg0, %mul3A_3 : i32
    %mul3A_5 = arith.constant 10000 : i32
    %mul3A_6 = arith.muli %arg1, %mul3A_5 : i32
    %add3A = arith.addi %mul3A_4, %mul3A_6 : i32
    %scan3A = arith.constant 0 : i32
    %scan3A_7 = arith.constant 0 : i32
    %scan3A_8 = arith.constant 125 : i32
    %scan3A_9 = arith.addi %scan3A_7, %scan3A_8 : i32
    %scan3A_10 = arith.constant 1 : i32
    scf.for %scan3A_17 = %scan3A_7 to %scan3A_9 step %scan3A_10  : i32 {
      %mul3A_18 = arith.constant 80 : i32
      %mul3A_19 = arith.muli %scan3A_17, %mul3A_18 : i32
      %add3A_20 = arith.addi %add3A, %mul3A_19 : i32
      "tpu.region"() ({
        %run_scoped3A = tpu.sem_alloc : memref<!tpu.dma_semaphore, #tpu.memory_space<semaphore_mem>>
        %dma_start3A = tpu.memref_slice %arg3[%add3A_20] : memref<320000xi32, #tpu.memory_space<hbm>> -> memref<80xi32, #tpu.memory_space<hbm>>
        %dma_start3A_21 = tpu.memref_slice %arg3[%add3A_20] : memref<320000xi32, #tpu.memory_space<hbm>> -> memref<80xi32, #tpu.memory_space<hbm>>
        tpu.enqueue_dma source(%dma_start3A_21 : memref<80xi32, #tpu.memory_space<hbm>>) target(%arg7 : memref<80xi32, #tpu.memory_space<vmem>>) target_semaphore(%run_scoped3A : memref<!tpu.dma_semaphore, #tpu.memory_space<semaphore_mem>>)
        %dma_wait3A = tpu.memref_slice %arg3[%add3A_20] : memref<320000xi32, #tpu.memory_space<hbm>> -> memref<80xi32, #tpu.memory_space<hbm>>
        %dma_wait3A_22 = tpu.memref_slice %arg3[%add3A_20] : memref<320000xi32, #tpu.memory_space<hbm>> -> memref<80xi32, #tpu.memory_space<hbm>>
        tpu.wait_dma2 semaphore(%run_scoped3A : memref<!tpu.dma_semaphore, #tpu.memory_space<semaphore_mem>>) src(%dma_wait3A_22 : memref<80xi32, #tpu.memory_space<hbm>>) dst(%arg7 : memref<80xi32, #tpu.memory_space<vmem>>)
        tpu.yield
      }) : () -> ()
      "tpu.region"() ({
        %run_scoped3A = tpu.sem_alloc : memref<!tpu.dma_semaphore, #tpu.memory_space<semaphore_mem>>
        %dma_start3A = tpu.memref_slice %arg4[%add3A_20] : memref<320000xi32, #tpu.memory_space<hbm>> -> memref<80xi32, #tpu.memory_space<hbm>>
        %dma_start3A_21 = tpu.memref_slice %arg4[%add3A_20] : memref<320000xi32, #tpu.memory_space<hbm>> -> memref<80xi32, #tpu.memory_space<hbm>>
        tpu.enqueue_dma source(%dma_start3A_21 : memref<80xi32, #tpu.memory_space<hbm>>) target(%arg8 : memref<80xi32, #tpu.memory_space<vmem>>) target_semaphore(%run_scoped3A : memref<!tpu.dma_semaphore, #tpu.memory_space<semaphore_mem>>)
        %dma_wait3A = tpu.memref_slice %arg4[%add3A_20] : memref<320000xi32, #tpu.memory_space<hbm>> -> memref<80xi32, #tpu.memory_space<hbm>>
        %dma_wait3A_22 = tpu.memref_slice %arg4[%add3A_20] : memref<320000xi32, #tpu.memory_space<hbm>> -> memref<80xi32, #tpu.memory_space<hbm>>
        tpu.wait_dma2 semaphore(%run_scoped3A : memref<!tpu.dma_semaphore, #tpu.memory_space<semaphore_mem>>) src(%dma_wait3A_22 : memref<80xi32, #tpu.memory_space<hbm>>) dst(%arg8 : memref<80xi32, #tpu.memory_space<vmem>>)
        tpu.yield
      }) : () -> ()
      "tpu.region"() ({
        %run_scoped3A = tpu.sem_alloc : memref<!tpu.dma_semaphore, #tpu.memory_space<semaphore_mem>>
        %dma_start3A = arith.constant 0 : i32
        %dma_start3A_21 = tpu.memref_slice %arg2[%add3A_20, %dma_start3A] : memref<320000x32xf32, #tpu.memory_space<hbm>> -> memref<80x32xf32, #tpu.memory_space<hbm>>
        %dma_start3A_22 = arith.constant 0 : i32
        %dma_start3A_23 = tpu.memref_slice %arg2[%add3A_20, %dma_start3A_22] : memref<320000x32xf32, #tpu.memory_space<hbm>> -> memref<80x32xf32, #tpu.memory_space<hbm>>
        tpu.enqueue_dma source(%dma_start3A_23 : memref<80x32xf32, #tpu.memory_space<hbm>>) target(%arg9 : memref<80x32xf32, #tpu.memory_space<vmem>>) target_semaphore(%run_scoped3A : memref<!tpu.dma_semaphore, #tpu.memory_space<semaphore_mem>>)
        %dma_wait3A = arith.constant 0 : i32
        %dma_wait3A_24 = tpu.memref_slice %arg2[%add3A_20, %dma_wait3A] : memref<320000x32xf32, #tpu.memory_space<hbm>> -> memref<80x32xf32, #tpu.memory_space<hbm>>
        %dma_wait3A_25 = arith.constant 0 : i32
        %dma_wait3A_26 = tpu.memref_slice %arg2[%add3A_20, %dma_wait3A_25] : memref<320000x32xf32, #tpu.memory_space<hbm>> -> memref<80x32xf32, #tpu.memory_space<hbm>>
        tpu.wait_dma2 semaphore(%run_scoped3A : memref<!tpu.dma_semaphore, #tpu.memory_space<semaphore_mem>>) src(%dma_wait3A_26 : memref<80x32xf32, #tpu.memory_space<hbm>>) dst(%arg9 : memref<80x32xf32, #tpu.memory_space<vmem>>)
        tpu.yield
      }) : () -> ()
      "tpu.region"() ({
        %run_scoped3A = tpu.sem_alloc : memref<!tpu.dma_semaphore, #tpu.memory_space<semaphore_mem>>
        %dma_start3A = arith.constant 0 : i32
        %dma_start3A_21 = arith.constant 0 : i32
        %dma_start3A_22 = tpu.memref_slice %arg10[%dma_start3A, %dma_start3A_21] : memref<10000x32xf32, #tpu.memory_space<vmem_shared>> -> memref<10000x32xf32, #tpu.memory_space<vmem_shared>>
        tpu.enqueue_indirect_dma source(%arg9 : memref<80x32xf32, #tpu.memory_space<vmem>>) target(%dma_start3A_22 : memref<10000x32xf32, #tpu.memory_space<vmem_shared>>) offsets(%arg7 : memref<80xi32, #tpu.memory_space<vmem>>) semaphore(%run_scoped3A : memref<!tpu.dma_semaphore, #tpu.memory_space<semaphore_mem>>) {add = true}
        %dma_wait3A = arith.constant 0 : i32
        %dma_wait3A_23 = arith.constant 0 : i32
        %dma_wait3A_24 = tpu.memref_slice %arg10[%dma_wait3A, %dma_wait3A_23] : memref<10000x32xf32, #tpu.memory_space<vmem_shared>> -> memref<10000x32xf32, #tpu.memory_space<vmem_shared>>
        tpu.wait_indirect_dma semaphore(%run_scoped3A : memref<!tpu.dma_semaphore, #tpu.memory_space<semaphore_mem>>) src(%arg9 : memref<80x32xf32, #tpu.memory_space<vmem>>) dst(%dma_wait3A_24 : memref<10000x32xf32, #tpu.memory_space<vmem_shared>>)
        tpu.yield
      }) : () -> ()
      "tpu.region"() ({
        %run_scoped3A = tpu.sem_alloc : memref<!tpu.dma_semaphore, #tpu.memory_space<semaphore_mem>>
        %dma_start3A = arith.constant 0 : i32
        %dma_start3A_21 = arith.constant 0 : i32
        %dma_start3A_22 = tpu.memref_slice %arg10[%dma_start3A, %dma_start3A_21] : memref<10000x32xf32, #tpu.memory_space<vmem_shared>> -> memref<10000x32xf32, #tpu.memory_space<vmem_shared>>
        tpu.enqueue_indirect_dma source(%arg9 : memref<80x32xf32, #tpu.memory_space<vmem>>) target(%dma_start3A_22 : memref<10000x32xf32, #tpu.memory_space<vmem_shared>>) offsets(%arg8 : memref<80xi32, #tpu.memory_space<vmem>>) semaphore(%run_scoped3A : memref<!tpu.dma_semaphore, #tpu.memory_space<semaphore_mem>>) {add = true}
        %dma_wait3A = arith.constant 0 : i32
        %dma_wait3A_23 = arith.constant 0 : i32
        %dma_wait3A_24 = tpu.memref_slice %arg10[%dma_wait3A, %dma_wait3A_23] : memref<10000x32xf32, #tpu.memory_space<vmem_shared>> -> memref<10000x32xf32, #tpu.memory_space<vmem_shared>>
        tpu.wait_indirect_dma semaphore(%run_scoped3A : memref<!tpu.dma_semaphore, #tpu.memory_space<semaphore_mem>>) src(%arg9 : memref<80x32xf32, #tpu.memory_space<vmem>>) dst(%dma_wait3A_24 : memref<10000x32xf32, #tpu.memory_space<vmem_shared>>)
        tpu.yield
      }) : () -> ()
    }
    %scan3A_11 = arith.constant 125 : i32
    %barrier3A_12 = arith.constant 0 : index
    tpu.barrier barrier_id(%barrier3A_12)
    %mul3A_13 = arith.constant 625 : i32
    %mul3A_14 = arith.muli %arg1, %mul3A_13 : i32
    %mul3A_15 = arith.constant 625 : i32
    %mul3A_16 = arith.muli %arg1, %mul3A_15 : i32
    "tpu.region"() ({
      %run_scoped3A = tpu.sem_alloc : memref<!tpu.dma_semaphore, #tpu.memory_space<semaphore_mem>>
      %dma_start3A = arith.constant 0 : i32
      %dma_start3A_17 = tpu.memref_slice %arg6[%arg0, %mul3A_16, %dma_start3A] : memref<2x10000x32xf32, #tpu.memory_space<hbm>> -> memref<1x625x32xf32, #tpu.memory_space<hbm>>
      %dma_start3A_18 = tpu.memref_squeeze %dma_start3A_17 : memref<1x625x32xf32, #tpu.memory_space<hbm>> -> memref<625x32xf32, #tpu.memory_space<hbm>>
      %dma_start3A_19 = arith.constant 0 : i32
      %dma_start3A_20 = tpu.memref_slice %arg10[%mul3A_14, %dma_start3A_19] : memref<10000x32xf32, #tpu.memory_space<vmem_shared>> -> memref<625x32xf32, #tpu.memory_space<vmem_shared>>
      tpu.enqueue_dma source(%dma_start3A_20 : memref<625x32xf32, #tpu.memory_space<vmem_shared>>) target(%dma_start3A_18 : memref<625x32xf32, #tpu.memory_space<hbm>>) target_semaphore(%run_scoped3A : memref<!tpu.dma_semaphore, #tpu.memory_space<semaphore_mem>>)
      %dma_wait3A = arith.constant 0 : i32
      %dma_wait3A_21 = tpu.memref_slice %arg6[%arg0, %mul3A_16, %dma_wait3A] : memref<2x10000x32xf32, #tpu.memory_space<hbm>> -> memref<1x625x32xf32, #tpu.memory_space<hbm>>
      %dma_wait3A_22 = tpu.memref_squeeze %dma_wait3A_21 : memref<1x625x32xf32, #tpu.memory_space<hbm>> -> memref<625x32xf32, #tpu.memory_space<hbm>>
      %dma_wait3A_23 = arith.constant 0 : i32
      %dma_wait3A_24 = tpu.memref_slice %arg10[%mul3A_14, %dma_wait3A_23] : memref<10000x32xf32, #tpu.memory_space<vmem_shared>> -> memref<625x32xf32, #tpu.memory_space<vmem_shared>>
      tpu.wait_dma2 semaphore(%run_scoped3A : memref<!tpu.dma_semaphore, #tpu.memory_space<semaphore_mem>>) src(%dma_wait3A_24 : memref<625x32xf32, #tpu.memory_space<vmem_shared>>) dst(%dma_wait3A_22 : memref<625x32xf32, #tpu.memory_space<hbm>>)
      tpu.yield
    }) : () -> ()
    return
  }
}

#map = affine_map<(d0, d1) -> (0, 0)>
#map1 = affine_map<(d0, d1) -> (0)>
module attributes {stable_mosaic.version = 14 : i64} {
  func.func @k(%arg0: i32, %arg1: i32, %arg2: memref<10000x16xf32, #tpu.memory_space<hbm>>, %arg3: memref<10000x16xf32, #tpu.memory_space<hbm>>, %arg4: memref<320000xi32, #tpu.memory_space<hbm>>, %arg5: memref<320000xi32, #tpu.memory_space<hbm>>, %arg6: memref<320000x16xf32, #tpu.memory_space<hbm>>, %arg7: memref<320000x16xf32, #tpu.memory_space<hbm>>, %arg8: memref<80xi32, #tpu.memory_space<vmem>>, %arg9: memref<80xi32, #tpu.memory_space<vmem>>, %arg10: memref<80x16xf32, #tpu.memory_space<vmem>>, %arg11: memref<80x16xf32, #tpu.memory_space<vmem>>, %arg12: memref<!tpu.dma_semaphore, #tpu.memory_space<semaphore_mem>>, %arg13: memref<!tpu.dma_semaphore, #tpu.memory_space<semaphore_mem>>) attributes {dimension_semantics = [#tpu.dimension_semantics<core_parallel>, #tpu.dimension_semantics<subcore_parallel>], iteration_bounds = array<i64: 2, 16>, scalar_prefetch = 0 : i64, scratch_operands = 6 : i64, tpu.core_type = #tpu.core_type<sc_vector_subcore>, window_params = [{transform_indices = #map}, {transform_indices = #map}, {transform_indices = #map1}, {transform_indices = #map1}, {transform_indices = #map}, {transform_indices = #map}]} {
    %mul3A = arith.constant 2 : i32
    %mul3A_0 = arith.muli %arg1, %mul3A : i32
    %add3A = arith.addi %mul3A_0, %arg0 : i32
    %mul3A_1 = arith.constant 10000 : i32
    %mul3A_2 = arith.muli %add3A, %mul3A_1 : i32
    %scan3A = arith.constant 0 : i32
    %scan3A_3 = arith.constant 0 : i32
    %scan3A_4 = arith.constant 125 : i32
    %scan3A_5 = arith.addi %scan3A_3, %scan3A_4 : i32
    %scan3A_6 = arith.constant 1 : i32
    scf.for %scan3A_8 = %scan3A_3 to %scan3A_5 step %scan3A_6  : i32 {
      %mul3A_9 = arith.constant 80 : i32
      %mul3A_10 = arith.muli %scan3A_8, %mul3A_9 : i32
      %add3A_11 = arith.addi %mul3A_2, %mul3A_10 : i32
      "tpu.region"() ({
        %run_scoped3A = tpu.sem_alloc : memref<!tpu.dma_semaphore, #tpu.memory_space<semaphore_mem>>
        %dma_start3A_22 = tpu.memref_slice %arg4[%add3A_11] : memref<320000xi32, #tpu.memory_space<hbm>> -> memref<80xi32, #tpu.memory_space<hbm>>
        %dma_start3A_23 = tpu.memref_slice %arg4[%add3A_11] : memref<320000xi32, #tpu.memory_space<hbm>> -> memref<80xi32, #tpu.memory_space<hbm>>
        tpu.enqueue_dma source(%dma_start3A_23 : memref<80xi32, #tpu.memory_space<hbm>>) target(%arg8 : memref<80xi32, #tpu.memory_space<vmem>>) target_semaphore(%run_scoped3A : memref<!tpu.dma_semaphore, #tpu.memory_space<semaphore_mem>>)
        %dma_wait3A_24 = tpu.memref_slice %arg4[%add3A_11] : memref<320000xi32, #tpu.memory_space<hbm>> -> memref<80xi32, #tpu.memory_space<hbm>>
        %dma_wait3A_25 = tpu.memref_slice %arg4[%add3A_11] : memref<320000xi32, #tpu.memory_space<hbm>> -> memref<80xi32, #tpu.memory_space<hbm>>
        tpu.wait_dma2 semaphore(%run_scoped3A : memref<!tpu.dma_semaphore, #tpu.memory_space<semaphore_mem>>) src(%dma_wait3A_25 : memref<80xi32, #tpu.memory_space<hbm>>) dst(%arg8 : memref<80xi32, #tpu.memory_space<vmem>>)
        tpu.yield
      }) : () -> ()
      "tpu.region"() ({
        %run_scoped3A = tpu.sem_alloc : memref<!tpu.dma_semaphore, #tpu.memory_space<semaphore_mem>>
        %dma_start3A_22 = tpu.memref_slice %arg5[%add3A_11] : memref<320000xi32, #tpu.memory_space<hbm>> -> memref<80xi32, #tpu.memory_space<hbm>>
        %dma_start3A_23 = tpu.memref_slice %arg5[%add3A_11] : memref<320000xi32, #tpu.memory_space<hbm>> -> memref<80xi32, #tpu.memory_space<hbm>>
        tpu.enqueue_dma source(%dma_start3A_23 : memref<80xi32, #tpu.memory_space<hbm>>) target(%arg9 : memref<80xi32, #tpu.memory_space<vmem>>) target_semaphore(%run_scoped3A : memref<!tpu.dma_semaphore, #tpu.memory_space<semaphore_mem>>)
        %dma_wait3A_24 = tpu.memref_slice %arg5[%add3A_11] : memref<320000xi32, #tpu.memory_space<hbm>> -> memref<80xi32, #tpu.memory_space<hbm>>
        %dma_wait3A_25 = tpu.memref_slice %arg5[%add3A_11] : memref<320000xi32, #tpu.memory_space<hbm>> -> memref<80xi32, #tpu.memory_space<hbm>>
        tpu.wait_dma2 semaphore(%run_scoped3A : memref<!tpu.dma_semaphore, #tpu.memory_space<semaphore_mem>>) src(%dma_wait3A_25 : memref<80xi32, #tpu.memory_space<hbm>>) dst(%arg9 : memref<80xi32, #tpu.memory_space<vmem>>)
        tpu.yield
      }) : () -> ()
      %dma_start3A = arith.constant 0 : i32
      %dma_start3A_12 = arith.constant 0 : i32
      %dma_start3A_13 = tpu.memref_slice %arg2[%dma_start3A, %dma_start3A_12] : memref<10000x16xf32, #tpu.memory_space<hbm>> -> memref<10000x16xf32, #tpu.memory_space<hbm>>
      tpu.enqueue_indirect_dma source(%dma_start3A_13 : memref<10000x16xf32, #tpu.memory_space<hbm>>) target(%arg10 : memref<80x16xf32, #tpu.memory_space<vmem>>) offsets(%arg8 : memref<80xi32, #tpu.memory_space<vmem>>) semaphore(%arg12 : memref<!tpu.dma_semaphore, #tpu.memory_space<semaphore_mem>>)
      %dma_start3A_14 = arith.constant 0 : i32
      %dma_start3A_15 = arith.constant 0 : i32
      %dma_start3A_16 = tpu.memref_slice %arg3[%dma_start3A_14, %dma_start3A_15] : memref<10000x16xf32, #tpu.memory_space<hbm>> -> memref<10000x16xf32, #tpu.memory_space<hbm>>
      tpu.enqueue_indirect_dma source(%dma_start3A_16 : memref<10000x16xf32, #tpu.memory_space<hbm>>) target(%arg11 : memref<80x16xf32, #tpu.memory_space<vmem>>) offsets(%arg9 : memref<80xi32, #tpu.memory_space<vmem>>) semaphore(%arg13 : memref<!tpu.dma_semaphore, #tpu.memory_space<semaphore_mem>>)
      %dma_wait3A = arith.constant 0 : i32
      %dma_wait3A_17 = arith.constant 0 : i32
      %dma_wait3A_18 = tpu.memref_slice %arg2[%dma_wait3A, %dma_wait3A_17] : memref<10000x16xf32, #tpu.memory_space<hbm>> -> memref<10000x16xf32, #tpu.memory_space<hbm>>
      tpu.wait_indirect_dma semaphore(%arg12 : memref<!tpu.dma_semaphore, #tpu.memory_space<semaphore_mem>>) src(%dma_wait3A_18 : memref<10000x16xf32, #tpu.memory_space<hbm>>) dst(%arg10 : memref<80x16xf32, #tpu.memory_space<vmem>>)
      %dma_wait3A_19 = arith.constant 0 : i32
      %dma_wait3A_20 = arith.constant 0 : i32
      %dma_wait3A_21 = tpu.memref_slice %arg3[%dma_wait3A_19, %dma_wait3A_20] : memref<10000x16xf32, #tpu.memory_space<hbm>> -> memref<10000x16xf32, #tpu.memory_space<hbm>>
      tpu.wait_indirect_dma semaphore(%arg13 : memref<!tpu.dma_semaphore, #tpu.memory_space<semaphore_mem>>) src(%dma_wait3A_21 : memref<10000x16xf32, #tpu.memory_space<hbm>>) dst(%arg11 : memref<80x16xf32, #tpu.memory_space<vmem>>)
      "tpu.region"() ({
        %run_scoped3A = tpu.sem_alloc : memref<!tpu.dma_semaphore, #tpu.memory_space<semaphore_mem>>
        %dma_start3A_22 = arith.constant 0 : i32
        %dma_start3A_23 = tpu.memref_slice %arg6[%add3A_11, %dma_start3A_22] : memref<320000x16xf32, #tpu.memory_space<hbm>> -> memref<80x16xf32, #tpu.memory_space<hbm>>
        %dma_start3A_24 = arith.constant 0 : i32
        %dma_start3A_25 = tpu.memref_slice %arg6[%add3A_11, %dma_start3A_24] : memref<320000x16xf32, #tpu.memory_space<hbm>> -> memref<80x16xf32, #tpu.memory_space<hbm>>
        tpu.enqueue_dma source(%arg10 : memref<80x16xf32, #tpu.memory_space<vmem>>) target(%dma_start3A_25 : memref<80x16xf32, #tpu.memory_space<hbm>>) target_semaphore(%run_scoped3A : memref<!tpu.dma_semaphore, #tpu.memory_space<semaphore_mem>>)
        %dma_wait3A_26 = arith.constant 0 : i32
        %dma_wait3A_27 = tpu.memref_slice %arg6[%add3A_11, %dma_wait3A_26] : memref<320000x16xf32, #tpu.memory_space<hbm>> -> memref<80x16xf32, #tpu.memory_space<hbm>>
        %dma_wait3A_28 = arith.constant 0 : i32
        %dma_wait3A_29 = tpu.memref_slice %arg6[%add3A_11, %dma_wait3A_28] : memref<320000x16xf32, #tpu.memory_space<hbm>> -> memref<80x16xf32, #tpu.memory_space<hbm>>
        tpu.wait_dma2 semaphore(%run_scoped3A : memref<!tpu.dma_semaphore, #tpu.memory_space<semaphore_mem>>) src(%arg10 : memref<80x16xf32, #tpu.memory_space<vmem>>) dst(%dma_wait3A_29 : memref<80x16xf32, #tpu.memory_space<hbm>>)
        tpu.yield
      }) : () -> ()
      "tpu.region"() ({
        %run_scoped3A = tpu.sem_alloc : memref<!tpu.dma_semaphore, #tpu.memory_space<semaphore_mem>>
        %dma_start3A_22 = arith.constant 0 : i32
        %dma_start3A_23 = tpu.memref_slice %arg7[%add3A_11, %dma_start3A_22] : memref<320000x16xf32, #tpu.memory_space<hbm>> -> memref<80x16xf32, #tpu.memory_space<hbm>>
        %dma_start3A_24 = arith.constant 0 : i32
        %dma_start3A_25 = tpu.memref_slice %arg7[%add3A_11, %dma_start3A_24] : memref<320000x16xf32, #tpu.memory_space<hbm>> -> memref<80x16xf32, #tpu.memory_space<hbm>>
        tpu.enqueue_dma source(%arg11 : memref<80x16xf32, #tpu.memory_space<vmem>>) target(%dma_start3A_25 : memref<80x16xf32, #tpu.memory_space<hbm>>) target_semaphore(%run_scoped3A : memref<!tpu.dma_semaphore, #tpu.memory_space<semaphore_mem>>)
        %dma_wait3A_26 = arith.constant 0 : i32
        %dma_wait3A_27 = tpu.memref_slice %arg7[%add3A_11, %dma_wait3A_26] : memref<320000x16xf32, #tpu.memory_space<hbm>> -> memref<80x16xf32, #tpu.memory_space<hbm>>
        %dma_wait3A_28 = arith.constant 0 : i32
        %dma_wait3A_29 = tpu.memref_slice %arg7[%add3A_11, %dma_wait3A_28] : memref<320000x16xf32, #tpu.memory_space<hbm>> -> memref<80x16xf32, #tpu.memory_space<hbm>>
        tpu.wait_dma2 semaphore(%run_scoped3A : memref<!tpu.dma_semaphore, #tpu.memory_space<semaphore_mem>>) src(%arg11 : memref<80x16xf32, #tpu.memory_space<vmem>>) dst(%dma_wait3A_29 : memref<80x16xf32, #tpu.memory_space<hbm>>)
        tpu.yield
      }) : () -> ()
    }
    %scan3A_7 = arith.constant 125 : i32
    return
  }
}

#map = affine_map<(d0, d1) -> (0, 0)>
#map1 = affine_map<(d0, d1) -> (0)>
module attributes {stable_mosaic.version = 14 : i64} {
  func.func @k(%arg0: i32, %arg1: i32, %arg2: memref<10000x128xf32, #tpu.memory_space<hbm>>, %arg3: memref<10000x128xf32, #tpu.memory_space<hbm>>, %arg4: memref<320000xi32, #tpu.memory_space<hbm>>, %arg5: memref<320000xi32, #tpu.memory_space<hbm>>, %arg6: memref<320000x128xf32, #tpu.memory_space<hbm>>, %arg7: memref<320000x128xf32, #tpu.memory_space<hbm>>, %arg8: memref<80xi32, #tpu.memory_space<vmem>>, %arg9: memref<80xi32, #tpu.memory_space<vmem>>, %arg10: memref<80x128xf32, #tpu.memory_space<vmem>>, %arg11: memref<80x128xf32, #tpu.memory_space<vmem>>, %arg12: memref<!tpu.dma_semaphore, #tpu.memory_space<semaphore_mem>>, %arg13: memref<!tpu.dma_semaphore, #tpu.memory_space<semaphore_mem>>) attributes {dimension_semantics = [#tpu.dimension_semantics<core_parallel>, #tpu.dimension_semantics<subcore_parallel>], iteration_bounds = array<i64: 2, 16>, scalar_prefetch = 0 : i64, scratch_operands = 6 : i64, tpu.core_type = #tpu.core_type<sc_vector_subcore>, window_params = [{transform_indices = #map}, {transform_indices = #map}, {transform_indices = #map1}, {transform_indices = #map1}, {transform_indices = #map}, {transform_indices = #map}]} {
    %mul3A = arith.constant 2 : i32
    %mul3A_0 = arith.muli %arg1, %mul3A : i32
    %add3A = arith.addi %mul3A_0, %arg0 : i32
    %mul3A_1 = arith.constant 10000 : i32
    %mul3A_2 = arith.muli %add3A, %mul3A_1 : i32
    %scan3A = arith.constant 0 : i32
    %scan3A_3 = arith.constant 0 : i32
    %scan3A_4 = arith.constant 125 : i32
    %scan3A_5 = arith.addi %scan3A_3, %scan3A_4 : i32
    %scan3A_6 = arith.constant 1 : i32
    scf.for %scan3A_8 = %scan3A_3 to %scan3A_5 step %scan3A_6  : i32 {
      %mul3A_9 = arith.constant 80 : i32
      %mul3A_10 = arith.muli %scan3A_8, %mul3A_9 : i32
      %add3A_11 = arith.addi %mul3A_2, %mul3A_10 : i32
      "tpu.region"() ({
        %run_scoped3A = tpu.sem_alloc : memref<!tpu.dma_semaphore, #tpu.memory_space<semaphore_mem>>
        %dma_start3A_22 = tpu.memref_slice %arg4[%add3A_11] : memref<320000xi32, #tpu.memory_space<hbm>> -> memref<80xi32, #tpu.memory_space<hbm>>
        %dma_start3A_23 = tpu.memref_slice %arg4[%add3A_11] : memref<320000xi32, #tpu.memory_space<hbm>> -> memref<80xi32, #tpu.memory_space<hbm>>
        tpu.enqueue_dma source(%dma_start3A_23 : memref<80xi32, #tpu.memory_space<hbm>>) target(%arg8 : memref<80xi32, #tpu.memory_space<vmem>>) target_semaphore(%run_scoped3A : memref<!tpu.dma_semaphore, #tpu.memory_space<semaphore_mem>>)
        %dma_wait3A_24 = tpu.memref_slice %arg4[%add3A_11] : memref<320000xi32, #tpu.memory_space<hbm>> -> memref<80xi32, #tpu.memory_space<hbm>>
        %dma_wait3A_25 = tpu.memref_slice %arg4[%add3A_11] : memref<320000xi32, #tpu.memory_space<hbm>> -> memref<80xi32, #tpu.memory_space<hbm>>
        tpu.wait_dma2 semaphore(%run_scoped3A : memref<!tpu.dma_semaphore, #tpu.memory_space<semaphore_mem>>) src(%dma_wait3A_25 : memref<80xi32, #tpu.memory_space<hbm>>) dst(%arg8 : memref<80xi32, #tpu.memory_space<vmem>>)
        tpu.yield
      }) : () -> ()
      "tpu.region"() ({
        %run_scoped3A = tpu.sem_alloc : memref<!tpu.dma_semaphore, #tpu.memory_space<semaphore_mem>>
        %dma_start3A_22 = tpu.memref_slice %arg5[%add3A_11] : memref<320000xi32, #tpu.memory_space<hbm>> -> memref<80xi32, #tpu.memory_space<hbm>>
        %dma_start3A_23 = tpu.memref_slice %arg5[%add3A_11] : memref<320000xi32, #tpu.memory_space<hbm>> -> memref<80xi32, #tpu.memory_space<hbm>>
        tpu.enqueue_dma source(%dma_start3A_23 : memref<80xi32, #tpu.memory_space<hbm>>) target(%arg9 : memref<80xi32, #tpu.memory_space<vmem>>) target_semaphore(%run_scoped3A : memref<!tpu.dma_semaphore, #tpu.memory_space<semaphore_mem>>)
        %dma_wait3A_24 = tpu.memref_slice %arg5[%add3A_11] : memref<320000xi32, #tpu.memory_space<hbm>> -> memref<80xi32, #tpu.memory_space<hbm>>
        %dma_wait3A_25 = tpu.memref_slice %arg5[%add3A_11] : memref<320000xi32, #tpu.memory_space<hbm>> -> memref<80xi32, #tpu.memory_space<hbm>>
        tpu.wait_dma2 semaphore(%run_scoped3A : memref<!tpu.dma_semaphore, #tpu.memory_space<semaphore_mem>>) src(%dma_wait3A_25 : memref<80xi32, #tpu.memory_space<hbm>>) dst(%arg9 : memref<80xi32, #tpu.memory_space<vmem>>)
        tpu.yield
      }) : () -> ()
      %dma_start3A = arith.constant 0 : i32
      %dma_start3A_12 = arith.constant 0 : i32
      %dma_start3A_13 = tpu.memref_slice %arg2[%dma_start3A, %dma_start3A_12] : memref<10000x128xf32, #tpu.memory_space<hbm>> -> memref<10000x128xf32, #tpu.memory_space<hbm>>
      tpu.enqueue_indirect_dma source(%dma_start3A_13 : memref<10000x128xf32, #tpu.memory_space<hbm>>) target(%arg10 : memref<80x128xf32, #tpu.memory_space<vmem>>) offsets(%arg8 : memref<80xi32, #tpu.memory_space<vmem>>) semaphore(%arg12 : memref<!tpu.dma_semaphore, #tpu.memory_space<semaphore_mem>>)
      %dma_start3A_14 = arith.constant 0 : i32
      %dma_start3A_15 = arith.constant 0 : i32
      %dma_start3A_16 = tpu.memref_slice %arg3[%dma_start3A_14, %dma_start3A_15] : memref<10000x128xf32, #tpu.memory_space<hbm>> -> memref<10000x128xf32, #tpu.memory_space<hbm>>
      tpu.enqueue_indirect_dma source(%dma_start3A_16 : memref<10000x128xf32, #tpu.memory_space<hbm>>) target(%arg11 : memref<80x128xf32, #tpu.memory_space<vmem>>) offsets(%arg9 : memref<80xi32, #tpu.memory_space<vmem>>) semaphore(%arg13 : memref<!tpu.dma_semaphore, #tpu.memory_space<semaphore_mem>>)
      %dma_wait3A = arith.constant 0 : i32
      %dma_wait3A_17 = arith.constant 0 : i32
      %dma_wait3A_18 = tpu.memref_slice %arg2[%dma_wait3A, %dma_wait3A_17] : memref<10000x128xf32, #tpu.memory_space<hbm>> -> memref<10000x128xf32, #tpu.memory_space<hbm>>
      tpu.wait_indirect_dma semaphore(%arg12 : memref<!tpu.dma_semaphore, #tpu.memory_space<semaphore_mem>>) src(%dma_wait3A_18 : memref<10000x128xf32, #tpu.memory_space<hbm>>) dst(%arg10 : memref<80x128xf32, #tpu.memory_space<vmem>>)
      %dma_wait3A_19 = arith.constant 0 : i32
      %dma_wait3A_20 = arith.constant 0 : i32
      %dma_wait3A_21 = tpu.memref_slice %arg3[%dma_wait3A_19, %dma_wait3A_20] : memref<10000x128xf32, #tpu.memory_space<hbm>> -> memref<10000x128xf32, #tpu.memory_space<hbm>>
      tpu.wait_indirect_dma semaphore(%arg13 : memref<!tpu.dma_semaphore, #tpu.memory_space<semaphore_mem>>) src(%dma_wait3A_21 : memref<10000x128xf32, #tpu.memory_space<hbm>>) dst(%arg11 : memref<80x128xf32, #tpu.memory_space<vmem>>)
      "tpu.region"() ({
        %run_scoped3A = tpu.sem_alloc : memref<!tpu.dma_semaphore, #tpu.memory_space<semaphore_mem>>
        %dma_start3A_22 = arith.constant 0 : i32
        %dma_start3A_23 = tpu.memref_slice %arg6[%add3A_11, %dma_start3A_22] : memref<320000x128xf32, #tpu.memory_space<hbm>> -> memref<80x128xf32, #tpu.memory_space<hbm>>
        %dma_start3A_24 = arith.constant 0 : i32
        %dma_start3A_25 = tpu.memref_slice %arg6[%add3A_11, %dma_start3A_24] : memref<320000x128xf32, #tpu.memory_space<hbm>> -> memref<80x128xf32, #tpu.memory_space<hbm>>
        tpu.enqueue_dma source(%arg10 : memref<80x128xf32, #tpu.memory_space<vmem>>) target(%dma_start3A_25 : memref<80x128xf32, #tpu.memory_space<hbm>>) target_semaphore(%run_scoped3A : memref<!tpu.dma_semaphore, #tpu.memory_space<semaphore_mem>>)
        %dma_wait3A_26 = arith.constant 0 : i32
        %dma_wait3A_27 = tpu.memref_slice %arg6[%add3A_11, %dma_wait3A_26] : memref<320000x128xf32, #tpu.memory_space<hbm>> -> memref<80x128xf32, #tpu.memory_space<hbm>>
        %dma_wait3A_28 = arith.constant 0 : i32
        %dma_wait3A_29 = tpu.memref_slice %arg6[%add3A_11, %dma_wait3A_28] : memref<320000x128xf32, #tpu.memory_space<hbm>> -> memref<80x128xf32, #tpu.memory_space<hbm>>
        tpu.wait_dma2 semaphore(%run_scoped3A : memref<!tpu.dma_semaphore, #tpu.memory_space<semaphore_mem>>) src(%arg10 : memref<80x128xf32, #tpu.memory_space<vmem>>) dst(%dma_wait3A_29 : memref<80x128xf32, #tpu.memory_space<hbm>>)
        tpu.yield
      }) : () -> ()
      "tpu.region"() ({
        %run_scoped3A = tpu.sem_alloc : memref<!tpu.dma_semaphore, #tpu.memory_space<semaphore_mem>>
        %dma_start3A_22 = arith.constant 0 : i32
        %dma_start3A_23 = tpu.memref_slice %arg7[%add3A_11, %dma_start3A_22] : memref<320000x128xf32, #tpu.memory_space<hbm>> -> memref<80x128xf32, #tpu.memory_space<hbm>>
        %dma_start3A_24 = arith.constant 0 : i32
        %dma_start3A_25 = tpu.memref_slice %arg7[%add3A_11, %dma_start3A_24] : memref<320000x128xf32, #tpu.memory_space<hbm>> -> memref<80x128xf32, #tpu.memory_space<hbm>>
        tpu.enqueue_dma source(%arg11 : memref<80x128xf32, #tpu.memory_space<vmem>>) target(%dma_start3A_25 : memref<80x128xf32, #tpu.memory_space<hbm>>) target_semaphore(%run_scoped3A : memref<!tpu.dma_semaphore, #tpu.memory_space<semaphore_mem>>)
        %dma_wait3A_26 = arith.constant 0 : i32
        %dma_wait3A_27 = tpu.memref_slice %arg7[%add3A_11, %dma_wait3A_26] : memref<320000x128xf32, #tpu.memory_space<hbm>> -> memref<80x128xf32, #tpu.memory_space<hbm>>
        %dma_wait3A_28 = arith.constant 0 : i32
        %dma_wait3A_29 = tpu.memref_slice %arg7[%add3A_11, %dma_wait3A_28] : memref<320000x128xf32, #tpu.memory_space<hbm>> -> memref<80x128xf32, #tpu.memory_space<hbm>>
        tpu.wait_dma2 semaphore(%run_scoped3A : memref<!tpu.dma_semaphore, #tpu.memory_space<semaphore_mem>>) src(%arg11 : memref<80x128xf32, #tpu.memory_space<vmem>>) dst(%dma_wait3A_29 : memref<80x128xf32, #tpu.memory_space<hbm>>)
        tpu.yield
      }) : () -> ()
    }
    %scan3A_7 = arith.constant 125 : i32
    return
  }
}

#map = affine_map<(d0, d1) -> (0, 0)>
#map1 = affine_map<(d0, d1) -> (0)>
#map2 = affine_map<(d0, d1) -> (0, 0, 0)>
module attributes {stable_mosaic.version = 14 : i64} {
  func.func @k(%arg0: i32, %arg1: i32, %arg2: memref<320000x32xf32, #tpu.memory_space<hbm>>, %arg3: memref<320000xi32, #tpu.memory_space<hbm>>, %arg4: memref<320000xi32, #tpu.memory_space<hbm>>, %arg5: memref<10000x32xf32, #tpu.memory_space<hbm>>, %arg6: memref<2x10000x32xf32, #tpu.memory_space<hbm>>, %arg7: memref<80xi32, #tpu.memory_space<vmem>>, %arg8: memref<80xi32, #tpu.memory_space<vmem>>, %arg9: memref<80x32xf32, #tpu.memory_space<vmem>>, %arg10: memref<10000x32xf32, #tpu.memory_space<vmem_shared>>) attributes {dimension_semantics = [#tpu.dimension_semantics<core_parallel>, #tpu.dimension_semantics<subcore_parallel>], iteration_bounds = array<i64: 2, 16>, scalar_prefetch = 0 : i64, scratch_operands = 4 : i64, tpu.core_type = #tpu.core_type<sc_vector_subcore>, window_params = [{transform_indices = #map}, {transform_indices = #map1}, {transform_indices = #map1}, {transform_indices = #map}, {transform_indices = #map2}]} {
    %mul3A = arith.constant 625 : i32
    %mul3A_0 = arith.muli %arg1, %mul3A : i32
    %mul3A_1 = arith.constant 625 : i32
    %mul3A_2 = arith.muli %arg1, %mul3A_1 : i32
    "tpu.region"() ({
      %run_scoped3A = tpu.sem_alloc : memref<!tpu.dma_semaphore, #tpu.memory_space<semaphore_mem>>
      %dma_start3A = arith.constant 0 : i32
      %dma_start3A_17 = tpu.memref_slice %arg10[%mul3A_2, %dma_start3A] : memref<10000x32xf32, #tpu.memory_space<vmem_shared>> -> memref<625x32xf32, #tpu.memory_space<vmem_shared>>
      %dma_start3A_18 = arith.constant 0 : i32
      %dma_start3A_19 = tpu.memref_slice %arg5[%mul3A_0, %dma_start3A_18] : memref<10000x32xf32, #tpu.memory_space<hbm>> -> memref<625x32xf32, #tpu.memory_space<hbm>>
      tpu.enqueue_dma source(%dma_start3A_19 : memref<625x32xf32, #tpu.memory_space<hbm>>) target(%dma_start3A_17 : memref<625x32xf32, #tpu.memory_space<vmem_shared>>) target_semaphore(%run_scoped3A : memref<!tpu.dma_semaphore, #tpu.memory_space<semaphore_mem>>)
      %dma_wait3A = arith.constant 0 : i32
      %dma_wait3A_20 = tpu.memref_slice %arg10[%mul3A_2, %dma_wait3A] : memref<10000x32xf32, #tpu.memory_space<vmem_shared>> -> memref<625x32xf32, #tpu.memory_space<vmem_shared>>
      %dma_wait3A_21 = arith.constant 0 : i32
      %dma_wait3A_22 = tpu.memref_slice %arg5[%mul3A_0, %dma_wait3A_21] : memref<10000x32xf32, #tpu.memory_space<hbm>> -> memref<625x32xf32, #tpu.memory_space<hbm>>
      tpu.wait_dma2 semaphore(%run_scoped3A : memref<!tpu.dma_semaphore, #tpu.memory_space<semaphore_mem>>) src(%dma_wait3A_22 : memref<625x32xf32, #tpu.memory_space<hbm>>) dst(%dma_wait3A_20 : memref<625x32xf32, #tpu.memory_space<vmem_shared>>)
      tpu.yield
    }) : () -> ()
    %barrier3A = arith.constant 0 : index
    tpu.barrier barrier_id(%barrier3A)
    %mul3A_3 = arith.constant 160000 : i32
    %mul3A_4 = arith.muli %arg0, %mul3A_3 : i32
    %mul3A_5 = arith.constant 10000 : i32
    %mul3A_6 = arith.muli %arg1, %mul3A_5 : i32
    %add3A = arith.addi %mul3A_4, %mul3A_6 : i32
    %scan3A = arith.constant 0 : i32
    %scan3A_7 = arith.constant 0 : i32
    %scan3A_8 = arith.constant 125 : i32
    %scan3A_9 = arith.addi %scan3A_7, %scan3A_8 : i32
    %scan3A_10 = arith.constant 1 : i32
    scf.for %scan3A_17 = %scan3A_7 to %scan3A_9 step %scan3A_10  : i32 {
      %mul3A_18 = arith.constant 80 : i32
      %mul3A_19 = arith.muli %scan3A_17, %mul3A_18 : i32
      %add3A_20 = arith.addi %add3A, %mul3A_19 : i32
      "tpu.region"() ({
        %run_scoped3A = tpu.sem_alloc : memref<!tpu.dma_semaphore, #tpu.memory_space<semaphore_mem>>
        %dma_start3A = tpu.memref_slice %arg3[%add3A_20] : memref<320000xi32, #tpu.memory_space<hbm>> -> memref<80xi32, #tpu.memory_space<hbm>>
        %dma_start3A_21 = tpu.memref_slice %arg3[%add3A_20] : memref<320000xi32, #tpu.memory_space<hbm>> -> memref<80xi32, #tpu.memory_space<hbm>>
        tpu.enqueue_dma source(%dma_start3A_21 : memref<80xi32, #tpu.memory_space<hbm>>) target(%arg7 : memref<80xi32, #tpu.memory_space<vmem>>) target_semaphore(%run_scoped3A : memref<!tpu.dma_semaphore, #tpu.memory_space<semaphore_mem>>)
        %dma_wait3A = tpu.memref_slice %arg3[%add3A_20] : memref<320000xi32, #tpu.memory_space<hbm>> -> memref<80xi32, #tpu.memory_space<hbm>>
        %dma_wait3A_22 = tpu.memref_slice %arg3[%add3A_20] : memref<320000xi32, #tpu.memory_space<hbm>> -> memref<80xi32, #tpu.memory_space<hbm>>
        tpu.wait_dma2 semaphore(%run_scoped3A : memref<!tpu.dma_semaphore, #tpu.memory_space<semaphore_mem>>) src(%dma_wait3A_22 : memref<80xi32, #tpu.memory_space<hbm>>) dst(%arg7 : memref<80xi32, #tpu.memory_space<vmem>>)
        tpu.yield
      }) : () -> ()
      "tpu.region"() ({
        %run_scoped3A = tpu.sem_alloc : memref<!tpu.dma_semaphore, #tpu.memory_space<semaphore_mem>>
        %dma_start3A = tpu.memref_slice %arg4[%add3A_20] : memref<320000xi32, #tpu.memory_space<hbm>> -> memref<80xi32, #tpu.memory_space<hbm>>
        %dma_start3A_21 = tpu.memref_slice %arg4[%add3A_20] : memref<320000xi32, #tpu.memory_space<hbm>> -> memref<80xi32, #tpu.memory_space<hbm>>
        tpu.enqueue_dma source(%dma_start3A_21 : memref<80xi32, #tpu.memory_space<hbm>>) target(%arg8 : memref<80xi32, #tpu.memory_space<vmem>>) target_semaphore(%run_scoped3A : memref<!tpu.dma_semaphore, #tpu.memory_space<semaphore_mem>>)
        %dma_wait3A = tpu.memref_slice %arg4[%add3A_20] : memref<320000xi32, #tpu.memory_space<hbm>> -> memref<80xi32, #tpu.memory_space<hbm>>
        %dma_wait3A_22 = tpu.memref_slice %arg4[%add3A_20] : memref<320000xi32, #tpu.memory_space<hbm>> -> memref<80xi32, #tpu.memory_space<hbm>>
        tpu.wait_dma2 semaphore(%run_scoped3A : memref<!tpu.dma_semaphore, #tpu.memory_space<semaphore_mem>>) src(%dma_wait3A_22 : memref<80xi32, #tpu.memory_space<hbm>>) dst(%arg8 : memref<80xi32, #tpu.memory_space<vmem>>)
        tpu.yield
      }) : () -> ()
      "tpu.region"() ({
        %run_scoped3A = tpu.sem_alloc : memref<!tpu.dma_semaphore, #tpu.memory_space<semaphore_mem>>
        %dma_start3A = arith.constant 0 : i32
        %dma_start3A_21 = tpu.memref_slice %arg2[%add3A_20, %dma_start3A] : memref<320000x32xf32, #tpu.memory_space<hbm>> -> memref<80x32xf32, #tpu.memory_space<hbm>>
        %dma_start3A_22 = arith.constant 0 : i32
        %dma_start3A_23 = tpu.memref_slice %arg2[%add3A_20, %dma_start3A_22] : memref<320000x32xf32, #tpu.memory_space<hbm>> -> memref<80x32xf32, #tpu.memory_space<hbm>>
        tpu.enqueue_dma source(%dma_start3A_23 : memref<80x32xf32, #tpu.memory_space<hbm>>) target(%arg9 : memref<80x32xf32, #tpu.memory_space<vmem>>) target_semaphore(%run_scoped3A : memref<!tpu.dma_semaphore, #tpu.memory_space<semaphore_mem>>)
        %dma_wait3A = arith.constant 0 : i32
        %dma_wait3A_24 = tpu.memref_slice %arg2[%add3A_20, %dma_wait3A] : memref<320000x32xf32, #tpu.memory_space<hbm>> -> memref<80x32xf32, #tpu.memory_space<hbm>>
        %dma_wait3A_25 = arith.constant 0 : i32
        %dma_wait3A_26 = tpu.memref_slice %arg2[%add3A_20, %dma_wait3A_25] : memref<320000x32xf32, #tpu.memory_space<hbm>> -> memref<80x32xf32, #tpu.memory_space<hbm>>
        tpu.wait_dma2 semaphore(%run_scoped3A : memref<!tpu.dma_semaphore, #tpu.memory_space<semaphore_mem>>) src(%dma_wait3A_26 : memref<80x32xf32, #tpu.memory_space<hbm>>) dst(%arg9 : memref<80x32xf32, #tpu.memory_space<vmem>>)
        tpu.yield
      }) : () -> ()
      "tpu.region"() ({
        %run_scoped3A = tpu.sem_alloc : memref<!tpu.dma_semaphore, #tpu.memory_space<semaphore_mem>>
        %dma_start3A = arith.constant 0 : i32
        %dma_start3A_21 = arith.constant 0 : i32
        %dma_start3A_22 = tpu.memref_slice %arg10[%dma_start3A, %dma_start3A_21] : memref<10000x32xf32, #tpu.memory_space<vmem_shared>> -> memref<10000x32xf32, #tpu.memory_space<vmem_shared>>
        tpu.enqueue_indirect_dma source(%arg9 : memref<80x32xf32, #tpu.memory_space<vmem>>) target(%dma_start3A_22 : memref<10000x32xf32, #tpu.memory_space<vmem_shared>>) offsets(%arg7 : memref<80xi32, #tpu.memory_space<vmem>>) semaphore(%run_scoped3A : memref<!tpu.dma_semaphore, #tpu.memory_space<semaphore_mem>>) {add = true}
        %dma_wait3A = arith.constant 0 : i32
        %dma_wait3A_23 = arith.constant 0 : i32
        %dma_wait3A_24 = tpu.memref_slice %arg10[%dma_wait3A, %dma_wait3A_23] : memref<10000x32xf32, #tpu.memory_space<vmem_shared>> -> memref<10000x32xf32, #tpu.memory_space<vmem_shared>>
        tpu.wait_indirect_dma semaphore(%run_scoped3A : memref<!tpu.dma_semaphore, #tpu.memory_space<semaphore_mem>>) src(%arg9 : memref<80x32xf32, #tpu.memory_space<vmem>>) dst(%dma_wait3A_24 : memref<10000x32xf32, #tpu.memory_space<vmem_shared>>)
        tpu.yield
      }) : () -> ()
      "tpu.region"() ({
        %run_scoped3A = tpu.sem_alloc : memref<!tpu.dma_semaphore, #tpu.memory_space<semaphore_mem>>
        %dma_start3A = arith.constant 0 : i32
        %dma_start3A_21 = arith.constant 0 : i32
        %dma_start3A_22 = tpu.memref_slice %arg10[%dma_start3A, %dma_start3A_21] : memref<10000x32xf32, #tpu.memory_space<vmem_shared>> -> memref<10000x32xf32, #tpu.memory_space<vmem_shared>>
        tpu.enqueue_indirect_dma source(%arg9 : memref<80x32xf32, #tpu.memory_space<vmem>>) target(%dma_start3A_22 : memref<10000x32xf32, #tpu.memory_space<vmem_shared>>) offsets(%arg8 : memref<80xi32, #tpu.memory_space<vmem>>) semaphore(%run_scoped3A : memref<!tpu.dma_semaphore, #tpu.memory_space<semaphore_mem>>) {add = true}
        %dma_wait3A = arith.constant 0 : i32
        %dma_wait3A_23 = arith.constant 0 : i32
        %dma_wait3A_24 = tpu.memref_slice %arg10[%dma_wait3A, %dma_wait3A_23] : memref<10000x32xf32, #tpu.memory_space<vmem_shared>> -> memref<10000x32xf32, #tpu.memory_space<vmem_shared>>
        tpu.wait_indirect_dma semaphore(%run_scoped3A : memref<!tpu.dma_semaphore, #tpu.memory_space<semaphore_mem>>) src(%arg9 : memref<80x32xf32, #tpu.memory_space<vmem>>) dst(%dma_wait3A_24 : memref<10000x32xf32, #tpu.memory_space<vmem_shared>>)
        tpu.yield
      }) : () -> ()
    }
    %scan3A_11 = arith.constant 125 : i32
    %barrier3A_12 = arith.constant 0 : index
    tpu.barrier barrier_id(%barrier3A_12)
    %mul3A_13 = arith.constant 625 : i32
    %mul3A_14 = arith.muli %arg1, %mul3A_13 : i32
    %mul3A_15 = arith.constant 625 : i32
    %mul3A_16 = arith.muli %arg1, %mul3A_15 : i32
    "tpu.region"() ({
      %run_scoped3A = tpu.sem_alloc : memref<!tpu.dma_semaphore, #tpu.memory_space<semaphore_mem>>
      %dma_start3A = arith.constant 0 : i32
      %dma_start3A_17 = tpu.memref_slice %arg6[%arg0, %mul3A_16, %dma_start3A] : memref<2x10000x32xf32, #tpu.memory_space<hbm>> -> memref<1x625x32xf32, #tpu.memory_space<hbm>>
      %dma_start3A_18 = tpu.memref_squeeze %dma_start3A_17 : memref<1x625x32xf32, #tpu.memory_space<hbm>> -> memref<625x32xf32, #tpu.memory_space<hbm>>
      %dma_start3A_19 = arith.constant 0 : i32
      %dma_start3A_20 = tpu.memref_slice %arg10[%mul3A_14, %dma_start3A_19] : memref<10000x32xf32, #tpu.memory_space<vmem_shared>> -> memref<625x32xf32, #tpu.memory_space<vmem_shared>>
      tpu.enqueue_dma source(%dma_start3A_20 : memref<625x32xf32, #tpu.memory_space<vmem_shared>>) target(%dma_start3A_18 : memref<625x32xf32, #tpu.memory_space<hbm>>) target_semaphore(%run_scoped3A : memref<!tpu.dma_semaphore, #tpu.memory_space<semaphore_mem>>)
      %dma_wait3A = arith.constant 0 : i32
      %dma_wait3A_21 = tpu.memref_slice %arg6[%arg0, %mul3A_16, %dma_wait3A] : memref<2x10000x32xf32, #tpu.memory_space<hbm>> -> memref<1x625x32xf32, #tpu.memory_space<hbm>>
      %dma_wait3A_22 = tpu.memref_squeeze %dma_wait3A_21 : memref<1x625x32xf32, #tpu.memory_space<hbm>> -> memref<625x32xf32, #tpu.memory_space<hbm>>
      %dma_wait3A_23 = arith.constant 0 : i32
      %dma_wait3A_24 = tpu.memref_slice %arg10[%mul3A_14, %dma_wait3A_23] : memref<10000x32xf32, #tpu.memory_space<vmem_shared>> -> memref<625x32xf32, #tpu.memory_space<vmem_shared>>
      tpu.wait_dma2 semaphore(%run_scoped3A : memref<!tpu.dma_semaphore, #tpu.memory_space<semaphore_mem>>) src(%dma_wait3A_24 : memref<625x32xf32, #tpu.memory_space<vmem_shared>>) dst(%dma_wait3A_22 : memref<625x32xf32, #tpu.memory_space<hbm>>)
      tpu.yield
    }) : () -> ()
    return
  }
}

#map = affine_map<(d0, d1) -> (0, 0)>
#map1 = affine_map<(d0, d1) -> (0)>
module attributes {stable_mosaic.version = 14 : i64} {
  func.func @k(%arg0: i32, %arg1: i32, %arg2: memref<10000x128xf32, #tpu.memory_space<hbm>>, %arg3: memref<10000x128xf32, #tpu.memory_space<hbm>>, %arg4: memref<320000xi32, #tpu.memory_space<hbm>>, %arg5: memref<320000xi32, #tpu.memory_space<hbm>>, %arg6: memref<320000x128xf32, #tpu.memory_space<hbm>>, %arg7: memref<320000x128xf32, #tpu.memory_space<hbm>>, %arg8: memref<80xi32, #tpu.memory_space<vmem>>, %arg9: memref<80xi32, #tpu.memory_space<vmem>>, %arg10: memref<80x128xf32, #tpu.memory_space<vmem>>, %arg11: memref<80x128xf32, #tpu.memory_space<vmem>>, %arg12: memref<!tpu.dma_semaphore, #tpu.memory_space<semaphore_mem>>, %arg13: memref<!tpu.dma_semaphore, #tpu.memory_space<semaphore_mem>>) attributes {dimension_semantics = [#tpu.dimension_semantics<core_parallel>, #tpu.dimension_semantics<subcore_parallel>], iteration_bounds = array<i64: 2, 16>, scalar_prefetch = 0 : i64, scratch_operands = 6 : i64, tpu.core_type = #tpu.core_type<sc_vector_subcore>, window_params = [{transform_indices = #map}, {transform_indices = #map}, {transform_indices = #map1}, {transform_indices = #map1}, {transform_indices = #map}, {transform_indices = #map}]} {
    %mul3A = arith.constant 2 : i32
    %mul3A_0 = arith.muli %arg1, %mul3A : i32
    %add3A = arith.addi %mul3A_0, %arg0 : i32
    %mul3A_1 = arith.constant 10000 : i32
    %mul3A_2 = arith.muli %add3A, %mul3A_1 : i32
    %scan3A = arith.constant 0 : i32
    %scan3A_3 = arith.constant 0 : i32
    %scan3A_4 = arith.constant 125 : i32
    %scan3A_5 = arith.addi %scan3A_3, %scan3A_4 : i32
    %scan3A_6 = arith.constant 1 : i32
    scf.for %scan3A_8 = %scan3A_3 to %scan3A_5 step %scan3A_6  : i32 {
      %mul3A_9 = arith.constant 80 : i32
      %mul3A_10 = arith.muli %scan3A_8, %mul3A_9 : i32
      %add3A_11 = arith.addi %mul3A_2, %mul3A_10 : i32
      "tpu.region"() ({
        %run_scoped3A = tpu.sem_alloc : memref<!tpu.dma_semaphore, #tpu.memory_space<semaphore_mem>>
        %dma_start3A_22 = tpu.memref_slice %arg4[%add3A_11] : memref<320000xi32, #tpu.memory_space<hbm>> -> memref<80xi32, #tpu.memory_space<hbm>>
        %dma_start3A_23 = tpu.memref_slice %arg4[%add3A_11] : memref<320000xi32, #tpu.memory_space<hbm>> -> memref<80xi32, #tpu.memory_space<hbm>>
        tpu.enqueue_dma source(%dma_start3A_23 : memref<80xi32, #tpu.memory_space<hbm>>) target(%arg8 : memref<80xi32, #tpu.memory_space<vmem>>) target_semaphore(%run_scoped3A : memref<!tpu.dma_semaphore, #tpu.memory_space<semaphore_mem>>)
        %dma_wait3A_24 = tpu.memref_slice %arg4[%add3A_11] : memref<320000xi32, #tpu.memory_space<hbm>> -> memref<80xi32, #tpu.memory_space<hbm>>
        %dma_wait3A_25 = tpu.memref_slice %arg4[%add3A_11] : memref<320000xi32, #tpu.memory_space<hbm>> -> memref<80xi32, #tpu.memory_space<hbm>>
        tpu.wait_dma2 semaphore(%run_scoped3A : memref<!tpu.dma_semaphore, #tpu.memory_space<semaphore_mem>>) src(%dma_wait3A_25 : memref<80xi32, #tpu.memory_space<hbm>>) dst(%arg8 : memref<80xi32, #tpu.memory_space<vmem>>)
        tpu.yield
      }) : () -> ()
      "tpu.region"() ({
        %run_scoped3A = tpu.sem_alloc : memref<!tpu.dma_semaphore, #tpu.memory_space<semaphore_mem>>
        %dma_start3A_22 = tpu.memref_slice %arg5[%add3A_11] : memref<320000xi32, #tpu.memory_space<hbm>> -> memref<80xi32, #tpu.memory_space<hbm>>
        %dma_start3A_23 = tpu.memref_slice %arg5[%add3A_11] : memref<320000xi32, #tpu.memory_space<hbm>> -> memref<80xi32, #tpu.memory_space<hbm>>
        tpu.enqueue_dma source(%dma_start3A_23 : memref<80xi32, #tpu.memory_space<hbm>>) target(%arg9 : memref<80xi32, #tpu.memory_space<vmem>>) target_semaphore(%run_scoped3A : memref<!tpu.dma_semaphore, #tpu.memory_space<semaphore_mem>>)
        %dma_wait3A_24 = tpu.memref_slice %arg5[%add3A_11] : memref<320000xi32, #tpu.memory_space<hbm>> -> memref<80xi32, #tpu.memory_space<hbm>>
        %dma_wait3A_25 = tpu.memref_slice %arg5[%add3A_11] : memref<320000xi32, #tpu.memory_space<hbm>> -> memref<80xi32, #tpu.memory_space<hbm>>
        tpu.wait_dma2 semaphore(%run_scoped3A : memref<!tpu.dma_semaphore, #tpu.memory_space<semaphore_mem>>) src(%dma_wait3A_25 : memref<80xi32, #tpu.memory_space<hbm>>) dst(%arg9 : memref<80xi32, #tpu.memory_space<vmem>>)
        tpu.yield
      }) : () -> ()
      %dma_start3A = arith.constant 0 : i32
      %dma_start3A_12 = arith.constant 0 : i32
      %dma_start3A_13 = tpu.memref_slice %arg2[%dma_start3A, %dma_start3A_12] : memref<10000x128xf32, #tpu.memory_space<hbm>> -> memref<10000x128xf32, #tpu.memory_space<hbm>>
      tpu.enqueue_indirect_dma source(%dma_start3A_13 : memref<10000x128xf32, #tpu.memory_space<hbm>>) target(%arg10 : memref<80x128xf32, #tpu.memory_space<vmem>>) offsets(%arg8 : memref<80xi32, #tpu.memory_space<vmem>>) semaphore(%arg12 : memref<!tpu.dma_semaphore, #tpu.memory_space<semaphore_mem>>)
      %dma_start3A_14 = arith.constant 0 : i32
      %dma_start3A_15 = arith.constant 0 : i32
      %dma_start3A_16 = tpu.memref_slice %arg3[%dma_start3A_14, %dma_start3A_15] : memref<10000x128xf32, #tpu.memory_space<hbm>> -> memref<10000x128xf32, #tpu.memory_space<hbm>>
      tpu.enqueue_indirect_dma source(%dma_start3A_16 : memref<10000x128xf32, #tpu.memory_space<hbm>>) target(%arg11 : memref<80x128xf32, #tpu.memory_space<vmem>>) offsets(%arg9 : memref<80xi32, #tpu.memory_space<vmem>>) semaphore(%arg13 : memref<!tpu.dma_semaphore, #tpu.memory_space<semaphore_mem>>)
      %dma_wait3A = arith.constant 0 : i32
      %dma_wait3A_17 = arith.constant 0 : i32
      %dma_wait3A_18 = tpu.memref_slice %arg2[%dma_wait3A, %dma_wait3A_17] : memref<10000x128xf32, #tpu.memory_space<hbm>> -> memref<10000x128xf32, #tpu.memory_space<hbm>>
      tpu.wait_indirect_dma semaphore(%arg12 : memref<!tpu.dma_semaphore, #tpu.memory_space<semaphore_mem>>) src(%dma_wait3A_18 : memref<10000x128xf32, #tpu.memory_space<hbm>>) dst(%arg10 : memref<80x128xf32, #tpu.memory_space<vmem>>)
      %dma_wait3A_19 = arith.constant 0 : i32
      %dma_wait3A_20 = arith.constant 0 : i32
      %dma_wait3A_21 = tpu.memref_slice %arg3[%dma_wait3A_19, %dma_wait3A_20] : memref<10000x128xf32, #tpu.memory_space<hbm>> -> memref<10000x128xf32, #tpu.memory_space<hbm>>
      tpu.wait_indirect_dma semaphore(%arg13 : memref<!tpu.dma_semaphore, #tpu.memory_space<semaphore_mem>>) src(%dma_wait3A_21 : memref<10000x128xf32, #tpu.memory_space<hbm>>) dst(%arg11 : memref<80x128xf32, #tpu.memory_space<vmem>>)
      "tpu.region"() ({
        %run_scoped3A = tpu.sem_alloc : memref<!tpu.dma_semaphore, #tpu.memory_space<semaphore_mem>>
        %dma_start3A_22 = arith.constant 0 : i32
        %dma_start3A_23 = tpu.memref_slice %arg6[%add3A_11, %dma_start3A_22] : memref<320000x128xf32, #tpu.memory_space<hbm>> -> memref<80x128xf32, #tpu.memory_space<hbm>>
        %dma_start3A_24 = arith.constant 0 : i32
        %dma_start3A_25 = tpu.memref_slice %arg6[%add3A_11, %dma_start3A_24] : memref<320000x128xf32, #tpu.memory_space<hbm>> -> memref<80x128xf32, #tpu.memory_space<hbm>>
        tpu.enqueue_dma source(%arg10 : memref<80x128xf32, #tpu.memory_space<vmem>>) target(%dma_start3A_25 : memref<80x128xf32, #tpu.memory_space<hbm>>) target_semaphore(%run_scoped3A : memref<!tpu.dma_semaphore, #tpu.memory_space<semaphore_mem>>)
        %dma_wait3A_26 = arith.constant 0 : i32
        %dma_wait3A_27 = tpu.memref_slice %arg6[%add3A_11, %dma_wait3A_26] : memref<320000x128xf32, #tpu.memory_space<hbm>> -> memref<80x128xf32, #tpu.memory_space<hbm>>
        %dma_wait3A_28 = arith.constant 0 : i32
        %dma_wait3A_29 = tpu.memref_slice %arg6[%add3A_11, %dma_wait3A_28] : memref<320000x128xf32, #tpu.memory_space<hbm>> -> memref<80x128xf32, #tpu.memory_space<hbm>>
        tpu.wait_dma2 semaphore(%run_scoped3A : memref<!tpu.dma_semaphore, #tpu.memory_space<semaphore_mem>>) src(%arg10 : memref<80x128xf32, #tpu.memory_space<vmem>>) dst(%dma_wait3A_29 : memref<80x128xf32, #tpu.memory_space<hbm>>)
        tpu.yield
      }) : () -> ()
      "tpu.region"() ({
        %run_scoped3A = tpu.sem_alloc : memref<!tpu.dma_semaphore, #tpu.memory_space<semaphore_mem>>
        %dma_start3A_22 = arith.constant 0 : i32
        %dma_start3A_23 = tpu.memref_slice %arg7[%add3A_11, %dma_start3A_22] : memref<320000x128xf32, #tpu.memory_space<hbm>> -> memref<80x128xf32, #tpu.memory_space<hbm>>
        %dma_start3A_24 = arith.constant 0 : i32
        %dma_start3A_25 = tpu.memref_slice %arg7[%add3A_11, %dma_start3A_24] : memref<320000x128xf32, #tpu.memory_space<hbm>> -> memref<80x128xf32, #tpu.memory_space<hbm>>
        tpu.enqueue_dma source(%arg11 : memref<80x128xf32, #tpu.memory_space<vmem>>) target(%dma_start3A_25 : memref<80x128xf32, #tpu.memory_space<hbm>>) target_semaphore(%run_scoped3A : memref<!tpu.dma_semaphore, #tpu.memory_space<semaphore_mem>>)
        %dma_wait3A_26 = arith.constant 0 : i32
        %dma_wait3A_27 = tpu.memref_slice %arg7[%add3A_11, %dma_wait3A_26] : memref<320000x128xf32, #tpu.memory_space<hbm>> -> memref<80x128xf32, #tpu.memory_space<hbm>>
        %dma_wait3A_28 = arith.constant 0 : i32
        %dma_wait3A_29 = tpu.memref_slice %arg7[%add3A_11, %dma_wait3A_28] : memref<320000x128xf32, #tpu.memory_space<hbm>> -> memref<80x128xf32, #tpu.memory_space<hbm>>
        tpu.wait_dma2 semaphore(%run_scoped3A : memref<!tpu.dma_semaphore, #tpu.memory_space<semaphore_mem>>) src(%arg11 : memref<80x128xf32, #tpu.memory_space<vmem>>) dst(%dma_wait3A_29 : memref<80x128xf32, #tpu.memory_space<hbm>>)
        tpu.yield
      }) : () -> ()
    }
    %scan3A_7 = arith.constant 125 : i32
    return
  }
}

#map = affine_map<(d0, d1) -> (0, 0)>
#map1 = affine_map<(d0, d1) -> (0)>
#map2 = affine_map<(d0, d1) -> (0, 0, 0)>
module attributes {stable_mosaic.version = 14 : i64} {
  func.func @k(%arg0: i32, %arg1: i32, %arg2: memref<320000x32xf32, #tpu.memory_space<hbm>>, %arg3: memref<320000xi32, #tpu.memory_space<hbm>>, %arg4: memref<320000xi32, #tpu.memory_space<hbm>>, %arg5: memref<10000x32xf32, #tpu.memory_space<hbm>>, %arg6: memref<2x10000x32xf32, #tpu.memory_space<hbm>>, %arg7: memref<80xi32, #tpu.memory_space<vmem>>, %arg8: memref<80xi32, #tpu.memory_space<vmem>>, %arg9: memref<80x32xf32, #tpu.memory_space<vmem>>, %arg10: memref<10000x32xf32, #tpu.memory_space<vmem_shared>>) attributes {dimension_semantics = [#tpu.dimension_semantics<core_parallel>, #tpu.dimension_semantics<subcore_parallel>], iteration_bounds = array<i64: 2, 16>, scalar_prefetch = 0 : i64, scratch_operands = 4 : i64, tpu.core_type = #tpu.core_type<sc_vector_subcore>, window_params = [{transform_indices = #map}, {transform_indices = #map1}, {transform_indices = #map1}, {transform_indices = #map}, {transform_indices = #map2}]} {
    %mul3A = arith.constant 625 : i32
    %mul3A_0 = arith.muli %arg1, %mul3A : i32
    %mul3A_1 = arith.constant 625 : i32
    %mul3A_2 = arith.muli %arg1, %mul3A_1 : i32
    "tpu.region"() ({
      %run_scoped3A = tpu.sem_alloc : memref<!tpu.dma_semaphore, #tpu.memory_space<semaphore_mem>>
      %dma_start3A = arith.constant 0 : i32
      %dma_start3A_17 = tpu.memref_slice %arg10[%mul3A_2, %dma_start3A] : memref<10000x32xf32, #tpu.memory_space<vmem_shared>> -> memref<625x32xf32, #tpu.memory_space<vmem_shared>>
      %dma_start3A_18 = arith.constant 0 : i32
      %dma_start3A_19 = tpu.memref_slice %arg5[%mul3A_0, %dma_start3A_18] : memref<10000x32xf32, #tpu.memory_space<hbm>> -> memref<625x32xf32, #tpu.memory_space<hbm>>
      tpu.enqueue_dma source(%dma_start3A_19 : memref<625x32xf32, #tpu.memory_space<hbm>>) target(%dma_start3A_17 : memref<625x32xf32, #tpu.memory_space<vmem_shared>>) target_semaphore(%run_scoped3A : memref<!tpu.dma_semaphore, #tpu.memory_space<semaphore_mem>>)
      %dma_wait3A = arith.constant 0 : i32
      %dma_wait3A_20 = tpu.memref_slice %arg10[%mul3A_2, %dma_wait3A] : memref<10000x32xf32, #tpu.memory_space<vmem_shared>> -> memref<625x32xf32, #tpu.memory_space<vmem_shared>>
      %dma_wait3A_21 = arith.constant 0 : i32
      %dma_wait3A_22 = tpu.memref_slice %arg5[%mul3A_0, %dma_wait3A_21] : memref<10000x32xf32, #tpu.memory_space<hbm>> -> memref<625x32xf32, #tpu.memory_space<hbm>>
      tpu.wait_dma2 semaphore(%run_scoped3A : memref<!tpu.dma_semaphore, #tpu.memory_space<semaphore_mem>>) src(%dma_wait3A_22 : memref<625x32xf32, #tpu.memory_space<hbm>>) dst(%dma_wait3A_20 : memref<625x32xf32, #tpu.memory_space<vmem_shared>>)
      tpu.yield
    }) : () -> ()
    %barrier3A = arith.constant 0 : index
    tpu.barrier barrier_id(%barrier3A)
    %mul3A_3 = arith.constant 160000 : i32
    %mul3A_4 = arith.muli %arg0, %mul3A_3 : i32
    %mul3A_5 = arith.constant 10000 : i32
    %mul3A_6 = arith.muli %arg1, %mul3A_5 : i32
    %add3A = arith.addi %mul3A_4, %mul3A_6 : i32
    %scan3A = arith.constant 0 : i32
    %scan3A_7 = arith.constant 0 : i32
    %scan3A_8 = arith.constant 125 : i32
    %scan3A_9 = arith.addi %scan3A_7, %scan3A_8 : i32
    %scan3A_10 = arith.constant 1 : i32
    scf.for %scan3A_17 = %scan3A_7 to %scan3A_9 step %scan3A_10  : i32 {
      %mul3A_18 = arith.constant 80 : i32
      %mul3A_19 = arith.muli %scan3A_17, %mul3A_18 : i32
      %add3A_20 = arith.addi %add3A, %mul3A_19 : i32
      "tpu.region"() ({
        %run_scoped3A = tpu.sem_alloc : memref<!tpu.dma_semaphore, #tpu.memory_space<semaphore_mem>>
        %dma_start3A = tpu.memref_slice %arg3[%add3A_20] : memref<320000xi32, #tpu.memory_space<hbm>> -> memref<80xi32, #tpu.memory_space<hbm>>
        %dma_start3A_21 = tpu.memref_slice %arg3[%add3A_20] : memref<320000xi32, #tpu.memory_space<hbm>> -> memref<80xi32, #tpu.memory_space<hbm>>
        tpu.enqueue_dma source(%dma_start3A_21 : memref<80xi32, #tpu.memory_space<hbm>>) target(%arg7 : memref<80xi32, #tpu.memory_space<vmem>>) target_semaphore(%run_scoped3A : memref<!tpu.dma_semaphore, #tpu.memory_space<semaphore_mem>>)
        %dma_wait3A = tpu.memref_slice %arg3[%add3A_20] : memref<320000xi32, #tpu.memory_space<hbm>> -> memref<80xi32, #tpu.memory_space<hbm>>
        %dma_wait3A_22 = tpu.memref_slice %arg3[%add3A_20] : memref<320000xi32, #tpu.memory_space<hbm>> -> memref<80xi32, #tpu.memory_space<hbm>>
        tpu.wait_dma2 semaphore(%run_scoped3A : memref<!tpu.dma_semaphore, #tpu.memory_space<semaphore_mem>>) src(%dma_wait3A_22 : memref<80xi32, #tpu.memory_space<hbm>>) dst(%arg7 : memref<80xi32, #tpu.memory_space<vmem>>)
        tpu.yield
      }) : () -> ()
      "tpu.region"() ({
        %run_scoped3A = tpu.sem_alloc : memref<!tpu.dma_semaphore, #tpu.memory_space<semaphore_mem>>
        %dma_start3A = tpu.memref_slice %arg4[%add3A_20] : memref<320000xi32, #tpu.memory_space<hbm>> -> memref<80xi32, #tpu.memory_space<hbm>>
        %dma_start3A_21 = tpu.memref_slice %arg4[%add3A_20] : memref<320000xi32, #tpu.memory_space<hbm>> -> memref<80xi32, #tpu.memory_space<hbm>>
        tpu.enqueue_dma source(%dma_start3A_21 : memref<80xi32, #tpu.memory_space<hbm>>) target(%arg8 : memref<80xi32, #tpu.memory_space<vmem>>) target_semaphore(%run_scoped3A : memref<!tpu.dma_semaphore, #tpu.memory_space<semaphore_mem>>)
        %dma_wait3A = tpu.memref_slice %arg4[%add3A_20] : memref<320000xi32, #tpu.memory_space<hbm>> -> memref<80xi32, #tpu.memory_space<hbm>>
        %dma_wait3A_22 = tpu.memref_slice %arg4[%add3A_20] : memref<320000xi32, #tpu.memory_space<hbm>> -> memref<80xi32, #tpu.memory_space<hbm>>
        tpu.wait_dma2 semaphore(%run_scoped3A : memref<!tpu.dma_semaphore, #tpu.memory_space<semaphore_mem>>) src(%dma_wait3A_22 : memref<80xi32, #tpu.memory_space<hbm>>) dst(%arg8 : memref<80xi32, #tpu.memory_space<vmem>>)
        tpu.yield
      }) : () -> ()
      "tpu.region"() ({
        %run_scoped3A = tpu.sem_alloc : memref<!tpu.dma_semaphore, #tpu.memory_space<semaphore_mem>>
        %dma_start3A = arith.constant 0 : i32
        %dma_start3A_21 = tpu.memref_slice %arg2[%add3A_20, %dma_start3A] : memref<320000x32xf32, #tpu.memory_space<hbm>> -> memref<80x32xf32, #tpu.memory_space<hbm>>
        %dma_start3A_22 = arith.constant 0 : i32
        %dma_start3A_23 = tpu.memref_slice %arg2[%add3A_20, %dma_start3A_22] : memref<320000x32xf32, #tpu.memory_space<hbm>> -> memref<80x32xf32, #tpu.memory_space<hbm>>
        tpu.enqueue_dma source(%dma_start3A_23 : memref<80x32xf32, #tpu.memory_space<hbm>>) target(%arg9 : memref<80x32xf32, #tpu.memory_space<vmem>>) target_semaphore(%run_scoped3A : memref<!tpu.dma_semaphore, #tpu.memory_space<semaphore_mem>>)
        %dma_wait3A = arith.constant 0 : i32
        %dma_wait3A_24 = tpu.memref_slice %arg2[%add3A_20, %dma_wait3A] : memref<320000x32xf32, #tpu.memory_space<hbm>> -> memref<80x32xf32, #tpu.memory_space<hbm>>
        %dma_wait3A_25 = arith.constant 0 : i32
        %dma_wait3A_26 = tpu.memref_slice %arg2[%add3A_20, %dma_wait3A_25] : memref<320000x32xf32, #tpu.memory_space<hbm>> -> memref<80x32xf32, #tpu.memory_space<hbm>>
        tpu.wait_dma2 semaphore(%run_scoped3A : memref<!tpu.dma_semaphore, #tpu.memory_space<semaphore_mem>>) src(%dma_wait3A_26 : memref<80x32xf32, #tpu.memory_space<hbm>>) dst(%arg9 : memref<80x32xf32, #tpu.memory_space<vmem>>)
        tpu.yield
      }) : () -> ()
      "tpu.region"() ({
        %run_scoped3A = tpu.sem_alloc : memref<!tpu.dma_semaphore, #tpu.memory_space<semaphore_mem>>
        %dma_start3A = arith.constant 0 : i32
        %dma_start3A_21 = arith.constant 0 : i32
        %dma_start3A_22 = tpu.memref_slice %arg10[%dma_start3A, %dma_start3A_21] : memref<10000x32xf32, #tpu.memory_space<vmem_shared>> -> memref<10000x32xf32, #tpu.memory_space<vmem_shared>>
        tpu.enqueue_indirect_dma source(%arg9 : memref<80x32xf32, #tpu.memory_space<vmem>>) target(%dma_start3A_22 : memref<10000x32xf32, #tpu.memory_space<vmem_shared>>) offsets(%arg7 : memref<80xi32, #tpu.memory_space<vmem>>) semaphore(%run_scoped3A : memref<!tpu.dma_semaphore, #tpu.memory_space<semaphore_mem>>) {add = true}
        %dma_wait3A = arith.constant 0 : i32
        %dma_wait3A_23 = arith.constant 0 : i32
        %dma_wait3A_24 = tpu.memref_slice %arg10[%dma_wait3A, %dma_wait3A_23] : memref<10000x32xf32, #tpu.memory_space<vmem_shared>> -> memref<10000x32xf32, #tpu.memory_space<vmem_shared>>
        tpu.wait_indirect_dma semaphore(%run_scoped3A : memref<!tpu.dma_semaphore, #tpu.memory_space<semaphore_mem>>) src(%arg9 : memref<80x32xf32, #tpu.memory_space<vmem>>) dst(%dma_wait3A_24 : memref<10000x32xf32, #tpu.memory_space<vmem_shared>>)
        tpu.yield
      }) : () -> ()
      "tpu.region"() ({
        %run_scoped3A = tpu.sem_alloc : memref<!tpu.dma_semaphore, #tpu.memory_space<semaphore_mem>>
        %dma_start3A = arith.constant 0 : i32
        %dma_start3A_21 = arith.constant 0 : i32
        %dma_start3A_22 = tpu.memref_slice %arg10[%dma_start3A, %dma_start3A_21] : memref<10000x32xf32, #tpu.memory_space<vmem_shared>> -> memref<10000x32xf32, #tpu.memory_space<vmem_shared>>
        tpu.enqueue_indirect_dma source(%arg9 : memref<80x32xf32, #tpu.memory_space<vmem>>) target(%dma_start3A_22 : memref<10000x32xf32, #tpu.memory_space<vmem_shared>>) offsets(%arg8 : memref<80xi32, #tpu.memory_space<vmem>>) semaphore(%run_scoped3A : memref<!tpu.dma_semaphore, #tpu.memory_space<semaphore_mem>>) {add = true}
        %dma_wait3A = arith.constant 0 : i32
        %dma_wait3A_23 = arith.constant 0 : i32
        %dma_wait3A_24 = tpu.memref_slice %arg10[%dma_wait3A, %dma_wait3A_23] : memref<10000x32xf32, #tpu.memory_space<vmem_shared>> -> memref<10000x32xf32, #tpu.memory_space<vmem_shared>>
        tpu.wait_indirect_dma semaphore(%run_scoped3A : memref<!tpu.dma_semaphore, #tpu.memory_space<semaphore_mem>>) src(%arg9 : memref<80x32xf32, #tpu.memory_space<vmem>>) dst(%dma_wait3A_24 : memref<10000x32xf32, #tpu.memory_space<vmem_shared>>)
        tpu.yield
      }) : () -> ()
    }
    %scan3A_11 = arith.constant 125 : i32
    %barrier3A_12 = arith.constant 0 : index
    tpu.barrier barrier_id(%barrier3A_12)
    %mul3A_13 = arith.constant 625 : i32
    %mul3A_14 = arith.muli %arg1, %mul3A_13 : i32
    %mul3A_15 = arith.constant 625 : i32
    %mul3A_16 = arith.muli %arg1, %mul3A_15 : i32
    "tpu.region"() ({
      %run_scoped3A = tpu.sem_alloc : memref<!tpu.dma_semaphore, #tpu.memory_space<semaphore_mem>>
      %dma_start3A = arith.constant 0 : i32
      %dma_start3A_17 = tpu.memref_slice %arg6[%arg0, %mul3A_16, %dma_start3A] : memref<2x10000x32xf32, #tpu.memory_space<hbm>> -> memref<1x625x32xf32, #tpu.memory_space<hbm>>
      %dma_start3A_18 = tpu.memref_squeeze %dma_start3A_17 : memref<1x625x32xf32, #tpu.memory_space<hbm>> -> memref<625x32xf32, #tpu.memory_space<hbm>>
      %dma_start3A_19 = arith.constant 0 : i32
      %dma_start3A_20 = tpu.memref_slice %arg10[%mul3A_14, %dma_start3A_19] : memref<10000x32xf32, #tpu.memory_space<vmem_shared>> -> memref<625x32xf32, #tpu.memory_space<vmem_shared>>
      tpu.enqueue_dma source(%dma_start3A_20 : memref<625x32xf32, #tpu.memory_space<vmem_shared>>) target(%dma_start3A_18 : memref<625x32xf32, #tpu.memory_space<hbm>>) target_semaphore(%run_scoped3A : memref<!tpu.dma_semaphore, #tpu.memory_space<semaphore_mem>>)
      %dma_wait3A = arith.constant 0 : i32
      %dma_wait3A_21 = tpu.memref_slice %arg6[%arg0, %mul3A_16, %dma_wait3A] : memref<2x10000x32xf32, #tpu.memory_space<hbm>> -> memref<1x625x32xf32, #tpu.memory_space<hbm>>
      %dma_wait3A_22 = tpu.memref_squeeze %dma_wait3A_21 : memref<1x625x32xf32, #tpu.memory_space<hbm>> -> memref<625x32xf32, #tpu.memory_space<hbm>>
      %dma_wait3A_23 = arith.constant 0 : i32
      %dma_wait3A_24 = tpu.memref_slice %arg10[%mul3A_14, %dma_wait3A_23] : memref<10000x32xf32, #tpu.memory_space<vmem_shared>> -> memref<625x32xf32, #tpu.memory_space<vmem_shared>>
      tpu.wait_dma2 semaphore(%run_scoped3A : memref<!tpu.dma_semaphore, #tpu.memory_space<semaphore_mem>>) src(%dma_wait3A_24 : memref<625x32xf32, #tpu.memory_space<vmem_shared>>) dst(%dma_wait3A_22 : memref<625x32xf32, #tpu.memory_space<hbm>>)
      tpu.yield
    }) : () -> ()
    return
  }
}

module attributes {stable_mosaic.version = 14 : i64} {
  func.func @body(%arg0: memref<10000x40xf32, #tpu.memory_space<vmem>>, %arg1: memref<40x128xf32, #tpu.memory_space<vmem>>, %arg2: memref<128xf32, #tpu.memory_space<vmem>>, %arg3: memref<128x128xf32, #tpu.memory_space<vmem>>, %arg4: memref<128xf32, #tpu.memory_space<vmem>>, %arg5: memref<128x128xf32, #tpu.memory_space<vmem>>, %arg6: memref<128x128xf32, #tpu.memory_space<vmem>>, %arg7: memref<10000x128xf32, #tpu.memory_space<vmem>>, %arg8: memref<10000x128xf32, #tpu.memory_space<vmem>>, %arg9: memref<10000x128xf32, #tpu.memory_space<vmem>>) attributes {dimension_semantics = [], scalar_prefetch = 0 : i64, scratch_operands = 0 : i64, tpu.core_type = #tpu.core_type<tc>} {
    %get3A = arith.constant 0 : index
    %get3A_0 = arith.constant 0 : index
    %get3A_1 = vector.load %arg0[%get3A, %get3A_0] : memref<10000x40xf32, #tpu.memory_space<vmem>>, vector<10000x40xf32>
    %get3A_2 = arith.constant 0 : index
    %get3A_3 = arith.constant 0 : index
    %get3A_4 = vector.load %arg1[%get3A_2, %get3A_3] : memref<40x128xf32, #tpu.memory_space<vmem>>, vector<40x128xf32>
    %dot_general3A = arith.constant dense<0.000000e+00> : vector<10000x128xf32>
    %dot_general3A_5 = tpu.matmul %get3A_1, %get3A_4, %dot_general3A {dimension_numbers = #tpu.dot_dimension_numbers<[1], [0], [0], [1], [0, 0, 1, 1], [], []>, transpose_lhs_hint = false} : vector<10000x40xf32>, vector<40x128xf32>, vector<10000x128xf32> -> vector<10000x128xf32>
    %get3A_6 = arith.constant 0 : index
    %get3A_7 = vector.load %arg2[%get3A_6] : memref<128xf32, #tpu.memory_space<vmem>>, vector<128xf32>
    %broadcast_in_dim3A = vector.shape_cast %get3A_7 : vector<128xf32> to vector<1x128xf32>
    %add3A = vector.broadcast %broadcast_in_dim3A : vector<1x128xf32> to vector<10000x128xf32>
    %add3A_8 = arith.addf %dot_general3A_5, %add3A : vector<10000x128xf32>
    %gt3A = arith.constant 0.000000e+00 : f32
    %gt3A_9 = vector.broadcast %gt3A : f32 to vector<10000x128xf32>
    %gt3A_10 = arith.cmpf ogt, %add3A_8, %gt3A_9 : vector<10000x128xf32>
    %min3A = arith.constant 0.000000e+00 : f32
    %min3A_11 = vector.broadcast %min3A : f32 to vector<10000x128xf32>
    %min3A_12 = arith.minimumf %add3A_8, %min3A_11 : vector<10000x128xf32>
    %exp3A = math.exp %min3A_12 : vector<10000x128xf32>
    %sub3A = arith.constant 1.000000e+00 : f32
    %sub3A_13 = vector.broadcast %sub3A : f32 to vector<10000x128xf32>
    %sub3A_14 = arith.subf %exp3A, %sub3A_13 : vector<10000x128xf32>
    %select_n3A = arith.select %gt3A_10, %add3A_8, %sub3A_14 : vector<10000x128xi1>, vector<10000x128xf32>
    %get3A_15 = arith.constant 0 : index
    %get3A_16 = arith.constant 0 : index
    %get3A_17 = vector.load %arg3[%get3A_15, %get3A_16] : memref<128x128xf32, #tpu.memory_space<vmem>>, vector<128x128xf32>
    %dot_general3A_18 = arith.constant dense<0.000000e+00> : vector<10000x128xf32>
    %dot_general3A_19 = tpu.matmul %select_n3A, %get3A_17, %dot_general3A_18 {dimension_numbers = #tpu.dot_dimension_numbers<[1], [0], [0], [1], [0, 0, 1, 1], [], []>, transpose_lhs_hint = false} : vector<10000x128xf32>, vector<128x128xf32>, vector<10000x128xf32> -> vector<10000x128xf32>
    %get3A_20 = arith.constant 0 : index
    %get3A_21 = vector.load %arg4[%get3A_20] : memref<128xf32, #tpu.memory_space<vmem>>, vector<128xf32>
    %broadcast_in_dim3A_22 = vector.shape_cast %get3A_21 : vector<128xf32> to vector<1x128xf32>
    %add3A_23 = vector.broadcast %broadcast_in_dim3A_22 : vector<1x128xf32> to vector<10000x128xf32>
    %add3A_24 = arith.addf %dot_general3A_19, %add3A_23 : vector<10000x128xf32>
    %gt3A_25 = arith.constant 0.000000e+00 : f32
    %gt3A_26 = vector.broadcast %gt3A_25 : f32 to vector<10000x128xf32>
    %gt3A_27 = arith.cmpf ogt, %add3A_24, %gt3A_26 : vector<10000x128xf32>
    %min3A_28 = arith.constant 0.000000e+00 : f32
    %min3A_29 = vector.broadcast %min3A_28 : f32 to vector<10000x128xf32>
    %min3A_30 = arith.minimumf %add3A_24, %min3A_29 : vector<10000x128xf32>
    %exp3A_31 = math.exp %min3A_30 : vector<10000x128xf32>
    %sub3A_32 = arith.constant 1.000000e+00 : f32
    %sub3A_33 = vector.broadcast %sub3A_32 : f32 to vector<10000x128xf32>
    %sub3A_34 = arith.subf %exp3A_31, %sub3A_33 : vector<10000x128xf32>
    %select_n3A_35 = arith.select %gt3A_27, %add3A_24, %sub3A_34 : vector<10000x128xi1>, vector<10000x128xf32>
    %reduce_sum3A = arith.constant dense<0.000000e+00> : vector<128xf32>
    %reduce_sum3A_36 = vector.multi_reduction <add>, %select_n3A_35, %reduce_sum3A [0] : vector<10000x128xf32> to vector<128xf32>
    %div3A = arith.constant 1.000000e+04 : f32
    %div3A_37 = vector.broadcast %div3A : f32 to vector<128xf32>
    %div3A_38 = arith.divf %reduce_sum3A_36, %div3A_37 : vector<128xf32>
    %mul3A = arith.mulf %select_n3A_35, %select_n3A_35 : vector<10000x128xf32>
    %reduce_sum3A_39 = arith.constant dense<0.000000e+00> : vector<128xf32>
    %reduce_sum3A_40 = vector.multi_reduction <add>, %mul3A, %reduce_sum3A_39 [0] : vector<10000x128xf32> to vector<128xf32>
    %div3A_41 = arith.constant 1.000000e+04 : f32
    %div3A_42 = vector.broadcast %div3A_41 : f32 to vector<128xf32>
    %div3A_43 = arith.divf %reduce_sum3A_40, %div3A_42 : vector<128xf32>
    %mul3A_44 = arith.mulf %div3A_38, %div3A_38 : vector<128xf32>
    %sub3A_45 = arith.subf %div3A_43, %mul3A_44 : vector<128xf32>
    %broadcast_in_dim3A_46 = vector.shape_cast %div3A_38 : vector<128xf32> to vector<1x128xf32>
    %sub3A_47 = vector.broadcast %broadcast_in_dim3A_46 : vector<1x128xf32> to vector<10000x128xf32>
    %sub3A_48 = arith.subf %select_n3A_35, %sub3A_47 : vector<10000x128xf32>
    %add3A_49 = arith.constant 9.99999974E-6 : f32
    %add3A_50 = vector.broadcast %add3A_49 : f32 to vector<128xf32>
    %add3A_51 = arith.addf %sub3A_45, %add3A_50 : vector<128xf32>
    %sqrt3A = math.sqrt %add3A_51 : vector<128xf32>
    %broadcast_in_dim3A_52 = vector.shape_cast %sqrt3A : vector<128xf32> to vector<1x128xf32>
    %div3A_53 = vector.broadcast %broadcast_in_dim3A_52 : vector<1x128xf32> to vector<10000x128xf32>
    %div3A_54 = arith.divf %sub3A_48, %div3A_53 : vector<10000x128xf32>
    %swap3A = arith.constant 0 : index
    %swap3A_55 = arith.constant 0 : index
    %swap3A_56 = vector.load %arg7[%swap3A, %swap3A_55] : memref<10000x128xf32, #tpu.memory_space<vmem>>, vector<10000x128xf32>
    tpu.vector_store %arg7[%swap3A, %swap3A_55], %div3A_54 {strides = array<i32>} : memref<10000x128xf32, #tpu.memory_space<vmem>>, vector<10000x128xf32>,
    %get3A_57 = arith.constant 0 : index
    %get3A_58 = arith.constant 0 : index
    %get3A_59 = vector.load %arg5[%get3A_57, %get3A_58] : memref<128x128xf32, #tpu.memory_space<vmem>>, vector<128x128xf32>
    %dot_general3A_60 = arith.constant dense<0.000000e+00> : vector<10000x128xf32>
    %dot_general3A_61 = tpu.matmul %div3A_54, %get3A_59, %dot_general3A_60 {dimension_numbers = #tpu.dot_dimension_numbers<[1], [0], [0], [1], [0, 0, 1, 1], [], []>, transpose_lhs_hint = false} : vector<10000x128xf32>, vector<128x128xf32>, vector<10000x128xf32> -> vector<10000x128xf32>
    %swap3A_62 = arith.constant 0 : index
    %swap3A_63 = arith.constant 0 : index
    %swap3A_64 = vector.load %arg8[%swap3A_62, %swap3A_63] : memref<10000x128xf32, #tpu.memory_space<vmem>>, vector<10000x128xf32>
    tpu.vector_store %arg8[%swap3A_62, %swap3A_63], %dot_general3A_61 {strides = array<i32>} : memref<10000x128xf32, #tpu.memory_space<vmem>>, vector<10000x128xf32>,
    %get3A_65 = arith.constant 0 : index
    %get3A_66 = arith.constant 0 : index
    %get3A_67 = vector.load %arg6[%get3A_65, %get3A_66] : memref<128x128xf32, #tpu.memory_space<vmem>>, vector<128x128xf32>
    %dot_general3A_68 = arith.constant dense<0.000000e+00> : vector<10000x128xf32>
    %dot_general3A_69 = tpu.matmul %div3A_54, %get3A_67, %dot_general3A_68 {dimension_numbers = #tpu.dot_dimension_numbers<[1], [0], [0], [1], [0, 0, 1, 1], [], []>, transpose_lhs_hint = false} : vector<10000x128xf32>, vector<128x128xf32>, vector<10000x128xf32> -> vector<10000x128xf32>
    %swap3A_70 = arith.constant 0 : index
    %swap3A_71 = arith.constant 0 : index
    %swap3A_72 = vector.load %arg9[%swap3A_70, %swap3A_71] : memref<10000x128xf32, #tpu.memory_space<vmem>>, vector<10000x128xf32>
    tpu.vector_store %arg9[%swap3A_70, %swap3A_71], %dot_general3A_69 {strides = array<i32>} : memref<10000x128xf32, #tpu.memory_space<vmem>>, vector<10000x128xf32>,
    return
  }
}

module attributes {stable_mosaic.version = 14 : i64} {
  func.func @body(%arg0: i32, %arg1: memref<2000x2xf32, #tpu.memory_space<vmem>>, %arg2: memref<2000x16xf32, #tpu.memory_space<vmem>>, %arg3: memref<2000x16xf32, #tpu.memory_space<vmem>>, %arg4: memref<8x32xf32, #tpu.memory_space<vmem>>, %arg5: memref<32xf32, #tpu.memory_space<vmem>>, %arg6: memref<32x32xf32, #tpu.memory_space<vmem>>, %arg7: memref<32xf32, #tpu.memory_space<vmem>>, %arg8: memref<2000x32xf32, #tpu.memory_space<vmem>>, %arg9: memref<8x128xf32, #tpu.memory_space<vmem>>) attributes {dimension_semantics = [#tpu.dimension_semantics<arbitrary>], iteration_bounds = array<i64: 160>, scalar_prefetch = 0 : i64, scratch_operands = 0 : i64, tpu.core_type = #tpu.core_type<tc>, window_params = [{transform_indices = @transform_0, window_bounds = array<i64: 2000, 2>}, {transform_indices = @transform_1, window_bounds = array<i64: 2000, 16>}, {transform_indices = @transform_2, window_bounds = array<i64: 2000, 16>}, {pipeline_mode = #tpu.pipeline_mode<synchronous>, transform_indices = @transform_3, window_bounds = array<i64: 8, 32>}, {pipeline_mode = #tpu.pipeline_mode<synchronous>, transform_indices = @transform_4, window_bounds = array<i64: 32>}, {pipeline_mode = #tpu.pipeline_mode<synchronous>, transform_indices = @transform_5, window_bounds = array<i64: 32, 32>}, {pipeline_mode = #tpu.pipeline_mode<synchronous>, transform_indices = @transform_6, window_bounds = array<i64: 32>}, {transform_indices = @transform_7, window_bounds = array<i64: 2000, 32>}, {pipeline_mode = #tpu.pipeline_mode<synchronous>, transform_indices = @transform_8, window_bounds = array<i64: 8, 128>}]} {
    %get3A = arith.constant 0 : index
    %get3A_0 = arith.constant 0 : index
    %get3A_1 = vector.load %arg2[%get3A, %get3A_0] : memref<2000x16xf32, #tpu.memory_space<vmem>>, vector<2000x16xf32>
    %get3A_2 = arith.constant 0 : index
    %get3A_3 = arith.constant 0 : index
    %get3A_4 = vector.load %arg3[%get3A_2, %get3A_3] : memref<2000x16xf32, #tpu.memory_space<vmem>>, vector<2000x16xf32>
    %sub3A = arith.subf %get3A_1, %get3A_4 : vector<2000x16xf32>
    %abs3A = math.absf %sub3A : vector<2000x16xf32>
    %get3A_5 = arith.constant 0 : index
    %get3A_6 = arith.constant 0 : index
    %get3A_7 = vector.load %arg1[%get3A_5, %get3A_6] : memref<2000x2xf32, #tpu.memory_space<vmem>>, vector<2000x2xf32>
    %slice3A = vector.extract_strided_slice %abs3A {offsets = [0, 0], sizes = [2000, 6], strides = [1, 1]} : vector<2000x16xf32> to vector<2000x6xf32>
    %concatenate3A = tpu.concatenate %get3A_7, %slice3A in 1 : vector<2000x2xf32>, vector<2000x6xf32> -> vector<2000x8xf32>
    %get3A_8 = arith.constant 0 : index
    %get3A_9 = arith.constant 0 : index
    %get3A_10 = vector.load %arg4[%get3A_8, %get3A_9] : memref<8x32xf32, #tpu.memory_space<vmem>>, vector<8x32xf32>
    %dot_general3A = arith.constant dense<0.000000e+00> : vector<2000x32xf32>
    %dot_general3A_11 = tpu.matmul %concatenate3A, %get3A_10, %dot_general3A {dimension_numbers = #tpu.dot_dimension_numbers<[1], [0], [0], [1], [0, 0, 1, 1], [], []>, transpose_lhs_hint = false} : vector<2000x8xf32>, vector<8x32xf32>, vector<2000x32xf32> -> vector<2000x32xf32>
    %get3A_12 = arith.constant 0 : index
    %get3A_13 = vector.load %arg5[%get3A_12] : memref<32xf32, #tpu.memory_space<vmem>>, vector<32xf32>
    %broadcast_in_dim3A = vector.shape_cast %get3A_13 : vector<32xf32> to vector<1x32xf32>
    %add3A = vector.broadcast %broadcast_in_dim3A : vector<1x32xf32> to vector<2000x32xf32>
    %add3A_14 = arith.addf %dot_general3A_11, %add3A : vector<2000x32xf32>
    %gt3A = arith.constant 0.000000e+00 : f32
    %gt3A_15 = vector.broadcast %gt3A : f32 to vector<2000x32xf32>
    %gt3A_16 = arith.cmpf ogt, %add3A_14, %gt3A_15 : vector<2000x32xf32>
    %min3A = arith.constant 0.000000e+00 : f32
    %min3A_17 = vector.broadcast %min3A : f32 to vector<2000x32xf32>
    %min3A_18 = arith.minimumf %add3A_14, %min3A_17 : vector<2000x32xf32>
    %exp3A = math.exp %min3A_18 : vector<2000x32xf32>
    %sub3A_19 = arith.constant 1.000000e+00 : f32
    %sub3A_20 = vector.broadcast %sub3A_19 : f32 to vector<2000x32xf32>
    %sub3A_21 = arith.subf %exp3A, %sub3A_20 : vector<2000x32xf32>
    %select_n3A = arith.select %gt3A_16, %add3A_14, %sub3A_21 : vector<2000x32xi1>, vector<2000x32xf32>
    %get3A_22 = arith.constant 0 : index
    %get3A_23 = arith.constant 0 : index
    %get3A_24 = vector.load %arg6[%get3A_22, %get3A_23] : memref<32x32xf32, #tpu.memory_space<vmem>>, vector<32x32xf32>
    %dot_general3A_25 = arith.constant dense<0.000000e+00> : vector<2000x32xf32>
    %dot_general3A_26 = tpu.matmul %select_n3A, %get3A_24, %dot_general3A_25 {dimension_numbers = #tpu.dot_dimension_numbers<[1], [0], [0], [1], [0, 0, 1, 1], [], []>, transpose_lhs_hint = false} : vector<2000x32xf32>, vector<32x32xf32>, vector<2000x32xf32> -> vector<2000x32xf32>
    %get3A_27 = arith.constant 0 : index
    %get3A_28 = vector.load %arg7[%get3A_27] : memref<32xf32, #tpu.memory_space<vmem>>, vector<32xf32>
    %broadcast_in_dim3A_29 = vector.shape_cast %get3A_28 : vector<32xf32> to vector<1x32xf32>
    %add3A_30 = vector.broadcast %broadcast_in_dim3A_29 : vector<1x32xf32> to vector<2000x32xf32>
    %add3A_31 = arith.addf %dot_general3A_26, %add3A_30 : vector<2000x32xf32>
    %gt3A_32 = arith.constant 0.000000e+00 : f32
    %gt3A_33 = vector.broadcast %gt3A_32 : f32 to vector<2000x32xf32>
    %gt3A_34 = arith.cmpf ogt, %add3A_31, %gt3A_33 : vector<2000x32xf32>
    %min3A_35 = arith.constant 0.000000e+00 : f32
    %min3A_36 = vector.broadcast %min3A_35 : f32 to vector<2000x32xf32>
    %min3A_37 = arith.minimumf %add3A_31, %min3A_36 : vector<2000x32xf32>
    %exp3A_38 = math.exp %min3A_37 : vector<2000x32xf32>
    %sub3A_39 = arith.constant 1.000000e+00 : f32
    %sub3A_40 = vector.broadcast %sub3A_39 : f32 to vector<2000x32xf32>
    %sub3A_41 = arith.subf %exp3A_38, %sub3A_40 : vector<2000x32xf32>
    %select_n3A_42 = arith.select %gt3A_34, %add3A_31, %sub3A_41 : vector<2000x32xi1>, vector<2000x32xf32>
    %swap3A = arith.constant 0 : index
    %swap3A_43 = arith.constant 0 : index
    %swap3A_44 = vector.load %arg8[%swap3A, %swap3A_43] : memref<2000x32xf32, #tpu.memory_space<vmem>>, vector<2000x32xf32>
    tpu.vector_store %arg8[%swap3A, %swap3A_43], %select_n3A_42 {strides = array<i32>} : memref<2000x32xf32, #tpu.memory_space<vmem>>, vector<2000x32xf32>,
    %eq3A = arith.constant 0 : i32
    %eq3A_45 = arith.cmpi eq, %arg0, %eq3A : i32
    %convert_element_type3A = arith.extui %eq3A_45 : i1 to i32
    %cond3A = arith.constant 0 : i32
    %cond3A_46 = arith.cmpi ne, %convert_element_type3A, %cond3A : i32
    scf.if %cond3A_46 {
      %broadcast_in_dim3A_66 = arith.constant 0.000000e+00 : f32
      %broadcast_in_dim3A_67 = vector.broadcast %broadcast_in_dim3A_66 : f32 to vector<8x128xf32>
      %swap3A_68 = arith.constant 0 : index
      %swap3A_69 = arith.constant 0 : index
      %swap3A_70 = vector.load %arg9[%swap3A_68, %swap3A_69] : memref<8x128xf32, #tpu.memory_space<vmem>>, vector<8x128xf32>
      tpu.vector_store %arg9[%swap3A_68, %swap3A_69], %broadcast_in_dim3A_67 {strides = array<i32>} : memref<8x128xf32, #tpu.memory_space<vmem>>, vector<8x128xf32>,
    } else {
    }
    %get3A_47 = arith.constant 0 : index
    %get3A_48 = arith.constant 0 : index
    %get3A_49 = vector.load %arg9[%get3A_47, %get3A_48] : memref<8x128xf32, #tpu.memory_space<vmem>>, vector<8x128xf32>
    %reduce_sum3A = arith.constant dense<0.000000e+00> : vector<32xf32>
    %reduce_sum3A_50 = vector.multi_reduction <add>, %select_n3A_42, %reduce_sum3A [0] : vector<2000x32xf32> to vector<32xf32>
    %mul3A = arith.mulf %select_n3A_42, %select_n3A_42 : vector<2000x32xf32>
    %reduce_sum3A_51 = arith.constant dense<0.000000e+00> : vector<32xf32>
    %reduce_sum3A_52 = vector.multi_reduction <add>, %mul3A, %reduce_sum3A_51 [0] : vector<2000x32xf32> to vector<32xf32>
    %broadcast_in_dim3A_53 = arith.constant 0.000000e+00 : f32
    %broadcast_in_dim3A_54 = vector.broadcast %broadcast_in_dim3A_53 : f32 to vector<96xf32>
    %concatenate3A_55 = tpu.concatenate %reduce_sum3A_50, %broadcast_in_dim3A_54 in 0 : vector<32xf32>, vector<96xf32> -> vector<128xf32>
    %broadcast_in_dim3A_56 = vector.shape_cast %concatenate3A_55 : vector<128xf32> to vector<1x128xf32>
    %concatenate3A_57 = tpu.concatenate %reduce_sum3A_52, %broadcast_in_dim3A_54 in 0 : vector<32xf32>, vector<96xf32> -> vector<128xf32>
    %broadcast_in_dim3A_58 = vector.shape_cast %concatenate3A_57 : vector<128xf32> to vector<1x128xf32>
    %broadcast_in_dim3A_59 = arith.constant 0.000000e+00 : f32
    %broadcast_in_dim3A_60 = vector.broadcast %broadcast_in_dim3A_59 : f32 to vector<6x128xf32>
    %concatenate3A_61 = tpu.concatenate %broadcast_in_dim3A_56, %broadcast_in_dim3A_58, %broadcast_in_dim3A_60 in 0 : vector<1x128xf32>, vector<1x128xf32>, vector<6x128xf32> -> vector<8x128xf32>
    %add3A_62 = arith.addf %get3A_49, %concatenate3A_61 : vector<8x128xf32>
    %swap3A_63 = arith.constant 0 : index
    %swap3A_64 = arith.constant 0 : index
    %swap3A_65 = vector.load %arg9[%swap3A_63, %swap3A_64] : memref<8x128xf32, #tpu.memory_space<vmem>>, vector<8x128xf32>
    tpu.vector_store %arg9[%swap3A_63, %swap3A_64], %add3A_62 {strides = array<i32>} : memref<8x128xf32, #tpu.memory_space<vmem>>, vector<8x128xf32>,
    return
  }
  func.func @transform_0(%arg0: i32) -> (i32, i32) {
    %c0_i32 = arith.constant 0 : i32
    %c0_i32_0 = arith.constant 0 : i32
    return %arg0, %c0_i32 : i32, i32
  }
  func.func @transform_1(%arg0: i32) -> (i32, i32) {
    %c0_i32 = arith.constant 0 : i32
    %c0_i32_0 = arith.constant 0 : i32
    return %arg0, %c0_i32 : i32, i32
  }
  func.func @transform_2(%arg0: i32) -> (i32, i32) {
    %c0_i32 = arith.constant 0 : i32
    %c0_i32_0 = arith.constant 0 : i32
    return %arg0, %c0_i32 : i32, i32
  }
  func.func @transform_3(%arg0: i32) -> (i32, i32) {
    %c0_i32 = arith.constant 0 : i32
    %c0_i32_0 = arith.constant 0 : i32
    %c0_i32_1 = arith.constant 0 : i32
    return %c0_i32, %c0_i32_0 : i32, i32
  }
  func.func @transform_4(%arg0: i32) -> i32 {
    %c0_i32 = arith.constant 0 : i32
    %c0_i32_0 = arith.constant 0 : i32
    return %c0_i32 : i32
  }
  func.func @transform_5(%arg0: i32) -> (i32, i32) {
    %c0_i32 = arith.constant 0 : i32
    %c0_i32_0 = arith.constant 0 : i32
    %c0_i32_1 = arith.constant 0 : i32
    return %c0_i32, %c0_i32_0 : i32, i32
  }
  func.func @transform_6(%arg0: i32) -> i32 {
    %c0_i32 = arith.constant 0 : i32
    %c0_i32_0 = arith.constant 0 : i32
    return %c0_i32 : i32
  }
  func.func @transform_7(%arg0: i32) -> (i32, i32) {
    %c0_i32 = arith.constant 0 : i32
    %c0_i32_0 = arith.constant 0 : i32
    return %arg0, %c0_i32 : i32, i32
  }
  func.func @transform_8(%arg0: i32) -> (i32, i32) {
    %c0_i32 = arith.constant 0 : i32
    %c0_i32_0 = arith.constant 0 : i32
    %c0_i32_1 = arith.constant 0 : i32
    return %c0_i32, %c0_i32_0 : i32, i32
  }
}

module attributes {stable_mosaic.version = 14 : i64} {
  func.func @body(%arg0: i32, %arg1: memref<2000x128xf32, #tpu.memory_space<vmem>>, %arg2: memref<2000x128xf32, #tpu.memory_space<vmem>>, %arg3: memref<2000x32xf32, #tpu.memory_space<vmem>>, %arg4: memref<8x128xf32, #tpu.memory_space<vmem>>, %arg5: memref<32x128xf32, #tpu.memory_space<vmem>>, %arg6: memref<128xf32, #tpu.memory_space<vmem>>, %arg7: memref<128x32xf32, #tpu.memory_space<vmem>>, %arg8: memref<32xf32, #tpu.memory_space<vmem>>, %arg9: memref<2000x32xf32, #tpu.memory_space<vmem>>, %arg10: memref<8x128xf32, #tpu.memory_space<vmem>>) attributes {dimension_semantics = [#tpu.dimension_semantics<arbitrary>], iteration_bounds = array<i64: 160>, scalar_prefetch = 0 : i64, scratch_operands = 0 : i64, tpu.core_type = #tpu.core_type<tc>, window_params = [{transform_indices = @transform_0, window_bounds = array<i64: 2000, 128>}, {transform_indices = @transform_1, window_bounds = array<i64: 2000, 128>}, {transform_indices = @transform_2, window_bounds = array<i64: 2000, 32>}, {pipeline_mode = #tpu.pipeline_mode<synchronous>, transform_indices = @transform_3, window_bounds = array<i64: 8, 128>}, {pipeline_mode = #tpu.pipeline_mode<synchronous>, transform_indices = @transform_4, window_bounds = array<i64: 32, 128>}, {pipeline_mode = #tpu.pipeline_mode<synchronous>, transform_indices = @transform_5, window_bounds = array<i64: 128>}, {pipeline_mode = #tpu.pipeline_mode<synchronous>, transform_indices = @transform_6, window_bounds = array<i64: 128, 32>}, {pipeline_mode = #tpu.pipeline_mode<synchronous>, transform_indices = @transform_7, window_bounds = array<i64: 32>}, {transform_indices = @transform_8, window_bounds = array<i64: 2000, 32>}, {pipeline_mode = #tpu.pipeline_mode<synchronous>, transform_indices = @transform_9, window_bounds = array<i64: 8, 128>}]} {
    %get3A = arith.constant 0 : index
    %get3A_0 = arith.constant 0 : index
    %get3A_1 = vector.load %arg4[%get3A, %get3A_0] : memref<8x128xf32, #tpu.memory_space<vmem>>, vector<8x128xf32>
    %slice3A = vector.extract_strided_slice %get3A_1 {offsets = [0, 0], sizes = [1, 32], strides = [1, 1]} : vector<8x128xf32> to vector<1x32xf32>
    %squeeze3A = vector.shape_cast %slice3A : vector<1x32xf32> to vector<32xf32>
    %slice3A_2 = vector.extract_strided_slice %get3A_1 {offsets = [1, 0], sizes = [1, 32], strides = [1, 1]} : vector<8x128xf32> to vector<1x32xf32>
    %squeeze3A_3 = vector.shape_cast %slice3A_2 : vector<1x32xf32> to vector<32xf32>
    %div3A = arith.constant 3.200000e+05 : f32
    %div3A_4 = vector.broadcast %div3A : f32 to vector<32xf32>
    %div3A_5 = arith.divf %squeeze3A, %div3A_4 : vector<32xf32>
    %div3A_6 = arith.constant 3.200000e+05 : f32
    %div3A_7 = vector.broadcast %div3A_6 : f32 to vector<32xf32>
    %div3A_8 = arith.divf %squeeze3A_3, %div3A_7 : vector<32xf32>
    %mul3A = arith.mulf %div3A_5, %div3A_5 : vector<32xf32>
    %sub3A = arith.subf %div3A_8, %mul3A : vector<32xf32>
    %add3A = arith.constant 9.99999974E-6 : f32
    %add3A_9 = vector.broadcast %add3A : f32 to vector<32xf32>
    %add3A_10 = arith.addf %sub3A, %add3A_9 : vector<32xf32>
    %sqrt3A = math.sqrt %add3A_10 : vector<32xf32>
    %get3A_11 = arith.constant 0 : index
    %get3A_12 = arith.constant 0 : index
    %get3A_13 = vector.load %arg3[%get3A_11, %get3A_12] : memref<2000x32xf32, #tpu.memory_space<vmem>>, vector<2000x32xf32>
    %broadcast_in_dim3A = vector.shape_cast %div3A_5 : vector<32xf32> to vector<1x32xf32>
    %sub3A_14 = vector.broadcast %broadcast_in_dim3A : vector<1x32xf32> to vector<2000x32xf32>
    %sub3A_15 = arith.subf %get3A_13, %sub3A_14 : vector<2000x32xf32>
    %broadcast_in_dim3A_16 = vector.shape_cast %sqrt3A : vector<32xf32> to vector<1x32xf32>
    %div3A_17 = vector.broadcast %broadcast_in_dim3A_16 : vector<1x32xf32> to vector<2000x32xf32>
    %div3A_18 = arith.divf %sub3A_15, %div3A_17 : vector<2000x32xf32>
    %get3A_19 = arith.constant 0 : index
    %get3A_20 = arith.constant 0 : index
    %get3A_21 = vector.load %arg5[%get3A_19, %get3A_20] : memref<32x128xf32, #tpu.memory_space<vmem>>, vector<32x128xf32>
    %dot_general3A = arith.constant dense<0.000000e+00> : vector<2000x128xf32>
    %dot_general3A_22 = tpu.matmul %div3A_18, %get3A_21, %dot_general3A {dimension_numbers = #tpu.dot_dimension_numbers<[1], [0], [0], [1], [0, 0, 1, 1], [], []>, transpose_lhs_hint = false} : vector<2000x32xf32>, vector<32x128xf32>, vector<2000x128xf32> -> vector<2000x128xf32>
    %get3A_23 = arith.constant 0 : index
    %get3A_24 = vector.load %arg6[%get3A_23] : memref<128xf32, #tpu.memory_space<vmem>>, vector<128xf32>
    %broadcast_in_dim3A_25 = vector.shape_cast %get3A_24 : vector<128xf32> to vector<1x128xf32>
    %add3A_26 = vector.broadcast %broadcast_in_dim3A_25 : vector<1x128xf32> to vector<2000x128xf32>
    %add3A_27 = arith.addf %dot_general3A_22, %add3A_26 : vector<2000x128xf32>
    %get3A_28 = arith.constant 0 : index
    %get3A_29 = arith.constant 0 : index
    %get3A_30 = vector.load %arg1[%get3A_28, %get3A_29] : memref<2000x128xf32, #tpu.memory_space<vmem>>, vector<2000x128xf32>
    %get3A_31 = arith.constant 0 : index
    %get3A_32 = arith.constant 0 : index
    %get3A_33 = vector.load %arg2[%get3A_31, %get3A_32] : memref<2000x128xf32, #tpu.memory_space<vmem>>, vector<2000x128xf32>
    %add3A_34 = arith.addf %get3A_30, %get3A_33 : vector<2000x128xf32>
    %add3A_35 = arith.addf %add3A_34, %add3A_27 : vector<2000x128xf32>
    %gt3A = arith.constant 0.000000e+00 : f32
    %gt3A_36 = vector.broadcast %gt3A : f32 to vector<2000x128xf32>
    %gt3A_37 = arith.cmpf ogt, %add3A_35, %gt3A_36 : vector<2000x128xf32>
    %min3A = arith.constant 0.000000e+00 : f32
    %min3A_38 = vector.broadcast %min3A : f32 to vector<2000x128xf32>
    %min3A_39 = arith.minimumf %add3A_35, %min3A_38 : vector<2000x128xf32>
    %exp3A = math.exp %min3A_39 : vector<2000x128xf32>
    %sub3A_40 = arith.constant 1.000000e+00 : f32
    %sub3A_41 = vector.broadcast %sub3A_40 : f32 to vector<2000x128xf32>
    %sub3A_42 = arith.subf %exp3A, %sub3A_41 : vector<2000x128xf32>
    %select_n3A = arith.select %gt3A_37, %add3A_35, %sub3A_42 : vector<2000x128xi1>, vector<2000x128xf32>
    %get3A_43 = arith.constant 0 : index
    %get3A_44 = arith.constant 0 : index
    %get3A_45 = vector.load %arg7[%get3A_43, %get3A_44] : memref<128x32xf32, #tpu.memory_space<vmem>>, vector<128x32xf32>
    %dot_general3A_46 = arith.constant dense<0.000000e+00> : vector<2000x32xf32>
    %dot_general3A_47 = tpu.matmul %select_n3A, %get3A_45, %dot_general3A_46 {dimension_numbers = #tpu.dot_dimension_numbers<[1], [0], [0], [1], [0, 0, 1, 1], [], []>, transpose_lhs_hint = false} : vector<2000x128xf32>, vector<128x32xf32>, vector<2000x32xf32> -> vector<2000x32xf32>
    %get3A_48 = arith.constant 0 : index
    %get3A_49 = vector.load %arg8[%get3A_48] : memref<32xf32, #tpu.memory_space<vmem>>, vector<32xf32>
    %broadcast_in_dim3A_50 = vector.shape_cast %get3A_49 : vector<32xf32> to vector<1x32xf32>
    %add3A_51 = vector.broadcast %broadcast_in_dim3A_50 : vector<1x32xf32> to vector<2000x32xf32>
    %add3A_52 = arith.addf %dot_general3A_47, %add3A_51 : vector<2000x32xf32>
    %gt3A_53 = arith.constant 0.000000e+00 : f32
    %gt3A_54 = vector.broadcast %gt3A_53 : f32 to vector<2000x32xf32>
    %gt3A_55 = arith.cmpf ogt, %add3A_52, %gt3A_54 : vector<2000x32xf32>
    %min3A_56 = arith.constant 0.000000e+00 : f32
    %min3A_57 = vector.broadcast %min3A_56 : f32 to vector<2000x32xf32>
    %min3A_58 = arith.minimumf %add3A_52, %min3A_57 : vector<2000x32xf32>
    %exp3A_59 = math.exp %min3A_58 : vector<2000x32xf32>
    %sub3A_60 = arith.constant 1.000000e+00 : f32
    %sub3A_61 = vector.broadcast %sub3A_60 : f32 to vector<2000x32xf32>
    %sub3A_62 = arith.subf %exp3A_59, %sub3A_61 : vector<2000x32xf32>
    %select_n3A_63 = arith.select %gt3A_55, %add3A_52, %sub3A_62 : vector<2000x32xi1>, vector<2000x32xf32>
    %swap3A = arith.constant 0 : index
    %swap3A_64 = arith.constant 0 : index
    %swap3A_65 = vector.load %arg9[%swap3A, %swap3A_64] : memref<2000x32xf32, #tpu.memory_space<vmem>>, vector<2000x32xf32>
    tpu.vector_store %arg9[%swap3A, %swap3A_64], %select_n3A_63 {strides = array<i32>} : memref<2000x32xf32, #tpu.memory_space<vmem>>, vector<2000x32xf32>,
    %eq3A = arith.constant 0 : i32
    %eq3A_66 = arith.cmpi eq, %arg0, %eq3A : i32
    %convert_element_type3A = arith.extui %eq3A_66 : i1 to i32
    %cond3A = arith.constant 0 : i32
    %cond3A_67 = arith.cmpi ne, %convert_element_type3A, %cond3A : i32
    scf.if %cond3A_67 {
      %broadcast_in_dim3A_87 = arith.constant 0.000000e+00 : f32
      %broadcast_in_dim3A_88 = vector.broadcast %broadcast_in_dim3A_87 : f32 to vector<8x128xf32>
      %swap3A_89 = arith.constant 0 : index
      %swap3A_90 = arith.constant 0 : index
      %swap3A_91 = vector.load %arg10[%swap3A_89, %swap3A_90] : memref<8x128xf32, #tpu.memory_space<vmem>>, vector<8x128xf32>
      tpu.vector_store %arg10[%swap3A_89, %swap3A_90], %broadcast_in_dim3A_88 {strides = array<i32>} : memref<8x128xf32, #tpu.memory_space<vmem>>, vector<8x128xf32>,
    } else {
    }
    %get3A_68 = arith.constant 0 : index
    %get3A_69 = arith.constant 0 : index
    %get3A_70 = vector.load %arg10[%get3A_68, %get3A_69] : memref<8x128xf32, #tpu.memory_space<vmem>>, vector<8x128xf32>
    %reduce_sum3A = arith.constant dense<0.000000e+00> : vector<32xf32>
    %reduce_sum3A_71 = vector.multi_reduction <add>, %select_n3A_63, %reduce_sum3A [0] : vector<2000x32xf32> to vector<32xf32>
    %mul3A_72 = arith.mulf %select_n3A_63, %select_n3A_63 : vector<2000x32xf32>
    %reduce_sum3A_73 = arith.constant dense<0.000000e+00> : vector<32xf32>
    %reduce_sum3A_74 = vector.multi_reduction <add>, %mul3A_72, %reduce_sum3A_73 [0] : vector<2000x32xf32> to vector<32xf32>
    %broadcast_in_dim3A_75 = arith.constant 0.000000e+00 : f32
    %broadcast_in_dim3A_76 = vector.broadcast %broadcast_in_dim3A_75 : f32 to vector<96xf32>
    %concatenate3A = tpu.concatenate %reduce_sum3A_71, %broadcast_in_dim3A_76 in 0 : vector<32xf32>, vector<96xf32> -> vector<128xf32>
    %broadcast_in_dim3A_77 = vector.shape_cast %concatenate3A : vector<128xf32> to vector<1x128xf32>
    %concatenate3A_78 = tpu.concatenate %reduce_sum3A_74, %broadcast_in_dim3A_76 in 0 : vector<32xf32>, vector<96xf32> -> vector<128xf32>
    %broadcast_in_dim3A_79 = vector.shape_cast %concatenate3A_78 : vector<128xf32> to vector<1x128xf32>
    %broadcast_in_dim3A_80 = arith.constant 0.000000e+00 : f32
    %broadcast_in_dim3A_81 = vector.broadcast %broadcast_in_dim3A_80 : f32 to vector<6x128xf32>
    %concatenate3A_82 = tpu.concatenate %broadcast_in_dim3A_77, %broadcast_in_dim3A_79, %broadcast_in_dim3A_81 in 0 : vector<1x128xf32>, vector<1x128xf32>, vector<6x128xf32> -> vector<8x128xf32>
    %add3A_83 = arith.addf %get3A_70, %concatenate3A_82 : vector<8x128xf32>
    %swap3A_84 = arith.constant 0 : index
    %swap3A_85 = arith.constant 0 : index
    %swap3A_86 = vector.load %arg10[%swap3A_84, %swap3A_85] : memref<8x128xf32, #tpu.memory_space<vmem>>, vector<8x128xf32>
    tpu.vector_store %arg10[%swap3A_84, %swap3A_85], %add3A_83 {strides = array<i32>} : memref<8x128xf32, #tpu.memory_space<vmem>>, vector<8x128xf32>,
    return
  }
  func.func @transform_0(%arg0: i32) -> (i32, i32) {
    %c0_i32 = arith.constant 0 : i32
    %c0_i32_0 = arith.constant 0 : i32
    return %arg0, %c0_i32 : i32, i32
  }
  func.func @transform_1(%arg0: i32) -> (i32, i32) {
    %c0_i32 = arith.constant 0 : i32
    %c0_i32_0 = arith.constant 0 : i32
    return %arg0, %c0_i32 : i32, i32
  }
  func.func @transform_2(%arg0: i32) -> (i32, i32) {
    %c0_i32 = arith.constant 0 : i32
    %c0_i32_0 = arith.constant 0 : i32
    return %arg0, %c0_i32 : i32, i32
  }
  func.func @transform_3(%arg0: i32) -> (i32, i32) {
    %c0_i32 = arith.constant 0 : i32
    %c0_i32_0 = arith.constant 0 : i32
    %c0_i32_1 = arith.constant 0 : i32
    return %c0_i32, %c0_i32_0 : i32, i32
  }
  func.func @transform_4(%arg0: i32) -> (i32, i32) {
    %c0_i32 = arith.constant 0 : i32
    %c0_i32_0 = arith.constant 0 : i32
    %c0_i32_1 = arith.constant 0 : i32
    return %c0_i32, %c0_i32_0 : i32, i32
  }
  func.func @transform_5(%arg0: i32) -> i32 {
    %c0_i32 = arith.constant 0 : i32
    %c0_i32_0 = arith.constant 0 : i32
    return %c0_i32 : i32
  }
  func.func @transform_6(%arg0: i32) -> (i32, i32) {
    %c0_i32 = arith.constant 0 : i32
    %c0_i32_0 = arith.constant 0 : i32
    %c0_i32_1 = arith.constant 0 : i32
    return %c0_i32, %c0_i32_0 : i32, i32
  }
  func.func @transform_7(%arg0: i32) -> i32 {
    %c0_i32 = arith.constant 0 : i32
    %c0_i32_0 = arith.constant 0 : i32
    return %c0_i32 : i32
  }
  func.func @transform_8(%arg0: i32) -> (i32, i32) {
    %c0_i32 = arith.constant 0 : i32
    %c0_i32_0 = arith.constant 0 : i32
    return %arg0, %c0_i32 : i32, i32
  }
  func.func @transform_9(%arg0: i32) -> (i32, i32) {
    %c0_i32 = arith.constant 0 : i32
    %c0_i32_0 = arith.constant 0 : i32
    %c0_i32_1 = arith.constant 0 : i32
    return %c0_i32, %c0_i32_0 : i32, i32
  }
}

module attributes {stable_mosaic.version = 14 : i64} {
  func.func @body(%arg0: i32, %arg1: memref<2000x128xf32, #tpu.memory_space<vmem>>, %arg2: memref<2000x128xf32, #tpu.memory_space<vmem>>, %arg3: memref<2000x32xf32, #tpu.memory_space<vmem>>, %arg4: memref<8x128xf32, #tpu.memory_space<vmem>>, %arg5: memref<2000x32xf32, #tpu.memory_space<vmem>>, %arg6: memref<8x128xf32, #tpu.memory_space<vmem>>, %arg7: memref<32x128xf32, #tpu.memory_space<vmem>>, %arg8: memref<128xf32, #tpu.memory_space<vmem>>, %arg9: memref<128x32xf32, #tpu.memory_space<vmem>>, %arg10: memref<32xf32, #tpu.memory_space<vmem>>, %arg11: memref<2000x32xf32, #tpu.memory_space<vmem>>, %arg12: memref<8x128xf32, #tpu.memory_space<vmem>>) attributes {dimension_semantics = [#tpu.dimension_semantics<arbitrary>], iteration_bounds = array<i64: 160>, scalar_prefetch = 0 : i64, scratch_operands = 0 : i64, tpu.core_type = #tpu.core_type<tc>, window_params = [{transform_indices = @transform_0, window_bounds = array<i64: 2000, 128>}, {transform_indices = @transform_1, window_bounds = array<i64: 2000, 128>}, {transform_indices = @transform_2, window_bounds = array<i64: 2000, 32>}, {pipeline_mode = #tpu.pipeline_mode<synchronous>, transform_indices = @transform_3, window_bounds = array<i64: 8, 128>}, {transform_indices = @transform_4, window_bounds = array<i64: 2000, 32>}, {pipeline_mode = #tpu.pipeline_mode<synchronous>, transform_indices = @transform_5, window_bounds = array<i64: 8, 128>}, {pipeline_mode = #tpu.pipeline_mode<synchronous>, transform_indices = @transform_6, window_bounds = array<i64: 32, 128>}, {pipeline_mode = #tpu.pipeline_mode<synchronous>, transform_indices = @transform_7, window_bounds = array<i64: 128>}, {pipeline_mode = #tpu.pipeline_mode<synchronous>, transform_indices = @transform_8, window_bounds = array<i64: 128, 32>}, {pipeline_mode = #tpu.pipeline_mode<synchronous>, transform_indices = @transform_9, window_bounds = array<i64: 32>}, {transform_indices = @transform_10, window_bounds = array<i64: 2000, 32>}, {pipeline_mode = #tpu.pipeline_mode<synchronous>, transform_indices = @transform_11, window_bounds = array<i64: 8, 128>}]} {
    %get3A = arith.constant 0 : index
    %get3A_0 = arith.constant 0 : index
    %get3A_1 = vector.load %arg4[%get3A, %get3A_0] : memref<8x128xf32, #tpu.memory_space<vmem>>, vector<8x128xf32>
    %slice3A = vector.extract_strided_slice %get3A_1 {offsets = [0, 0], sizes = [1, 32], strides = [1, 1]} : vector<8x128xf32> to vector<1x32xf32>
    %squeeze3A = vector.shape_cast %slice3A : vector<1x32xf32> to vector<32xf32>
    %slice3A_2 = vector.extract_strided_slice %get3A_1 {offsets = [1, 0], sizes = [1, 32], strides = [1, 1]} : vector<8x128xf32> to vector<1x32xf32>
    %squeeze3A_3 = vector.shape_cast %slice3A_2 : vector<1x32xf32> to vector<32xf32>
    %div3A = arith.constant 3.200000e+05 : f32
    %div3A_4 = vector.broadcast %div3A : f32 to vector<32xf32>
    %div3A_5 = arith.divf %squeeze3A, %div3A_4 : vector<32xf32>
    %div3A_6 = arith.constant 3.200000e+05 : f32
    %div3A_7 = vector.broadcast %div3A_6 : f32 to vector<32xf32>
    %div3A_8 = arith.divf %squeeze3A_3, %div3A_7 : vector<32xf32>
    %mul3A = arith.mulf %div3A_5, %div3A_5 : vector<32xf32>
    %sub3A = arith.subf %div3A_8, %mul3A : vector<32xf32>
    %add3A = arith.constant 9.99999974E-6 : f32
    %add3A_9 = vector.broadcast %add3A : f32 to vector<32xf32>
    %add3A_10 = arith.addf %sub3A, %add3A_9 : vector<32xf32>
    %sqrt3A = math.sqrt %add3A_10 : vector<32xf32>
    %get3A_11 = arith.constant 0 : index
    %get3A_12 = arith.constant 0 : index
    %get3A_13 = vector.load %arg3[%get3A_11, %get3A_12] : memref<2000x32xf32, #tpu.memory_space<vmem>>, vector<2000x32xf32>
    %broadcast_in_dim3A = vector.shape_cast %div3A_5 : vector<32xf32> to vector<1x32xf32>
    %sub3A_14 = vector.broadcast %broadcast_in_dim3A : vector<1x32xf32> to vector<2000x32xf32>
    %sub3A_15 = arith.subf %get3A_13, %sub3A_14 : vector<2000x32xf32>
    %broadcast_in_dim3A_16 = vector.shape_cast %sqrt3A : vector<32xf32> to vector<1x32xf32>
    %div3A_17 = vector.broadcast %broadcast_in_dim3A_16 : vector<1x32xf32> to vector<2000x32xf32>
    %div3A_18 = arith.divf %sub3A_15, %div3A_17 : vector<2000x32xf32>
    %get3A_19 = arith.constant 0 : index
    %get3A_20 = arith.constant 0 : index
    %get3A_21 = vector.load %arg6[%get3A_19, %get3A_20] : memref<8x128xf32, #tpu.memory_space<vmem>>, vector<8x128xf32>
    %slice3A_22 = vector.extract_strided_slice %get3A_21 {offsets = [0, 0], sizes = [1, 32], strides = [1, 1]} : vector<8x128xf32> to vector<1x32xf32>
    %squeeze3A_23 = vector.shape_cast %slice3A_22 : vector<1x32xf32> to vector<32xf32>
    %slice3A_24 = vector.extract_strided_slice %get3A_21 {offsets = [1, 0], sizes = [1, 32], strides = [1, 1]} : vector<8x128xf32> to vector<1x32xf32>
    %squeeze3A_25 = vector.shape_cast %slice3A_24 : vector<1x32xf32> to vector<32xf32>
    %div3A_26 = arith.constant 3.200000e+05 : f32
    %div3A_27 = vector.broadcast %div3A_26 : f32 to vector<32xf32>
    %div3A_28 = arith.divf %squeeze3A_23, %div3A_27 : vector<32xf32>
    %div3A_29 = arith.constant 3.200000e+05 : f32
    %div3A_30 = vector.broadcast %div3A_29 : f32 to vector<32xf32>
    %div3A_31 = arith.divf %squeeze3A_25, %div3A_30 : vector<32xf32>
    %mul3A_32 = arith.mulf %div3A_28, %div3A_28 : vector<32xf32>
    %sub3A_33 = arith.subf %div3A_31, %mul3A_32 : vector<32xf32>
    %add3A_34 = arith.constant 9.99999974E-6 : f32
    %add3A_35 = vector.broadcast %add3A_34 : f32 to vector<32xf32>
    %add3A_36 = arith.addf %sub3A_33, %add3A_35 : vector<32xf32>
    %sqrt3A_37 = math.sqrt %add3A_36 : vector<32xf32>
    %get3A_38 = arith.constant 0 : index
    %get3A_39 = arith.constant 0 : index
    %get3A_40 = vector.load %arg5[%get3A_38, %get3A_39] : memref<2000x32xf32, #tpu.memory_space<vmem>>, vector<2000x32xf32>
    %broadcast_in_dim3A_41 = vector.shape_cast %div3A_28 : vector<32xf32> to vector<1x32xf32>
    %sub3A_42 = vector.broadcast %broadcast_in_dim3A_41 : vector<1x32xf32> to vector<2000x32xf32>
    %sub3A_43 = arith.subf %get3A_40, %sub3A_42 : vector<2000x32xf32>
    %broadcast_in_dim3A_44 = vector.shape_cast %sqrt3A_37 : vector<32xf32> to vector<1x32xf32>
    %div3A_45 = vector.broadcast %broadcast_in_dim3A_44 : vector<1x32xf32> to vector<2000x32xf32>
    %div3A_46 = arith.divf %sub3A_43, %div3A_45 : vector<2000x32xf32>
    %add3A_47 = arith.addf %div3A_18, %div3A_46 : vector<2000x32xf32>
    %get3A_48 = arith.constant 0 : index
    %get3A_49 = arith.constant 0 : index
    %get3A_50 = vector.load %arg7[%get3A_48, %get3A_49] : memref<32x128xf32, #tpu.memory_space<vmem>>, vector<32x128xf32>
    %dot_general3A = arith.constant dense<0.000000e+00> : vector<2000x128xf32>
    %dot_general3A_51 = tpu.matmul %add3A_47, %get3A_50, %dot_general3A {dimension_numbers = #tpu.dot_dimension_numbers<[1], [0], [0], [1], [0, 0, 1, 1], [], []>, transpose_lhs_hint = false} : vector<2000x32xf32>, vector<32x128xf32>, vector<2000x128xf32> -> vector<2000x128xf32>
    %get3A_52 = arith.constant 0 : index
    %get3A_53 = vector.load %arg8[%get3A_52] : memref<128xf32, #tpu.memory_space<vmem>>, vector<128xf32>
    %broadcast_in_dim3A_54 = vector.shape_cast %get3A_53 : vector<128xf32> to vector<1x128xf32>
    %add3A_55 = vector.broadcast %broadcast_in_dim3A_54 : vector<1x128xf32> to vector<2000x128xf32>
    %add3A_56 = arith.addf %dot_general3A_51, %add3A_55 : vector<2000x128xf32>
    %get3A_57 = arith.constant 0 : index
    %get3A_58 = arith.constant 0 : index
    %get3A_59 = vector.load %arg1[%get3A_57, %get3A_58] : memref<2000x128xf32, #tpu.memory_space<vmem>>, vector<2000x128xf32>
    %get3A_60 = arith.constant 0 : index
    %get3A_61 = arith.constant 0 : index
    %get3A_62 = vector.load %arg2[%get3A_60, %get3A_61] : memref<2000x128xf32, #tpu.memory_space<vmem>>, vector<2000x128xf32>
    %add3A_63 = arith.addf %get3A_59, %get3A_62 : vector<2000x128xf32>
    %add3A_64 = arith.addf %add3A_63, %add3A_56 : vector<2000x128xf32>
    %gt3A = arith.constant 0.000000e+00 : f32
    %gt3A_65 = vector.broadcast %gt3A : f32 to vector<2000x128xf32>
    %gt3A_66 = arith.cmpf ogt, %add3A_64, %gt3A_65 : vector<2000x128xf32>
    %min3A = arith.constant 0.000000e+00 : f32
    %min3A_67 = vector.broadcast %min3A : f32 to vector<2000x128xf32>
    %min3A_68 = arith.minimumf %add3A_64, %min3A_67 : vector<2000x128xf32>
    %exp3A = math.exp %min3A_68 : vector<2000x128xf32>
    %sub3A_69 = arith.constant 1.000000e+00 : f32
    %sub3A_70 = vector.broadcast %sub3A_69 : f32 to vector<2000x128xf32>
    %sub3A_71 = arith.subf %exp3A, %sub3A_70 : vector<2000x128xf32>
    %select_n3A = arith.select %gt3A_66, %add3A_64, %sub3A_71 : vector<2000x128xi1>, vector<2000x128xf32>
    %get3A_72 = arith.constant 0 : index
    %get3A_73 = arith.constant 0 : index
    %get3A_74 = vector.load %arg9[%get3A_72, %get3A_73] : memref<128x32xf32, #tpu.memory_space<vmem>>, vector<128x32xf32>
    %dot_general3A_75 = arith.constant dense<0.000000e+00> : vector<2000x32xf32>
    %dot_general3A_76 = tpu.matmul %select_n3A, %get3A_74, %dot_general3A_75 {dimension_numbers = #tpu.dot_dimension_numbers<[1], [0], [0], [1], [0, 0, 1, 1], [], []>, transpose_lhs_hint = false} : vector<2000x128xf32>, vector<128x32xf32>, vector<2000x32xf32> -> vector<2000x32xf32>
    %get3A_77 = arith.constant 0 : index
    %get3A_78 = vector.load %arg10[%get3A_77] : memref<32xf32, #tpu.memory_space<vmem>>, vector<32xf32>
    %broadcast_in_dim3A_79 = vector.shape_cast %get3A_78 : vector<32xf32> to vector<1x32xf32>
    %add3A_80 = vector.broadcast %broadcast_in_dim3A_79 : vector<1x32xf32> to vector<2000x32xf32>
    %add3A_81 = arith.addf %dot_general3A_76, %add3A_80 : vector<2000x32xf32>
    %gt3A_82 = arith.constant 0.000000e+00 : f32
    %gt3A_83 = vector.broadcast %gt3A_82 : f32 to vector<2000x32xf32>
    %gt3A_84 = arith.cmpf ogt, %add3A_81, %gt3A_83 : vector<2000x32xf32>
    %min3A_85 = arith.constant 0.000000e+00 : f32
    %min3A_86 = vector.broadcast %min3A_85 : f32 to vector<2000x32xf32>
    %min3A_87 = arith.minimumf %add3A_81, %min3A_86 : vector<2000x32xf32>
    %exp3A_88 = math.exp %min3A_87 : vector<2000x32xf32>
    %sub3A_89 = arith.constant 1.000000e+00 : f32
    %sub3A_90 = vector.broadcast %sub3A_89 : f32 to vector<2000x32xf32>
    %sub3A_91 = arith.subf %exp3A_88, %sub3A_90 : vector<2000x32xf32>
    %select_n3A_92 = arith.select %gt3A_84, %add3A_81, %sub3A_91 : vector<2000x32xi1>, vector<2000x32xf32>
    %swap3A = arith.constant 0 : index
    %swap3A_93 = arith.constant 0 : index
    %swap3A_94 = vector.load %arg11[%swap3A, %swap3A_93] : memref<2000x32xf32, #tpu.memory_space<vmem>>, vector<2000x32xf32>
    tpu.vector_store %arg11[%swap3A, %swap3A_93], %select_n3A_92 {strides = array<i32>} : memref<2000x32xf32, #tpu.memory_space<vmem>>, vector<2000x32xf32>,
    %eq3A = arith.constant 0 : i32
    %eq3A_95 = arith.cmpi eq, %arg0, %eq3A : i32
    %convert_element_type3A = arith.extui %eq3A_95 : i1 to i32
    %cond3A = arith.constant 0 : i32
    %cond3A_96 = arith.cmpi ne, %convert_element_type3A, %cond3A : i32
    scf.if %cond3A_96 {
      %broadcast_in_dim3A_116 = arith.constant 0.000000e+00 : f32
      %broadcast_in_dim3A_117 = vector.broadcast %broadcast_in_dim3A_116 : f32 to vector<8x128xf32>
      %swap3A_118 = arith.constant 0 : index
      %swap3A_119 = arith.constant 0 : index
      %swap3A_120 = vector.load %arg12[%swap3A_118, %swap3A_119] : memref<8x128xf32, #tpu.memory_space<vmem>>, vector<8x128xf32>
      tpu.vector_store %arg12[%swap3A_118, %swap3A_119], %broadcast_in_dim3A_117 {strides = array<i32>} : memref<8x128xf32, #tpu.memory_space<vmem>>, vector<8x128xf32>,
    } else {
    }
    %get3A_97 = arith.constant 0 : index
    %get3A_98 = arith.constant 0 : index
    %get3A_99 = vector.load %arg12[%get3A_97, %get3A_98] : memref<8x128xf32, #tpu.memory_space<vmem>>, vector<8x128xf32>
    %reduce_sum3A = arith.constant dense<0.000000e+00> : vector<32xf32>
    %reduce_sum3A_100 = vector.multi_reduction <add>, %select_n3A_92, %reduce_sum3A [0] : vector<2000x32xf32> to vector<32xf32>
    %mul3A_101 = arith.mulf %select_n3A_92, %select_n3A_92 : vector<2000x32xf32>
    %reduce_sum3A_102 = arith.constant dense<0.000000e+00> : vector<32xf32>
    %reduce_sum3A_103 = vector.multi_reduction <add>, %mul3A_101, %reduce_sum3A_102 [0] : vector<2000x32xf32> to vector<32xf32>
    %broadcast_in_dim3A_104 = arith.constant 0.000000e+00 : f32
    %broadcast_in_dim3A_105 = vector.broadcast %broadcast_in_dim3A_104 : f32 to vector<96xf32>
    %concatenate3A = tpu.concatenate %reduce_sum3A_100, %broadcast_in_dim3A_105 in 0 : vector<32xf32>, vector<96xf32> -> vector<128xf32>
    %broadcast_in_dim3A_106 = vector.shape_cast %concatenate3A : vector<128xf32> to vector<1x128xf32>
    %concatenate3A_107 = tpu.concatenate %reduce_sum3A_103, %broadcast_in_dim3A_105 in 0 : vector<32xf32>, vector<96xf32> -> vector<128xf32>
    %broadcast_in_dim3A_108 = vector.shape_cast %concatenate3A_107 : vector<128xf32> to vector<1x128xf32>
    %broadcast_in_dim3A_109 = arith.constant 0.000000e+00 : f32
    %broadcast_in_dim3A_110 = vector.broadcast %broadcast_in_dim3A_109 : f32 to vector<6x128xf32>
    %concatenate3A_111 = tpu.concatenate %broadcast_in_dim3A_106, %broadcast_in_dim3A_108, %broadcast_in_dim3A_110 in 0 : vector<1x128xf32>, vector<1x128xf32>, vector<6x128xf32> -> vector<8x128xf32>
    %add3A_112 = arith.addf %get3A_99, %concatenate3A_111 : vector<8x128xf32>
    %swap3A_113 = arith.constant 0 : index
    %swap3A_114 = arith.constant 0 : index
    %swap3A_115 = vector.load %arg12[%swap3A_113, %swap3A_114] : memref<8x128xf32, #tpu.memory_space<vmem>>, vector<8x128xf32>
    tpu.vector_store %arg12[%swap3A_113, %swap3A_114], %add3A_112 {strides = array<i32>} : memref<8x128xf32, #tpu.memory_space<vmem>>, vector<8x128xf32>,
    return
  }
  func.func @transform_0(%arg0: i32) -> (i32, i32) {
    %c0_i32 = arith.constant 0 : i32
    %c0_i32_0 = arith.constant 0 : i32
    return %arg0, %c0_i32 : i32, i32
  }
  func.func @transform_1(%arg0: i32) -> (i32, i32) {
    %c0_i32 = arith.constant 0 : i32
    %c0_i32_0 = arith.constant 0 : i32
    return %arg0, %c0_i32 : i32, i32
  }
  func.func @transform_2(%arg0: i32) -> (i32, i32) {
    %c0_i32 = arith.constant 0 : i32
    %c0_i32_0 = arith.constant 0 : i32
    return %arg0, %c0_i32 : i32, i32
  }
  func.func @transform_3(%arg0: i32) -> (i32, i32) {
    %c0_i32 = arith.constant 0 : i32
    %c0_i32_0 = arith.constant 0 : i32
    %c0_i32_1 = arith.constant 0 : i32
    return %c0_i32, %c0_i32_0 : i32, i32
  }
  func.func @transform_4(%arg0: i32) -> (i32, i32) {
    %c0_i32 = arith.constant 0 : i32
    %c0_i32_0 = arith.constant 0 : i32
    return %arg0, %c0_i32 : i32, i32
  }
  func.func @transform_5(%arg0: i32) -> (i32, i32) {
    %c0_i32 = arith.constant 0 : i32
    %c0_i32_0 = arith.constant 0 : i32
    %c0_i32_1 = arith.constant 0 : i32
    return %c0_i32, %c0_i32_0 : i32, i32
  }
  func.func @transform_6(%arg0: i32) -> (i32, i32) {
    %c0_i32 = arith.constant 0 : i32
    %c0_i32_0 = arith.constant 0 : i32
    %c0_i32_1 = arith.constant 0 : i32
    return %c0_i32, %c0_i32_0 : i32, i32
  }
  func.func @transform_7(%arg0: i32) -> i32 {
    %c0_i32 = arith.constant 0 : i32
    %c0_i32_0 = arith.constant 0 : i32
    return %c0_i32 : i32
  }
  func.func @transform_8(%arg0: i32) -> (i32, i32) {
    %c0_i32 = arith.constant 0 : i32
    %c0_i32_0 = arith.constant 0 : i32
    %c0_i32_1 = arith.constant 0 : i32
    return %c0_i32, %c0_i32_0 : i32, i32
  }
  func.func @transform_9(%arg0: i32) -> i32 {
    %c0_i32 = arith.constant 0 : i32
    %c0_i32_0 = arith.constant 0 : i32
    return %c0_i32 : i32
  }
  func.func @transform_10(%arg0: i32) -> (i32, i32) {
    %c0_i32 = arith.constant 0 : i32
    %c0_i32_0 = arith.constant 0 : i32
    return %arg0, %c0_i32 : i32, i32
  }
  func.func @transform_11(%arg0: i32) -> (i32, i32) {
    %c0_i32 = arith.constant 0 : i32
    %c0_i32_0 = arith.constant 0 : i32
    %c0_i32_1 = arith.constant 0 : i32
    return %c0_i32, %c0_i32_0 : i32, i32
  }
}

module attributes {stable_mosaic.version = 14 : i64} {
  func.func @body_mid(%arg0: memref<10000x128xf32, #tpu.memory_space<vmem>>, %arg1: memref<2x10000x32xf32, #tpu.memory_space<vmem>>, %arg2: memref<2x10000x16xf32, #tpu.memory_space<vmem>>, %arg3: memref<8x128xf32, #tpu.memory_space<vmem>>, %arg4: memref<128x256xf32, #tpu.memory_space<vmem>>, %arg5: memref<32x256xf32, #tpu.memory_space<vmem>>, %arg6: memref<256xf32, #tpu.memory_space<vmem>>, %arg7: memref<256x128xf32, #tpu.memory_space<vmem>>, %arg8: memref<128xf32, #tpu.memory_space<vmem>>, %arg9: memref<128x128xf32, #tpu.memory_space<vmem>>, %arg10: memref<128x128xf32, #tpu.memory_space<vmem>>, %arg11: memref<10000x128xf32, #tpu.memory_space<vmem>>, %arg12: memref<10000x128xf32, #tpu.memory_space<vmem>>, %arg13: memref<10000x128xf32, #tpu.memory_space<vmem>>) attributes {dimension_semantics = [], scalar_prefetch = 0 : i64, scratch_operands = 0 : i64, tpu.core_type = #tpu.core_type<tc>} {
    %get3A = arith.constant 0 : index
    %get3A_0 = arith.constant 0 : index
    %get3A_1 = vector.load %arg3[%get3A, %get3A_0] : memref<8x128xf32, #tpu.memory_space<vmem>>, vector<8x128xf32>
    %slice3A = vector.extract_strided_slice %get3A_1 {offsets = [0, 0], sizes = [1, 32], strides = [1, 1]} : vector<8x128xf32> to vector<1x32xf32>
    %squeeze3A = vector.shape_cast %slice3A : vector<1x32xf32> to vector<32xf32>
    %slice3A_2 = vector.extract_strided_slice %get3A_1 {offsets = [1, 0], sizes = [1, 32], strides = [1, 1]} : vector<8x128xf32> to vector<1x32xf32>
    %squeeze3A_3 = vector.shape_cast %slice3A_2 : vector<1x32xf32> to vector<32xf32>
    %div3A = arith.constant 3.200000e+05 : f32
    %div3A_4 = vector.broadcast %div3A : f32 to vector<32xf32>
    %div3A_5 = arith.divf %squeeze3A, %div3A_4 : vector<32xf32>
    %div3A_6 = arith.constant 3.200000e+05 : f32
    %div3A_7 = vector.broadcast %div3A_6 : f32 to vector<32xf32>
    %div3A_8 = arith.divf %squeeze3A_3, %div3A_7 : vector<32xf32>
    %mul3A = arith.mulf %div3A_5, %div3A_5 : vector<32xf32>
    %sub3A = arith.subf %div3A_8, %mul3A : vector<32xf32>
    %add3A = arith.constant 9.99999974E-6 : f32
    %add3A_9 = vector.broadcast %add3A : f32 to vector<32xf32>
    %add3A_10 = arith.addf %sub3A, %add3A_9 : vector<32xf32>
    %sqrt3A = math.sqrt %add3A_10 : vector<32xf32>
    %get3A_11 = arith.constant 0 : index
    %get3A_12 = arith.constant 0 : index
    %get3A_13 = arith.constant 0 : index
    %get3A_14 = vector.load %arg2[%get3A_11, %get3A_12, %get3A_13] : memref<2x10000x16xf32, #tpu.memory_space<vmem>>, vector<1x10000x1xf32>
    %get3A_15 = vector.shape_cast %get3A_14 : vector<1x10000x1xf32> to vector<10000xf32>
    %get3A_16 = arith.constant 1 : index
    %get3A_17 = arith.constant 0 : index
    %get3A_18 = arith.constant 0 : index
    %get3A_19 = vector.load %arg2[%get3A_16, %get3A_17, %get3A_18] : memref<2x10000x16xf32, #tpu.memory_space<vmem>>, vector<1x10000x1xf32>
    %get3A_20 = vector.shape_cast %get3A_19 : vector<1x10000x1xf32> to vector<10000xf32>
    %add3A_21 = arith.addf %get3A_15, %get3A_20 : vector<10000xf32>
    %broadcast_in_dim3A = vector.shape_cast %add3A_21 : vector<10000xf32> to vector<10000x1xf32>
    %get3A_22 = arith.constant 0 : index
    %get3A_23 = arith.constant 0 : index
    %get3A_24 = arith.constant 0 : index
    %get3A_25 = vector.load %arg1[%get3A_22, %get3A_23, %get3A_24] : memref<2x10000x32xf32, #tpu.memory_space<vmem>>, vector<1x10000x32xf32>
    %get3A_26 = vector.shape_cast %get3A_25 : vector<1x10000x32xf32> to vector<10000x32xf32>
    %get3A_27 = arith.constant 1 : index
    %get3A_28 = arith.constant 0 : index
    %get3A_29 = arith.constant 0 : index
    %get3A_30 = vector.load %arg1[%get3A_27, %get3A_28, %get3A_29] : memref<2x10000x32xf32, #tpu.memory_space<vmem>>, vector<1x10000x32xf32>
    %get3A_31 = vector.shape_cast %get3A_30 : vector<1x10000x32xf32> to vector<10000x32xf32>
    %add3A_32 = arith.addf %get3A_26, %get3A_31 : vector<10000x32xf32>
    %broadcast_in_dim3A_33 = vector.shape_cast %div3A_5 : vector<32xf32> to vector<1x32xf32>
    %mul3A_34 = vector.broadcast %broadcast_in_dim3A : vector<10000x1xf32> to vector<10000x32xf32>
    %mul3A_35 = vector.broadcast %broadcast_in_dim3A_33 : vector<1x32xf32> to vector<10000x32xf32>
    %mul3A_36 = arith.mulf %mul3A_34, %mul3A_35 : vector<10000x32xf32>
    %sub3A_37 = arith.subf %add3A_32, %mul3A_36 : vector<10000x32xf32>
    %broadcast_in_dim3A_38 = vector.shape_cast %sqrt3A : vector<32xf32> to vector<1x32xf32>
    %div3A_39 = vector.broadcast %broadcast_in_dim3A_38 : vector<1x32xf32> to vector<10000x32xf32>
    %div3A_40 = arith.divf %sub3A_37, %div3A_39 : vector<10000x32xf32>
    %get3A_41 = arith.constant 0 : index
    %get3A_42 = arith.constant 0 : index
    %get3A_43 = vector.load %arg0[%get3A_41, %get3A_42] : memref<10000x128xf32, #tpu.memory_space<vmem>>, vector<10000x128xf32>
    %get3A_44 = arith.constant 0 : index
    %get3A_45 = arith.constant 0 : index
    %get3A_46 = vector.load %arg4[%get3A_44, %get3A_45] : memref<128x256xf32, #tpu.memory_space<vmem>>, vector<128x256xf32>
    %dot_general3A = arith.constant dense<0.000000e+00> : vector<10000x256xf32>
    %dot_general3A_47 = tpu.matmul %get3A_43, %get3A_46, %dot_general3A {dimension_numbers = #tpu.dot_dimension_numbers<[1], [0], [0], [1], [0, 0, 1, 1], [], []>, transpose_lhs_hint = false} : vector<10000x128xf32>, vector<128x256xf32>, vector<10000x256xf32> -> vector<10000x256xf32>
    %get3A_48 = arith.constant 0 : index
    %get3A_49 = arith.constant 0 : index
    %get3A_50 = vector.load %arg5[%get3A_48, %get3A_49] : memref<32x256xf32, #tpu.memory_space<vmem>>, vector<32x256xf32>
    %dot_general3A_51 = arith.constant dense<0.000000e+00> : vector<10000x256xf32>
    %dot_general3A_52 = tpu.matmul %div3A_40, %get3A_50, %dot_general3A_51 {dimension_numbers = #tpu.dot_dimension_numbers<[1], [0], [0], [1], [0, 0, 1, 1], [], []>, transpose_lhs_hint = false} : vector<10000x32xf32>, vector<32x256xf32>, vector<10000x256xf32> -> vector<10000x256xf32>
    %add3A_53 = arith.addf %dot_general3A_47, %dot_general3A_52 : vector<10000x256xf32>
    %get3A_54 = arith.constant 0 : index
    %get3A_55 = vector.load %arg6[%get3A_54] : memref<256xf32, #tpu.memory_space<vmem>>, vector<256xf32>
    %broadcast_in_dim3A_56 = vector.shape_cast %get3A_55 : vector<256xf32> to vector<1x256xf32>
    %add3A_57 = vector.broadcast %broadcast_in_dim3A_56 : vector<1x256xf32> to vector<10000x256xf32>
    %add3A_58 = arith.addf %add3A_53, %add3A_57 : vector<10000x256xf32>
    %gt3A = arith.constant 0.000000e+00 : f32
    %gt3A_59 = vector.broadcast %gt3A : f32 to vector<10000x256xf32>
    %gt3A_60 = arith.cmpf ogt, %add3A_58, %gt3A_59 : vector<10000x256xf32>
    %min3A = arith.constant 0.000000e+00 : f32
    %min3A_61 = vector.broadcast %min3A : f32 to vector<10000x256xf32>
    %min3A_62 = arith.minimumf %add3A_58, %min3A_61 : vector<10000x256xf32>
    %exp3A = math.exp %min3A_62 : vector<10000x256xf32>
    %sub3A_63 = arith.constant 1.000000e+00 : f32
    %sub3A_64 = vector.broadcast %sub3A_63 : f32 to vector<10000x256xf32>
    %sub3A_65 = arith.subf %exp3A, %sub3A_64 : vector<10000x256xf32>
    %select_n3A = arith.select %gt3A_60, %add3A_58, %sub3A_65 : vector<10000x256xi1>, vector<10000x256xf32>
    %get3A_66 = arith.constant 0 : index
    %get3A_67 = arith.constant 0 : index
    %get3A_68 = vector.load %arg7[%get3A_66, %get3A_67] : memref<256x128xf32, #tpu.memory_space<vmem>>, vector<256x128xf32>
    %dot_general3A_69 = arith.constant dense<0.000000e+00> : vector<10000x128xf32>
    %dot_general3A_70 = tpu.matmul %select_n3A, %get3A_68, %dot_general3A_69 {dimension_numbers = #tpu.dot_dimension_numbers<[1], [0], [0], [1], [0, 0, 1, 1], [], []>, transpose_lhs_hint = false} : vector<10000x256xf32>, vector<256x128xf32>, vector<10000x128xf32> -> vector<10000x128xf32>
    %get3A_71 = arith.constant 0 : index
    %get3A_72 = vector.load %arg8[%get3A_71] : memref<128xf32, #tpu.memory_space<vmem>>, vector<128xf32>
    %broadcast_in_dim3A_73 = vector.shape_cast %get3A_72 : vector<128xf32> to vector<1x128xf32>
    %add3A_74 = vector.broadcast %broadcast_in_dim3A_73 : vector<1x128xf32> to vector<10000x128xf32>
    %add3A_75 = arith.addf %dot_general3A_70, %add3A_74 : vector<10000x128xf32>
    %gt3A_76 = arith.constant 0.000000e+00 : f32
    %gt3A_77 = vector.broadcast %gt3A_76 : f32 to vector<10000x128xf32>
    %gt3A_78 = arith.cmpf ogt, %add3A_75, %gt3A_77 : vector<10000x128xf32>
    %min3A_79 = arith.constant 0.000000e+00 : f32
    %min3A_80 = vector.broadcast %min3A_79 : f32 to vector<10000x128xf32>
    %min3A_81 = arith.minimumf %add3A_75, %min3A_80 : vector<10000x128xf32>
    %exp3A_82 = math.exp %min3A_81 : vector<10000x128xf32>
    %sub3A_83 = arith.constant 1.000000e+00 : f32
    %sub3A_84 = vector.broadcast %sub3A_83 : f32 to vector<10000x128xf32>
    %sub3A_85 = arith.subf %exp3A_82, %sub3A_84 : vector<10000x128xf32>
    %select_n3A_86 = arith.select %gt3A_78, %add3A_75, %sub3A_85 : vector<10000x128xi1>, vector<10000x128xf32>
    %reduce_sum3A = arith.constant dense<0.000000e+00> : vector<128xf32>
    %reduce_sum3A_87 = vector.multi_reduction <add>, %select_n3A_86, %reduce_sum3A [0] : vector<10000x128xf32> to vector<128xf32>
    %div3A_88 = arith.constant 1.000000e+04 : f32
    %div3A_89 = vector.broadcast %div3A_88 : f32 to vector<128xf32>
    %div3A_90 = arith.divf %reduce_sum3A_87, %div3A_89 : vector<128xf32>
    %mul3A_91 = arith.mulf %select_n3A_86, %select_n3A_86 : vector<10000x128xf32>
    %reduce_sum3A_92 = arith.constant dense<0.000000e+00> : vector<128xf32>
    %reduce_sum3A_93 = vector.multi_reduction <add>, %mul3A_91, %reduce_sum3A_92 [0] : vector<10000x128xf32> to vector<128xf32>
    %div3A_94 = arith.constant 1.000000e+04 : f32
    %div3A_95 = vector.broadcast %div3A_94 : f32 to vector<128xf32>
    %div3A_96 = arith.divf %reduce_sum3A_93, %div3A_95 : vector<128xf32>
    %mul3A_97 = arith.mulf %div3A_90, %div3A_90 : vector<128xf32>
    %sub3A_98 = arith.subf %div3A_96, %mul3A_97 : vector<128xf32>
    %broadcast_in_dim3A_99 = vector.shape_cast %div3A_90 : vector<128xf32> to vector<1x128xf32>
    %sub3A_100 = vector.broadcast %broadcast_in_dim3A_99 : vector<1x128xf32> to vector<10000x128xf32>
    %sub3A_101 = arith.subf %select_n3A_86, %sub3A_100 : vector<10000x128xf32>
    %add3A_102 = arith.constant 9.99999974E-6 : f32
    %add3A_103 = vector.broadcast %add3A_102 : f32 to vector<128xf32>
    %add3A_104 = arith.addf %sub3A_98, %add3A_103 : vector<128xf32>
    %sqrt3A_105 = math.sqrt %add3A_104 : vector<128xf32>
    %broadcast_in_dim3A_106 = vector.shape_cast %sqrt3A_105 : vector<128xf32> to vector<1x128xf32>
    %div3A_107 = vector.broadcast %broadcast_in_dim3A_106 : vector<1x128xf32> to vector<10000x128xf32>
    %div3A_108 = arith.divf %sub3A_101, %div3A_107 : vector<10000x128xf32>
    %get3A_109 = arith.constant 0 : index
    %get3A_110 = arith.constant 0 : index
    %get3A_111 = vector.load %arg0[%get3A_109, %get3A_110] : memref<10000x128xf32, #tpu.memory_space<vmem>>, vector<10000x128xf32>
    %add3A_112 = arith.addf %div3A_108, %get3A_111 : vector<10000x128xf32>
    %swap3A = arith.constant 0 : index
    %swap3A_113 = arith.constant 0 : index
    %swap3A_114 = vector.load %arg11[%swap3A, %swap3A_113] : memref<10000x128xf32, #tpu.memory_space<vmem>>, vector<10000x128xf32>
    tpu.vector_store %arg11[%swap3A, %swap3A_113], %add3A_112 {strides = array<i32>} : memref<10000x128xf32, #tpu.memory_space<vmem>>, vector<10000x128xf32>,
    %get3A_115 = arith.constant 0 : index
    %get3A_116 = arith.constant 0 : index
    %get3A_117 = vector.load %arg9[%get3A_115, %get3A_116] : memref<128x128xf32, #tpu.memory_space<vmem>>, vector<128x128xf32>
    %dot_general3A_118 = arith.constant dense<0.000000e+00> : vector<10000x128xf32>
    %dot_general3A_119 = tpu.matmul %add3A_112, %get3A_117, %dot_general3A_118 {dimension_numbers = #tpu.dot_dimension_numbers<[1], [0], [0], [1], [0, 0, 1, 1], [], []>, transpose_lhs_hint = false} : vector<10000x128xf32>, vector<128x128xf32>, vector<10000x128xf32> -> vector<10000x128xf32>
    %swap3A_120 = arith.constant 0 : index
    %swap3A_121 = arith.constant 0 : index
    %swap3A_122 = vector.load %arg12[%swap3A_120, %swap3A_121] : memref<10000x128xf32, #tpu.memory_space<vmem>>, vector<10000x128xf32>
    tpu.vector_store %arg12[%swap3A_120, %swap3A_121], %dot_general3A_119 {strides = array<i32>} : memref<10000x128xf32, #tpu.memory_space<vmem>>, vector<10000x128xf32>,
    %get3A_123 = arith.constant 0 : index
    %get3A_124 = arith.constant 0 : index
    %get3A_125 = vector.load %arg10[%get3A_123, %get3A_124] : memref<128x128xf32, #tpu.memory_space<vmem>>, vector<128x128xf32>
    %dot_general3A_126 = arith.constant dense<0.000000e+00> : vector<10000x128xf32>
    %dot_general3A_127 = tpu.matmul %add3A_112, %get3A_125, %dot_general3A_126 {dimension_numbers = #tpu.dot_dimension_numbers<[1], [0], [0], [1], [0, 0, 1, 1], [], []>, transpose_lhs_hint = false} : vector<10000x128xf32>, vector<128x128xf32>, vector<10000x128xf32> -> vector<10000x128xf32>
    %swap3A_128 = arith.constant 0 : index
    %swap3A_129 = arith.constant 0 : index
    %swap3A_130 = vector.load %arg13[%swap3A_128, %swap3A_129] : memref<10000x128xf32, #tpu.memory_space<vmem>>, vector<10000x128xf32>
    tpu.vector_store %arg13[%swap3A_128, %swap3A_129], %dot_general3A_127 {strides = array<i32>} : memref<10000x128xf32, #tpu.memory_space<vmem>>, vector<10000x128xf32>,
    return
  }
}

module attributes {stable_mosaic.version = 14 : i64} {
  func.func @body_last(%arg0: memref<10000x128xf32, #tpu.memory_space<vmem>>, %arg1: memref<2x10000x32xf32, #tpu.memory_space<vmem>>, %arg2: memref<2x10000x16xf32, #tpu.memory_space<vmem>>, %arg3: memref<8x128xf32, #tpu.memory_space<vmem>>, %arg4: memref<128x256xf32, #tpu.memory_space<vmem>>, %arg5: memref<32x256xf32, #tpu.memory_space<vmem>>, %arg6: memref<256xf32, #tpu.memory_space<vmem>>, %arg7: memref<256x128xf32, #tpu.memory_space<vmem>>, %arg8: memref<128xf32, #tpu.memory_space<vmem>>, %arg9: memref<128x128xf32, #tpu.memory_space<vmem>>, %arg10: memref<128xf32, #tpu.memory_space<vmem>>, %arg11: memref<128x8xf32, #tpu.memory_space<vmem>>, %arg12: memref<8xf32, #tpu.memory_space<vmem>>, %arg13: memref<10000x8xf32, #tpu.memory_space<vmem>>) attributes {dimension_semantics = [], scalar_prefetch = 0 : i64, scratch_operands = 0 : i64, tpu.core_type = #tpu.core_type<tc>} {
    %get3A = arith.constant 0 : index
    %get3A_0 = arith.constant 0 : index
    %get3A_1 = vector.load %arg3[%get3A, %get3A_0] : memref<8x128xf32, #tpu.memory_space<vmem>>, vector<8x128xf32>
    %slice3A = vector.extract_strided_slice %get3A_1 {offsets = [0, 0], sizes = [1, 32], strides = [1, 1]} : vector<8x128xf32> to vector<1x32xf32>
    %squeeze3A = vector.shape_cast %slice3A : vector<1x32xf32> to vector<32xf32>
    %slice3A_2 = vector.extract_strided_slice %get3A_1 {offsets = [1, 0], sizes = [1, 32], strides = [1, 1]} : vector<8x128xf32> to vector<1x32xf32>
    %squeeze3A_3 = vector.shape_cast %slice3A_2 : vector<1x32xf32> to vector<32xf32>
    %div3A = arith.constant 3.200000e+05 : f32
    %div3A_4 = vector.broadcast %div3A : f32 to vector<32xf32>
    %div3A_5 = arith.divf %squeeze3A, %div3A_4 : vector<32xf32>
    %div3A_6 = arith.constant 3.200000e+05 : f32
    %div3A_7 = vector.broadcast %div3A_6 : f32 to vector<32xf32>
    %div3A_8 = arith.divf %squeeze3A_3, %div3A_7 : vector<32xf32>
    %mul3A = arith.mulf %div3A_5, %div3A_5 : vector<32xf32>
    %sub3A = arith.subf %div3A_8, %mul3A : vector<32xf32>
    %add3A = arith.constant 9.99999974E-6 : f32
    %add3A_9 = vector.broadcast %add3A : f32 to vector<32xf32>
    %add3A_10 = arith.addf %sub3A, %add3A_9 : vector<32xf32>
    %sqrt3A = math.sqrt %add3A_10 : vector<32xf32>
    %get3A_11 = arith.constant 0 : index
    %get3A_12 = arith.constant 0 : index
    %get3A_13 = arith.constant 0 : index
    %get3A_14 = vector.load %arg2[%get3A_11, %get3A_12, %get3A_13] : memref<2x10000x16xf32, #tpu.memory_space<vmem>>, vector<1x10000x1xf32>
    %get3A_15 = vector.shape_cast %get3A_14 : vector<1x10000x1xf32> to vector<10000xf32>
    %get3A_16 = arith.constant 1 : index
    %get3A_17 = arith.constant 0 : index
    %get3A_18 = arith.constant 0 : index
    %get3A_19 = vector.load %arg2[%get3A_16, %get3A_17, %get3A_18] : memref<2x10000x16xf32, #tpu.memory_space<vmem>>, vector<1x10000x1xf32>
    %get3A_20 = vector.shape_cast %get3A_19 : vector<1x10000x1xf32> to vector<10000xf32>
    %add3A_21 = arith.addf %get3A_15, %get3A_20 : vector<10000xf32>
    %broadcast_in_dim3A = vector.shape_cast %add3A_21 : vector<10000xf32> to vector<10000x1xf32>
    %get3A_22 = arith.constant 0 : index
    %get3A_23 = arith.constant 0 : index
    %get3A_24 = arith.constant 0 : index
    %get3A_25 = vector.load %arg1[%get3A_22, %get3A_23, %get3A_24] : memref<2x10000x32xf32, #tpu.memory_space<vmem>>, vector<1x10000x32xf32>
    %get3A_26 = vector.shape_cast %get3A_25 : vector<1x10000x32xf32> to vector<10000x32xf32>
    %get3A_27 = arith.constant 1 : index
    %get3A_28 = arith.constant 0 : index
    %get3A_29 = arith.constant 0 : index
    %get3A_30 = vector.load %arg1[%get3A_27, %get3A_28, %get3A_29] : memref<2x10000x32xf32, #tpu.memory_space<vmem>>, vector<1x10000x32xf32>
    %get3A_31 = vector.shape_cast %get3A_30 : vector<1x10000x32xf32> to vector<10000x32xf32>
    %add3A_32 = arith.addf %get3A_26, %get3A_31 : vector<10000x32xf32>
    %broadcast_in_dim3A_33 = vector.shape_cast %div3A_5 : vector<32xf32> to vector<1x32xf32>
    %mul3A_34 = vector.broadcast %broadcast_in_dim3A : vector<10000x1xf32> to vector<10000x32xf32>
    %mul3A_35 = vector.broadcast %broadcast_in_dim3A_33 : vector<1x32xf32> to vector<10000x32xf32>
    %mul3A_36 = arith.mulf %mul3A_34, %mul3A_35 : vector<10000x32xf32>
    %sub3A_37 = arith.subf %add3A_32, %mul3A_36 : vector<10000x32xf32>
    %broadcast_in_dim3A_38 = vector.shape_cast %sqrt3A : vector<32xf32> to vector<1x32xf32>
    %div3A_39 = vector.broadcast %broadcast_in_dim3A_38 : vector<1x32xf32> to vector<10000x32xf32>
    %div3A_40 = arith.divf %sub3A_37, %div3A_39 : vector<10000x32xf32>
    %get3A_41 = arith.constant 0 : index
    %get3A_42 = arith.constant 0 : index
    %get3A_43 = vector.load %arg0[%get3A_41, %get3A_42] : memref<10000x128xf32, #tpu.memory_space<vmem>>, vector<10000x128xf32>
    %get3A_44 = arith.constant 0 : index
    %get3A_45 = arith.constant 0 : index
    %get3A_46 = vector.load %arg4[%get3A_44, %get3A_45] : memref<128x256xf32, #tpu.memory_space<vmem>>, vector<128x256xf32>
    %dot_general3A = arith.constant dense<0.000000e+00> : vector<10000x256xf32>
    %dot_general3A_47 = tpu.matmul %get3A_43, %get3A_46, %dot_general3A {dimension_numbers = #tpu.dot_dimension_numbers<[1], [0], [0], [1], [0, 0, 1, 1], [], []>, transpose_lhs_hint = false} : vector<10000x128xf32>, vector<128x256xf32>, vector<10000x256xf32> -> vector<10000x256xf32>
    %get3A_48 = arith.constant 0 : index
    %get3A_49 = arith.constant 0 : index
    %get3A_50 = vector.load %arg5[%get3A_48, %get3A_49] : memref<32x256xf32, #tpu.memory_space<vmem>>, vector<32x256xf32>
    %dot_general3A_51 = arith.constant dense<0.000000e+00> : vector<10000x256xf32>
    %dot_general3A_52 = tpu.matmul %div3A_40, %get3A_50, %dot_general3A_51 {dimension_numbers = #tpu.dot_dimension_numbers<[1], [0], [0], [1], [0, 0, 1, 1], [], []>, transpose_lhs_hint = false} : vector<10000x32xf32>, vector<32x256xf32>, vector<10000x256xf32> -> vector<10000x256xf32>
    %add3A_53 = arith.addf %dot_general3A_47, %dot_general3A_52 : vector<10000x256xf32>
    %get3A_54 = arith.constant 0 : index
    %get3A_55 = vector.load %arg6[%get3A_54] : memref<256xf32, #tpu.memory_space<vmem>>, vector<256xf32>
    %broadcast_in_dim3A_56 = vector.shape_cast %get3A_55 : vector<256xf32> to vector<1x256xf32>
    %add3A_57 = vector.broadcast %broadcast_in_dim3A_56 : vector<1x256xf32> to vector<10000x256xf32>
    %add3A_58 = arith.addf %add3A_53, %add3A_57 : vector<10000x256xf32>
    %gt3A = arith.constant 0.000000e+00 : f32
    %gt3A_59 = vector.broadcast %gt3A : f32 to vector<10000x256xf32>
    %gt3A_60 = arith.cmpf ogt, %add3A_58, %gt3A_59 : vector<10000x256xf32>
    %min3A = arith.constant 0.000000e+00 : f32
    %min3A_61 = vector.broadcast %min3A : f32 to vector<10000x256xf32>
    %min3A_62 = arith.minimumf %add3A_58, %min3A_61 : vector<10000x256xf32>
    %exp3A = math.exp %min3A_62 : vector<10000x256xf32>
    %sub3A_63 = arith.constant 1.000000e+00 : f32
    %sub3A_64 = vector.broadcast %sub3A_63 : f32 to vector<10000x256xf32>
    %sub3A_65 = arith.subf %exp3A, %sub3A_64 : vector<10000x256xf32>
    %select_n3A = arith.select %gt3A_60, %add3A_58, %sub3A_65 : vector<10000x256xi1>, vector<10000x256xf32>
    %get3A_66 = arith.constant 0 : index
    %get3A_67 = arith.constant 0 : index
    %get3A_68 = vector.load %arg7[%get3A_66, %get3A_67] : memref<256x128xf32, #tpu.memory_space<vmem>>, vector<256x128xf32>
    %dot_general3A_69 = arith.constant dense<0.000000e+00> : vector<10000x128xf32>
    %dot_general3A_70 = tpu.matmul %select_n3A, %get3A_68, %dot_general3A_69 {dimension_numbers = #tpu.dot_dimension_numbers<[1], [0], [0], [1], [0, 0, 1, 1], [], []>, transpose_lhs_hint = false} : vector<10000x256xf32>, vector<256x128xf32>, vector<10000x128xf32> -> vector<10000x128xf32>
    %get3A_71 = arith.constant 0 : index
    %get3A_72 = vector.load %arg8[%get3A_71] : memref<128xf32, #tpu.memory_space<vmem>>, vector<128xf32>
    %broadcast_in_dim3A_73 = vector.shape_cast %get3A_72 : vector<128xf32> to vector<1x128xf32>
    %add3A_74 = vector.broadcast %broadcast_in_dim3A_73 : vector<1x128xf32> to vector<10000x128xf32>
    %add3A_75 = arith.addf %dot_general3A_70, %add3A_74 : vector<10000x128xf32>
    %gt3A_76 = arith.constant 0.000000e+00 : f32
    %gt3A_77 = vector.broadcast %gt3A_76 : f32 to vector<10000x128xf32>
    %gt3A_78 = arith.cmpf ogt, %add3A_75, %gt3A_77 : vector<10000x128xf32>
    %min3A_79 = arith.constant 0.000000e+00 : f32
    %min3A_80 = vector.broadcast %min3A_79 : f32 to vector<10000x128xf32>
    %min3A_81 = arith.minimumf %add3A_75, %min3A_80 : vector<10000x128xf32>
    %exp3A_82 = math.exp %min3A_81 : vector<10000x128xf32>
    %sub3A_83 = arith.constant 1.000000e+00 : f32
    %sub3A_84 = vector.broadcast %sub3A_83 : f32 to vector<10000x128xf32>
    %sub3A_85 = arith.subf %exp3A_82, %sub3A_84 : vector<10000x128xf32>
    %select_n3A_86 = arith.select %gt3A_78, %add3A_75, %sub3A_85 : vector<10000x128xi1>, vector<10000x128xf32>
    %reduce_sum3A = arith.constant dense<0.000000e+00> : vector<128xf32>
    %reduce_sum3A_87 = vector.multi_reduction <add>, %select_n3A_86, %reduce_sum3A [0] : vector<10000x128xf32> to vector<128xf32>
    %div3A_88 = arith.constant 1.000000e+04 : f32
    %div3A_89 = vector.broadcast %div3A_88 : f32 to vector<128xf32>
    %div3A_90 = arith.divf %reduce_sum3A_87, %div3A_89 : vector<128xf32>
    %mul3A_91 = arith.mulf %select_n3A_86, %select_n3A_86 : vector<10000x128xf32>
    %reduce_sum3A_92 = arith.constant dense<0.000000e+00> : vector<128xf32>
    %reduce_sum3A_93 = vector.multi_reduction <add>, %mul3A_91, %reduce_sum3A_92 [0] : vector<10000x128xf32> to vector<128xf32>
    %div3A_94 = arith.constant 1.000000e+04 : f32
    %div3A_95 = vector.broadcast %div3A_94 : f32 to vector<128xf32>
    %div3A_96 = arith.divf %reduce_sum3A_93, %div3A_95 : vector<128xf32>
    %mul3A_97 = arith.mulf %div3A_90, %div3A_90 : vector<128xf32>
    %sub3A_98 = arith.subf %div3A_96, %mul3A_97 : vector<128xf32>
    %broadcast_in_dim3A_99 = vector.shape_cast %div3A_90 : vector<128xf32> to vector<1x128xf32>
    %sub3A_100 = vector.broadcast %broadcast_in_dim3A_99 : vector<1x128xf32> to vector<10000x128xf32>
    %sub3A_101 = arith.subf %select_n3A_86, %sub3A_100 : vector<10000x128xf32>
    %add3A_102 = arith.constant 9.99999974E-6 : f32
    %add3A_103 = vector.broadcast %add3A_102 : f32 to vector<128xf32>
    %add3A_104 = arith.addf %sub3A_98, %add3A_103 : vector<128xf32>
    %sqrt3A_105 = math.sqrt %add3A_104 : vector<128xf32>
    %broadcast_in_dim3A_106 = vector.shape_cast %sqrt3A_105 : vector<128xf32> to vector<1x128xf32>
    %div3A_107 = vector.broadcast %broadcast_in_dim3A_106 : vector<1x128xf32> to vector<10000x128xf32>
    %div3A_108 = arith.divf %sub3A_101, %div3A_107 : vector<10000x128xf32>
    %get3A_109 = arith.constant 0 : index
    %get3A_110 = arith.constant 0 : index
    %get3A_111 = vector.load %arg0[%get3A_109, %get3A_110] : memref<10000x128xf32, #tpu.memory_space<vmem>>, vector<10000x128xf32>
    %add3A_112 = arith.addf %div3A_108, %get3A_111 : vector<10000x128xf32>
    %get3A_113 = arith.constant 0 : index
    %get3A_114 = arith.constant 0 : index
    %get3A_115 = vector.load %arg9[%get3A_113, %get3A_114] : memref<128x128xf32, #tpu.memory_space<vmem>>, vector<128x128xf32>
    %dot_general3A_116 = arith.constant dense<0.000000e+00> : vector<10000x128xf32>
    %dot_general3A_117 = tpu.matmul %add3A_112, %get3A_115, %dot_general3A_116 {dimension_numbers = #tpu.dot_dimension_numbers<[1], [0], [0], [1], [0, 0, 1, 1], [], []>, transpose_lhs_hint = false} : vector<10000x128xf32>, vector<128x128xf32>, vector<10000x128xf32> -> vector<10000x128xf32>
    %get3A_118 = arith.constant 0 : index
    %get3A_119 = vector.load %arg10[%get3A_118] : memref<128xf32, #tpu.memory_space<vmem>>, vector<128xf32>
    %broadcast_in_dim3A_120 = vector.shape_cast %get3A_119 : vector<128xf32> to vector<1x128xf32>
    %add3A_121 = vector.broadcast %broadcast_in_dim3A_120 : vector<1x128xf32> to vector<10000x128xf32>
    %add3A_122 = arith.addf %dot_general3A_117, %add3A_121 : vector<10000x128xf32>
    %tanh3A = math.tanh %add3A_122 : vector<10000x128xf32>
    %get3A_123 = arith.constant 0 : index
    %get3A_124 = arith.constant 0 : index
    %get3A_125 = vector.load %arg11[%get3A_123, %get3A_124] : memref<128x8xf32, #tpu.memory_space<vmem>>, vector<128x8xf32>
    %dot_general3A_126 = arith.constant dense<0.000000e+00> : vector<10000x8xf32>
    %dot_general3A_127 = tpu.matmul %tanh3A, %get3A_125, %dot_general3A_126 {dimension_numbers = #tpu.dot_dimension_numbers<[1], [0], [0], [1], [0, 0, 1, 1], [], []>, transpose_lhs_hint = false} : vector<10000x128xf32>, vector<128x8xf32>, vector<10000x8xf32> -> vector<10000x8xf32>
    %get3A_128 = arith.constant 0 : index
    %get3A_129 = vector.load %arg12[%get3A_128] : memref<8xf32, #tpu.memory_space<vmem>>, vector<8xf32>
    %broadcast_in_dim3A_130 = vector.shape_cast %get3A_129 : vector<8xf32> to vector<1x8xf32>
    %add3A_131 = vector.broadcast %broadcast_in_dim3A_130 : vector<1x8xf32> to vector<10000x8xf32>
    %add3A_132 = arith.addf %dot_general3A_127, %add3A_131 : vector<10000x8xf32>
    %swap3A = arith.constant 0 : index
    %swap3A_133 = arith.constant 0 : index
    %swap3A_134 = vector.load %arg13[%swap3A, %swap3A_133] : memref<10000x8xf32, #tpu.memory_space<vmem>>, vector<10000x8xf32>
    tpu.vector_store %arg13[%swap3A, %swap3A_133], %add3A_132 {strides = array<i32>} : memref<10000x8xf32, #tpu.memory_space<vmem>>, vector<10000x8xf32>,
    return
  }
}

module attributes {stable_mosaic.version = 14 : i64} {
  func.func @body(%arg0: i32, %arg1: memref<2000x2xf32, #tpu.memory_space<vmem>>, %arg2: memref<2000x16xf32, #tpu.memory_space<vmem>>, %arg3: memref<2000x16xf32, #tpu.memory_space<vmem>>, %arg4: memref<2000x16xf32, #tpu.memory_space<vmem>>, %arg5: memref<2000x16xf32, #tpu.memory_space<vmem>>, %arg6: memref<8x32xf32, #tpu.memory_space<vmem>>, %arg7: memref<32xf32, #tpu.memory_space<vmem>>, %arg8: memref<32x32xf32, #tpu.memory_space<vmem>>, %arg9: memref<32xf32, #tpu.memory_space<vmem>>, %arg10: memref<2000x32xf32, #tpu.memory_space<vmem>>, %arg11: memref<8x128xf32, #tpu.memory_space<vmem>>) attributes {dimension_semantics = [#tpu.dimension_semantics<arbitrary>], iteration_bounds = array<i64: 160>, scalar_prefetch = 0 : i64, scratch_operands = 0 : i64, tpu.core_type = #tpu.core_type<tc>, window_params = [{transform_indices = @transform_0, window_bounds = array<i64: 2000, 2>}, {transform_indices = @transform_1, window_bounds = array<i64: 2000, 16>}, {transform_indices = @transform_2, window_bounds = array<i64: 2000, 16>}, {transform_indices = @transform_3, window_bounds = array<i64: 2000, 16>}, {transform_indices = @transform_4, window_bounds = array<i64: 2000, 16>}, {pipeline_mode = #tpu.pipeline_mode<synchronous>, transform_indices = @transform_5, window_bounds = array<i64: 8, 32>}, {pipeline_mode = #tpu.pipeline_mode<synchronous>, transform_indices = @transform_6, window_bounds = array<i64: 32>}, {pipeline_mode = #tpu.pipeline_mode<synchronous>, transform_indices = @transform_7, window_bounds = array<i64: 32, 32>}, {pipeline_mode = #tpu.pipeline_mode<synchronous>, transform_indices = @transform_8, window_bounds = array<i64: 32>}, {transform_indices = @transform_9, window_bounds = array<i64: 2000, 32>}, {pipeline_mode = #tpu.pipeline_mode<synchronous>, transform_indices = @transform_10, window_bounds = array<i64: 8, 128>}]} {
    %get3A = arith.constant 0 : index
    %get3A_0 = arith.constant 0 : index
    %get3A_1 = vector.load %arg2[%get3A, %get3A_0] : memref<2000x16xf32, #tpu.memory_space<vmem>>, vector<2000x16xf32>
    %get3A_2 = arith.constant 0 : index
    %get3A_3 = arith.constant 0 : index
    %get3A_4 = vector.load %arg3[%get3A_2, %get3A_3] : memref<2000x16xf32, #tpu.memory_space<vmem>>, vector<2000x16xf32>
    %sub3A = arith.subf %get3A_1, %get3A_4 : vector<2000x16xf32>
    %abs3A = math.absf %sub3A : vector<2000x16xf32>
    %get3A_5 = arith.constant 0 : index
    %get3A_6 = arith.constant 0 : index
    %get3A_7 = vector.load %arg4[%get3A_5, %get3A_6] : memref<2000x16xf32, #tpu.memory_space<vmem>>, vector<2000x16xf32>
    %get3A_8 = arith.constant 0 : index
    %get3A_9 = arith.constant 0 : index
    %get3A_10 = vector.load %arg5[%get3A_8, %get3A_9] : memref<2000x16xf32, #tpu.memory_space<vmem>>, vector<2000x16xf32>
    %sub3A_11 = arith.subf %get3A_7, %get3A_10 : vector<2000x16xf32>
    %abs3A_12 = math.absf %sub3A_11 : vector<2000x16xf32>
    %get3A_13 = arith.constant 0 : index
    %get3A_14 = arith.constant 0 : index
    %get3A_15 = vector.load %arg1[%get3A_13, %get3A_14] : memref<2000x2xf32, #tpu.memory_space<vmem>>, vector<2000x2xf32>
    %slice3A = vector.extract_strided_slice %abs3A {offsets = [0, 0], sizes = [2000, 2], strides = [1, 1]} : vector<2000x16xf32> to vector<2000x2xf32>
    %slice3A_16 = vector.extract_strided_slice %abs3A_12 {offsets = [0, 0], sizes = [2000, 4], strides = [1, 1]} : vector<2000x16xf32> to vector<2000x4xf32>
    %concatenate3A = tpu.concatenate %get3A_15, %slice3A, %slice3A_16 in 1 : vector<2000x2xf32>, vector<2000x2xf32>, vector<2000x4xf32> -> vector<2000x8xf32>
    %get3A_17 = arith.constant 0 : index
    %get3A_18 = arith.constant 0 : index
    %get3A_19 = vector.load %arg6[%get3A_17, %get3A_18] : memref<8x32xf32, #tpu.memory_space<vmem>>, vector<8x32xf32>
    %dot_general3A = arith.constant dense<0.000000e+00> : vector<2000x32xf32>
    %dot_general3A_20 = tpu.matmul %concatenate3A, %get3A_19, %dot_general3A {dimension_numbers = #tpu.dot_dimension_numbers<[1], [0], [0], [1], [0, 0, 1, 1], [], []>, transpose_lhs_hint = false} : vector<2000x8xf32>, vector<8x32xf32>, vector<2000x32xf32> -> vector<2000x32xf32>
    %get3A_21 = arith.constant 0 : index
    %get3A_22 = vector.load %arg7[%get3A_21] : memref<32xf32, #tpu.memory_space<vmem>>, vector<32xf32>
    %broadcast_in_dim3A = vector.shape_cast %get3A_22 : vector<32xf32> to vector<1x32xf32>
    %add3A = vector.broadcast %broadcast_in_dim3A : vector<1x32xf32> to vector<2000x32xf32>
    %add3A_23 = arith.addf %dot_general3A_20, %add3A : vector<2000x32xf32>
    %gt3A = arith.constant 0.000000e+00 : f32
    %gt3A_24 = vector.broadcast %gt3A : f32 to vector<2000x32xf32>
    %gt3A_25 = arith.cmpf ogt, %add3A_23, %gt3A_24 : vector<2000x32xf32>
    %min3A = arith.constant 0.000000e+00 : f32
    %min3A_26 = vector.broadcast %min3A : f32 to vector<2000x32xf32>
    %min3A_27 = arith.minimumf %add3A_23, %min3A_26 : vector<2000x32xf32>
    %exp3A = math.exp %min3A_27 : vector<2000x32xf32>
    %sub3A_28 = arith.constant 1.000000e+00 : f32
    %sub3A_29 = vector.broadcast %sub3A_28 : f32 to vector<2000x32xf32>
    %sub3A_30 = arith.subf %exp3A, %sub3A_29 : vector<2000x32xf32>
    %select_n3A = arith.select %gt3A_25, %add3A_23, %sub3A_30 : vector<2000x32xi1>, vector<2000x32xf32>
    %get3A_31 = arith.constant 0 : index
    %get3A_32 = arith.constant 0 : index
    %get3A_33 = vector.load %arg8[%get3A_31, %get3A_32] : memref<32x32xf32, #tpu.memory_space<vmem>>, vector<32x32xf32>
    %dot_general3A_34 = arith.constant dense<0.000000e+00> : vector<2000x32xf32>
    %dot_general3A_35 = tpu.matmul %select_n3A, %get3A_33, %dot_general3A_34 {dimension_numbers = #tpu.dot_dimension_numbers<[1], [0], [0], [1], [0, 0, 1, 1], [], []>, transpose_lhs_hint = false} : vector<2000x32xf32>, vector<32x32xf32>, vector<2000x32xf32> -> vector<2000x32xf32>
    %get3A_36 = arith.constant 0 : index
    %get3A_37 = vector.load %arg9[%get3A_36] : memref<32xf32, #tpu.memory_space<vmem>>, vector<32xf32>
    %broadcast_in_dim3A_38 = vector.shape_cast %get3A_37 : vector<32xf32> to vector<1x32xf32>
    %add3A_39 = vector.broadcast %broadcast_in_dim3A_38 : vector<1x32xf32> to vector<2000x32xf32>
    %add3A_40 = arith.addf %dot_general3A_35, %add3A_39 : vector<2000x32xf32>
    %gt3A_41 = arith.constant 0.000000e+00 : f32
    %gt3A_42 = vector.broadcast %gt3A_41 : f32 to vector<2000x32xf32>
    %gt3A_43 = arith.cmpf ogt, %add3A_40, %gt3A_42 : vector<2000x32xf32>
    %min3A_44 = arith.constant 0.000000e+00 : f32
    %min3A_45 = vector.broadcast %min3A_44 : f32 to vector<2000x32xf32>
    %min3A_46 = arith.minimumf %add3A_40, %min3A_45 : vector<2000x32xf32>
    %exp3A_47 = math.exp %min3A_46 : vector<2000x32xf32>
    %sub3A_48 = arith.constant 1.000000e+00 : f32
    %sub3A_49 = vector.broadcast %sub3A_48 : f32 to vector<2000x32xf32>
    %sub3A_50 = arith.subf %exp3A_47, %sub3A_49 : vector<2000x32xf32>
    %select_n3A_51 = arith.select %gt3A_43, %add3A_40, %sub3A_50 : vector<2000x32xi1>, vector<2000x32xf32>
    %swap3A = arith.constant 0 : index
    %swap3A_52 = arith.constant 0 : index
    %swap3A_53 = vector.load %arg10[%swap3A, %swap3A_52] : memref<2000x32xf32, #tpu.memory_space<vmem>>, vector<2000x32xf32>
    tpu.vector_store %arg10[%swap3A, %swap3A_52], %select_n3A_51 {strides = array<i32>} : memref<2000x32xf32, #tpu.memory_space<vmem>>, vector<2000x32xf32>,
    %eq3A = arith.constant 0 : i32
    %eq3A_54 = arith.cmpi eq, %arg0, %eq3A : i32
    %convert_element_type3A = arith.extui %eq3A_54 : i1 to i32
    %cond3A = arith.constant 0 : i32
    %cond3A_55 = arith.cmpi ne, %convert_element_type3A, %cond3A : i32
    scf.if %cond3A_55 {
      %broadcast_in_dim3A_75 = arith.constant 0.000000e+00 : f32
      %broadcast_in_dim3A_76 = vector.broadcast %broadcast_in_dim3A_75 : f32 to vector<8x128xf32>
      %swap3A_77 = arith.constant 0 : index
      %swap3A_78 = arith.constant 0 : index
      %swap3A_79 = vector.load %arg11[%swap3A_77, %swap3A_78] : memref<8x128xf32, #tpu.memory_space<vmem>>, vector<8x128xf32>
      tpu.vector_store %arg11[%swap3A_77, %swap3A_78], %broadcast_in_dim3A_76 {strides = array<i32>} : memref<8x128xf32, #tpu.memory_space<vmem>>, vector<8x128xf32>,
    } else {
    }
    %get3A_56 = arith.constant 0 : index
    %get3A_57 = arith.constant 0 : index
    %get3A_58 = vector.load %arg11[%get3A_56, %get3A_57] : memref<8x128xf32, #tpu.memory_space<vmem>>, vector<8x128xf32>
    %reduce_sum3A = arith.constant dense<0.000000e+00> : vector<32xf32>
    %reduce_sum3A_59 = vector.multi_reduction <add>, %select_n3A_51, %reduce_sum3A [0] : vector<2000x32xf32> to vector<32xf32>
    %mul3A = arith.mulf %select_n3A_51, %select_n3A_51 : vector<2000x32xf32>
    %reduce_sum3A_60 = arith.constant dense<0.000000e+00> : vector<32xf32>
    %reduce_sum3A_61 = vector.multi_reduction <add>, %mul3A, %reduce_sum3A_60 [0] : vector<2000x32xf32> to vector<32xf32>
    %broadcast_in_dim3A_62 = arith.constant 0.000000e+00 : f32
    %broadcast_in_dim3A_63 = vector.broadcast %broadcast_in_dim3A_62 : f32 to vector<96xf32>
    %concatenate3A_64 = tpu.concatenate %reduce_sum3A_59, %broadcast_in_dim3A_63 in 0 : vector<32xf32>, vector<96xf32> -> vector<128xf32>
    %broadcast_in_dim3A_65 = vector.shape_cast %concatenate3A_64 : vector<128xf32> to vector<1x128xf32>
    %concatenate3A_66 = tpu.concatenate %reduce_sum3A_61, %broadcast_in_dim3A_63 in 0 : vector<32xf32>, vector<96xf32> -> vector<128xf32>
    %broadcast_in_dim3A_67 = vector.shape_cast %concatenate3A_66 : vector<128xf32> to vector<1x128xf32>
    %broadcast_in_dim3A_68 = arith.constant 0.000000e+00 : f32
    %broadcast_in_dim3A_69 = vector.broadcast %broadcast_in_dim3A_68 : f32 to vector<6x128xf32>
    %concatenate3A_70 = tpu.concatenate %broadcast_in_dim3A_65, %broadcast_in_dim3A_67, %broadcast_in_dim3A_69 in 0 : vector<1x128xf32>, vector<1x128xf32>, vector<6x128xf32> -> vector<8x128xf32>
    %add3A_71 = arith.addf %get3A_58, %concatenate3A_70 : vector<8x128xf32>
    %swap3A_72 = arith.constant 0 : index
    %swap3A_73 = arith.constant 0 : index
    %swap3A_74 = vector.load %arg11[%swap3A_72, %swap3A_73] : memref<8x128xf32, #tpu.memory_space<vmem>>, vector<8x128xf32>
    tpu.vector_store %arg11[%swap3A_72, %swap3A_73], %add3A_71 {strides = array<i32>} : memref<8x128xf32, #tpu.memory_space<vmem>>, vector<8x128xf32>,
    return
  }
  func.func @transform_0(%arg0: i32) -> (i32, i32) {
    %c0_i32 = arith.constant 0 : i32
    %c0_i32_0 = arith.constant 0 : i32
    return %arg0, %c0_i32 : i32, i32
  }
  func.func @transform_1(%arg0: i32) -> (i32, i32) {
    %c0_i32 = arith.constant 0 : i32
    %c0_i32_0 = arith.constant 0 : i32
    return %arg0, %c0_i32 : i32, i32
  }
  func.func @transform_2(%arg0: i32) -> (i32, i32) {
    %c0_i32 = arith.constant 0 : i32
    %c0_i32_0 = arith.constant 0 : i32
    return %arg0, %c0_i32 : i32, i32
  }
  func.func @transform_3(%arg0: i32) -> (i32, i32) {
    %c0_i32 = arith.constant 0 : i32
    %c0_i32_0 = arith.constant 0 : i32
    return %arg0, %c0_i32 : i32, i32
  }
  func.func @transform_4(%arg0: i32) -> (i32, i32) {
    %c0_i32 = arith.constant 0 : i32
    %c0_i32_0 = arith.constant 0 : i32
    return %arg0, %c0_i32 : i32, i32
  }
  func.func @transform_5(%arg0: i32) -> (i32, i32) {
    %c0_i32 = arith.constant 0 : i32
    %c0_i32_0 = arith.constant 0 : i32
    %c0_i32_1 = arith.constant 0 : i32
    return %c0_i32, %c0_i32_0 : i32, i32
  }
  func.func @transform_6(%arg0: i32) -> i32 {
    %c0_i32 = arith.constant 0 : i32
    %c0_i32_0 = arith.constant 0 : i32
    return %c0_i32 : i32
  }
  func.func @transform_7(%arg0: i32) -> (i32, i32) {
    %c0_i32 = arith.constant 0 : i32
    %c0_i32_0 = arith.constant 0 : i32
    %c0_i32_1 = arith.constant 0 : i32
    return %c0_i32, %c0_i32_0 : i32, i32
  }
  func.func @transform_8(%arg0: i32) -> i32 {
    %c0_i32 = arith.constant 0 : i32
    %c0_i32_0 = arith.constant 0 : i32
    return %c0_i32 : i32
  }
  func.func @transform_9(%arg0: i32) -> (i32, i32) {
    %c0_i32 = arith.constant 0 : i32
    %c0_i32_0 = arith.constant 0 : i32
    return %arg0, %c0_i32 : i32, i32
  }
  func.func @transform_10(%arg0: i32) -> (i32, i32) {
    %c0_i32 = arith.constant 0 : i32
    %c0_i32_0 = arith.constant 0 : i32
    %c0_i32_1 = arith.constant 0 : i32
    return %c0_i32, %c0_i32_0 : i32, i32
  }
}

</mosaic_0001>

<sc_bundles>
// kernel: kernel.25.cloned.1.call-start
scs
__scs_entry_jumppad:
0x0: {  	(pc) =	sbr.rel $0x88, $3  }
0x1: {  	(tag) =	ssettag $0x0;
	lr =	simm.s32 $0x1  }
0x2: {  	[smem:$0x3F8A] =	sst lr;
	_ =	strace $0xD0000000  }
0x3: {  	_ = 	snop  }
0x4: {  	_ = 	snop  }
0x5: {  	_ = 	snop  }
0x6: {  	_ = 	snop  }
0x7: {  	_ = 	snop  }
__scs_overlays_trampoline_lowered:
0x8: {  	[smem:$0x3F99] =	sst s0  }
0x9: {  	[smem:$0x3F9A] =	sst s1  }
0xa: {  	[smem:$0x3F9B] =	sst s2  }
0xb: {  	[smem:$0x3F9C] =	sst s3  }
0xc: {  	[smem:$0x3F9D] =	sst s4  }
0xd: {  	[smem:$0x3F9E] =	sst s5  }
0xe: {  	[smem:$0x3F9F] =	sst s6  }
0xf: {  	[smem:$0x3FA0] =	sst s7  }
0x10: {  	[smem:$0x3FA1] =	sst s8  }
0x11: {  	[smem:$0x3FA2] =	sst s9;
	s0 =	simm.s32 @!p0 $0x0  }
0x12: {  	s1 =	sld [smem:$0x3F88];
	s0 =	simm.s32 @p0 $0x1  }
0x13: {  	[smem:$0x3FA3] =	sst s0;
	s0 =	simm.s32 @!p1 $0x0  }
0x14: {  	s2 =	sld [smem:$0x3F87];
	s0 =	simm.s32 @p1 $0x1  }
0x15: {  	[smem:$0x3FA4] =	sst s0;
	s0 =	simm.s32 @!p2 $0x0  }
0x16: {  	s3 =	sld [smem:$0x3FDB];
	s0 =	simm.s32 @p2 $0x1  }
0x17: {  	s4 =	simm.s32 $0x1BF5;
	[smem:$0x3FA6] =	sst s0  }
0x18: {  	s0 =	sld [smem:$0x3F89];
	_ =	swait.ge [sflag:s4], $0x0  }
0x19: {  	s7 =	sld [smem:$0x3F8A]  }
0x1a: {  	s8 =	sadd.s32 $0xFFFFE003, lr  }
0x1b: {  	s9 =	sadd.s32 $0xFFFFFEF7, lr;
	s5 =	simm.s32 $0xFFFFFFFF;
	p2 =	slt.u32 s8, $0xFFFFF086  }
0x1c: {  	p1 =	slt.u32 s9, $0xF7A;
	s5 =	simm.s32 @!p2 $0x0  }
0x1d: {  	s5 =	simm.s32 @p1 $0x1;
	p0 =	seq.s32 s7, s2  }
0x1e: {  	s7 =	smul.u32 @!p0 $0xF7A, s2;
	p2 =	seq.s32 @!p0 s5, $0x0  }
0x1f: {  	s9 =	smul.u32 $0xF7A, s1;
	s8 =	simm.s32 @!p0 $0x1BF5;
	p2 =	por !p2, p0  }
0x20: {  	[sflag:s8] =	ssyncset.s32 @!p0 $0xFFFFF086;
	s6 =	sadd.s32 @!p0 s3, s7;
	s7 =	simm.s32 @!p0 $0x108  }
0x21: {  	s3 =	sadd.s32 s3, s9;
	s6 =	sadd.s32 @!p0 $0x88, s6;
	s7 =	simm.s32 @p2 $0x1082  }
0x22: {  	[simem:s7], [sflag:s8] =	dma.local @!p0 [hbm:s6], $0xF7A  }
0x23: {  	s9 =	sor.u32 $0xD0000000, s2;
	s6 =	simm.s32 $0x108;
	_ =	swait.ge @!p0 [sflag:s8], $0x0  }
0x24: {  	s3 =	sadd.s32 $0x88, s3;
	s6 =	simm.s32 @!p1 $0x1082;
	[sflag:s4] =	ssyncset.s32 $0xFFFFF086  }
0x25: {  	[simem:s6], [sflag:s4] =	dma.local [hbm:s3], $0xF7A  }
0x26: {  	[smem:$0x3F8A] =	sst s1;
	(tag) =	ssettag s2;
	_ =	strace s9  }
0x27: {  	s1 =	sld [smem:$0x3F9A]  }
0x28: {  	s2 =	sld [smem:$0x3F9B]  }
0x29: {  	s4 =	sld [smem:$0x3F9D]  }
0x2a: {  	p0 =	seq.s32 s5, $0x0;
	s5 =	sld [smem:$0x3F9E]  }
0x2b: {  	s6 =	sld [smem:$0x3F9F]  }
0x2c: {  	s7 =	sld [smem:$0x3FA0]  }
0x2d: {  	s3 =	simm.s32 $0x108;
	s8 =	sld [smem:$0x3FA1]  }
0x2e: {  	s3 =	simm.s32 @!p0 $0x1082;
	s9 =	sld [smem:$0x3FA2]  }
0x2f: {  	lr =	sadd.s32 s0, s3;
	s0 =	sld [smem:$0x3F99]  }
0x30: {  	s3 =	sld [smem:$0x3F9C]  }
0x31: {  	[smem:$0x3FA5] =	sst s10  }
0x32: {  	s10 =	sld [smem:$0x3FA3];
	_ =	sdelay $0x3  }
0x33: {  	p0 =	seq.s32 s10, $0x1;
	s10 =	sld [smem:$0x3FA5];
	_ =	sdelay $0x3  }
0x34: {  	[smem:$0x3FA5] =	sst s10  }
0x35: {  	s10 =	sld [smem:$0x3FA4];
	_ =	sdelay $0x3  }
0x36: {  	p1 =	seq.s32 s10, $0x1;
	s10 =	sld [smem:$0x3FA5];
	_ =	sdelay $0x3  }
0x37: {  	[smem:$0x3FA5] =	sst s10  }
0x38: {  	s10 =	sld [smem:$0x3FA6]  }
0x39: {  	_ = 	snop;
	(pc) =	sbr.ind lr, $3  }
0x3a: {  	_ = 	snop  }
0x3b: {  	_ = 	snop  }
0x3c: {  	p2 =	seq.s32 s10, $0x1;
	s10 =	sld [smem:$0x3FA5]  }
0x3d: {  	_ =	shalt  }
0x3e: {  	_ =	shalt  }
0x3f: {  	_ =	shalt  }
0x40: {  	_ =	shalt  }
0x41: {  	_ =	shalt  }
0x42: {  	_ =	shalt  }
0x43: {  	_ =	shalt  }
0x44: {  	_ =	shalt  }
0x45: {  	_ =	shalt  }
0x46: {  	_ =	shalt  }
0x47: {  	_ =	shalt  }
0x48: {  	_ =	shalt  }
0x49: {  	_ =	shalt  }
0x4a: {  	_ =	shalt  }
0x4b: {  	_ =	shalt  }
0x4c: {  	_ =	shalt  }
0x4d: {  	_ =	shalt  }
0x4e: {  	_ =	shalt  }
0x4f: {  	_ =	shalt  }
0x50: {  	_ =	shalt  }
0x51: {  	_ =	shalt  }
0x52: {  	_ =	shalt  }
0x53: {  	_ =	shalt  }
0x54: {  	_ =	shalt  }
0x55: {  	_ =	shalt  }
0x56: {  	_ =	shalt  }
0x57: {  	_ =	shalt  }
0x58: {  	_ =	shalt  }
0x59: {  	_ =	shalt  }
0x5a: {  	_ =	shalt  }
0x5b: {  	_ =	shalt  }
0x5c: {  	_ =	shalt  }
0x5d: {  	_ =	shalt  }
0x5e: {  	_ =	shalt  }
0x5f: {  	_ =	shalt  }
0x60: {  	_ =	shalt  }
0x61: {  	_ =	shalt  }
0x62: {  	_ =	shalt  }
0x63: {  	_ =	shalt  }
0x64: {  	_ =	shalt  }
0x65: {  	_ =	shalt  }
0x66: {  	_ =	shalt  }
0x67: {  	_ =	shalt  }
0x68: {  	_ =	shalt  }
0x69: {  	_ =	shalt  }
0x6a: {  	_ =	shalt  }
0x6b: {  	_ =	shalt  }
0x6c: {  	_ =	shalt  }
0x6d: {  	_ =	shalt  }
0x6e: {  	_ =	shalt  }
0x6f: {  	_ =	shalt  }
0x70: {  	_ =	shalt  }
0x71: {  	_ =	shalt  }
0x72: {  	_ =	shalt  }
0x73: {  	_ =	shalt  }
0x74: {  	_ =	shalt  }
0x75: {  	_ =	shalt  }
0x76: {  	_ =	shalt  }
0x77: {  	_ =	shalt  }
0x78: {  	_ =	shalt  }
0x79: {  	_ =	shalt  }
0x7a: {  	_ =	shalt  }
0x7b: {  	_ =	shalt  }
0x7c: {  	_ =	shalt  }
0x7d: {  	_ =	shalt  }
0x7e: {  	_ =	shalt  }
0x7f: {  	_ =	shalt  }
0x80: {  	_ =	shalt  }
0x81: {  	_ =	shalt  }
0x82: {  	_ =	shalt  }
0x83: {  	_ =	shalt  }
0x84: {  	_ =	shalt  }
0x85: {  	_ =	shalt  }
0x86: {  	_ =	shalt  }
0x87: {  	_ =	shalt  }
.Lfunc_end0:
.L_simem_size_0:
called_computation_lowered:
.L_overlay_start_0:
0x88: {  	s2 =	sld [smem:$0x3FD9]  }
0x89: {  	s3 =	sld [smem:$0x3FFE];
	_ =	sdelay $0x1  }
0x8a: {  	s1 =	srdreg.scid  }
0x8b: {  	s0 =	sand.u32 $0x1, s1  }
0x8c: {  	s17 =	sshll.u32 s0, $0xA;
	s2 =	sadd.s32 s3, s2  }
0x8d: {  	s2 =	sadd.s32 s2, s17  }
0x8e: {  	[smem:$0x3FB1] =	sst s2  }
0x8f: {  	_ = 	snop  }
0x90: {  	(tm) =	ssettm $0x1  }
0x91: {  	s18 =	sld [smem:$0x3FFB];
	_ =	sdelay $0x3  }
0x92: {  	_ =	strace s18  }
0x93: {  	s2 =	sld [smem:$0x3FFC];
	_ =	sdelay $0x3  }
0x94: {  	_ =	strace s2  }
0x95: {  	s2 =	sld [smem:$0x3FFD];
	_ =	sdelay $0x3  }
0x96: {  	_ =	strace s2  }
0x97: {  	_ =	strace $0x8FFFFFFF  }
0x98: {  	s19 =	sld [smem:$0x3FDB];
	_ =	sdelay $0x1  }
0x99: {  	s20 =	simm.s32 $_scs_section_size  }
0x9a: {  	s4 =	simm.s32 $_size__tile_overlayer_lowered;
	s5 =	simm.s32 $_tile_overlayer_lowered  }
0x9b: {  	s6 =	simm.s32 $0x1BFF;
	s21 =	sshll.u32 s5, $0x1;
	s3 =	sadd.s32 s20, s19  }
0x9c: {  	s22 =	simm.s32 $0x0;
	s4 =	sshll.u32 s4, $0x1;
	s5 =	sadd.s32 s21, s3  }
0x9d: {  	[timem:s22], [sflag:s6] =	dma.local [hbm:s5], s4  }
0x9e: {  	_ =	swait.ge [sflag:s6], s4  }
0x9f: {  	s4 =	ssub.s32 $0x0, s4;
	[sflag:s6] =	ssyncset.done $0x0  }
0xa0: {  	[sflag:s6] =	ssyncadd.s32 s4;
	_ =	sdelay $0x1  }
0xa1: {  	s23 =	simm.s32 $0x1B8B  }
0xa2: {  	_ =	swait.ge [sflag:s23], $0x1  }
0xa3: {  	[sflag:s23] =	ssyncset.done $0x0  }
0xa4: {  	[sflag:s23] =	ssyncadd.s32 $0xFFFFFFFF  }
0xa5: {  	s4 =	sld [smem:$0x0]  }
0xa6: {  	s5 =	sand.u32 $0xFFFFFFFE, s1  }
0xa7: {  	p0 =	sne.s32 s1, s5  }
0xa8: {  	s5 =	sshll.u32 @p0 s5, $0xE  }
0xa9: {  	s5 =	sadd.s32 @p0 $0x11B8D, s5;
	s6 =	sshll.u32 @p0 s4, $0x11  }
0xaa: {  	s5 =	sor.u32 @p0 s6, s5  }
0xab: {  	[sflag:s5] =	ssyncadd.remote.s32 @p0 $0x1;
	_ =	sdelay $0x1  }
0xac: {  	s5 =	simm.s32 @p0 $0x1B8D  }
0xad: {  	_ =	swait.eq @p0 [sflag:s5], $0x1  }
0xae: {  	[sflag:s5] =	ssyncadd.s32 @p0 $0xFFFFFFFF  }
0xaf: {  	s6 =	sshll.u32 @!p0 s1, $0xE  }
0xb0: {  	s6 =	sor.u32 @!p0 $0x4000, s6;
	s5 =	simm.s32 @!p0 $0x1B8D  }
0xb1: {  	s4 =	sshll.u32 @!p0 s4, $0x11;
	s6 =	sadd.s32 @!p0 $0x11B8D, s6;
	_ =	swait.eq @!p0 [sflag:s5], $0x1  }
0xb2: {  	s4 =	sor.u32 @!p0 s4, s6;
	[sflag:s5] =	ssyncadd.s32 @!p0 $0xFFFFFFFF  }
0xb3: {  	s25 =	simm.s32 $0x1B8E;
	s24 =	sld [smem:$0x3FFE];
	[sflag:s4] =	ssyncadd.remote.s32 @!p0 $0x1  }
0xb4: {  	s26 =	simm.s32 $execute0_lowered;
	[smem:$0x3FD2] =	sst s25  }
0xb5: {  	s5 =	sshll.u32 s26, $0x1;
	_ =	strace $0x8000004C;
	[dreg:$0x1] =	wrdreg $0xFFFFFFFF  }
0xb6: {  	s28 =	simm.s32 $_size_execute0_lowered;
	s3 =	sadd.s32 s3, s5;
	[dreg:$0x0] =	wrdreg $0x0  }
0xb7: {  	s5 =	sshll.u32 s28, $0x1;
	[dreg:$0x2] =	wrdreg s3  }
0xb8: {  	[dreg:$0x3] =	wrdreg s5  }
0xb9: {  	[dreg:$0x4] =	wrdreg $0xC0  }
0xba: {  	_ =	task [dreg:s22], $0x5FFFF  }
0xbb: {  	[dreg:$0x1] =	wrdreg $0xFFFFFFFF  }
0xbc: {  	[dreg:$0x0] =	wrdreg $0x60  }
0xbd: {  	[dreg:$0x2] =	wrdreg s24  }
0xbe: {  	[dreg:$0x3] =	wrdreg $0x5A00  }
0xbf: {  	[dreg:$0x4] =	wrdreg $0x9  }
0xc0: {  	_ =	task.clear_ibuf [dreg:s22], $0x5FFFF;
	_ =	strace $0x9000004C  }
0xc1: {  	s29 =	simm.s32 $0x9;
	_ =	strace $0x8000004E  }
0xc2: {  	_ =	swait.ge [sflag:s29], $0x1  }
0xc3: {  	[sflag:s29] =	ssyncadd.s32 $0xFFFFFFFF  }
0xc4: {  	_ =	strace $0x9000004E  }
0xc5: {  	_ =	sfence  }
0xc6: {  	s30 =	sld [smem:$0x0];
	_ =	sdelay $0x2  }
0xc7: {  	s31 =	sshll.u32 s1, $0xD;
	s1 =	sshrl.u32 s1, $0x2  }
0xc8: {  	s4 =	sand.u32 $0x4000, s31;
	s1 =	sadd.s32 s1, s30  }
0xc9: {  	s0 =	sor.u32 s4, s0;
	s1 =	sshll.u32 s1, $0x11  }
0xca: {  	s0 =	sor.u32 s1, s0  }
0xcb: {  	s0 =	sadd.s32 $0x8F2B, s0  }
0xcc: {  	[sflag:s0] =	ssyncadd.remote.s32 $0x1  }
0xcd: {  	_ =	sfence.sel $0xFFFF  }
0xce: {  	[dreg:$0x0] =	wrdreg $0xFFFFFFFF;
	(pc) =	sbr.abs _section_cstart, $3  }
0xcf: {  	[dreg:$0x1] =	wrdreg $0xFFFFFFFF  }
0xd0: {  	_ =	task.clear_ibuf [dreg:s22], $0x2FFFF;
	_ =	strace $0x9FFFFFFF  }
0xd1: {  	(tm) =	ssettm $0x7FFFFFFF  }
tec
execute0_lowered:
.L_overlay_start_1:
0x0: {  	(tag) =	ssettag $0x1  }
0x1: {  	s4 =	rddreg [dreg:$0x0]  }
0x2: {  	s1 =	srdreg.scid;
	s0 =	stileid.u32  }
0x3: {  	s2 =	rddreg [dreg:$0x1];
	s3 =	simm.s32 $0x0;
	s12 =	simm.s32 $0x1  }
0x4: {  	s13 =	simm.s32 $0xA0;
	s14 =	simm.s32 $0x50;
	s15 =	simm.s32 $0x0  }
0x5: {  	s5 =	sand.u32 $0x1, s1;
	s6 =	smul.u32 $0x2710, s0;
	s1 =	rddreg [dreg:$0x2]  }
0x6: {  	[smem:$0x7FF] =	sst s3;
	s9 =	sshll.u32 s0, $0x6;
	s7 =	smul.u32 $0x27100, s5  }
0x7: {  	_ =	strace $0x8000004D;
	s5 =	ssub.s32 $0x2, s5;
	s8 =	sshrl.u32 s6, $0x3  }
0x8: {  	s31 =	sshrl.u32 s5, $0x1;
	s11 =	sadd.s32 s6, s2;
	s7 =	sadd.s32 s6, s7  }
0x9: {  	s30 =	sadd.s32 s8, s4;
	s8 =	ssub.s32 s5, s31;
	s6 =	sor.u32 $0x1C01, s9  }
0xa: {  	s11 =	sshrl.u32 s11, $0x3;
	s7 =	sshrl.u32 s7, $0x3;
	s5 =	sadd.s32 $0xD7DE00, s30  }
0xb: {  	s8 =	smax.u32 s8, $0x1;
	s10 =	sadd.s32 s7, s4;
	s4 =	sadd.s32 $0xD82E00, s4  }
0xc: {  	s7 =	sadd.s32 $0xD83000, s10;
	s9 =	sadd.s32 $0x11200, s10;
	s10 =	sadd.s32 $0x1B000, s10  }
.LBB2_1:
0xd: {  	[spmem:s11], [sflag:s6] =	dma.local [hbm:s5], $0x4E2  }
0xe: {  	_ =	swait.ge [sflag:s12], $0x4E2  }
0xf: {  	[sflag:s12] =	ssyncset.done $0x0  }
0x10: {  	[sflag:s12] =	ssyncadd.s32 $0xFFFFFB1E  }
0x11: {  	[tilespmem:s13], [sflag:$0x1] =	stream.linear.gather [hbm4b:s4+s3], $0x500, $0x38;
	[tilespmem:$0x2CB0] =	vst v63  }
0x12: {  	_ =	swait.ge [sflag:s12], $0x500  }
0x13: {  	[sflag:s12] =	ssyncset.done $0x0  }
0x14: {  	[sflag:s12] =	ssyncadd.s32 $0xFFFFFB00  }
0x15: {  	s16 =	sadd.s32 $0x0, s10;
	[bflag:$0x0] =	sbarrier.arrive $0xFFFF  }
0x16: {  	[tilespmem:s3], [sflag:$0x1] =	stream.linear.gather [hbm4b:s16+s3], $0x50, $0x38;
	[tilespmem:$0x2CB0] =	vst v63  }
0x17: {  	_ =	swait.ge [sflag:s12], $0x50  }
0x18: {  	[sflag:s12] =	ssyncset.done $0x0  }
0x19: {  	s31 =	sadd.s32 $0x0, s9;
	[sflag:s12] =	ssyncadd.s32 $0xFFFFFFB0  }
0x1a: {  	[tilespmem:s14], [sflag:$0x1] =	stream.linear.gather [hbm4b:s31+s3], $0x50, $0x38;
	[tilespmem:$0x2CB0] =	vst v63  }
0x1b: {  	_ =	swait.ge [sflag:s12], $0x50  }
0x1c: {  	[sflag:s12] =	ssyncset.done $0x0  }
0x1d: {  	[sflag:s12] =	ssyncadd.s32 $0xFFFFFFB0  }
0x1e: {  	[spmem:s2] =	stream.indirect.scatter.add.f32 [tilespmem:s13], [sflag:$0x1], $0x10, s3, s14, $0xb8;
	[tilespmem:$0x2CB0] =	vst v63  }
0x1f: {  	_ =	swait.ge [sflag:s12], $0x500  }
0x20: {  	[sflag:s12] =	ssyncset.done $0x0  }
0x21: {  	[sflag:s12] =	ssyncadd.s32 $0xFFFFFB00  }
0x22: {  	[spmem:s2] =	stream.indirect.scatter.add.f32 [tilespmem:s13], [sflag:$0x1], $0x10, s14, s14, $0xb8;
	[tilespmem:$0x2CB0] =	vst v63  }
0x23: {  	_ =	swait.ge [sflag:s12], $0x500  }
0x24: {  	s17 =	simm.s32 $0x14;
	s16 =	simm.s32 $0xA;
	[sflag:s12] =	ssyncset.done $0x0  }
.LBB2_2:
0x25: {  	s18 =	sadd.s32 s16, s10  }
0x26: {  	[sflag:s12] =	ssyncadd.s32 $0xFFFFFB00;
	s19 =	smov.u32 s17;
	s20 =	sadd.s32 $0xA, s17  }
0x27: {  	[tilespmem:s3], [sflag:$0x1] =	stream.linear.gather [hbm4b:s18+s3], $0x50, $0x38;
	[tilespmem:$0x2CB0] =	vst v63  }
0x28: {  	p0 =	sne.s32 s17, $0x4D8;
	_ =	swait.ge [sflag:s12], $0x50  }
0x29: {  	[sflag:s12] =	ssyncset.done $0x0  }
0x2a: {  	s17 =	sadd.s32 s16, s9;
	s16 =	smov.u32 s19;
	[sflag:s12] =	ssyncadd.s32 $0xFFFFFFB0  }
0x2b: {  	[tilespmem:s14], [sflag:$0x1] =	stream.linear.gather [hbm4b:s17+s3], $0x50, $0x38;
	[tilespmem:$0x2CB0] =	vst v63  }
0x2c: {  	_ =	swait.ge [sflag:s12], $0x50  }
0x2d: {  	[sflag:s12] =	ssyncset.done $0x0  }
0x2e: {  	[sflag:s12] =	ssyncadd.s32 $0xFFFFFFB0  }
0x2f: {  	[spmem:s2] =	stream.indirect.scatter.add.f32 [tilespmem:s13], [sflag:$0x1], $0x10, s3, s14, $0xb8;
	[tilespmem:$0x2CB0] =	vst v63  }
0x30: {  	_ =	swait.ge [sflag:s12], $0x500  }
.Ltmp0:
0x31: {  	[sflag:s12] =	ssyncset.done $0x0;
	(pc) =	sbr.rel @p0 .LBB2_2-.Ltmp0, $4  }
0x32: {  	[sflag:s12] =	ssyncadd.s32 $0xFFFFFB00  }
0x33: {  	[spmem:s2] =	stream.indirect.scatter.add.f32 [tilespmem:s13], [sflag:$0x1], $0x10, s14, s14, $0xb8;
	[tilespmem:$0x2CB0] =	vst v63  }
0x34: {  	_ =	swait.ge [sflag:s12], $0x500  }
0x35: {  	s17 =	smov.u32 s20;
	[sflag:s12] =	ssyncset.done $0x0  }
0x36: {  	s17 =	sadd.s32 s16, s10;
	[sflag:s12] =	ssyncadd.s32 $0xFFFFFB00  }
0x37: {  	[tilespmem:s3], [sflag:$0x1] =	stream.linear.gather [hbm4b:s17+s3], $0x50, $0x38;
	[tilespmem:$0x2CB0] =	vst v63  }
0x38: {  	_ =	swait.ge [sflag:s12], $0x50  }
0x39: {  	[sflag:s12] =	ssyncset.done $0x0  }
0x3a: {  	s31 =	sadd.s32 s16, s9;
	[sflag:s12] =	ssyncadd.s32 $0xFFFFFFB0  }
0x3b: {  	[tilespmem:s14], [sflag:$0x1] =	stream.linear.gather [hbm4b:s31+s3], $0x50, $0x38;
	[tilespmem:$0x2CB0] =	vst v63  }
0x3c: {  	_ =	swait.ge [sflag:s12], $0x50  }
0x3d: {  	[sflag:s12] =	ssyncset.done $0x0  }
0x3e: {  	[sflag:s12] =	ssyncadd.s32 $0xFFFFFFB0  }
0x3f: {  	[spmem:s2] =	stream.indirect.scatter.add.f32 [tilespmem:s13], [sflag:$0x1], $0x10, s3, s14, $0xb8;
	[tilespmem:$0x2CB0] =	vst v63  }
0x40: {  	_ =	swait.ge [sflag:s12], $0x500  }
0x41: {  	[sflag:s12] =	ssyncset.done $0x0  }
0x42: {  	[sflag:s12] =	ssyncadd.s32 $0xFFFFFB00  }
0x43: {  	[spmem:s2] =	stream.indirect.scatter.add.f32 [tilespmem:s13], [sflag:$0x1], $0x10, s14, s14, $0xb8;
	[tilespmem:$0x2CB0] =	vst v63  }
0x44: {  	_ =	swait.ge [sflag:s12], $0x500  }
0x45: {  	s15 =	sadd.s32 $0x1, s15;
	[sflag:s12] =	ssyncset.done $0x0  }
0x46: {  	p0 =	sne.s32 s15, s8;
	[sflag:s12] =	ssyncadd.s32 $0xFFFFFB00  }
.Ltmp1:
0x47: {  	[bflag:$0x0] =	sbarrier.arrive $0xFFFF;
	(pc) =	sbr.rel @p0 .LBB2_1-.Ltmp1, $4  }
0x48: {  	[hbm:s7], [sflag:s6] =	dma.local [spmem:s11], $0x4E2  }
0x49: {  	_ =	swait.ge [sflag:s12], $0x4E2  }
0x4a: {  	[sflag:s12] =	ssyncset.done $0x0  }
0x4b: {  	[sflag:s12] =	ssyncadd.s32 $0xFFFFFB1E  }
0x4c: {  	_ =	sfence.sel $0x180000  }
0x4d: {  	[bflag:$0x0] =	sbarrier.arrive $0xFFFF  }
0x4e: {  	p0 =	sne.s32 s0, $0x0;
	_ =	strace $0x9000004D  }
0x4f: {  	s0 =	sadd.s32 @!p0 $0x100000, s1;
	[bflag:$0x2] =	sbarrier.arrive $0xFFFF  }
0x50: {  	[sflag:s0] =	ssyncadd.tile.s32 @!p0 $0x1;
	_ =	shalt  }
.Lfunc_end2:
_tile_overlayer_lowered:
.L_overlay_start_2:
0x51: {  	(tag) =	ssettag $0x2  }
0x52: {  	s0 =	rddreg [dreg:$0x0];
	s2 =	stileid.u32  }
0x53: {  	s1 =	rddreg [dreg:$0x1];
	p0 =	sne.s32 s2, $0x0  }
0x54: {  	s3 =	rddreg [dreg:$0x2];
	[bflag:$0x3] =	sbarrier.arrive $0xFFFF;
	s2 =	simm.s32 @!p0 $0x1C01  }
0x55: {  	[timem:s3], [sflag:s2] =	dma.local @!p0 [hbm:s0], s1  }
0x56: {  	s0 =	simm.s32 @!p0 $0x1  }
0x57: {  	_ =	swait.ge @!p0 [sflag:s0], s1  }
0x58: {  	s1 =	ssub.s32 @!p0 $0x0, s1;
	[sflag:s0] =	ssyncset.done @!p0 $0x0  }
0x59: {  	[sflag:s0] =	ssyncadd.s32 @!p0 s1  }
0x5a: {  	[bflag:$0x3] =	sbarrier.arrive $0xFFFF  }
0x5b: {  	_ =	shalt  }

// kernel: kernel.28.cloned.1.call-start
scs
__scs_entry_jumppad:
0x0: {  	(pc) =	sbr.rel $0x88, $3  }
0x1: {  	(tag) =	ssettag $0x0;
	lr =	simm.s32 $0x1  }
0x2: {  	[smem:$0x3F8A] =	sst lr;
	_ =	strace $0xD0000000  }
0x3: {  	_ = 	snop  }
0x4: {  	_ = 	snop  }
0x5: {  	_ = 	snop  }
0x6: {  	_ = 	snop  }
0x7: {  	_ = 	snop  }
__scs_overlays_trampoline_lowered:
0x8: {  	[smem:$0x3F99] =	sst s0  }
0x9: {  	[smem:$0x3F9A] =	sst s1  }
0xa: {  	[smem:$0x3F9B] =	sst s2  }
0xb: {  	[smem:$0x3F9C] =	sst s3  }
0xc: {  	[smem:$0x3F9D] =	sst s4  }
0xd: {  	[smem:$0x3F9E] =	sst s5  }
0xe: {  	[smem:$0x3F9F] =	sst s6  }
0xf: {  	[smem:$0x3FA0] =	sst s7  }
0x10: {  	[smem:$0x3FA1] =	sst s8  }
0x11: {  	[smem:$0x3FA2] =	sst s9;
	s0 =	simm.s32 @!p0 $0x0  }
0x12: {  	s1 =	sld [smem:$0x3F88];
	s0 =	simm.s32 @p0 $0x1  }
0x13: {  	[smem:$0x3FA3] =	sst s0;
	s0 =	simm.s32 @!p1 $0x0  }
0x14: {  	s2 =	sld [smem:$0x3F87];
	s0 =	simm.s32 @p1 $0x1  }
0x15: {  	[smem:$0x3FA4] =	sst s0;
	s0 =	simm.s32 @!p2 $0x0  }
0x16: {  	s3 =	sld [smem:$0x3FDB];
	s0 =	simm.s32 @p2 $0x1  }
0x17: {  	s4 =	simm.s32 $0x1BF5;
	[smem:$0x3FA6] =	sst s0  }
0x18: {  	s0 =	sld [smem:$0x3F89];
	_ =	swait.ge [sflag:s4], $0x0  }
0x19: {  	s7 =	sld [smem:$0x3F8A]  }
0x1a: {  	s8 =	sadd.s32 $0xFFFFE003, lr  }
0x1b: {  	s9 =	sadd.s32 $0xFFFFFEF7, lr;
	s5 =	simm.s32 $0xFFFFFFFF;
	p2 =	slt.u32 s8, $0xFFFFF086  }
0x1c: {  	p1 =	slt.u32 s9, $0xF7A;
	s5 =	simm.s32 @!p2 $0x0  }
0x1d: {  	s5 =	simm.s32 @p1 $0x1;
	p0 =	seq.s32 s7, s2  }
0x1e: {  	s7 =	smul.u32 @!p0 $0xF7A, s2;
	p2 =	seq.s32 @!p0 s5, $0x0  }
0x1f: {  	s9 =	smul.u32 $0xF7A, s1;
	s8 =	simm.s32 @!p0 $0x1BF5;
	p2 =	por !p2, p0  }
0x20: {  	[sflag:s8] =	ssyncset.s32 @!p0 $0xFFFFF086;
	s6 =	sadd.s32 @!p0 s3, s7;
	s7 =	simm.s32 @!p0 $0x108  }
0x21: {  	s3 =	sadd.s32 s3, s9;
	s6 =	sadd.s32 @!p0 $0x88, s6;
	s7 =	simm.s32 @p2 $0x1082  }
0x22: {  	[simem:s7], [sflag:s8] =	dma.local @!p0 [hbm:s6], $0xF7A  }
0x23: {  	s9 =	sor.u32 $0xD0000000, s2;
	s6 =	simm.s32 $0x108;
	_ =	swait.ge @!p0 [sflag:s8], $0x0  }
0x24: {  	s3 =	sadd.s32 $0x88, s3;
	s6 =	simm.s32 @!p1 $0x1082;
	[sflag:s4] =	ssyncset.s32 $0xFFFFF086  }
0x25: {  	[simem:s6], [sflag:s4] =	dma.local [hbm:s3], $0xF7A  }
0x26: {  	[smem:$0x3F8A] =	sst s1;
	(tag) =	ssettag s2;
	_ =	strace s9  }
0x27: {  	s1 =	sld [smem:$0x3F9A]  }
0x28: {  	s2 =	sld [smem:$0x3F9B]  }
0x29: {  	s4 =	sld [smem:$0x3F9D]  }
0x2a: {  	p0 =	seq.s32 s5, $0x0;
	s5 =	sld [smem:$0x3F9E]  }
0x2b: {  	s6 =	sld [smem:$0x3F9F]  }
0x2c: {  	s7 =	sld [smem:$0x3FA0]  }
0x2d: {  	s3 =	simm.s32 $0x108;
	s8 =	sld [smem:$0x3FA1]  }
0x2e: {  	s3 =	simm.s32 @!p0 $0x1082;
	s9 =	sld [smem:$0x3FA2]  }
0x2f: {  	lr =	sadd.s32 s0, s3;
	s0 =	sld [smem:$0x3F99]  }
0x30: {  	s3 =	sld [smem:$0x3F9C]  }
0x31: {  	[smem:$0x3FA5] =	sst s10  }
0x32: {  	s10 =	sld [smem:$0x3FA3];
	_ =	sdelay $0x3  }
0x33: {  	p0 =	seq.s32 s10, $0x1;
	s10 =	sld [smem:$0x3FA5];
	_ =	sdelay $0x3  }
0x34: {  	[smem:$0x3FA5] =	sst s10  }
0x35: {  	s10 =	sld [smem:$0x3FA4];
	_ =	sdelay $0x3  }
0x36: {  	p1 =	seq.s32 s10, $0x1;
	s10 =	sld [smem:$0x3FA5];
	_ =	sdelay $0x3  }
0x37: {  	[smem:$0x3FA5] =	sst s10  }
0x38: {  	s10 =	sld [smem:$0x3FA6]  }
0x39: {  	_ = 	snop;
	(pc) =	sbr.ind lr, $3  }
0x3a: {  	_ = 	snop  }
0x3b: {  	_ = 	snop  }
0x3c: {  	p2 =	seq.s32 s10, $0x1;
	s10 =	sld [smem:$0x3FA5]  }
0x3d: {  	_ =	shalt  }
0x3e: {  	_ =	shalt  }
0x3f: {  	_ =	shalt  }
0x40: {  	_ =	shalt  }
0x41: {  	_ =	shalt  }
0x42: {  	_ =	shalt  }
0x43: {  	_ =	shalt  }
0x44: {  	_ =	shalt  }
0x45: {  	_ =	shalt  }
0x46: {  	_ =	shalt  }
0x47: {  	_ =	shalt  }
0x48: {  	_ =	shalt  }
0x49: {  	_ =	shalt  }
0x4a: {  	_ =	shalt  }
0x4b: {  	_ =	shalt  }
0x4c: {  	_ =	shalt  }
0x4d: {  	_ =	shalt  }
0x4e: {  	_ =	shalt  }
0x4f: {  	_ =	shalt  }
0x50: {  	_ =	shalt  }
0x51: {  	_ =	shalt  }
0x52: {  	_ =	shalt  }
0x53: {  	_ =	shalt  }
0x54: {  	_ =	shalt  }
0x55: {  	_ =	shalt  }
0x56: {  	_ =	shalt  }
0x57: {  	_ =	shalt  }
0x58: {  	_ =	shalt  }
0x59: {  	_ =	shalt  }
0x5a: {  	_ =	shalt  }
0x5b: {  	_ =	shalt  }
0x5c: {  	_ =	shalt  }
0x5d: {  	_ =	shalt  }
0x5e: {  	_ =	shalt  }
0x5f: {  	_ =	shalt  }
0x60: {  	_ =	shalt  }
0x61: {  	_ =	shalt  }
0x62: {  	_ =	shalt  }
0x63: {  	_ =	shalt  }
0x64: {  	_ =	shalt  }
0x65: {  	_ =	shalt  }
0x66: {  	_ =	shalt  }
0x67: {  	_ =	shalt  }
0x68: {  	_ =	shalt  }
0x69: {  	_ =	shalt  }
0x6a: {  	_ =	shalt  }
0x6b: {  	_ =	shalt  }
0x6c: {  	_ =	shalt  }
0x6d: {  	_ =	shalt  }
0x6e: {  	_ =	shalt  }
0x6f: {  	_ =	shalt  }
0x70: {  	_ =	shalt  }
0x71: {  	_ =	shalt  }
0x72: {  	_ =	shalt  }
0x73: {  	_ =	shalt  }
0x74: {  	_ =	shalt  }
0x75: {  	_ =	shalt  }
0x76: {  	_ =	shalt  }
0x77: {  	_ =	shalt  }
0x78: {  	_ =	shalt  }
0x79: {  	_ =	shalt  }
0x7a: {  	_ =	shalt  }
0x7b: {  	_ =	shalt  }
0x7c: {  	_ =	shalt  }
0x7d: {  	_ =	shalt  }
0x7e: {  	_ =	shalt  }
0x7f: {  	_ =	shalt  }
0x80: {  	_ =	shalt  }
0x81: {  	_ =	shalt  }
0x82: {  	_ =	shalt  }
0x83: {  	_ =	shalt  }
0x84: {  	_ =	shalt  }
0x85: {  	_ =	shalt  }
0x86: {  	_ =	shalt  }
0x87: {  	_ =	shalt  }
.Lfunc_end0:
.L_simem_size_0:
called_computation.1_lowered:
.L_overlay_start_0:
0x88: {  	s2 =	sld [smem:$0x3FD9]  }
0x89: {  	s3 =	sld [smem:$0x3FFE];
	_ =	sdelay $0x1  }
0x8a: {  	s1 =	srdreg.scid  }
0x8b: {  	s0 =	sand.u32 $0x1, s1  }
0x8c: {  	s16 =	sshll.u32 s0, $0xA;
	s2 =	sadd.s32 s3, s2  }
0x8d: {  	s2 =	sadd.s32 s2, s16  }
0x8e: {  	[smem:$0x3FB1] =	sst s2  }
0x8f: {  	_ = 	snop  }
0x90: {  	(tm) =	ssettm $0x1  }
0x91: {  	s17 =	sld [smem:$0x3FFB];
	_ =	sdelay $0x3  }
0x92: {  	_ =	strace s17  }
0x93: {  	s2 =	sld [smem:$0x3FFC];
	_ =	sdelay $0x3  }
0x94: {  	_ =	strace s2  }
0x95: {  	s2 =	sld [smem:$0x3FFD];
	_ =	sdelay $0x3  }
0x96: {  	_ =	strace s2  }
0x97: {  	_ =	strace $0x8FFFFFFF  }
0x98: {  	s18 =	sld [smem:$0x3FDB];
	_ =	sdelay $0x1  }
0x99: {  	s19 =	simm.s32 $_scs_section_size  }
0x9a: {  	s4 =	simm.s32 $_size__tile_overlayer_lowered;
	s5 =	simm.s32 $_tile_overlayer_lowered  }
0x9b: {  	s22 =	simm.s32 $0x1BFF;
	s21 =	sshll.u32 s5, $0x1;
	s2 =	sadd.s32 s19, s18  }
0x9c: {  	s6 =	simm.s32 $0x0;
	s20 =	sshll.u32 s4, $0x1;
	s4 =	sadd.s32 s21, s2  }
0x9d: {  	[timem:s6], [sflag:s22] =	dma.local [hbm:s4], s20  }
0x9e: {  	_ =	swait.ge [sflag:s22], s20  }
0x9f: {  	s3 =	ssub.s32 $0x0, s20;
	[sflag:s22] =	ssyncset.done $0x0  }
0xa0: {  	[sflag:s22] =	ssyncadd.s32 s3;
	_ =	sdelay $0x1  }
0xa1: {  	s23 =	simm.s32 $0x1B8B  }
0xa2: {  	_ =	swait.ge [sflag:s23], $0x1  }
0xa3: {  	[sflag:s23] =	ssyncset.done $0x0  }
0xa4: {  	s25 =	simm.s32 $0x1B8E;
	s24 =	sld [smem:$0x3FFE];
	[sflag:s23] =	ssyncadd.s32 $0xFFFFFFFF  }
0xa5: {  	s26 =	simm.s32 $execute0_lowered;
	[smem:$0x3FD2] =	sst s25  }
0xa6: {  	s4 =	sshll.u32 s26, $0x1;
	_ =	strace $0x80000046;
	[dreg:$0x1] =	wrdreg $0xFFFFFFFF  }
0xa7: {  	s28 =	simm.s32 $_size_execute0_lowered;
	s2 =	sadd.s32 s2, s4;
	[dreg:$0x0] =	wrdreg $0x0  }
0xa8: {  	s4 =	sshll.u32 s28, $0x1;
	[dreg:$0x2] =	wrdreg s2  }
0xa9: {  	[dreg:$0x3] =	wrdreg s4  }
0xaa: {  	[dreg:$0x4] =	wrdreg $0xC0  }
0xab: {  	_ =	task [dreg:s6], $0x5FFFF  }
0xac: {  	[dreg:$0x1] =	wrdreg $0xFFFFFFFF  }
0xad: {  	[dreg:$0x0] =	wrdreg $0x60  }
0xae: {  	[dreg:$0x2] =	wrdreg s24  }
0xaf: {  	[dreg:$0x3] =	wrdreg $0xA  }
0xb0: {  	_ =	task.clear_ibuf [dreg:s6], $0x4FFFF;
	_ =	strace $0x90000046  }
0xb1: {  	s29 =	simm.s32 $0xA;
	_ =	strace $0x80000048  }
0xb2: {  	_ =	swait.ge [sflag:s29], $0x1  }
0xb3: {  	[sflag:s29] =	ssyncadd.s32 $0xFFFFFFFF  }
0xb4: {  	_ =	strace $0x90000048  }
0xb5: {  	_ =	sfence  }
0xb6: {  	s30 =	sld [smem:$0x0];
	_ =	sdelay $0x2  }
0xb7: {  	s31 =	sshll.u32 s1, $0xD;
	s1 =	sshrl.u32 s1, $0x2  }
0xb8: {  	s3 =	sand.u32 $0x4000, s31;
	s1 =	sadd.s32 s1, s30  }
0xb9: {  	s0 =	sor.u32 s3, s0;
	s1 =	sshll.u32 s1, $0x11  }
0xba: {  	s0 =	sor.u32 s1, s0  }
0xbb: {  	s0 =	sadd.s32 $0x8F2B, s0  }
0xbc: {  	[sflag:s0] =	ssyncadd.remote.s32 $0x1  }
0xbd: {  	_ =	sfence.sel $0xFFFF  }
0xbe: {  	[dreg:$0x0] =	wrdreg $0xFFFFFFFF;
	(pc) =	sbr.abs _section_cstart, $3  }
0xbf: {  	[dreg:$0x1] =	wrdreg $0xFFFFFFFF  }
0xc0: {  	_ =	task.clear_ibuf [dreg:s6], $0x2FFFF;
	_ =	strace $0x9FFFFFFF  }
0xc1: {  	(tm) =	ssettm $0x7FFFFFFF  }
tec
execute0_lowered:
.L_overlay_start_1:
0x0: {  	(tag) =	ssettag $0x1  }
0x1: {  	s4 =	rddreg [dreg:$0x0]  }
0x2: {  	s0 =	rddreg [dreg:$0x1];
	s2 =	simm.s32 $0x0  }
0x3: {  	s3 =	srdreg.scid;
	s1 =	stileid.u32;
	s11 =	simm.s32 $0xA0  }
0x4: {  	s12 =	simm.s32 $0x5A0;
	s13 =	simm.s32 $0x1;
	s6 =	smul.u32 $0x4E20, s1  }
0x5: {  	s14 =	simm.s32 $0x2;
	s5 =	sand.u32 $0x1, s3;
	s8 =	smul.u32 $0x9C40, s1  }
0x6: {  	s15 =	simm.s32 $0x0;
	[smem:$0x7FF] =	sst s2;
	s7 =	smul.u32 $0x2710, s5  }
0x7: {  	s3 =	sadd.s32 $0x1F9A00, s4;
	s29 =	ssub.s32 $0x2, s5;
	s5 =	smul.u32 $0x4E20, s5  }
0x8: {  	_ =	strace $0x80000047;
	s8 =	sadd.s32 s8, s4;
	s9 =	sshrl.u32 s29, $0x1  }
0x9: {  	s6 =	sadd.s32 s7, s6;
	s30 =	ssub.s32 s29, s9;
	s31 =	sadd.s32 s5, s8  }
0xa: {  	s9 =	simm.s32 $0x3;
	s6 =	sshrl.u32 s6, $0x3;
	s5 =	sadd.s32 $0x1FEA00, s31  }
0xb: {  	s10 =	sadd.s32 s6, s4;
	s4 =	smax.u32 s30, $0x1;
	s6 =	sadd.s32 $0x29AE00, s31  }
0xc: {  	s7 =	sadd.s32 $0x11200, s10;
	s8 =	sadd.s32 $0x1B000, s10;
	s10 =	simm.s32 $0x50  }
.LBB2_1:
0xd: {  	s16 =	sadd.s32 $0x0, s8  }
0xe: {  	[tilespmem:s2], [sflag:$0x3] =	stream.linear.gather [hbm4b:s16+s2], $0x50, $0x38;
	[tilespmem:$0xAA0] =	vst v63  }
0xf: {  	_ =	swait.ge [sflag:s9], $0x50  }
0x10: {  	[sflag:s9] =	ssyncset.done $0x0  }
0x11: {  	s31 =	sadd.s32 $0x0, s7;
	[sflag:s9] =	ssyncadd.s32 $0xFFFFFFB0  }
0x12: {  	[tilespmem:s10], [sflag:$0x3] =	stream.linear.gather [hbm4b:s31+s2], $0x50, $0x38;
	[tilespmem:$0xAA0] =	vst v63  }
0x13: {  	_ =	swait.ge [sflag:s9], $0x50  }
0x14: {  	[sflag:s9] =	ssyncset.done $0x0  }
0x15: {  	[sflag:s9] =	ssyncadd.s32 $0xFFFFFFB0  }
0x16: {  	[tilespmem:s11], [sflag:$0x1] =	stream.indirect.gather [hbm4b:s3+s10], $0x10, s2, s10, $0xb8;
	[tilespmem:$0xAA0] =	vst v63  }
0x17: {  	_ = 	snop  }
0x18: {  	[tilespmem:s12], [sflag:$0x2] =	stream.indirect.gather [hbm4b:s3+s10], $0x10, s10, s10, $0xb8;
	[tilespmem:$0xAA0] =	vst v63  }
0x19: {  	_ =	swait.ge [sflag:s13], $0x500  }
0x1a: {  	[sflag:s13] =	ssyncset.done $0x0  }
0x1b: {  	[sflag:s13] =	ssyncadd.s32 $0xFFFFFB00  }
0x1c: {  	_ =	swait.ge [sflag:s14], $0x500  }
0x1d: {  	[sflag:s14] =	ssyncset.done $0x0  }
0x1e: {  	[sflag:s14] =	ssyncadd.s32 $0xFFFFFB00  }
0x1f: {  	[hbm4b:s6+s2] =	stream.linear.scatter [tilespmem:s11], [sflag:$0x3], $0x500, $0x38;
	[tilespmem:$0xAA0] =	vst v63  }
0x20: {  	_ =	swait.ge [sflag:s9], $0x500  }
0x21: {  	[sflag:s9] =	ssyncset.done $0x0  }
0x22: {  	[sflag:s9] =	ssyncadd.s32 $0xFFFFFB00  }
0x23: {  	[hbm4b:s5+s2] =	stream.linear.scatter [tilespmem:s12], [sflag:$0x3], $0x500, $0x38;
	[tilespmem:$0xAA0] =	vst v63  }
0x24: {  	s18 =	simm.s32 $0xA;
	s19 =	simm.s32 $0x14;
	_ =	swait.ge [sflag:s9], $0x500  }
0x25: {  	s17 =	sadd.s32 $0xA0, s6;
	s16 =	sadd.s32 $0xA0, s5;
	[sflag:s9] =	ssyncset.done $0x0  }
.LBB2_2:
0x26: {  	s20 =	sadd.s32 s18, s8  }
0x27: {  	[sflag:s9] =	ssyncadd.s32 $0xFFFFFB00;
	s21 =	smov.u32 s19;
	s22 =	sadd.s32 $0xA, s19  }
0x28: {  	[tilespmem:s2], [sflag:$0x3] =	stream.linear.gather [hbm4b:s20+s2], $0x50, $0x38;
	[tilespmem:$0xAA0] =	vst v63  }
0x29: {  	p0 =	sne.s32 s19, $0x4D8;
	_ =	swait.ge [sflag:s9], $0x50  }
0x2a: {  	[sflag:s9] =	ssyncset.done $0x0  }
0x2b: {  	s19 =	sadd.s32 s18, s7;
	s18 =	smov.u32 s21;
	[sflag:s9] =	ssyncadd.s32 $0xFFFFFFB0  }
0x2c: {  	[tilespmem:s10], [sflag:$0x3] =	stream.linear.gather [hbm4b:s19+s2], $0x50, $0x38;
	[tilespmem:$0xAA0] =	vst v63  }
0x2d: {  	_ =	swait.ge [sflag:s9], $0x50  }
0x2e: {  	[sflag:s9] =	ssyncset.done $0x0  }
0x2f: {  	[sflag:s9] =	ssyncadd.s32 $0xFFFFFFB0  }
0x30: {  	[tilespmem:s11], [sflag:$0x1] =	stream.indirect.gather [hbm4b:s3+s10], $0x10, s2, s10, $0xb8;
	[tilespmem:$0xAA0] =	vst v63  }
0x31: {  	_ = 	snop  }
0x32: {  	[tilespmem:s12], [sflag:$0x2] =	stream.indirect.gather [hbm4b:s3+s10], $0x10, s10, s10, $0xb8;
	[tilespmem:$0xAA0] =	vst v63  }
0x33: {  	_ =	swait.ge [sflag:s13], $0x500  }
0x34: {  	[sflag:s13] =	ssyncset.done $0x0  }
0x35: {  	[sflag:s13] =	ssyncadd.s32 $0xFFFFFB00  }
0x36: {  	_ =	swait.ge [sflag:s14], $0x500  }
0x37: {  	[sflag:s14] =	ssyncset.done $0x0  }
0x38: {  	[sflag:s14] =	ssyncadd.s32 $0xFFFFFB00  }
0x39: {  	[hbm4b:s17+s2] =	stream.linear.scatter [tilespmem:s11], [sflag:$0x3], $0x500, $0x38;
	[tilespmem:$0xAA0] =	vst v63  }
0x3a: {  	_ =	swait.ge [sflag:s9], $0x500  }
.Ltmp0:
0x3b: {  	[sflag:s9] =	ssyncset.done $0x0;
	(pc) =	sbr.rel @p0 .LBB2_2-.Ltmp0, $4  }
0x3c: {  	[sflag:s9] =	ssyncadd.s32 $0xFFFFFB00  }
0x3d: {  	[hbm4b:s16+s2] =	stream.linear.scatter [tilespmem:s12], [sflag:$0x3], $0x500, $0x38;
	[tilespmem:$0xAA0] =	vst v63  }
0x3e: {  	s19 =	smov.u32 s22;
	_ =	swait.ge [sflag:s9], $0x500  }
0x3f: {  	s17 =	sadd.s32 $0xA0, s17;
	s16 =	sadd.s32 $0xA0, s16;
	[sflag:s9] =	ssyncset.done $0x0  }
0x40: {  	s19 =	sadd.s32 s18, s8;
	[sflag:s9] =	ssyncadd.s32 $0xFFFFFB00  }
0x41: {  	[tilespmem:s2], [sflag:$0x3] =	stream.linear.gather [hbm4b:s19+s2], $0x50, $0x38;
	[tilespmem:$0xAA0] =	vst v63  }
0x42: {  	_ =	swait.ge [sflag:s9], $0x50  }
0x43: {  	[sflag:s9] =	ssyncset.done $0x0  }
0x44: {  	s31 =	sadd.s32 s18, s7;
	[sflag:s9] =	ssyncadd.s32 $0xFFFFFFB0  }
0x45: {  	[tilespmem:s10], [sflag:$0x3] =	stream.linear.gather [hbm4b:s31+s2], $0x50, $0x38;
	[tilespmem:$0xAA0] =	vst v63  }
0x46: {  	_ =	swait.ge [sflag:s9], $0x50  }
0x47: {  	[sflag:s9] =	ssyncset.done $0x0  }
0x48: {  	[sflag:s9] =	ssyncadd.s32 $0xFFFFFFB0  }
0x49: {  	[tilespmem:s11], [sflag:$0x1] =	stream.indirect.gather [hbm4b:s3+s10], $0x10, s2, s10, $0xb8;
	[tilespmem:$0xAA0] =	vst v63  }
0x4a: {  	_ = 	snop  }
0x4b: {  	[tilespmem:s12], [sflag:$0x2] =	stream.indirect.gather [hbm4b:s3+s10], $0x10, s10, s10, $0xb8;
	[tilespmem:$0xAA0] =	vst v63  }
0x4c: {  	_ =	swait.ge [sflag:s13], $0x500  }
0x4d: {  	[sflag:s13] =	ssyncset.done $0x0  }
0x4e: {  	[sflag:s13] =	ssyncadd.s32 $0xFFFFFB00  }
0x4f: {  	_ =	swait.ge [sflag:s14], $0x500  }
0x50: {  	[sflag:s14] =	ssyncset.done $0x0  }
0x51: {  	[sflag:s14] =	ssyncadd.s32 $0xFFFFFB00  }
0x52: {  	[hbm4b:s17+s2] =	stream.linear.scatter [tilespmem:s11], [sflag:$0x3], $0x500, $0x38;
	[tilespmem:$0xAA0] =	vst v63  }
0x53: {  	s15 =	sadd.s32 $0x1, s15;
	_ =	swait.ge [sflag:s9], $0x500  }
0x54: {  	p0 =	sne.s32 s15, s4;
	[sflag:s9] =	ssyncset.done $0x0  }
.Ltmp1:
0x55: {  	[sflag:s9] =	ssyncadd.s32 $0xFFFFFB00;
	(pc) =	sbr.rel @p0 .LBB2_1-.Ltmp1, $4  }
0x56: {  	[hbm4b:s16+s2] =	stream.linear.scatter [tilespmem:s12], [sflag:$0x3], $0x500, $0x38;
	[tilespmem:$0xAA0] =	vst v63  }
0x57: {  	_ =	swait.ge [sflag:s9], $0x500  }
0x58: {  	[sflag:s9] =	ssyncset.done $0x0  }
0x59: {  	[sflag:s9] =	ssyncadd.s32 $0xFFFFFB00  }
0x5a: {  	_ =	sfence.sel $0x180000  }
0x5b: {  	[bflag:$0x0] =	sbarrier.arrive $0xFFFF  }
0x5c: {  	p0 =	sne.s32 s1, $0x0;
	_ =	strace $0x90000047  }
0x5d: {  	s0 =	sadd.s32 @!p0 $0x100000, s0;
	[bflag:$0x2] =	sbarrier.arrive $0xFFFF  }
0x5e: {  	[sflag:s0] =	ssyncadd.tile.s32 @!p0 $0x1;
	_ =	shalt  }
.Lfunc_end2:
_tile_overlayer_lowered:
.L_overlay_start_2:
0x5f: {  	(tag) =	ssettag $0x2  }
0x60: {  	s0 =	rddreg [dreg:$0x0];
	s2 =	stileid.u32  }
0x61: {  	s1 =	rddreg [dreg:$0x1];
	p0 =	sne.s32 s2, $0x0  }
0x62: {  	s3 =	rddreg [dreg:$0x2];
	[bflag:$0x3] =	sbarrier.arrive $0xFFFF;
	s2 =	simm.s32 @!p0 $0x1C03  }
0x63: {  	[timem:s3], [sflag:s2] =	dma.local @!p0 [hbm:s0], s1  }
0x64: {  	s0 =	simm.s32 @!p0 $0x3  }
0x65: {  	_ =	swait.ge @!p0 [sflag:s0], s1  }
0x66: {  	s1 =	ssub.s32 @!p0 $0x0, s1;
	[sflag:s0] =	ssyncset.done @!p0 $0x0  }
0x67: {  	[sflag:s0] =	ssyncadd.s32 @!p0 s1  }
0x68: {  	[bflag:$0x3] =	sbarrier.arrive $0xFFFF  }
0x69: {  	_ =	shalt  }

// kernel: kernel.31.cloned.1.call-start
scs
__scs_entry_jumppad:
0x0: {  	(pc) =	sbr.rel $0x88, $3  }
0x1: {  	(tag) =	ssettag $0x0;
	lr =	simm.s32 $0x1  }
0x2: {  	[smem:$0x3F8A] =	sst lr;
	_ =	strace $0xD0000000  }
0x3: {  	_ = 	snop  }
0x4: {  	_ = 	snop  }
0x5: {  	_ = 	snop  }
0x6: {  	_ = 	snop  }
0x7: {  	_ = 	snop  }
__scs_overlays_trampoline_lowered:
0x8: {  	[smem:$0x3F99] =	sst s0  }
0x9: {  	[smem:$0x3F9A] =	sst s1  }
0xa: {  	[smem:$0x3F9B] =	sst s2  }
0xb: {  	[smem:$0x3F9C] =	sst s3  }
0xc: {  	[smem:$0x3F9D] =	sst s4  }
0xd: {  	[smem:$0x3F9E] =	sst s5  }
0xe: {  	[smem:$0x3F9F] =	sst s6  }
0xf: {  	[smem:$0x3FA0] =	sst s7  }
0x10: {  	[smem:$0x3FA1] =	sst s8  }
0x11: {  	[smem:$0x3FA2] =	sst s9;
	s0 =	simm.s32 @!p0 $0x0  }
0x12: {  	s1 =	sld [smem:$0x3F88];
	s0 =	simm.s32 @p0 $0x1  }
0x13: {  	[smem:$0x3FA3] =	sst s0;
	s0 =	simm.s32 @!p1 $0x0  }
0x14: {  	s2 =	sld [smem:$0x3F87];
	s0 =	simm.s32 @p1 $0x1  }
0x15: {  	[smem:$0x3FA4] =	sst s0;
	s0 =	simm.s32 @!p2 $0x0  }
0x16: {  	s3 =	sld [smem:$0x3FDB];
	s0 =	simm.s32 @p2 $0x1  }
0x17: {  	s4 =	simm.s32 $0x1BF5;
	[smem:$0x3FA6] =	sst s0  }
0x18: {  	s0 =	sld [smem:$0x3F89];
	_ =	swait.ge [sflag:s4], $0x0  }
0x19: {  	s7 =	sld [smem:$0x3F8A]  }
0x1a: {  	s8 =	sadd.s32 $0xFFFFE003, lr  }
0x1b: {  	s9 =	sadd.s32 $0xFFFFFEF7, lr;
	s5 =	simm.s32 $0xFFFFFFFF;
	p2 =	slt.u32 s8, $0xFFFFF086  }
0x1c: {  	p1 =	slt.u32 s9, $0xF7A;
	s5 =	simm.s32 @!p2 $0x0  }
0x1d: {  	s5 =	simm.s32 @p1 $0x1;
	p0 =	seq.s32 s7, s2  }
0x1e: {  	s7 =	smul.u32 @!p0 $0xF7A, s2;
	p2 =	seq.s32 @!p0 s5, $0x0  }
0x1f: {  	s9 =	smul.u32 $0xF7A, s1;
	s8 =	simm.s32 @!p0 $0x1BF5;
	p2 =	por !p2, p0  }
0x20: {  	[sflag:s8] =	ssyncset.s32 @!p0 $0xFFFFF086;
	s6 =	sadd.s32 @!p0 s3, s7;
	s7 =	simm.s32 @!p0 $0x108  }
0x21: {  	s3 =	sadd.s32 s3, s9;
	s6 =	sadd.s32 @!p0 $0x88, s6;
	s7 =	simm.s32 @p2 $0x1082  }
0x22: {  	[simem:s7], [sflag:s8] =	dma.local @!p0 [hbm:s6], $0xF7A  }
0x23: {  	s9 =	sor.u32 $0xD0000000, s2;
	s6 =	simm.s32 $0x108;
	_ =	swait.ge @!p0 [sflag:s8], $0x0  }
0x24: {  	s3 =	sadd.s32 $0x88, s3;
	s6 =	simm.s32 @!p1 $0x1082;
	[sflag:s4] =	ssyncset.s32 $0xFFFFF086  }
0x25: {  	[simem:s6], [sflag:s4] =	dma.local [hbm:s3], $0xF7A  }
0x26: {  	[smem:$0x3F8A] =	sst s1;
	(tag) =	ssettag s2;
	_ =	strace s9  }
0x27: {  	s1 =	sld [smem:$0x3F9A]  }
0x28: {  	s2 =	sld [smem:$0x3F9B]  }
0x29: {  	s4 =	sld [smem:$0x3F9D]  }
0x2a: {  	p0 =	seq.s32 s5, $0x0;
	s5 =	sld [smem:$0x3F9E]  }
0x2b: {  	s6 =	sld [smem:$0x3F9F]  }
0x2c: {  	s7 =	sld [smem:$0x3FA0]  }
0x2d: {  	s3 =	simm.s32 $0x108;
	s8 =	sld [smem:$0x3FA1]  }
0x2e: {  	s3 =	simm.s32 @!p0 $0x1082;
	s9 =	sld [smem:$0x3FA2]  }
0x2f: {  	lr =	sadd.s32 s0, s3;
	s0 =	sld [smem:$0x3F99]  }
0x30: {  	s3 =	sld [smem:$0x3F9C]  }
0x31: {  	[smem:$0x3FA5] =	sst s10  }
0x32: {  	s10 =	sld [smem:$0x3FA3];
	_ =	sdelay $0x3  }
0x33: {  	p0 =	seq.s32 s10, $0x1;
	s10 =	sld [smem:$0x3FA5];
	_ =	sdelay $0x3  }
0x34: {  	[smem:$0x3FA5] =	sst s10  }
0x35: {  	s10 =	sld [smem:$0x3FA4];
	_ =	sdelay $0x3  }
0x36: {  	p1 =	seq.s32 s10, $0x1;
	s10 =	sld [smem:$0x3FA5];
	_ =	sdelay $0x3  }
0x37: {  	[smem:$0x3FA5] =	sst s10  }
0x38: {  	s10 =	sld [smem:$0x3FA6]  }
0x39: {  	_ = 	snop;
	(pc) =	sbr.ind lr, $3  }
0x3a: {  	_ = 	snop  }
0x3b: {  	_ = 	snop  }
0x3c: {  	p2 =	seq.s32 s10, $0x1;
	s10 =	sld [smem:$0x3FA5]  }
0x3d: {  	_ =	shalt  }
0x3e: {  	_ =	shalt  }
0x3f: {  	_ =	shalt  }
0x40: {  	_ =	shalt  }
0x41: {  	_ =	shalt  }
0x42: {  	_ =	shalt  }
0x43: {  	_ =	shalt  }
0x44: {  	_ =	shalt  }
0x45: {  	_ =	shalt  }
0x46: {  	_ =	shalt  }
0x47: {  	_ =	shalt  }
0x48: {  	_ =	shalt  }
0x49: {  	_ =	shalt  }
0x4a: {  	_ =	shalt  }
0x4b: {  	_ =	shalt  }
0x4c: {  	_ =	shalt  }
0x4d: {  	_ =	shalt  }
0x4e: {  	_ =	shalt  }
0x4f: {  	_ =	shalt  }
0x50: {  	_ =	shalt  }
0x51: {  	_ =	shalt  }
0x52: {  	_ =	shalt  }
0x53: {  	_ =	shalt  }
0x54: {  	_ =	shalt  }
0x55: {  	_ =	shalt  }
0x56: {  	_ =	shalt  }
0x57: {  	_ =	shalt  }
0x58: {  	_ =	shalt  }
0x59: {  	_ =	shalt  }
0x5a: {  	_ =	shalt  }
0x5b: {  	_ =	shalt  }
0x5c: {  	_ =	shalt  }
0x5d: {  	_ =	shalt  }
0x5e: {  	_ =	shalt  }
0x5f: {  	_ =	shalt  }
0x60: {  	_ =	shalt  }
0x61: {  	_ =	shalt  }
0x62: {  	_ =	shalt  }
0x63: {  	_ =	shalt  }
0x64: {  	_ =	shalt  }
0x65: {  	_ =	shalt  }
0x66: {  	_ =	shalt  }
0x67: {  	_ =	shalt  }
0x68: {  	_ =	shalt  }
0x69: {  	_ =	shalt  }
0x6a: {  	_ =	shalt  }
0x6b: {  	_ =	shalt  }
0x6c: {  	_ =	shalt  }
0x6d: {  	_ =	shalt  }
0x6e: {  	_ =	shalt  }
0x6f: {  	_ =	shalt  }
0x70: {  	_ =	shalt  }
0x71: {  	_ =	shalt  }
0x72: {  	_ =	shalt  }
0x73: {  	_ =	shalt  }
0x74: {  	_ =	shalt  }
0x75: {  	_ =	shalt  }
0x76: {  	_ =	shalt  }
0x77: {  	_ =	shalt  }
0x78: {  	_ =	shalt  }
0x79: {  	_ =	shalt  }
0x7a: {  	_ =	shalt  }
0x7b: {  	_ =	shalt  }
0x7c: {  	_ =	shalt  }
0x7d: {  	_ =	shalt  }
0x7e: {  	_ =	shalt  }
0x7f: {  	_ =	shalt  }
0x80: {  	_ =	shalt  }
0x81: {  	_ =	shalt  }
0x82: {  	_ =	shalt  }
0x83: {  	_ =	shalt  }
0x84: {  	_ =	shalt  }
0x85: {  	_ =	shalt  }
0x86: {  	_ =	shalt  }
0x87: {  	_ =	shalt  }
.Lfunc_end0:
.L_simem_size_0:
called_computation.2_lowered:
.L_overlay_start_0:
0x88: {  	s2 =	sld [smem:$0x3FD9]  }
0x89: {  	s3 =	sld [smem:$0x3FFE];
	_ =	sdelay $0x1  }
0x8a: {  	s1 =	srdreg.scid  }
0x8b: {  	s0 =	sand.u32 $0x1, s1  }
0x8c: {  	s17 =	sshll.u32 s0, $0xA;
	s2 =	sadd.s32 s3, s2  }
0x8d: {  	s2 =	sadd.s32 s2, s17  }
0x8e: {  	[smem:$0x3FB1] =	sst s2  }
0x8f: {  	_ = 	snop  }
0x90: {  	(tm) =	ssettm $0x1  }
0x91: {  	s18 =	sld [smem:$0x3FFB];
	_ =	sdelay $0x3  }
0x92: {  	_ =	strace s18  }
0x93: {  	s2 =	sld [smem:$0x3FFC];
	_ =	sdelay $0x3  }
0x94: {  	_ =	strace s2  }
0x95: {  	s2 =	sld [smem:$0x3FFD];
	_ =	sdelay $0x3  }
0x96: {  	_ =	strace s2  }
0x97: {  	_ =	strace $0x8FFFFFFF  }
0x98: {  	s19 =	sld [smem:$0x3FDB];
	_ =	sdelay $0x1  }
0x99: {  	s20 =	simm.s32 $_scs_section_size  }
0x9a: {  	s4 =	simm.s32 $_size__tile_overlayer_lowered;
	s5 =	simm.s32 $_tile_overlayer_lowered  }
0x9b: {  	s6 =	simm.s32 $0x1BFF;
	s21 =	sshll.u32 s5, $0x1;
	s3 =	sadd.s32 s20, s19  }
0x9c: {  	s22 =	simm.s32 $0x0;
	s4 =	sshll.u32 s4, $0x1;
	s5 =	sadd.s32 s21, s3  }
0x9d: {  	[timem:s22], [sflag:s6] =	dma.local [hbm:s5], s4  }
0x9e: {  	_ =	swait.ge [sflag:s6], s4  }
0x9f: {  	s4 =	ssub.s32 $0x0, s4;
	[sflag:s6] =	ssyncset.done $0x0  }
0xa0: {  	[sflag:s6] =	ssyncadd.s32 s4;
	_ =	sdelay $0x1  }
0xa1: {  	s23 =	simm.s32 $0x1B8B  }
0xa2: {  	_ =	swait.ge [sflag:s23], $0x1  }
0xa3: {  	[sflag:s23] =	ssyncset.done $0x0  }
0xa4: {  	[sflag:s23] =	ssyncadd.s32 $0xFFFFFFFF  }
0xa5: {  	s4 =	sld [smem:$0x0]  }
0xa6: {  	s5 =	sand.u32 $0xFFFFFFFE, s1  }
0xa7: {  	p0 =	sne.s32 s1, s5  }
0xa8: {  	s5 =	sshll.u32 @p0 s5, $0xE  }
0xa9: {  	s5 =	sadd.s32 @p0 $0x11B8D, s5;
	s6 =	sshll.u32 @p0 s4, $0x11  }
0xaa: {  	s5 =	sor.u32 @p0 s6, s5  }
0xab: {  	[sflag:s5] =	ssyncadd.remote.s32 @p0 $0x1;
	_ =	sdelay $0x1  }
0xac: {  	s5 =	simm.s32 @p0 $0x1B8D  }
0xad: {  	_ =	swait.eq @p0 [sflag:s5], $0x1  }
0xae: {  	[sflag:s5] =	ssyncadd.s32 @p0 $0xFFFFFFFF  }
0xaf: {  	s6 =	sshll.u32 @!p0 s1, $0xE  }
0xb0: {  	s6 =	sor.u32 @!p0 $0x4000, s6;
	s5 =	simm.s32 @!p0 $0x1B8D  }
0xb1: {  	s4 =	sshll.u32 @!p0 s4, $0x11;
	s6 =	sadd.s32 @!p0 $0x11B8D, s6;
	_ =	swait.eq @!p0 [sflag:s5], $0x1  }
0xb2: {  	s4 =	sor.u32 @!p0 s4, s6;
	[sflag:s5] =	ssyncadd.s32 @!p0 $0xFFFFFFFF  }
0xb3: {  	s25 =	simm.s32 $0x1B8E;
	s24 =	sld [smem:$0x3FFE];
	[sflag:s4] =	ssyncadd.remote.s32 @!p0 $0x1  }
0xb4: {  	s26 =	simm.s32 $execute0_lowered;
	[smem:$0x3FD2] =	sst s25  }
0xb5: {  	s5 =	sshll.u32 s26, $0x1;
	_ =	strace $0x80000049;
	[dreg:$0x1] =	wrdreg $0xFFFFFFFF  }
0xb6: {  	s28 =	simm.s32 $_size_execute0_lowered;
	s3 =	sadd.s32 s3, s5;
	[dreg:$0x0] =	wrdreg $0x0  }
0xb7: {  	s5 =	sshll.u32 s28, $0x1;
	[dreg:$0x2] =	wrdreg s3  }
0xb8: {  	[dreg:$0x3] =	wrdreg s5  }
0xb9: {  	[dreg:$0x4] =	wrdreg $0xC0  }
0xba: {  	_ =	task [dreg:s22], $0x5FFFF  }
0xbb: {  	[dreg:$0x1] =	wrdreg $0xFFFFFFFF  }
0xbc: {  	[dreg:$0x0] =	wrdreg $0x60  }
0xbd: {  	[dreg:$0x2] =	wrdreg s24  }
0xbe: {  	[dreg:$0x3] =	wrdreg $0xB  }
0xbf: {  	_ =	task.clear_ibuf [dreg:s22], $0x4FFFF;
	_ =	strace $0x90000049  }
0xc0: {  	s29 =	simm.s32 $0xB;
	_ =	strace $0x8000004B  }
0xc1: {  	_ =	swait.ge [sflag:s29], $0x1  }
0xc2: {  	[sflag:s29] =	ssyncadd.s32 $0xFFFFFFFF  }
0xc3: {  	_ =	strace $0x9000004B  }
0xc4: {  	_ =	sfence  }
0xc5: {  	s30 =	sld [smem:$0x0];
	_ =	sdelay $0x2  }
0xc6: {  	s31 =	sshll.u32 s1, $0xD;
	s1 =	sshrl.u32 s1, $0x2  }
0xc7: {  	s4 =	sand.u32 $0x4000, s31;
	s1 =	sadd.s32 s1, s30  }
0xc8: {  	s0 =	sor.u32 s4, s0;
	s1 =	sshll.u32 s1, $0x11  }
0xc9: {  	s0 =	sor.u32 s1, s0  }
0xca: {  	s0 =	sadd.s32 $0x8F2B, s0  }
0xcb: {  	[sflag:s0] =	ssyncadd.remote.s32 $0x1  }
0xcc: {  	_ =	sfence.sel $0xFFFF  }
0xcd: {  	[dreg:$0x0] =	wrdreg $0xFFFFFFFF;
	(pc) =	sbr.abs _section_cstart, $3  }
0xce: {  	[dreg:$0x1] =	wrdreg $0xFFFFFFFF  }
0xcf: {  	_ =	task.clear_ibuf [dreg:s22], $0x2FFFF;
	_ =	strace $0x9FFFFFFF  }
0xd0: {  	(tm) =	ssettm $0x7FFFFFFF  }
0xd1: {  	_ =	shalt  }
tec
execute0_lowered:
.L_overlay_start_1:
0x0: {  	(tag) =	ssettag $0x1  }
0x1: {  	s5 =	rddreg [dreg:$0x0]  }
0x2: {  	s0 =	rddreg [dreg:$0x1];
	s2 =	simm.s32 $0x0;
	s3 =	srdreg.scid  }
0x3: {  	s1 =	stileid.u32;
	s12 =	simm.s32 $0xA0;
	s13 =	simm.s32 $0x28A0  }
0x4: {  	s14 =	simm.s32 $0x1;
	s15 =	simm.s32 $0x2;
	s7 =	smul.u32 $0x4E20, s1  }
0x5: {  	s16 =	simm.s32 $0x0;
	s6 =	sand.u32 $0x1, s3;
	s9 =	smul.u32 $0x4E200, s1  }
0x6: {  	[smem:$0x7FF] =	sst s2;
	s3 =	sadd.s32 $0x344800, s5;
	s8 =	smul.u32 $0x2710, s6  }
0x7: {  	s4 =	sadd.s32 $0x36BA00, s5;
	s29 =	ssub.s32 $0x2, s6;
	s6 =	smul.u32 $0x27100, s6  }
0x8: {  	_ =	strace $0x8000004A;
	s9 =	sadd.s32 s9, s5;
	s10 =	sshrl.u32 s29, $0x1  }
0x9: {  	s7 =	sadd.s32 s8, s7;
	s30 =	ssub.s32 s29, s10;
	s31 =	sadd.s32 s6, s9  }
0xa: {  	s10 =	simm.s32 $0x3;
	s7 =	sshrl.u32 s7, $0x3;
	s6 =	sadd.s32 $0x89BE00, s31  }
0xb: {  	s11 =	sadd.s32 s7, s5;
	s5 =	smax.u32 s30, $0x1;
	s7 =	sadd.s32 $0x3B9E00, s31  }
0xc: {  	s8 =	sadd.s32 $0x11200, s11;
	s9 =	sadd.s32 $0x1B000, s11;
	s11 =	simm.s32 $0x50  }
.LBB2_1:
0xd: {  	s17 =	sadd.s32 $0x0, s9  }
0xe: {  	[tilespmem:s2], [sflag:$0x3] =	stream.linear.gather [hbm4b:s17+s2], $0x50, $0x38;
	[tilespmem:$0x50A0] =	vst v63  }
0xf: {  	_ =	swait.ge [sflag:s10], $0x50  }
0x10: {  	[sflag:s10] =	ssyncset.done $0x0  }
0x11: {  	s31 =	sadd.s32 $0x0, s8;
	[sflag:s10] =	ssyncadd.s32 $0xFFFFFFB0  }
0x12: {  	[tilespmem:s11], [sflag:$0x3] =	stream.linear.gather [hbm4b:s31+s2], $0x50, $0x38;
	[tilespmem:$0x50A0] =	vst v63  }
0x13: {  	_ =	swait.ge [sflag:s10], $0x50  }
0x14: {  	[sflag:s10] =	ssyncset.done $0x0  }
0x15: {  	[sflag:s10] =	ssyncadd.s32 $0xFFFFFFB0  }
0x16: {  	[tilespmem:s12], [sflag:$0x1] =	stream.indirect.gather [hbm4b:s3+s11], $0x80, s2, s11, $0xb8;
	[tilespmem:$0x50A0] =	vst v63  }
0x17: {  	_ = 	snop  }
0x18: {  	[tilespmem:s13], [sflag:$0x2] =	stream.indirect.gather [hbm4b:s4+s11], $0x80, s11, s11, $0xb8;
	[tilespmem:$0x50A0] =	vst v63  }
0x19: {  	_ =	swait.ge [sflag:s14], $0x2800  }
0x1a: {  	[sflag:s14] =	ssyncset.done $0x0  }
0x1b: {  	[sflag:s14] =	ssyncadd.s32 $0xFFFFD800  }
0x1c: {  	_ =	swait.ge [sflag:s15], $0x2800  }
0x1d: {  	[sflag:s15] =	ssyncset.done $0x0  }
0x1e: {  	[sflag:s15] =	ssyncadd.s32 $0xFFFFD800  }
0x1f: {  	[hbm4b:s7+s2] =	stream.linear.scatter [tilespmem:s12], [sflag:$0x3], $0x2800, $0x38;
	[tilespmem:$0x50A0] =	vst v63  }
0x20: {  	_ =	swait.ge [sflag:s10], $0x2800  }
0x21: {  	[sflag:s10] =	ssyncset.done $0x0  }
0x22: {  	[sflag:s10] =	ssyncadd.s32 $0xFFFFD800  }
0x23: {  	[hbm4b:s6+s2] =	stream.linear.scatter [tilespmem:s13], [sflag:$0x3], $0x2800, $0x38;
	[tilespmem:$0x50A0] =	vst v63  }
0x24: {  	s19 =	simm.s32 $0xA;
	s20 =	simm.s32 $0x14;
	_ =	swait.ge [sflag:s10], $0x2800  }
0x25: {  	s18 =	sadd.s32 $0x500, s7;
	s17 =	sadd.s32 $0x500, s6;
	[sflag:s10] =	ssyncset.done $0x0  }
.LBB2_2:
0x26: {  	s21 =	sadd.s32 s19, s9  }
0x27: {  	[sflag:s10] =	ssyncadd.s32 $0xFFFFD800;
	s22 =	smov.u32 s20;
	s23 =	sadd.s32 $0xA, s20  }
0x28: {  	[tilespmem:s2], [sflag:$0x3] =	stream.linear.gather [hbm4b:s21+s2], $0x50, $0x38;
	[tilespmem:$0x50A0] =	vst v63  }
0x29: {  	p0 =	sne.s32 s20, $0x4D8;
	_ =	swait.ge [sflag:s10], $0x50  }
0x2a: {  	[sflag:s10] =	ssyncset.done $0x0  }
0x2b: {  	s20 =	sadd.s32 s19, s8;
	s19 =	smov.u32 s22;
	[sflag:s10] =	ssyncadd.s32 $0xFFFFFFB0  }
0x2c: {  	[tilespmem:s11], [sflag:$0x3] =	stream.linear.gather [hbm4b:s20+s2], $0x50, $0x38;
	[tilespmem:$0x50A0] =	vst v63  }
0x2d: {  	_ =	swait.ge [sflag:s10], $0x50  }
0x2e: {  	[sflag:s10] =	ssyncset.done $0x0  }
0x2f: {  	[sflag:s10] =	ssyncadd.s32 $0xFFFFFFB0  }
0x30: {  	[tilespmem:s12], [sflag:$0x1] =	stream.indirect.gather [hbm4b:s3+s11], $0x80, s2, s11, $0xb8;
	[tilespmem:$0x50A0] =	vst v63  }
0x31: {  	_ = 	snop  }
0x32: {  	[tilespmem:s13], [sflag:$0x2] =	stream.indirect.gather [hbm4b:s4+s11], $0x80, s11, s11, $0xb8;
	[tilespmem:$0x50A0] =	vst v63  }
0x33: {  	_ =	swait.ge [sflag:s14], $0x2800  }
0x34: {  	[sflag:s14] =	ssyncset.done $0x0  }
0x35: {  	[sflag:s14] =	ssyncadd.s32 $0xFFFFD800  }
0x36: {  	_ =	swait.ge [sflag:s15], $0x2800  }
0x37: {  	[sflag:s15] =	ssyncset.done $0x0  }
0x38: {  	[sflag:s15] =	ssyncadd.s32 $0xFFFFD800  }
0x39: {  	[hbm4b:s18+s2] =	stream.linear.scatter [tilespmem:s12], [sflag:$0x3], $0x2800, $0x38;
	[tilespmem:$0x50A0] =	vst v63  }
0x3a: {  	_ =	swait.ge [sflag:s10], $0x2800  }
.Ltmp0:
0x3b: {  	[sflag:s10] =	ssyncset.done $0x0;
	(pc) =	sbr.rel @p0 .LBB2_2-.Ltmp0, $4  }
0x3c: {  	[sflag:s10] =	ssyncadd.s32 $0xFFFFD800  }
0x3d: {  	[hbm4b:s17+s2] =	stream.linear.scatter [tilespmem:s13], [sflag:$0x3], $0x2800, $0x38;
	[tilespmem:$0x50A0] =	vst v63  }
0x3e: {  	s20 =	smov.u32 s23;
	_ =	swait.ge [sflag:s10], $0x2800  }
0x3f: {  	s18 =	sadd.s32 $0x500, s18;
	s17 =	sadd.s32 $0x500, s17;
	[sflag:s10] =	ssyncset.done $0x0  }
0x40: {  	s20 =	sadd.s32 s19, s9;
	[sflag:s10] =	ssyncadd.s32 $0xFFFFD800  }
0x41: {  	[tilespmem:s2], [sflag:$0x3] =	stream.linear.gather [hbm4b:s20+s2], $0x50, $0x38;
	[tilespmem:$0x50A0] =	vst v63  }
0x42: {  	_ =	swait.ge [sflag:s10], $0x50  }
0x43: {  	[sflag:s10] =	ssyncset.done $0x0  }
0x44: {  	s31 =	sadd.s32 s19, s8;
	[sflag:s10] =	ssyncadd.s32 $0xFFFFFFB0  }
0x45: {  	[tilespmem:s11], [sflag:$0x3] =	stream.linear.gather [hbm4b:s31+s2], $0x50, $0x38;
	[tilespmem:$0x50A0] =	vst v63  }
0x46: {  	_ =	swait.ge [sflag:s10], $0x50  }
0x47: {  	[sflag:s10] =	ssyncset.done $0x0  }
0x48: {  	[sflag:s10] =	ssyncadd.s32 $0xFFFFFFB0  }
0x49: {  	[tilespmem:s12], [sflag:$0x1] =	stream.indirect.gather [hbm4b:s3+s11], $0x80, s2, s11, $0xb8;
	[tilespmem:$0x50A0] =	vst v63  }
0x4a: {  	_ = 	snop  }
0x4b: {  	[tilespmem:s13], [sflag:$0x2] =	stream.indirect.gather [hbm4b:s4+s11], $0x80, s11, s11, $0xb8;
	[tilespmem:$0x50A0] =	vst v63  }
0x4c: {  	_ =	swait.ge [sflag:s14], $0x2800  }
0x4d: {  	[sflag:s14] =	ssyncset.done $0x0  }
0x4e: {  	[sflag:s14] =	ssyncadd.s32 $0xFFFFD800  }
0x4f: {  	_ =	swait.ge [sflag:s15], $0x2800  }
0x50: {  	[sflag:s15] =	ssyncset.done $0x0  }
0x51: {  	[sflag:s15] =	ssyncadd.s32 $0xFFFFD800  }
0x52: {  	[hbm4b:s18+s2] =	stream.linear.scatter [tilespmem:s12], [sflag:$0x3], $0x2800, $0x38;
	[tilespmem:$0x50A0] =	vst v63  }
0x53: {  	s16 =	sadd.s32 $0x1, s16;
	_ =	swait.ge [sflag:s10], $0x2800  }
0x54: {  	p0 =	sne.s32 s16, s5;
	[sflag:s10] =	ssyncset.done $0x0  }
.Ltmp1:
0x55: {  	[sflag:s10] =	ssyncadd.s32 $0xFFFFD800;
	(pc) =	sbr.rel @p0 .LBB2_1-.Ltmp1, $4  }
0x56: {  	[hbm4b:s17+s2] =	stream.linear.scatter [tilespmem:s13], [sflag:$0x3], $0x2800, $0x38;
	[tilespmem:$0x50A0] =	vst v63  }
0x57: {  	_ =	swait.ge [sflag:s10], $0x2800  }
0x58: {  	[sflag:s10] =	ssyncset.done $0x0  }
0x59: {  	[sflag:s10] =	ssyncadd.s32 $0xFFFFD800  }
0x5a: {  	_ =	sfence.sel $0x180000  }
0x5b: {  	[bflag:$0x0] =	sbarrier.arrive $0xFFFF  }
0x5c: {  	p0 =	sne.s32 s1, $0x0;
	_ =	strace $0x9000004A  }
0x5d: {  	s0 =	sadd.s32 @!p0 $0x100000, s0;
	[bflag:$0x2] =	sbarrier.arrive $0xFFFF  }
0x5e: {  	[sflag:s0] =	ssyncadd.tile.s32 @!p0 $0x1;
	_ =	shalt  }
.Lfunc_end2:
_tile_overlayer_lowered:
.L_overlay_start_2:
0x5f: {  	(tag) =	ssettag $0x2  }
0x60: {  	s0 =	rddreg [dreg:$0x0];
	s2 =	stileid.u32  }
0x61: {  	s1 =	rddreg [dreg:$0x1];
	p0 =	sne.s32 s2, $0x0  }
0x62: {  	s3 =	rddreg [dreg:$0x2];
	[bflag:$0x3] =	sbarrier.arrive $0xFFFF;
	s2 =	simm.s32 @!p0 $0x1C03  }
0x63: {  	[timem:s3], [sflag:s2] =	dma.local @!p0 [hbm:s0], s1  }
0x64: {  	s0 =	simm.s32 @!p0 $0x3  }
0x65: {  	_ =	swait.ge @!p0 [sflag:s0], s1  }
0x66: {  	s1 =	ssub.s32 @!p0 $0x0, s1;
	[sflag:s0] =	ssyncset.done @!p0 $0x0  }
0x67: {  	[sflag:s0] =	ssyncadd.s32 @!p0 s1  }
0x68: {  	[bflag:$0x3] =	sbarrier.arrive $0xFFFF  }
0x69: {  	_ =	shalt  }

// kernel: kernel.34.cloned.1.call-start
scs
__scs_entry_jumppad:
0x0: {  	(pc) =	sbr.rel $0x88, $3  }
0x1: {  	(tag) =	ssettag $0x0;
	lr =	simm.s32 $0x1  }
0x2: {  	[smem:$0x3F8A] =	sst lr;
	_ =	strace $0xD0000000  }
0x3: {  	_ = 	snop  }
0x4: {  	_ = 	snop  }
0x5: {  	_ = 	snop  }
0x6: {  	_ = 	snop  }
0x7: {  	_ = 	snop  }
__scs_overlays_trampoline_lowered:
0x8: {  	[smem:$0x3F99] =	sst s0  }
0x9: {  	[smem:$0x3F9A] =	sst s1  }
0xa: {  	[smem:$0x3F9B] =	sst s2  }
0xb: {  	[smem:$0x3F9C] =	sst s3  }
0xc: {  	[smem:$0x3F9D] =	sst s4  }
0xd: {  	[smem:$0x3F9E] =	sst s5  }
0xe: {  	[smem:$0x3F9F] =	sst s6  }
0xf: {  	[smem:$0x3FA0] =	sst s7  }
0x10: {  	[smem:$0x3FA1] =	sst s8  }
0x11: {  	[smem:$0x3FA2] =	sst s9;
	s0 =	simm.s32 @!p0 $0x0  }
0x12: {  	s1 =	sld [smem:$0x3F88];
	s0 =	simm.s32 @p0 $0x1  }
0x13: {  	[smem:$0x3FA3] =	sst s0;
	s0 =	simm.s32 @!p1 $0x0  }
0x14: {  	s2 =	sld [smem:$0x3F87];
	s0 =	simm.s32 @p1 $0x1  }
0x15: {  	[smem:$0x3FA4] =	sst s0;
	s0 =	simm.s32 @!p2 $0x0  }
0x16: {  	s3 =	sld [smem:$0x3FDB];
	s0 =	simm.s32 @p2 $0x1  }
0x17: {  	s4 =	simm.s32 $0x1BF5;
	[smem:$0x3FA6] =	sst s0  }
0x18: {  	s0 =	sld [smem:$0x3F89];
	_ =	swait.ge [sflag:s4], $0x0  }
0x19: {  	s7 =	sld [smem:$0x3F8A]  }
0x1a: {  	s8 =	sadd.s32 $0xFFFFE003, lr  }
0x1b: {  	s9 =	sadd.s32 $0xFFFFFEF7, lr;
	s5 =	simm.s32 $0xFFFFFFFF;
	p2 =	slt.u32 s8, $0xFFFFF086  }
0x1c: {  	p1 =	slt.u32 s9, $0xF7A;
	s5 =	simm.s32 @!p2 $0x0  }
0x1d: {  	s5 =	simm.s32 @p1 $0x1;
	p0 =	seq.s32 s7, s2  }
0x1e: {  	s7 =	smul.u32 @!p0 $0xF7A, s2;
	p2 =	seq.s32 @!p0 s5, $0x0  }
0x1f: {  	s9 =	smul.u32 $0xF7A, s1;
	s8 =	simm.s32 @!p0 $0x1BF5;
	p2 =	por !p2, p0  }
0x20: {  	[sflag:s8] =	ssyncset.s32 @!p0 $0xFFFFF086;
	s6 =	sadd.s32 @!p0 s3, s7;
	s7 =	simm.s32 @!p0 $0x108  }
0x21: {  	s3 =	sadd.s32 s3, s9;
	s6 =	sadd.s32 @!p0 $0x88, s6;
	s7 =	simm.s32 @p2 $0x1082  }
0x22: {  	[simem:s7], [sflag:s8] =	dma.local @!p0 [hbm:s6], $0xF7A  }
0x23: {  	s9 =	sor.u32 $0xD0000000, s2;
	s6 =	simm.s32 $0x108;
	_ =	swait.ge @!p0 [sflag:s8], $0x0  }
0x24: {  	s3 =	sadd.s32 $0x88, s3;
	s6 =	simm.s32 @!p1 $0x1082;
	[sflag:s4] =	ssyncset.s32 $0xFFFFF086  }
0x25: {  	[simem:s6], [sflag:s4] =	dma.local [hbm:s3], $0xF7A  }
0x26: {  	[smem:$0x3F8A] =	sst s1;
	(tag) =	ssettag s2;
	_ =	strace s9  }
0x27: {  	s1 =	sld [smem:$0x3F9A]  }
0x28: {  	s2 =	sld [smem:$0x3F9B]  }
0x29: {  	s4 =	sld [smem:$0x3F9D]  }
0x2a: {  	p0 =	seq.s32 s5, $0x0;
	s5 =	sld [smem:$0x3F9E]  }
0x2b: {  	s6 =	sld [smem:$0x3F9F]  }
0x2c: {  	s7 =	sld [smem:$0x3FA0]  }
0x2d: {  	s3 =	simm.s32 $0x108;
	s8 =	sld [smem:$0x3FA1]  }
0x2e: {  	s3 =	simm.s32 @!p0 $0x1082;
	s9 =	sld [smem:$0x3FA2]  }
0x2f: {  	lr =	sadd.s32 s0, s3;
	s0 =	sld [smem:$0x3F99]  }
0x30: {  	s3 =	sld [smem:$0x3F9C]  }
0x31: {  	[smem:$0x3FA5] =	sst s10  }
0x32: {  	s10 =	sld [smem:$0x3FA3];
	_ =	sdelay $0x3  }
0x33: {  	p0 =	seq.s32 s10, $0x1;
	s10 =	sld [smem:$0x3FA5];
	_ =	sdelay $0x3  }
0x34: {  	[smem:$0x3FA5] =	sst s10  }
0x35: {  	s10 =	sld [smem:$0x3FA4];
	_ =	sdelay $0x3  }
0x36: {  	p1 =	seq.s32 s10, $0x1;
	s10 =	sld [smem:$0x3FA5];
	_ =	sdelay $0x3  }
0x37: {  	[smem:$0x3FA5] =	sst s10  }
0x38: {  	s10 =	sld [smem:$0x3FA6]  }
0x39: {  	_ = 	snop;
	(pc) =	sbr.ind lr, $3  }
0x3a: {  	_ = 	snop  }
0x3b: {  	_ = 	snop  }
0x3c: {  	p2 =	seq.s32 s10, $0x1;
	s10 =	sld [smem:$0x3FA5]  }
0x3d: {  	_ =	shalt  }
0x3e: {  	_ =	shalt  }
0x3f: {  	_ =	shalt  }
0x40: {  	_ =	shalt  }
0x41: {  	_ =	shalt  }
0x42: {  	_ =	shalt  }
0x43: {  	_ =	shalt  }
0x44: {  	_ =	shalt  }
0x45: {  	_ =	shalt  }
0x46: {  	_ =	shalt  }
0x47: {  	_ =	shalt  }
0x48: {  	_ =	shalt  }
0x49: {  	_ =	shalt  }
0x4a: {  	_ =	shalt  }
0x4b: {  	_ =	shalt  }
0x4c: {  	_ =	shalt  }
0x4d: {  	_ =	shalt  }
0x4e: {  	_ =	shalt  }
0x4f: {  	_ =	shalt  }
0x50: {  	_ =	shalt  }
0x51: {  	_ =	shalt  }
0x52: {  	_ =	shalt  }
0x53: {  	_ =	shalt  }
0x54: {  	_ =	shalt  }
0x55: {  	_ =	shalt  }
0x56: {  	_ =	shalt  }
0x57: {  	_ =	shalt  }
0x58: {  	_ =	shalt  }
0x59: {  	_ =	shalt  }
0x5a: {  	_ =	shalt  }
0x5b: {  	_ =	shalt  }
0x5c: {  	_ =	shalt  }
0x5d: {  	_ =	shalt  }
0x5e: {  	_ =	shalt  }
0x5f: {  	_ =	shalt  }
0x60: {  	_ =	shalt  }
0x61: {  	_ =	shalt  }
0x62: {  	_ =	shalt  }
0x63: {  	_ =	shalt  }
0x64: {  	_ =	shalt  }
0x65: {  	_ =	shalt  }
0x66: {  	_ =	shalt  }
0x67: {  	_ =	shalt  }
0x68: {  	_ =	shalt  }
0x69: {  	_ =	shalt  }
0x6a: {  	_ =	shalt  }
0x6b: {  	_ =	shalt  }
0x6c: {  	_ =	shalt  }
0x6d: {  	_ =	shalt  }
0x6e: {  	_ =	shalt  }
0x6f: {  	_ =	shalt  }
0x70: {  	_ =	shalt  }
0x71: {  	_ =	shalt  }
0x72: {  	_ =	shalt  }
0x73: {  	_ =	shalt  }
0x74: {  	_ =	shalt  }
0x75: {  	_ =	shalt  }
0x76: {  	_ =	shalt  }
0x77: {  	_ =	shalt  }
0x78: {  	_ =	shalt  }
0x79: {  	_ =	shalt  }
0x7a: {  	_ =	shalt  }
0x7b: {  	_ =	shalt  }
0x7c: {  	_ =	shalt  }
0x7d: {  	_ =	shalt  }
0x7e: {  	_ =	shalt  }
0x7f: {  	_ =	shalt  }
0x80: {  	_ =	shalt  }
0x81: {  	_ =	shalt  }
0x82: {  	_ =	shalt  }
0x83: {  	_ =	shalt  }
0x84: {  	_ =	shalt  }
0x85: {  	_ =	shalt  }
0x86: {  	_ =	shalt  }
0x87: {  	_ =	shalt  }
.Lfunc_end0:
.L_simem_size_0:
called_computation.3_lowered:
.L_overlay_start_0:
0x88: {  	s2 =	sld [smem:$0x3FD9]  }
0x89: {  	s3 =	sld [smem:$0x3FFE];
	_ =	sdelay $0x1  }
0x8a: {  	s1 =	srdreg.scid  }
0x8b: {  	s0 =	sand.u32 $0x1, s1  }
0x8c: {  	s17 =	sshll.u32 s0, $0xA;
	s2 =	sadd.s32 s3, s2  }
0x8d: {  	s2 =	sadd.s32 s2, s17  }
0x8e: {  	[smem:$0x3FB1] =	sst s2  }
0x8f: {  	_ = 	snop  }
0x90: {  	(tm) =	ssettm $0x1  }
0x91: {  	s18 =	sld [smem:$0x3FFB];
	_ =	sdelay $0x3  }
0x92: {  	_ =	strace s18  }
0x93: {  	s2 =	sld [smem:$0x3FFC];
	_ =	sdelay $0x3  }
0x94: {  	_ =	strace s2  }
0x95: {  	s2 =	sld [smem:$0x3FFD];
	_ =	sdelay $0x3  }
0x96: {  	_ =	strace s2  }
0x97: {  	_ =	strace $0x8FFFFFFF  }
0x98: {  	s19 =	sld [smem:$0x3FDB];
	_ =	sdelay $0x1  }
0x99: {  	s20 =	simm.s32 $_scs_section_size  }
0x9a: {  	s4 =	simm.s32 $_size__tile_overlayer_lowered;
	s5 =	simm.s32 $_tile_overlayer_lowered  }
0x9b: {  	s6 =	simm.s32 $0x1BFF;
	s21 =	sshll.u32 s5, $0x1;
	s3 =	sadd.s32 s20, s19  }
0x9c: {  	s22 =	simm.s32 $0x0;
	s4 =	sshll.u32 s4, $0x1;
	s5 =	sadd.s32 s21, s3  }
0x9d: {  	[timem:s22], [sflag:s6] =	dma.local [hbm:s5], s4  }
0x9e: {  	_ =	swait.ge [sflag:s6], s4  }
0x9f: {  	s4 =	ssub.s32 $0x0, s4;
	[sflag:s6] =	ssyncset.done $0x0  }
0xa0: {  	[sflag:s6] =	ssyncadd.s32 s4;
	_ =	sdelay $0x1  }
0xa1: {  	s23 =	simm.s32 $0x1B8B  }
0xa2: {  	_ =	swait.ge [sflag:s23], $0x1  }
0xa3: {  	[sflag:s23] =	ssyncset.done $0x0  }
0xa4: {  	[sflag:s23] =	ssyncadd.s32 $0xFFFFFFFF  }
0xa5: {  	s4 =	sld [smem:$0x0]  }
0xa6: {  	s5 =	sand.u32 $0xFFFFFFFE, s1  }
0xa7: {  	p0 =	sne.s32 s1, s5  }
0xa8: {  	s5 =	sshll.u32 @p0 s5, $0xE  }
0xa9: {  	s5 =	sadd.s32 @p0 $0x11B8D, s5;
	s6 =	sshll.u32 @p0 s4, $0x11  }
0xaa: {  	s5 =	sor.u32 @p0 s6, s5  }
0xab: {  	[sflag:s5] =	ssyncadd.remote.s32 @p0 $0x1;
	_ =	sdelay $0x1  }
0xac: {  	s5 =	simm.s32 @p0 $0x1B8D  }
0xad: {  	_ =	swait.eq @p0 [sflag:s5], $0x1  }
0xae: {  	[sflag:s5] =	ssyncadd.s32 @p0 $0xFFFFFFFF  }
0xaf: {  	s6 =	sshll.u32 @!p0 s1, $0xE  }
0xb0: {  	s6 =	sor.u32 @!p0 $0x4000, s6;
	s5 =	simm.s32 @!p0 $0x1B8D  }
0xb1: {  	s4 =	sshll.u32 @!p0 s4, $0x11;
	s6 =	sadd.s32 @!p0 $0x11B8D, s6;
	_ =	swait.eq @!p0 [sflag:s5], $0x1  }
0xb2: {  	s4 =	sor.u32 @!p0 s4, s6;
	[sflag:s5] =	ssyncadd.s32 @!p0 $0xFFFFFFFF  }
0xb3: {  	s25 =	simm.s32 $0x1B8E;
	s24 =	sld [smem:$0x3FFE];
	[sflag:s4] =	ssyncadd.remote.s32 @!p0 $0x1  }
0xb4: {  	s26 =	simm.s32 $execute0_lowered;
	[smem:$0x3FD2] =	sst s25  }
0xb5: {  	s5 =	sshll.u32 s26, $0x1;
	_ =	strace $0x8000004F;
	[dreg:$0x1] =	wrdreg $0xFFFFFFFF  }
0xb6: {  	s28 =	simm.s32 $_size_execute0_lowered;
	s3 =	sadd.s32 s3, s5;
	[dreg:$0x0] =	wrdreg $0x0  }
0xb7: {  	s5 =	sshll.u32 s28, $0x1;
	[dreg:$0x2] =	wrdreg s3  }
0xb8: {  	[dreg:$0x3] =	wrdreg s5  }
0xb9: {  	[dreg:$0x4] =	wrdreg $0xC0  }
0xba: {  	_ =	task [dreg:s22], $0x5FFFF  }
0xbb: {  	[dreg:$0x1] =	wrdreg $0xFFFFFFFF  }
0xbc: {  	[dreg:$0x0] =	wrdreg $0x60  }
0xbd: {  	[dreg:$0x2] =	wrdreg s24  }
0xbe: {  	[dreg:$0x3] =	wrdreg $0xAA00  }
0xbf: {  	[dreg:$0x4] =	wrdreg $0xA  }
0xc0: {  	_ =	task.clear_ibuf [dreg:s22], $0x5FFFF;
	_ =	strace $0x9000004F  }
0xc1: {  	s29 =	simm.s32 $0xA;
	_ =	strace $0x80000051  }
0xc2: {  	_ =	swait.ge [sflag:s29], $0x1  }
0xc3: {  	[sflag:s29] =	ssyncadd.s32 $0xFFFFFFFF  }
0xc4: {  	_ =	strace $0x90000051  }
0xc5: {  	_ =	sfence  }
0xc6: {  	s30 =	sld [smem:$0x0];
	_ =	sdelay $0x2  }
0xc7: {  	s31 =	sshll.u32 s1, $0xD;
	s1 =	sshrl.u32 s1, $0x2  }
0xc8: {  	s4 =	sand.u32 $0x4000, s31;
	s1 =	sadd.s32 s1, s30  }
0xc9: {  	s0 =	sor.u32 s4, s0;
	s1 =	sshll.u32 s1, $0x11  }
0xca: {  	s0 =	sor.u32 s1, s0  }
0xcb: {  	s0 =	sadd.s32 $0x8F2B, s0  }
0xcc: {  	[sflag:s0] =	ssyncadd.remote.s32 $0x1  }
0xcd: {  	_ =	sfence.sel $0xFFFF  }
0xce: {  	[dreg:$0x0] =	wrdreg $0xFFFFFFFF;
	(pc) =	sbr.abs _section_cstart, $3  }
0xcf: {  	[dreg:$0x1] =	wrdreg $0xFFFFFFFF  }
0xd0: {  	_ =	task.clear_ibuf [dreg:s22], $0x2FFFF;
	_ =	strace $0x9FFFFFFF  }
0xd1: {  	(tm) =	ssettm $0x7FFFFFFF  }
tec
execute0_lowered:
.L_overlay_start_1:
0x0: {  	(tag) =	ssettag $0x1  }
0x1: {  	s0 =	srdreg.scid  }
0x2: {  	s4 =	rddreg [dreg:$0x0];
	s5 =	sand.u32 $0x1, s0  }
0x3: {  	s0 =	stileid.u32;
	s6 =	smul.u32 $0x27100, s5  }
0x4: {  	s2 =	rddreg [dreg:$0x1];
	s7 =	smul.u32 $0x2710, s0  }
0x5: {  	s1 =	rddreg [dreg:$0x2];
	s8 =	smul.u32 $0x9C400, s5  }
0x6: {  	s3 =	simm.s32 $0x0;
	s14 =	simm.s32 $0xA0;
	s29 =	smul.u32 $0x4E20, s0  }
0x7: {  	s15 =	simm.s32 $0x0;
	[smem:$0x7FF] =	sst s3;
	s9 =	smul.u32 $0x4E200, s5  }
0x8: {  	_ =	strace $0x80000050;
	s5 =	ssub.s32 $0x2, s5;
	s12 =	smul.u32 $0x9C40, s0  }
0x9: {  	s31 =	sshll.u32 s0, $0x6;
	s11 =	sshrl.u32 s5, $0x1;
	s6 =	sadd.s32 s7, s6  }
0xa: {  	s8 =	sadd.s32 s8, s4;
	s30 =	sshrl.u32 s29, $0x3;
	s9 =	sadd.s32 s29, s9  }
0xb: {  	s11 =	ssub.s32 s5, s11;
	s13 =	sadd.s32 s29, s2;
	s5 =	sor.u32 $0x1C01, s31  }
0xc: {  	s6 =	sshrl.u32 s6, $0x3;
	s9 =	sshrl.u32 s9, $0x3;
	s8 =	sadd.s32 s12, s8  }
0xd: {  	s7 =	smax.u32 s11, $0x1;
	s11 =	sshrl.u32 s13, $0x3;
	s12 =	simm.s32 $0x1  }
0xe: {  	s13 =	simm.s32 $0x50;
	s10 =	sadd.s32 s6, s4;
	s6 =	sadd.s32 s30, s4  }
0xf: {  	s9 =	sadd.s32 s9, s4;
	s8 =	sadd.s32 $0x1F9A00, s8;
	s4 =	sadd.s32 $0x344800, s6  }
0x10: {  	s6 =	sadd.s32 $0x34E600, s9;
	s9 =	sadd.s32 $0x11200, s10;
	s10 =	sadd.s32 $0x1B000, s10  }
.LBB2_1:
0x11: {  	[spmem:s11], [sflag:s5] =	dma.local [hbm:s4], $0x9C4  }
0x12: {  	_ =	swait.ge [sflag:s12], $0x9C4  }
0x13: {  	[sflag:s12] =	ssyncset.done $0x0  }
0x14: {  	[sflag:s12] =	ssyncadd.s32 $0xFFFFF63C  }
0x15: {  	s16 =	sadd.s32 $0x0, s10;
	[bflag:$0x0] =	sbarrier.arrive $0xFFFF  }
0x16: {  	[tilespmem:s3], [sflag:$0x1] =	stream.linear.gather [hbm4b:s16+s3], $0x50, $0x38;
	[tilespmem:$0x58C0] =	vst v63  }
0x17: {  	_ =	swait.ge [sflag:s12], $0x50  }
0x18: {  	[sflag:s12] =	ssyncset.done $0x0  }
0x19: {  	s31 =	sadd.s32 $0x0, s9;
	[sflag:s12] =	ssyncadd.s32 $0xFFFFFFB0  }
0x1a: {  	[tilespmem:s13], [sflag:$0x1] =	stream.linear.gather [hbm4b:s31+s3], $0x50, $0x38;
	[tilespmem:$0x58C0] =	vst v63  }
0x1b: {  	_ =	swait.ge [sflag:s12], $0x50  }
0x1c: {  	[sflag:s12] =	ssyncset.done $0x0  }
0x1d: {  	[sflag:s12] =	ssyncadd.s32 $0xFFFFFFB0  }
0x1e: {  	[tilespmem:s14], [sflag:$0x1] =	stream.linear.gather [hbm4b:s8+s3], $0xA00, $0x38;
	[tilespmem:$0x58C0] =	vst v63  }
0x1f: {  	_ =	swait.ge [sflag:s12], $0xA00  }
0x20: {  	[sflag:s12] =	ssyncset.done $0x0  }
0x21: {  	[sflag:s12] =	ssyncadd.s32 $0xFFFFF600  }
0x22: {  	[spmem:s2] =	stream.indirect.scatter.add.f32 [tilespmem:s14], [sflag:$0x1], $0x20, s3, s13, $0xb8;
	[tilespmem:$0x58C0] =	vst v63  }
0x23: {  	_ =	swait.ge [sflag:s12], $0xA00  }
0x24: {  	[sflag:s12] =	ssyncset.done $0x0  }
0x25: {  	[sflag:s12] =	ssyncadd.s32 $0xFFFFF600  }
0x26: {  	[spmem:s2] =	stream.indirect.scatter.add.f32 [tilespmem:s14], [sflag:$0x1], $0x20, s13, s13, $0xb8;
	[tilespmem:$0x58C0] =	vst v63  }
0x27: {  	s17 =	simm.s32 $0xA;
	_ =	swait.ge [sflag:s12], $0xA00  }
0x28: {  	s18 =	simm.s32 $0x14;
	s16 =	sadd.s32 $0x140, s8;
	[sflag:s12] =	ssyncset.done $0x0  }
.LBB2_2:
0x29: {  	s19 =	sadd.s32 s17, s10  }
0x2a: {  	[sflag:s12] =	ssyncadd.s32 $0xFFFFF600;
	s20 =	smov.u32 s18;
	s21 =	sadd.s32 $0xA, s18  }
0x2b: {  	[tilespmem:s3], [sflag:$0x1] =	stream.linear.gather [hbm4b:s19+s3], $0x50, $0x38;
	[tilespmem:$0x58C0] =	vst v63  }
0x2c: {  	p0 =	sne.s32 s18, $0x4D8;
	_ =	swait.ge [sflag:s12], $0x50  }
0x2d: {  	[sflag:s12] =	ssyncset.done $0x0  }
0x2e: {  	s18 =	sadd.s32 s17, s9;
	s17 =	smov.u32 s20;
	[sflag:s12] =	ssyncadd.s32 $0xFFFFFFB0  }
0x2f: {  	[tilespmem:s13], [sflag:$0x1] =	stream.linear.gather [hbm4b:s18+s3], $0x50, $0x38;
	[tilespmem:$0x58C0] =	vst v63  }
0x30: {  	_ =	swait.ge [sflag:s12], $0x50  }
0x31: {  	[sflag:s12] =	ssyncset.done $0x0  }
0x32: {  	[sflag:s12] =	ssyncadd.s32 $0xFFFFFFB0  }
0x33: {  	[tilespmem:s14], [sflag:$0x1] =	stream.linear.gather [hbm4b:s16+s3], $0xA00, $0x38;
	[tilespmem:$0x58C0] =	vst v63  }
0x34: {  	_ =	swait.ge [sflag:s12], $0xA00  }
0x35: {  	[sflag:s12] =	ssyncset.done $0x0  }
0x36: {  	[sflag:s12] =	ssyncadd.s32 $0xFFFFF600  }
0x37: {  	[spmem:s2] =	stream.indirect.scatter.add.f32 [tilespmem:s14], [sflag:$0x1], $0x20, s3, s13, $0xb8;
	[tilespmem:$0x58C0] =	vst v63  }
0x38: {  	_ =	swait.ge [sflag:s12], $0xA00  }
.Ltmp0:
0x39: {  	[sflag:s12] =	ssyncset.done $0x0;
	(pc) =	sbr.rel @p0 .LBB2_2-.Ltmp0, $4  }
0x3a: {  	[sflag:s12] =	ssyncadd.s32 $0xFFFFF600  }
0x3b: {  	[spmem:s2] =	stream.indirect.scatter.add.f32 [tilespmem:s14], [sflag:$0x1], $0x20, s13, s13, $0xb8;
	[tilespmem:$0x58C0] =	vst v63  }
0x3c: {  	_ =	swait.ge [sflag:s12], $0xA00  }
0x3d: {  	s18 =	smov.u32 s21;
	s16 =	sadd.s32 $0x140, s16;
	[sflag:s12] =	ssyncset.done $0x0  }
0x3e: {  	s18 =	sadd.s32 s17, s10;
	[sflag:s12] =	ssyncadd.s32 $0xFFFFF600  }
0x3f: {  	[tilespmem:s3], [sflag:$0x1] =	stream.linear.gather [hbm4b:s18+s3], $0x50, $0x38;
	[tilespmem:$0x58C0] =	vst v63  }
0x40: {  	_ =	swait.ge [sflag:s12], $0x50  }
0x41: {  	[sflag:s12] =	ssyncset.done $0x0  }
0x42: {  	s31 =	sadd.s32 s17, s9;
	[sflag:s12] =	ssyncadd.s32 $0xFFFFFFB0  }
0x43: {  	[tilespmem:s13], [sflag:$0x1] =	stream.linear.gather [hbm4b:s31+s3], $0x50, $0x38;
	[tilespmem:$0x58C0] =	vst v63  }
0x44: {  	_ =	swait.ge [sflag:s12], $0x50  }
0x45: {  	[sflag:s12] =	ssyncset.done $0x0  }
0x46: {  	[sflag:s12] =	ssyncadd.s32 $0xFFFFFFB0  }
0x47: {  	[tilespmem:s14], [sflag:$0x1] =	stream.linear.gather [hbm4b:s16+s3], $0xA00, $0x38;
	[tilespmem:$0x58C0] =	vst v63  }
0x48: {  	_ =	swait.ge [sflag:s12], $0xA00  }
0x49: {  	[sflag:s12] =	ssyncset.done $0x0  }
0x4a: {  	[sflag:s12] =	ssyncadd.s32 $0xFFFFF600  }
0x4b: {  	[spmem:s2] =	stream.indirect.scatter.add.f32 [tilespmem:s14], [sflag:$0x1], $0x20, s3, s13, $0xb8;
	[tilespmem:$0x58C0] =	vst v63  }
0x4c: {  	_ =	swait.ge [sflag:s12], $0xA00  }
0x4d: {  	[sflag:s12] =	ssyncset.done $0x0  }
0x4e: {  	[sflag:s12] =	ssyncadd.s32 $0xFFFFF600  }
0x4f: {  	[spmem:s2] =	stream.indirect.scatter.add.f32 [tilespmem:s14], [sflag:$0x1], $0x20, s13, s13, $0xb8;
	[tilespmem:$0x58C0] =	vst v63  }
0x50: {  	_ =	swait.ge [sflag:s12], $0xA00  }
0x51: {  	s15 =	sadd.s32 $0x1, s15;
	[sflag:s12] =	ssyncset.done $0x0  }
0x52: {  	p0 =	sne.s32 s15, s7;
	[sflag:s12] =	ssyncadd.s32 $0xFFFFF600  }
.Ltmp1:
0x53: {  	[bflag:$0x0] =	sbarrier.arrive $0xFFFF;
	(pc) =	sbr.rel @p0 .LBB2_1-.Ltmp1, $4  }
0x54: {  	[hbm:s6], [sflag:s5] =	dma.local [spmem:s11], $0x9C4  }
0x55: {  	_ =	swait.ge [sflag:s12], $0x9C4  }
0x56: {  	[sflag:s12] =	ssyncset.done $0x0  }
0x57: {  	[sflag:s12] =	ssyncadd.s32 $0xFFFFF63C  }
0x58: {  	_ =	sfence.sel $0x180000  }
0x59: {  	[bflag:$0x0] =	sbarrier.arrive $0xFFFF  }
0x5a: {  	p0 =	sne.s32 s0, $0x0;
	_ =	strace $0x90000050  }
0x5b: {  	s0 =	sadd.s32 @!p0 $0x100000, s1;
	[bflag:$0x2] =	sbarrier.arrive $0xFFFF  }
0x5c: {  	[sflag:s0] =	ssyncadd.tile.s32 @!p0 $0x1;
	_ =	shalt  }
.Lfunc_end2:
_tile_overlayer_lowered:
.L_overlay_start_2:
0x5d: {  	(tag) =	ssettag $0x2  }
0x5e: {  	s0 =	rddreg [dreg:$0x0];
	s2 =	stileid.u32  }
0x5f: {  	s1 =	rddreg [dreg:$0x1];
	p0 =	sne.s32 s2, $0x0  }
0x60: {  	s3 =	rddreg [dreg:$0x2];
	[bflag:$0x3] =	sbarrier.arrive $0xFFFF;
	s2 =	simm.s32 @!p0 $0x1C01  }
0x61: {  	[timem:s3], [sflag:s2] =	dma.local @!p0 [hbm:s0], s1  }
0x62: {  	s0 =	simm.s32 @!p0 $0x1  }
0x63: {  	_ =	swait.ge @!p0 [sflag:s0], s1  }
0x64: {  	s1 =	ssub.s32 @!p0 $0x0, s1;
	[sflag:s0] =	ssyncset.done @!p0 $0x0  }
0x65: {  	[sflag:s0] =	ssyncadd.s32 @!p0 s1  }
0x66: {  	[bflag:$0x3] =	sbarrier.arrive $0xFFFF  }
0x67: {  	_ =	shalt  }

// kernel: kernel.37.cloned.1.call-start
scs
__scs_entry_jumppad:
0x0: {  	(pc) =	sbr.rel $0x88, $3  }
0x1: {  	(tag) =	ssettag $0x0;
	lr =	simm.s32 $0x1  }
0x2: {  	[smem:$0x3F8A] =	sst lr;
	_ =	strace $0xD0000000  }
0x3: {  	_ = 	snop  }
0x4: {  	_ = 	snop  }
0x5: {  	_ = 	snop  }
0x6: {  	_ = 	snop  }
0x7: {  	_ = 	snop  }
__scs_overlays_trampoline_lowered:
0x8: {  	[smem:$0x3F99] =	sst s0  }
0x9: {  	[smem:$0x3F9A] =	sst s1  }
0xa: {  	[smem:$0x3F9B] =	sst s2  }
0xb: {  	[smem:$0x3F9C] =	sst s3  }
0xc: {  	[smem:$0x3F9D] =	sst s4  }
0xd: {  	[smem:$0x3F9E] =	sst s5  }
0xe: {  	[smem:$0x3F9F] =	sst s6  }
0xf: {  	[smem:$0x3FA0] =	sst s7  }
0x10: {  	[smem:$0x3FA1] =	sst s8  }
0x11: {  	[smem:$0x3FA2] =	sst s9;
	s0 =	simm.s32 @!p0 $0x0  }
0x12: {  	s1 =	sld [smem:$0x3F88];
	s0 =	simm.s32 @p0 $0x1  }
0x13: {  	[smem:$0x3FA3] =	sst s0;
	s0 =	simm.s32 @!p1 $0x0  }
0x14: {  	s2 =	sld [smem:$0x3F87];
	s0 =	simm.s32 @p1 $0x1  }
0x15: {  	[smem:$0x3FA4] =	sst s0;
	s0 =	simm.s32 @!p2 $0x0  }
0x16: {  	s3 =	sld [smem:$0x3FDB];
	s0 =	simm.s32 @p2 $0x1  }
0x17: {  	s4 =	simm.s32 $0x1BF5;
	[smem:$0x3FA6] =	sst s0  }
0x18: {  	s0 =	sld [smem:$0x3F89];
	_ =	swait.ge [sflag:s4], $0x0  }
0x19: {  	s7 =	sld [smem:$0x3F8A]  }
0x1a: {  	s8 =	sadd.s32 $0xFFFFE003, lr  }
0x1b: {  	s9 =	sadd.s32 $0xFFFFFEF7, lr;
	s5 =	simm.s32 $0xFFFFFFFF;
	p2 =	slt.u32 s8, $0xFFFFF086  }
0x1c: {  	p1 =	slt.u32 s9, $0xF7A;
	s5 =	simm.s32 @!p2 $0x0  }
0x1d: {  	s5 =	simm.s32 @p1 $0x1;
	p0 =	seq.s32 s7, s2  }
0x1e: {  	s7 =	smul.u32 @!p0 $0xF7A, s2;
	p2 =	seq.s32 @!p0 s5, $0x0  }
0x1f: {  	s9 =	smul.u32 $0xF7A, s1;
	s8 =	simm.s32 @!p0 $0x1BF5;
	p2 =	por !p2, p0  }
0x20: {  	[sflag:s8] =	ssyncset.s32 @!p0 $0xFFFFF086;
	s6 =	sadd.s32 @!p0 s3, s7;
	s7 =	simm.s32 @!p0 $0x108  }
0x21: {  	s3 =	sadd.s32 s3, s9;
	s6 =	sadd.s32 @!p0 $0x88, s6;
	s7 =	simm.s32 @p2 $0x1082  }
0x22: {  	[simem:s7], [sflag:s8] =	dma.local @!p0 [hbm:s6], $0xF7A  }
0x23: {  	s9 =	sor.u32 $0xD0000000, s2;
	s6 =	simm.s32 $0x108;
	_ =	swait.ge @!p0 [sflag:s8], $0x0  }
0x24: {  	s3 =	sadd.s32 $0x88, s3;
	s6 =	simm.s32 @!p1 $0x1082;
	[sflag:s4] =	ssyncset.s32 $0xFFFFF086  }
0x25: {  	[simem:s6], [sflag:s4] =	dma.local [hbm:s3], $0xF7A  }
0x26: {  	[smem:$0x3F8A] =	sst s1;
	(tag) =	ssettag s2;
	_ =	strace s9  }
0x27: {  	s1 =	sld [smem:$0x3F9A]  }
0x28: {  	s2 =	sld [smem:$0x3F9B]  }
0x29: {  	s4 =	sld [smem:$0x3F9D]  }
0x2a: {  	p0 =	seq.s32 s5, $0x0;
	s5 =	sld [smem:$0x3F9E]  }
0x2b: {  	s6 =	sld [smem:$0x3F9F]  }
0x2c: {  	s7 =	sld [smem:$0x3FA0]  }
0x2d: {  	s3 =	simm.s32 $0x108;
	s8 =	sld [smem:$0x3FA1]  }
0x2e: {  	s3 =	simm.s32 @!p0 $0x1082;
	s9 =	sld [smem:$0x3FA2]  }
0x2f: {  	lr =	sadd.s32 s0, s3;
	s0 =	sld [smem:$0x3F99]  }
0x30: {  	s3 =	sld [smem:$0x3F9C]  }
0x31: {  	[smem:$0x3FA5] =	sst s10  }
0x32: {  	s10 =	sld [smem:$0x3FA3];
	_ =	sdelay $0x3  }
0x33: {  	p0 =	seq.s32 s10, $0x1;
	s10 =	sld [smem:$0x3FA5];
	_ =	sdelay $0x3  }
0x34: {  	[smem:$0x3FA5] =	sst s10  }
0x35: {  	s10 =	sld [smem:$0x3FA4];
	_ =	sdelay $0x3  }
0x36: {  	p1 =	seq.s32 s10, $0x1;
	s10 =	sld [smem:$0x3FA5];
	_ =	sdelay $0x3  }
0x37: {  	[smem:$0x3FA5] =	sst s10  }
0x38: {  	s10 =	sld [smem:$0x3FA6]  }
0x39: {  	_ = 	snop;
	(pc) =	sbr.ind lr, $3  }
0x3a: {  	_ = 	snop  }
0x3b: {  	_ = 	snop  }
0x3c: {  	p2 =	seq.s32 s10, $0x1;
	s10 =	sld [smem:$0x3FA5]  }
0x3d: {  	_ =	shalt  }
0x3e: {  	_ =	shalt  }
0x3f: {  	_ =	shalt  }
0x40: {  	_ =	shalt  }
0x41: {  	_ =	shalt  }
0x42: {  	_ =	shalt  }
0x43: {  	_ =	shalt  }
0x44: {  	_ =	shalt  }
0x45: {  	_ =	shalt  }
0x46: {  	_ =	shalt  }
0x47: {  	_ =	shalt  }
0x48: {  	_ =	shalt  }
0x49: {  	_ =	shalt  }
0x4a: {  	_ =	shalt  }
0x4b: {  	_ =	shalt  }
0x4c: {  	_ =	shalt  }
0x4d: {  	_ =	shalt  }
0x4e: {  	_ =	shalt  }
0x4f: {  	_ =	shalt  }
0x50: {  	_ =	shalt  }
0x51: {  	_ =	shalt  }
0x52: {  	_ =	shalt  }
0x53: {  	_ =	shalt  }
0x54: {  	_ =	shalt  }
0x55: {  	_ =	shalt  }
0x56: {  	_ =	shalt  }
0x57: {  	_ =	shalt  }
0x58: {  	_ =	shalt  }
0x59: {  	_ =	shalt  }
0x5a: {  	_ =	shalt  }
0x5b: {  	_ =	shalt  }
0x5c: {  	_ =	shalt  }
0x5d: {  	_ =	shalt  }
0x5e: {  	_ =	shalt  }
0x5f: {  	_ =	shalt  }
0x60: {  	_ =	shalt  }
0x61: {  	_ =	shalt  }
0x62: {  	_ =	shalt  }
0x63: {  	_ =	shalt  }
0x64: {  	_ =	shalt  }
0x65: {  	_ =	shalt  }
0x66: {  	_ =	shalt  }
0x67: {  	_ =	shalt  }
0x68: {  	_ =	shalt  }
0x69: {  	_ =	shalt  }
0x6a: {  	_ =	shalt  }
0x6b: {  	_ =	shalt  }
0x6c: {  	_ =	shalt  }
0x6d: {  	_ =	shalt  }
0x6e: {  	_ =	shalt  }
0x6f: {  	_ =	shalt  }
0x70: {  	_ =	shalt  }
0x71: {  	_ =	shalt  }
0x72: {  	_ =	shalt  }
0x73: {  	_ =	shalt  }
0x74: {  	_ =	shalt  }
0x75: {  	_ =	shalt  }
0x76: {  	_ =	shalt  }
0x77: {  	_ =	shalt  }
0x78: {  	_ =	shalt  }
0x79: {  	_ =	shalt  }
0x7a: {  	_ =	shalt  }
0x7b: {  	_ =	shalt  }
0x7c: {  	_ =	shalt  }
0x7d: {  	_ =	shalt  }
0x7e: {  	_ =	shalt  }
0x7f: {  	_ =	shalt  }
0x80: {  	_ =	shalt  }
0x81: {  	_ =	shalt  }
0x82: {  	_ =	shalt  }
0x83: {  	_ =	shalt  }
0x84: {  	_ =	shalt  }
0x85: {  	_ =	shalt  }
0x86: {  	_ =	shalt  }
0x87: {  	_ =	shalt  }
.Lfunc_end0:
.L_simem_size_0:
called_computation.4_lowered:
.L_overlay_start_0:
0x88: {  	s2 =	sld [smem:$0x3FD9]  }
0x89: {  	s3 =	sld [smem:$0x3FFE];
	_ =	sdelay $0x1  }
0x8a: {  	s1 =	srdreg.scid  }
0x8b: {  	s0 =	sand.u32 $0x1, s1  }
0x8c: {  	s16 =	sshll.u32 s0, $0xA;
	s2 =	sadd.s32 s3, s2  }
0x8d: {  	s2 =	sadd.s32 s2, s16  }
0x8e: {  	[smem:$0x3FB1] =	sst s2  }
0x8f: {  	_ = 	snop  }
0x90: {  	(tm) =	ssettm $0x1  }
0x91: {  	s17 =	sld [smem:$0x3FFB];
	_ =	sdelay $0x3  }
0x92: {  	_ =	strace s17  }
0x93: {  	s2 =	sld [smem:$0x3FFC];
	_ =	sdelay $0x3  }
0x94: {  	_ =	strace s2  }
0x95: {  	s2 =	sld [smem:$0x3FFD];
	_ =	sdelay $0x3  }
0x96: {  	_ =	strace s2  }
0x97: {  	_ =	strace $0x8FFFFFFF  }
0x98: {  	s18 =	sld [smem:$0x3FDB];
	_ =	sdelay $0x1  }
0x99: {  	s19 =	simm.s32 $_scs_section_size  }
0x9a: {  	s4 =	simm.s32 $_size__tile_overlayer_lowered;
	s5 =	simm.s32 $_tile_overlayer_lowered  }
0x9b: {  	s22 =	simm.s32 $0x1BFF;
	s21 =	sshll.u32 s5, $0x1;
	s2 =	sadd.s32 s19, s18  }
0x9c: {  	s6 =	simm.s32 $0x0;
	s20 =	sshll.u32 s4, $0x1;
	s4 =	sadd.s32 s21, s2  }
0x9d: {  	[timem:s6], [sflag:s22] =	dma.local [hbm:s4], s20  }
0x9e: {  	_ =	swait.ge [sflag:s22], s20  }
0x9f: {  	s3 =	ssub.s32 $0x0, s20;
	[sflag:s22] =	ssyncset.done $0x0  }
0xa0: {  	[sflag:s22] =	ssyncadd.s32 s3;
	_ =	sdelay $0x1  }
0xa1: {  	s23 =	simm.s32 $0x1B8B  }
0xa2: {  	_ =	swait.ge [sflag:s23], $0x1  }
0xa3: {  	[sflag:s23] =	ssyncset.done $0x0  }
0xa4: {  	s25 =	simm.s32 $0x1B8E;
	s24 =	sld [smem:$0x3FFE];
	[sflag:s23] =	ssyncadd.s32 $0xFFFFFFFF  }
0xa5: {  	s26 =	simm.s32 $execute0_lowered;
	[smem:$0x3FD2] =	sst s25  }
0xa6: {  	s4 =	sshll.u32 s26, $0x1;
	_ =	strace $0x80000052;
	[dreg:$0x1] =	wrdreg $0xFFFFFFFF  }
0xa7: {  	s28 =	simm.s32 $_size_execute0_lowered;
	s2 =	sadd.s32 s2, s4;
	[dreg:$0x0] =	wrdreg $0x0  }
0xa8: {  	s4 =	sshll.u32 s28, $0x1;
	[dreg:$0x2] =	wrdreg s2  }
0xa9: {  	[dreg:$0x3] =	wrdreg s4  }
0xaa: {  	[dreg:$0x4] =	wrdreg $0xC0  }
0xab: {  	_ =	task [dreg:s6], $0x5FFFF  }
0xac: {  	[dreg:$0x1] =	wrdreg $0xFFFFFFFF  }
0xad: {  	[dreg:$0x0] =	wrdreg $0x60  }
0xae: {  	[dreg:$0x2] =	wrdreg s24  }
0xaf: {  	[dreg:$0x3] =	wrdreg $0x9  }
0xb0: {  	_ =	task.clear_ibuf [dreg:s6], $0x4FFFF;
	_ =	strace $0x90000052  }
0xb1: {  	s29 =	simm.s32 $0x9;
	_ =	strace $0x80000054  }
0xb2: {  	_ =	swait.ge [sflag:s29], $0x1  }
0xb3: {  	[sflag:s29] =	ssyncadd.s32 $0xFFFFFFFF  }
0xb4: {  	_ =	strace $0x90000054  }
0xb5: {  	_ =	sfence  }
0xb6: {  	s30 =	sld [smem:$0x0];
	_ =	sdelay $0x2  }
0xb7: {  	s31 =	sshll.u32 s1, $0xD;
	s1 =	sshrl.u32 s1, $0x2  }
0xb8: {  	s3 =	sand.u32 $0x4000, s31;
	s1 =	sadd.s32 s1, s30  }
0xb9: {  	s0 =	sor.u32 s3, s0;
	s1 =	sshll.u32 s1, $0x11  }
0xba: {  	s0 =	sor.u32 s1, s0  }
0xbb: {  	s0 =	sadd.s32 $0x8F2B, s0  }
0xbc: {  	[sflag:s0] =	ssyncadd.remote.s32 $0x1  }
0xbd: {  	_ =	sfence.sel $0xFFFF  }
0xbe: {  	[dreg:$0x0] =	wrdreg $0xFFFFFFFF;
	(pc) =	sbr.abs _section_cstart, $3  }
0xbf: {  	[dreg:$0x1] =	wrdreg $0xFFFFFFFF  }
0xc0: {  	_ =	task.clear_ibuf [dreg:s6], $0x2FFFF;
	_ =	strace $0x9FFFFFFF  }
0xc1: {  	(tm) =	ssettm $0x7FFFFFFF  }
tec
execute0_lowered:
.L_overlay_start_1:
0x0: {  	(tag) =	ssettag $0x1  }
0x1: {  	s5 =	rddreg [dreg:$0x0]  }
0x2: {  	s0 =	rddreg [dreg:$0x1];
	s2 =	simm.s32 $0x0;
	s3 =	srdreg.scid  }
0x3: {  	s1 =	stileid.u32;
	s12 =	simm.s32 $0xA0;
	s13 =	simm.s32 $0x28A0  }
0x4: {  	s14 =	simm.s32 $0x1;
	s15 =	simm.s32 $0x2;
	s7 =	smul.u32 $0x4E20, s1  }
0x5: {  	s16 =	simm.s32 $0x0;
	s6 =	sand.u32 $0x1, s3;
	s9 =	smul.u32 $0x4E200, s1  }
0x6: {  	[smem:$0x7FF] =	sst s2;
	s3 =	sadd.s32 $0x34E600, s5;
	s8 =	smul.u32 $0x2710, s6  }
0x7: {  	s4 =	sadd.s32 $0x375800, s5;
	s29 =	ssub.s32 $0x2, s6;
	s6 =	smul.u32 $0x27100, s6  }
0x8: {  	_ =	strace $0x80000053;
	s9 =	sadd.s32 s9, s5;
	s10 =	sshrl.u32 s29, $0x1  }
0x9: {  	s7 =	sadd.s32 s8, s7;
	s30 =	ssub.s32 s29, s10;
	s31 =	sadd.s32 s6, s9  }
0xa: {  	s10 =	simm.s32 $0x3;
	s7 =	sshrl.u32 s7, $0x3;
	s6 =	sadd.s32 $0x25F7200, s31  }
0xb: {  	s11 =	sadd.s32 s7, s5;
	s5 =	smax.u32 s30, $0x1;
	s7 =	sadd.s32 $0x408000, s31  }
0xc: {  	s8 =	sadd.s32 $0x11200, s11;
	s9 =	sadd.s32 $0x1B000, s11;
	s11 =	simm.s32 $0x50  }
.LBB2_1:
0xd: {  	s17 =	sadd.s32 $0x0, s9  }
0xe: {  	[tilespmem:s2], [sflag:$0x3] =	stream.linear.gather [hbm4b:s17+s2], $0x50, $0x38;
	[tilespmem:$0x50A0] =	vst v63  }
0xf: {  	_ =	swait.ge [sflag:s10], $0x50  }
0x10: {  	[sflag:s10] =	ssyncset.done $0x0  }
0x11: {  	s31 =	sadd.s32 $0x0, s8;
	[sflag:s10] =	ssyncadd.s32 $0xFFFFFFB0  }
0x12: {  	[tilespmem:s11], [sflag:$0x3] =	stream.linear.gather [hbm4b:s31+s2], $0x50, $0x38;
	[tilespmem:$0x50A0] =	vst v63  }
0x13: {  	_ =	swait.ge [sflag:s10], $0x50  }
0x14: {  	[sflag:s10] =	ssyncset.done $0x0  }
0x15: {  	[sflag:s10] =	ssyncadd.s32 $0xFFFFFFB0  }
0x16: {  	[tilespmem:s12], [sflag:$0x1] =	stream.indirect.gather [hbm4b:s3+s11], $0x80, s2, s11, $0xb8;
	[tilespmem:$0x50A0] =	vst v63  }
0x17: {  	_ = 	snop  }
0x18: {  	[tilespmem:s13], [sflag:$0x2] =	stream.indirect.gather [hbm4b:s4+s11], $0x80, s11, s11, $0xb8;
	[tilespmem:$0x50A0] =	vst v63  }
0x19: {  	_ =	swait.ge [sflag:s14], $0x2800  }
0x1a: {  	[sflag:s14] =	ssyncset.done $0x0  }
0x1b: {  	[sflag:s14] =	ssyncadd.s32 $0xFFFFD800  }
0x1c: {  	_ =	swait.ge [sflag:s15], $0x2800  }
0x1d: {  	[sflag:s15] =	ssyncset.done $0x0  }
0x1e: {  	[sflag:s15] =	ssyncadd.s32 $0xFFFFD800  }
0x1f: {  	[hbm4b:s7+s2] =	stream.linear.scatter [tilespmem:s12], [sflag:$0x3], $0x2800, $0x38;
	[tilespmem:$0x50A0] =	vst v63  }
0x20: {  	_ =	swait.ge [sflag:s10], $0x2800  }
0x21: {  	[sflag:s10] =	ssyncset.done $0x0  }
0x22: {  	[sflag:s10] =	ssyncadd.s32 $0xFFFFD800  }
0x23: {  	[hbm4b:s6+s2] =	stream.linear.scatter [tilespmem:s13], [sflag:$0x3], $0x2800, $0x38;
	[tilespmem:$0x50A0] =	vst v63  }
0x24: {  	s19 =	simm.s32 $0xA;
	s20 =	simm.s32 $0x14;
	_ =	swait.ge [sflag:s10], $0x2800  }
0x25: {  	s18 =	sadd.s32 $0x500, s7;
	s17 =	sadd.s32 $0x500, s6;
	[sflag:s10] =	ssyncset.done $0x0  }
.LBB2_2:
0x26: {  	s21 =	sadd.s32 s19, s9  }
0x27: {  	[sflag:s10] =	ssyncadd.s32 $0xFFFFD800;
	s22 =	smov.u32 s20;
	s23 =	sadd.s32 $0xA, s20  }
0x28: {  	[tilespmem:s2], [sflag:$0x3] =	stream.linear.gather [hbm4b:s21+s2], $0x50, $0x38;
	[tilespmem:$0x50A0] =	vst v63  }
0x29: {  	p0 =	sne.s32 s20, $0x4D8;
	_ =	swait.ge [sflag:s10], $0x50  }
0x2a: {  	[sflag:s10] =	ssyncset.done $0x0  }
0x2b: {  	s20 =	sadd.s32 s19, s8;
	s19 =	smov.u32 s22;
	[sflag:s10] =	ssyncadd.s32 $0xFFFFFFB0  }
0x2c: {  	[tilespmem:s11], [sflag:$0x3] =	stream.linear.gather [hbm4b:s20+s2], $0x50, $0x38;
	[tilespmem:$0x50A0] =	vst v63  }
0x2d: {  	_ =	swait.ge [sflag:s10], $0x50  }
0x2e: {  	[sflag:s10] =	ssyncset.done $0x0  }
0x2f: {  	[sflag:s10] =	ssyncadd.s32 $0xFFFFFFB0  }
0x30: {  	[tilespmem:s12], [sflag:$0x1] =	stream.indirect.gather [hbm4b:s3+s11], $0x80, s2, s11, $0xb8;
	[tilespmem:$0x50A0] =	vst v63  }
0x31: {  	_ = 	snop  }
0x32: {  	[tilespmem:s13], [sflag:$0x2] =	stream.indirect.gather [hbm4b:s4+s11], $0x80, s11, s11, $0xb8;
	[tilespmem:$0x50A0] =	vst v63  }
0x33: {  	_ =	swait.ge [sflag:s14], $0x2800  }
0x34: {  	[sflag:s14] =	ssyncset.done $0x0  }
0x35: {  	[sflag:s14] =	ssyncadd.s32 $0xFFFFD800  }
0x36: {  	_ =	swait.ge [sflag:s15], $0x2800  }
0x37: {  	[sflag:s15] =	ssyncset.done $0x0  }
0x38: {  	[sflag:s15] =	ssyncadd.s32 $0xFFFFD800  }
0x39: {  	[hbm4b:s18+s2] =	stream.linear.scatter [tilespmem:s12], [sflag:$0x3], $0x2800, $0x38;
	[tilespmem:$0x50A0] =	vst v63  }
0x3a: {  	_ =	swait.ge [sflag:s10], $0x2800  }
.Ltmp0:
0x3b: {  	[sflag:s10] =	ssyncset.done $0x0;
	(pc) =	sbr.rel @p0 .LBB2_2-.Ltmp0, $4  }
0x3c: {  	[sflag:s10] =	ssyncadd.s32 $0xFFFFD800  }
0x3d: {  	[hbm4b:s17+s2] =	stream.linear.scatter [tilespmem:s13], [sflag:$0x3], $0x2800, $0x38;
	[tilespmem:$0x50A0] =	vst v63  }
0x3e: {  	s20 =	smov.u32 s23;
	_ =	swait.ge [sflag:s10], $0x2800  }
0x3f: {  	s18 =	sadd.s32 $0x500, s18;
	s17 =	sadd.s32 $0x500, s17;
	[sflag:s10] =	ssyncset.done $0x0  }
0x40: {  	s20 =	sadd.s32 s19, s9;
	[sflag:s10] =	ssyncadd.s32 $0xFFFFD800  }
0x41: {  	[tilespmem:s2], [sflag:$0x3] =	stream.linear.gather [hbm4b:s20+s2], $0x50, $0x38;
	[tilespmem:$0x50A0] =	vst v63  }
0x42: {  	_ =	swait.ge [sflag:s10], $0x50  }
0x43: {  	[sflag:s10] =	ssyncset.done $0x0  }
0x44: {  	s31 =	sadd.s32 s19, s8;
	[sflag:s10] =	ssyncadd.s32 $0xFFFFFFB0  }
0x45: {  	[tilespmem:s11], [sflag:$0x3] =	stream.linear.gather [hbm4b:s31+s2], $0x50, $0x38;
	[tilespmem:$0x50A0] =	vst v63  }
0x46: {  	_ =	swait.ge [sflag:s10], $0x50  }
0x47: {  	[sflag:s10] =	ssyncset.done $0x0  }
0x48: {  	[sflag:s10] =	ssyncadd.s32 $0xFFFFFFB0  }
0x49: {  	[tilespmem:s12], [sflag:$0x1] =	stream.indirect.gather [hbm4b:s3+s11], $0x80, s2, s11, $0xb8;
	[tilespmem:$0x50A0] =	vst v63  }
0x4a: {  	_ = 	snop  }
0x4b: {  	[tilespmem:s13], [sflag:$0x2] =	stream.indirect.gather [hbm4b:s4+s11], $0x80, s11, s11, $0xb8;
	[tilespmem:$0x50A0] =	vst v63  }
0x4c: {  	_ =	swait.ge [sflag:s14], $0x2800  }
0x4d: {  	[sflag:s14] =	ssyncset.done $0x0  }
0x4e: {  	[sflag:s14] =	ssyncadd.s32 $0xFFFFD800  }
0x4f: {  	_ =	swait.ge [sflag:s15], $0x2800  }
0x50: {  	[sflag:s15] =	ssyncset.done $0x0  }
0x51: {  	[sflag:s15] =	ssyncadd.s32 $0xFFFFD800  }
0x52: {  	[hbm4b:s18+s2] =	stream.linear.scatter [tilespmem:s12], [sflag:$0x3], $0x2800, $0x38;
	[tilespmem:$0x50A0] =	vst v63  }
0x53: {  	s16 =	sadd.s32 $0x1, s16;
	_ =	swait.ge [sflag:s10], $0x2800  }
0x54: {  	p0 =	sne.s32 s16, s5;
	[sflag:s10] =	ssyncset.done $0x0  }
.Ltmp1:
0x55: {  	[sflag:s10] =	ssyncadd.s32 $0xFFFFD800;
	(pc) =	sbr.rel @p0 .LBB2_1-.Ltmp1, $4  }
0x56: {  	[hbm4b:s17+s2] =	stream.linear.scatter [tilespmem:s13], [sflag:$0x3], $0x2800, $0x38;
	[tilespmem:$0x50A0] =	vst v63  }
0x57: {  	_ =	swait.ge [sflag:s10], $0x2800  }
0x58: {  	[sflag:s10] =	ssyncset.done $0x0  }
0x59: {  	[sflag:s10] =	ssyncadd.s32 $0xFFFFD800  }
0x5a: {  	_ =	sfence.sel $0x180000  }
0x5b: {  	[bflag:$0x0] =	sbarrier.arrive $0xFFFF  }
0x5c: {  	p0 =	sne.s32 s1, $0x0;
	_ =	strace $0x90000053  }
0x5d: {  	s0 =	sadd.s32 @!p0 $0x100000, s0;
	[bflag:$0x2] =	sbarrier.arrive $0xFFFF  }
0x5e: {  	[sflag:s0] =	ssyncadd.tile.s32 @!p0 $0x1;
	_ =	shalt  }
.Lfunc_end2:
_tile_overlayer_lowered:
.L_overlay_start_2:
0x5f: {  	(tag) =	ssettag $0x2  }
0x60: {  	s0 =	rddreg [dreg:$0x0];
	s2 =	stileid.u32  }
0x61: {  	s1 =	rddreg [dreg:$0x1];
	p0 =	sne.s32 s2, $0x0  }
0x62: {  	s3 =	rddreg [dreg:$0x2];
	[bflag:$0x3] =	sbarrier.arrive $0xFFFF;
	s2 =	simm.s32 @!p0 $0x1C03  }
0x63: {  	[timem:s3], [sflag:s2] =	dma.local @!p0 [hbm:s0], s1  }
0x64: {  	s0 =	simm.s32 @!p0 $0x3  }
0x65: {  	_ =	swait.ge @!p0 [sflag:s0], s1  }
0x66: {  	s1 =	ssub.s32 @!p0 $0x0, s1;
	[sflag:s0] =	ssyncset.done @!p0 $0x0  }
0x67: {  	[sflag:s0] =	ssyncadd.s32 @!p0 s1  }
0x68: {  	[bflag:$0x3] =	sbarrier.arrive $0xFFFF  }
0x69: {  	_ =	shalt  }

// kernel: kernel.40.cloned.1.call-start
scs
__scs_entry_jumppad:
0x0: {  	(pc) =	sbr.rel $0x88, $3  }
0x1: {  	(tag) =	ssettag $0x0;
	lr =	simm.s32 $0x1  }
0x2: {  	[smem:$0x3F8A] =	sst lr;
	_ =	strace $0xD0000000  }
0x3: {  	_ = 	snop  }
0x4: {  	_ = 	snop  }
0x5: {  	_ = 	snop  }
0x6: {  	_ = 	snop  }
0x7: {  	_ = 	snop  }
__scs_overlays_trampoline_lowered:
0x8: {  	[smem:$0x3F99] =	sst s0  }
0x9: {  	[smem:$0x3F9A] =	sst s1  }
0xa: {  	[smem:$0x3F9B] =	sst s2  }
0xb: {  	[smem:$0x3F9C] =	sst s3  }
0xc: {  	[smem:$0x3F9D] =	sst s4  }
0xd: {  	[smem:$0x3F9E] =	sst s5  }
0xe: {  	[smem:$0x3F9F] =	sst s6  }
0xf: {  	[smem:$0x3FA0] =	sst s7  }
0x10: {  	[smem:$0x3FA1] =	sst s8  }
0x11: {  	[smem:$0x3FA2] =	sst s9;
	s0 =	simm.s32 @!p0 $0x0  }
0x12: {  	s1 =	sld [smem:$0x3F88];
	s0 =	simm.s32 @p0 $0x1  }
0x13: {  	[smem:$0x3FA3] =	sst s0;
	s0 =	simm.s32 @!p1 $0x0  }
0x14: {  	s2 =	sld [smem:$0x3F87];
	s0 =	simm.s32 @p1 $0x1  }
0x15: {  	[smem:$0x3FA4] =	sst s0;
	s0 =	simm.s32 @!p2 $0x0  }
0x16: {  	s3 =	sld [smem:$0x3FDB];
	s0 =	simm.s32 @p2 $0x1  }
0x17: {  	s4 =	simm.s32 $0x1BF5;
	[smem:$0x3FA6] =	sst s0  }
0x18: {  	s0 =	sld [smem:$0x3F89];
	_ =	swait.ge [sflag:s4], $0x0  }
0x19: {  	s7 =	sld [smem:$0x3F8A]  }
0x1a: {  	s8 =	sadd.s32 $0xFFFFE003, lr  }
0x1b: {  	s9 =	sadd.s32 $0xFFFFFEF7, lr;
	s5 =	simm.s32 $0xFFFFFFFF;
	p2 =	slt.u32 s8, $0xFFFFF086  }
0x1c: {  	p1 =	slt.u32 s9, $0xF7A;
	s5 =	simm.s32 @!p2 $0x0  }
0x1d: {  	s5 =	simm.s32 @p1 $0x1;
	p0 =	seq.s32 s7, s2  }
0x1e: {  	s7 =	smul.u32 @!p0 $0xF7A, s2;
	p2 =	seq.s32 @!p0 s5, $0x0  }
0x1f: {  	s9 =	smul.u32 $0xF7A, s1;
	s8 =	simm.s32 @!p0 $0x1BF5;
	p2 =	por !p2, p0  }
0x20: {  	[sflag:s8] =	ssyncset.s32 @!p0 $0xFFFFF086;
	s6 =	sadd.s32 @!p0 s3, s7;
	s7 =	simm.s32 @!p0 $0x108  }
0x21: {  	s3 =	sadd.s32 s3, s9;
	s6 =	sadd.s32 @!p0 $0x88, s6;
	s7 =	simm.s32 @p2 $0x1082  }
0x22: {  	[simem:s7], [sflag:s8] =	dma.local @!p0 [hbm:s6], $0xF7A  }
0x23: {  	s9 =	sor.u32 $0xD0000000, s2;
	s6 =	simm.s32 $0x108;
	_ =	swait.ge @!p0 [sflag:s8], $0x0  }
0x24: {  	s3 =	sadd.s32 $0x88, s3;
	s6 =	simm.s32 @!p1 $0x1082;
	[sflag:s4] =	ssyncset.s32 $0xFFFFF086  }
0x25: {  	[simem:s6], [sflag:s4] =	dma.local [hbm:s3], $0xF7A  }
0x26: {  	[smem:$0x3F8A] =	sst s1;
	(tag) =	ssettag s2;
	_ =	strace s9  }
0x27: {  	s1 =	sld [smem:$0x3F9A]  }
0x28: {  	s2 =	sld [smem:$0x3F9B]  }
0x29: {  	s4 =	sld [smem:$0x3F9D]  }
0x2a: {  	p0 =	seq.s32 s5, $0x0;
	s5 =	sld [smem:$0x3F9E]  }
0x2b: {  	s6 =	sld [smem:$0x3F9F]  }
0x2c: {  	s7 =	sld [smem:$0x3FA0]  }
0x2d: {  	s3 =	simm.s32 $0x108;
	s8 =	sld [smem:$0x3FA1]  }
0x2e: {  	s3 =	simm.s32 @!p0 $0x1082;
	s9 =	sld [smem:$0x3FA2]  }
0x2f: {  	lr =	sadd.s32 s0, s3;
	s0 =	sld [smem:$0x3F99]  }
0x30: {  	s3 =	sld [smem:$0x3F9C]  }
0x31: {  	[smem:$0x3FA5] =	sst s10  }
0x32: {  	s10 =	sld [smem:$0x3FA3];
	_ =	sdelay $0x3  }
0x33: {  	p0 =	seq.s32 s10, $0x1;
	s10 =	sld [smem:$0x3FA5];
	_ =	sdelay $0x3  }
0x34: {  	[smem:$0x3FA5] =	sst s10  }
0x35: {  	s10 =	sld [smem:$0x3FA4];
	_ =	sdelay $0x3  }
0x36: {  	p1 =	seq.s32 s10, $0x1;
	s10 =	sld [smem:$0x3FA5];
	_ =	sdelay $0x3  }
0x37: {  	[smem:$0x3FA5] =	sst s10  }
0x38: {  	s10 =	sld [smem:$0x3FA6]  }
0x39: {  	_ = 	snop;
	(pc) =	sbr.ind lr, $3  }
0x3a: {  	_ = 	snop  }
0x3b: {  	_ = 	snop  }
0x3c: {  	p2 =	seq.s32 s10, $0x1;
	s10 =	sld [smem:$0x3FA5]  }
0x3d: {  	_ =	shalt  }
0x3e: {  	_ =	shalt  }
0x3f: {  	_ =	shalt  }
0x40: {  	_ =	shalt  }
0x41: {  	_ =	shalt  }
0x42: {  	_ =	shalt  }
0x43: {  	_ =	shalt  }
0x44: {  	_ =	shalt  }
0x45: {  	_ =	shalt  }
0x46: {  	_ =	shalt  }
0x47: {  	_ =	shalt  }
0x48: {  	_ =	shalt  }
0x49: {  	_ =	shalt  }
0x4a: {  	_ =	shalt  }
0x4b: {  	_ =	shalt  }
0x4c: {  	_ =	shalt  }
0x4d: {  	_ =	shalt  }
0x4e: {  	_ =	shalt  }
0x4f: {  	_ =	shalt  }
0x50: {  	_ =	shalt  }
0x51: {  	_ =	shalt  }
0x52: {  	_ =	shalt  }
0x53: {  	_ =	shalt  }
0x54: {  	_ =	shalt  }
0x55: {  	_ =	shalt  }
0x56: {  	_ =	shalt  }
0x57: {  	_ =	shalt  }
0x58: {  	_ =	shalt  }
0x59: {  	_ =	shalt  }
0x5a: {  	_ =	shalt  }
0x5b: {  	_ =	shalt  }
0x5c: {  	_ =	shalt  }
0x5d: {  	_ =	shalt  }
0x5e: {  	_ =	shalt  }
0x5f: {  	_ =	shalt  }
0x60: {  	_ =	shalt  }
0x61: {  	_ =	shalt  }
0x62: {  	_ =	shalt  }
0x63: {  	_ =	shalt  }
0x64: {  	_ =	shalt  }
0x65: {  	_ =	shalt  }
0x66: {  	_ =	shalt  }
0x67: {  	_ =	shalt  }
0x68: {  	_ =	shalt  }
0x69: {  	_ =	shalt  }
0x6a: {  	_ =	shalt  }
0x6b: {  	_ =	shalt  }
0x6c: {  	_ =	shalt  }
0x6d: {  	_ =	shalt  }
0x6e: {  	_ =	shalt  }
0x6f: {  	_ =	shalt  }
0x70: {  	_ =	shalt  }
0x71: {  	_ =	shalt  }
0x72: {  	_ =	shalt  }
0x73: {  	_ =	shalt  }
0x74: {  	_ =	shalt  }
0x75: {  	_ =	shalt  }
0x76: {  	_ =	shalt  }
0x77: {  	_ =	shalt  }
0x78: {  	_ =	shalt  }
0x79: {  	_ =	shalt  }
0x7a: {  	_ =	shalt  }
0x7b: {  	_ =	shalt  }
0x7c: {  	_ =	shalt  }
0x7d: {  	_ =	shalt  }
0x7e: {  	_ =	shalt  }
0x7f: {  	_ =	shalt  }
0x80: {  	_ =	shalt  }
0x81: {  	_ =	shalt  }
0x82: {  	_ =	shalt  }
0x83: {  	_ =	shalt  }
0x84: {  	_ =	shalt  }
0x85: {  	_ =	shalt  }
0x86: {  	_ =	shalt  }
0x87: {  	_ =	shalt  }
.Lfunc_end0:
.L_simem_size_0:
called_computation.5_lowered:
.L_overlay_start_0:
0x88: {  	s2 =	sld [smem:$0x3FD9]  }
0x89: {  	s3 =	sld [smem:$0x3FFE];
	_ =	sdelay $0x1  }
0x8a: {  	s1 =	srdreg.scid  }
0x8b: {  	s0 =	sand.u32 $0x1, s1  }
0x8c: {  	s16 =	sshll.u32 s0, $0xA;
	s2 =	sadd.s32 s3, s2  }
0x8d: {  	s2 =	sadd.s32 s2, s16  }
0x8e: {  	[smem:$0x3FB1] =	sst s2  }
0x8f: {  	_ = 	snop  }
0x90: {  	(tm) =	ssettm $0x1  }
0x91: {  	s17 =	sld [smem:$0x3FFB];
	_ =	sdelay $0x3  }
0x92: {  	_ =	strace s17  }
0x93: {  	s2 =	sld [smem:$0x3FFC];
	_ =	sdelay $0x3  }
0x94: {  	_ =	strace s2  }
0x95: {  	s2 =	sld [smem:$0x3FFD];
	_ =	sdelay $0x3  }
0x96: {  	_ =	strace s2  }
0x97: {  	_ =	strace $0x8FFFFFFF  }
0x98: {  	s18 =	sld [smem:$0x3FDB];
	_ =	sdelay $0x1  }
0x99: {  	s19 =	simm.s32 $_scs_section_size  }
0x9a: {  	s4 =	simm.s32 $_size__tile_overlayer_lowered;
	s5 =	simm.s32 $_tile_overlayer_lowered  }
0x9b: {  	s22 =	simm.s32 $0x1BFF;
	s21 =	sshll.u32 s5, $0x1;
	s2 =	sadd.s32 s19, s18  }
0x9c: {  	s6 =	simm.s32 $0x0;
	s20 =	sshll.u32 s4, $0x1;
	s4 =	sadd.s32 s21, s2  }
0x9d: {  	[timem:s6], [sflag:s22] =	dma.local [hbm:s4], s20  }
0x9e: {  	_ =	swait.ge [sflag:s22], s20  }
0x9f: {  	s3 =	ssub.s32 $0x0, s20;
	[sflag:s22] =	ssyncset.done $0x0  }
0xa0: {  	[sflag:s22] =	ssyncadd.s32 s3;
	_ =	sdelay $0x1  }
0xa1: {  	s23 =	simm.s32 $0x1B8B  }
0xa2: {  	_ =	swait.ge [sflag:s23], $0x1  }
0xa3: {  	[sflag:s23] =	ssyncset.done $0x0  }
0xa4: {  	s25 =	simm.s32 $0x1B8E;
	s24 =	sld [smem:$0x3FFE];
	[sflag:s23] =	ssyncadd.s32 $0xFFFFFFFF  }
0xa5: {  	s26 =	simm.s32 $execute0_lowered;
	[smem:$0x3FD2] =	sst s25  }
0xa6: {  	s4 =	sshll.u32 s26, $0x1;
	_ =	strace $0x80000055;
	[dreg:$0x1] =	wrdreg $0xFFFFFFFF  }
0xa7: {  	s28 =	simm.s32 $_size_execute0_lowered;
	s2 =	sadd.s32 s2, s4;
	[dreg:$0x0] =	wrdreg $0x0  }
0xa8: {  	s4 =	sshll.u32 s28, $0x1;
	[dreg:$0x2] =	wrdreg s2  }
0xa9: {  	[dreg:$0x3] =	wrdreg s4  }
0xaa: {  	[dreg:$0x4] =	wrdreg $0xC0  }
0xab: {  	_ =	task [dreg:s6], $0x5FFFF  }
0xac: {  	[dreg:$0x1] =	wrdreg $0xFFFFFFFF  }
0xad: {  	[dreg:$0x0] =	wrdreg $0x60  }
0xae: {  	[dreg:$0x2] =	wrdreg s24  }
0xaf: {  	[dreg:$0x3] =	wrdreg $0xAA00  }
0xb0: {  	[dreg:$0x4] =	wrdreg $0x9  }
0xb1: {  	_ =	task.clear_ibuf [dreg:s6], $0x5FFFF;
	_ =	strace $0x90000055  }
0xb2: {  	s29 =	simm.s32 $0x9;
	_ =	strace $0x80000057  }
0xb3: {  	_ =	swait.ge [sflag:s29], $0x1  }
0xb4: {  	[sflag:s29] =	ssyncadd.s32 $0xFFFFFFFF  }
0xb5: {  	_ =	strace $0x90000057  }
0xb6: {  	_ =	sfence  }
0xb7: {  	s30 =	sld [smem:$0x0];
	_ =	sdelay $0x2  }
0xb8: {  	s31 =	sshll.u32 s1, $0xD;
	s1 =	sshrl.u32 s1, $0x2  }
0xb9: {  	s3 =	sand.u32 $0x4000, s31;
	s1 =	sadd.s32 s1, s30  }
0xba: {  	s0 =	sor.u32 s3, s0;
	s1 =	sshll.u32 s1, $0x11  }
0xbb: {  	s0 =	sor.u32 s1, s0  }
0xbc: {  	s0 =	sadd.s32 $0x8F2B, s0  }
0xbd: {  	[sflag:s0] =	ssyncadd.remote.s32 $0x1  }
0xbe: {  	_ =	sfence.sel $0xFFFF  }
0xbf: {  	[dreg:$0x0] =	wrdreg $0xFFFFFFFF;
	(pc) =	sbr.abs _section_cstart, $3  }
0xc0: {  	[dreg:$0x1] =	wrdreg $0xFFFFFFFF  }
0xc1: {  	_ =	task.clear_ibuf [dreg:s6], $0x2FFFF;
	_ =	strace $0x9FFFFFFF  }
0xc2: {  	(tm) =	ssettm $0x7FFFFFFF  }
0xc3: {  	_ =	shalt  }
tec
execute0_lowered:
.L_overlay_start_1:
0x0: {  	(tag) =	ssettag $0x1  }
0x1: {  	s0 =	srdreg.scid  }
0x2: {  	s4 =	rddreg [dreg:$0x0];
	s5 =	sand.u32 $0x1, s0  }
0x3: {  	s0 =	stileid.u32;
	s6 =	smul.u32 $0x27100, s5  }
0x4: {  	s2 =	rddreg [dreg:$0x1];
	s7 =	smul.u32 $0x2710, s0  }
0x5: {  	s1 =	rddreg [dreg:$0x2];
	s8 =	smul.u32 $0x9C400, s5  }
0x6: {  	s3 =	simm.s32 $0x0;
	s14 =	simm.s32 $0xA0;
	s29 =	smul.u32 $0x4E20, s0  }
0x7: {  	s15 =	simm.s32 $0x0;
	[smem:$0x7FF] =	sst s3;
	s9 =	smul.u32 $0x4E200, s5  }
0x8: {  	_ =	strace $0x80000056;
	s5 =	ssub.s32 $0x2, s5;
	s12 =	smul.u32 $0x9C40, s0  }
0x9: {  	s31 =	sshll.u32 s0, $0x6;
	s11 =	sshrl.u32 s5, $0x1;
	s6 =	sadd.s32 s7, s6  }
0xa: {  	s8 =	sadd.s32 s8, s4;
	s30 =	sshrl.u32 s29, $0x3;
	s9 =	sadd.s32 s29, s9  }
0xb: {  	s11 =	ssub.s32 s5, s11;
	s13 =	sadd.s32 s29, s2;
	s5 =	sor.u32 $0x1C01, s31  }
0xc: {  	s6 =	sshrl.u32 s6, $0x3;
	s9 =	sshrl.u32 s9, $0x3;
	s8 =	sadd.s32 s12, s8  }
0xd: {  	s7 =	smax.u32 s11, $0x1;
	s11 =	sshrl.u32 s13, $0x3;
	s12 =	simm.s32 $0x1  }
0xe: {  	s13 =	simm.s32 $0x50;
	s10 =	sadd.s32 s6, s4;
	s6 =	sadd.s32 s30, s4  }
0xf: {  	s9 =	sadd.s32 s9, s4;
	s8 =	sadd.s32 $0x408000, s8;
	s4 =	sadd.s32 $0x344800, s6  }
0x10: {  	s6 =	sadd.s32 $0x34E600, s9;
	s9 =	sadd.s32 $0x11200, s10;
	s10 =	sadd.s32 $0x1B000, s10  }
.LBB2_1:
0x11: {  	[spmem:s11], [sflag:s5] =	dma.local [hbm:s4], $0x9C4  }
0x12: {  	_ =	swait.ge [sflag:s12], $0x9C4  }
0x13: {  	[sflag:s12] =	ssyncset.done $0x0  }
0x14: {  	[sflag:s12] =	ssyncadd.s32 $0xFFFFF63C  }
0x15: {  	s16 =	sadd.s32 $0x0, s10;
	[bflag:$0x0] =	sbarrier.arrive $0xFFFF  }
0x16: {  	[tilespmem:s3], [sflag:$0x1] =	stream.linear.gather [hbm4b:s16+s3], $0x50, $0x38;
	[tilespmem:$0x58C0] =	vst v63  }
0x17: {  	_ =	swait.ge [sflag:s12], $0x50  }
0x18: {  	[sflag:s12] =	ssyncset.done $0x0  }
0x19: {  	s31 =	sadd.s32 $0x0, s9;
	[sflag:s12] =	ssyncadd.s32 $0xFFFFFFB0  }
0x1a: {  	[tilespmem:s13], [sflag:$0x1] =	stream.linear.gather [hbm4b:s31+s3], $0x50, $0x38;
	[tilespmem:$0x58C0] =	vst v63  }
0x1b: {  	_ =	swait.ge [sflag:s12], $0x50  }
0x1c: {  	[sflag:s12] =	ssyncset.done $0x0  }
0x1d: {  	[sflag:s12] =	ssyncadd.s32 $0xFFFFFFB0  }
0x1e: {  	[tilespmem:s14], [sflag:$0x1] =	stream.linear.gather [hbm4b:s8+s3], $0xA00, $0x38;
	[tilespmem:$0x58C0] =	vst v63  }
0x1f: {  	_ =	swait.ge [sflag:s12], $0xA00  }
0x20: {  	[sflag:s12] =	ssyncset.done $0x0  }
0x21: {  	[sflag:s12] =	ssyncadd.s32 $0xFFFFF600  }
0x22: {  	[spmem:s2] =	stream.indirect.scatter.add.f32 [tilespmem:s14], [sflag:$0x1], $0x20, s3, s13, $0xb8;
	[tilespmem:$0x58C0] =	vst v63  }
0x23: {  	_ =	swait.ge [sflag:s12], $0xA00  }
0x24: {  	[sflag:s12] =	ssyncset.done $0x0  }
0x25: {  	[sflag:s12] =	ssyncadd.s32 $0xFFFFF600  }
0x26: {  	[spmem:s2] =	stream.indirect.scatter.add.f32 [tilespmem:s14], [sflag:$0x1], $0x20, s13, s13, $0xb8;
	[tilespmem:$0x58C0] =	vst v63  }
0x27: {  	s17 =	simm.s32 $0xA;
	_ =	swait.ge [sflag:s12], $0xA00  }
0x28: {  	s18 =	simm.s32 $0x14;
	s16 =	sadd.s32 $0x140, s8;
	[sflag:s12] =	ssyncset.done $0x0  }
.LBB2_2:
0x29: {  	s19 =	sadd.s32 s17, s10  }
0x2a: {  	[sflag:s12] =	ssyncadd.s32 $0xFFFFF600;
	s20 =	smov.u32 s18;
	s21 =	sadd.s32 $0xA, s18  }
0x2b: {  	[tilespmem:s3], [sflag:$0x1] =	stream.linear.gather [hbm4b:s19+s3], $0x50, $0x38;
	[tilespmem:$0x58C0] =	vst v63  }
0x2c: {  	p0 =	sne.s32 s18, $0x4D8;
	_ =	swait.ge [sflag:s12], $0x50  }
0x2d: {  	[sflag:s12] =	ssyncset.done $0x0  }
0x2e: {  	s18 =	sadd.s32 s17, s9;
	s17 =	smov.u32 s20;
	[sflag:s12] =	ssyncadd.s32 $0xFFFFFFB0  }
0x2f: {  	[tilespmem:s13], [sflag:$0x1] =	stream.linear.gather [hbm4b:s18+s3], $0x50, $0x38;
	[tilespmem:$0x58C0] =	vst v63  }
0x30: {  	_ =	swait.ge [sflag:s12], $0x50  }
0x31: {  	[sflag:s12] =	ssyncset.done $0x0  }
0x32: {  	[sflag:s12] =	ssyncadd.s32 $0xFFFFFFB0  }
0x33: {  	[tilespmem:s14], [sflag:$0x1] =	stream.linear.gather [hbm4b:s16+s3], $0xA00, $0x38;
	[tilespmem:$0x58C0] =	vst v63  }
0x34: {  	_ =	swait.ge [sflag:s12], $0xA00  }
0x35: {  	[sflag:s12] =	ssyncset.done $0x0  }
0x36: {  	[sflag:s12] =	ssyncadd.s32 $0xFFFFF600  }
0x37: {  	[spmem:s2] =	stream.indirect.scatter.add.f32 [tilespmem:s14], [sflag:$0x1], $0x20, s3, s13, $0xb8;
	[tilespmem:$0x58C0] =	vst v63  }
0x38: {  	_ =	swait.ge [sflag:s12], $0xA00  }
.Ltmp0:
0x39: {  	[sflag:s12] =	ssyncset.done $0x0;
	(pc) =	sbr.rel @p0 .LBB2_2-.Ltmp0, $4  }
0x3a: {  	[sflag:s12] =	ssyncadd.s32 $0xFFFFF600  }
0x3b: {  	[spmem:s2] =	stream.indirect.scatter.add.f32 [tilespmem:s14], [sflag:$0x1], $0x20, s13, s13, $0xb8;
	[tilespmem:$0x58C0] =	vst v63  }
0x3c: {  	_ =	swait.ge [sflag:s12], $0xA00  }
0x3d: {  	s18 =	smov.u32 s21;
	s16 =	sadd.s32 $0x140, s16;
	[sflag:s12] =	ssyncset.done $0x0  }
0x3e: {  	s18 =	sadd.s32 s17, s10;
	[sflag:s12] =	ssyncadd.s32 $0xFFFFF600  }
0x3f: {  	[tilespmem:s3], [sflag:$0x1] =	stream.linear.gather [hbm4b:s18+s3], $0x50, $0x38;
	[tilespmem:$0x58C0] =	vst v63  }
0x40: {  	_ =	swait.ge [sflag:s12], $0x50  }
0x41: {  	[sflag:s12] =	ssyncset.done $0x0  }
0x42: {  	s31 =	sadd.s32 s17, s9;
	[sflag:s12] =	ssyncadd.s32 $0xFFFFFFB0  }
0x43: {  	[tilespmem:s13], [sflag:$0x1] =	stream.linear.gather [hbm4b:s31+s3], $0x50, $0x38;
	[tilespmem:$0x58C0] =	vst v63  }
0x44: {  	_ =	swait.ge [sflag:s12], $0x50  }
0x45: {  	[sflag:s12] =	ssyncset.done $0x0  }
0x46: {  	[sflag:s12] =	ssyncadd.s32 $0xFFFFFFB0  }
0x47: {  	[tilespmem:s14], [sflag:$0x1] =	stream.linear.gather [hbm4b:s16+s3], $0xA00, $0x38;
	[tilespmem:$0x58C0] =	vst v63  }
0x48: {  	_ =	swait.ge [sflag:s12], $0xA00  }
0x49: {  	[sflag:s12] =	ssyncset.done $0x0  }
0x4a: {  	[sflag:s12] =	ssyncadd.s32 $0xFFFFF600  }
0x4b: {  	[spmem:s2] =	stream.indirect.scatter.add.f32 [tilespmem:s14], [sflag:$0x1], $0x20, s3, s13, $0xb8;
	[tilespmem:$0x58C0] =	vst v63  }
0x4c: {  	_ =	swait.ge [sflag:s12], $0xA00  }
0x4d: {  	[sflag:s12] =	ssyncset.done $0x0  }
0x4e: {  	[sflag:s12] =	ssyncadd.s32 $0xFFFFF600  }
0x4f: {  	[spmem:s2] =	stream.indirect.scatter.add.f32 [tilespmem:s14], [sflag:$0x1], $0x20, s13, s13, $0xb8;
	[tilespmem:$0x58C0] =	vst v63  }
0x50: {  	_ =	swait.ge [sflag:s12], $0xA00  }
0x51: {  	s15 =	sadd.s32 $0x1, s15;
	[sflag:s12] =	ssyncset.done $0x0  }
0x52: {  	p0 =	sne.s32 s15, s7;
	[sflag:s12] =	ssyncadd.s32 $0xFFFFF600  }
.Ltmp1:
0x53: {  	[bflag:$0x0] =	sbarrier.arrive $0xFFFF;
	(pc) =	sbr.rel @p0 .LBB2_1-.Ltmp1, $4  }
0x54: {  	[hbm:s6], [sflag:s5] =	dma.local [spmem:s11], $0x9C4  }
0x55: {  	_ =	swait.ge [sflag:s12], $0x9C4  }
0x56: {  	[sflag:s12] =	ssyncset.done $0x0  }
0x57: {  	[sflag:s12] =	ssyncadd.s32 $0xFFFFF63C  }
0x58: {  	_ =	sfence.sel $0x180000  }
0x59: {  	[bflag:$0x0] =	sbarrier.arrive $0xFFFF  }
0x5a: {  	p0 =	sne.s32 s0, $0x0;
	_ =	strace $0x90000056  }
0x5b: {  	s0 =	sadd.s32 @!p0 $0x100000, s1;
	[bflag:$0x2] =	sbarrier.arrive $0xFFFF  }
0x5c: {  	[sflag:s0] =	ssyncadd.tile.s32 @!p0 $0x1;
	_ =	shalt  }
.Lfunc_end2:
_tile_overlayer_lowered:
.L_overlay_start_2:
0x5d: {  	(tag) =	ssettag $0x2  }
0x5e: {  	s0 =	rddreg [dreg:$0x0];
	s2 =	stileid.u32  }
0x5f: {  	s1 =	rddreg [dreg:$0x1];
	p0 =	sne.s32 s2, $0x0  }
0x60: {  	s3 =	rddreg [dreg:$0x2];
	[bflag:$0x3] =	sbarrier.arrive $0xFFFF;
	s2 =	simm.s32 @!p0 $0x1C01  }
0x61: {  	[timem:s3], [sflag:s2] =	dma.local @!p0 [hbm:s0], s1  }
0x62: {  	s0 =	simm.s32 @!p0 $0x1  }
0x63: {  	_ =	swait.ge @!p0 [sflag:s0], s1  }
0x64: {  	s1 =	ssub.s32 @!p0 $0x0, s1;
	[sflag:s0] =	ssyncset.done @!p0 $0x0  }
0x65: {  	[sflag:s0] =	ssyncadd.s32 @!p0 s1  }
0x66: {  	[bflag:$0x3] =	sbarrier.arrive $0xFFFF  }
0x67: {  	_ =	shalt  }

// kernel: kernel.43.cloned.1.call-start
scs
__scs_entry_jumppad:
0x0: {  	(pc) =	sbr.rel $0x88, $3  }
0x1: {  	(tag) =	ssettag $0x0;
	lr =	simm.s32 $0x1  }
0x2: {  	[smem:$0x3F8A] =	sst lr;
	_ =	strace $0xD0000000  }
0x3: {  	_ = 	snop  }
0x4: {  	_ = 	snop  }
0x5: {  	_ = 	snop  }
0x6: {  	_ = 	snop  }
0x7: {  	_ = 	snop  }
__scs_overlays_trampoline_lowered:
0x8: {  	[smem:$0x3F99] =	sst s0  }
0x9: {  	[smem:$0x3F9A] =	sst s1  }
0xa: {  	[smem:$0x3F9B] =	sst s2  }
0xb: {  	[smem:$0x3F9C] =	sst s3  }
0xc: {  	[smem:$0x3F9D] =	sst s4  }
0xd: {  	[smem:$0x3F9E] =	sst s5  }
0xe: {  	[smem:$0x3F9F] =	sst s6  }
0xf: {  	[smem:$0x3FA0] =	sst s7  }
0x10: {  	[smem:$0x3FA1] =	sst s8  }
0x11: {  	[smem:$0x3FA2] =	sst s9;
	s0 =	simm.s32 @!p0 $0x0  }
0x12: {  	s1 =	sld [smem:$0x3F88];
	s0 =	simm.s32 @p0 $0x1  }
0x13: {  	[smem:$0x3FA3] =	sst s0;
	s0 =	simm.s32 @!p1 $0x0  }
0x14: {  	s2 =	sld [smem:$0x3F87];
	s0 =	simm.s32 @p1 $0x1  }
0x15: {  	[smem:$0x3FA4] =	sst s0;
	s0 =	simm.s32 @!p2 $0x0  }
0x16: {  	s3 =	sld [smem:$0x3FDB];
	s0 =	simm.s32 @p2 $0x1  }
0x17: {  	s4 =	simm.s32 $0x1BF5;
	[smem:$0x3FA6] =	sst s0  }
0x18: {  	s0 =	sld [smem:$0x3F89];
	_ =	swait.ge [sflag:s4], $0x0  }
0x19: {  	s7 =	sld [smem:$0x3F8A]  }
0x1a: {  	s8 =	sadd.s32 $0xFFFFE003, lr  }
0x1b: {  	s9 =	sadd.s32 $0xFFFFFEF7, lr;
	s5 =	simm.s32 $0xFFFFFFFF;
	p2 =	slt.u32 s8, $0xFFFFF086  }
0x1c: {  	p1 =	slt.u32 s9, $0xF7A;
	s5 =	simm.s32 @!p2 $0x0  }
0x1d: {  	s5 =	simm.s32 @p1 $0x1;
	p0 =	seq.s32 s7, s2  }
0x1e: {  	s7 =	smul.u32 @!p0 $0xF7A, s2;
	p2 =	seq.s32 @!p0 s5, $0x0  }
0x1f: {  	s9 =	smul.u32 $0xF7A, s1;
	s8 =	simm.s32 @!p0 $0x1BF5;
	p2 =	por !p2, p0  }
0x20: {  	[sflag:s8] =	ssyncset.s32 @!p0 $0xFFFFF086;
	s6 =	sadd.s32 @!p0 s3, s7;
	s7 =	simm.s32 @!p0 $0x108  }
0x21: {  	s3 =	sadd.s32 s3, s9;
	s6 =	sadd.s32 @!p0 $0x88, s6;
	s7 =	simm.s32 @p2 $0x1082  }
0x22: {  	[simem:s7], [sflag:s8] =	dma.local @!p0 [hbm:s6], $0xF7A  }
0x23: {  	s9 =	sor.u32 $0xD0000000, s2;
	s6 =	simm.s32 $0x108;
	_ =	swait.ge @!p0 [sflag:s8], $0x0  }
0x24: {  	s3 =	sadd.s32 $0x88, s3;
	s6 =	simm.s32 @!p1 $0x1082;
	[sflag:s4] =	ssyncset.s32 $0xFFFFF086  }
0x25: {  	[simem:s6], [sflag:s4] =	dma.local [hbm:s3], $0xF7A  }
0x26: {  	[smem:$0x3F8A] =	sst s1;
	(tag) =	ssettag s2;
	_ =	strace s9  }
0x27: {  	s1 =	sld [smem:$0x3F9A]  }
0x28: {  	s2 =	sld [smem:$0x3F9B]  }
0x29: {  	s4 =	sld [smem:$0x3F9D]  }
0x2a: {  	p0 =	seq.s32 s5, $0x0;
	s5 =	sld [smem:$0x3F9E]  }
0x2b: {  	s6 =	sld [smem:$0x3F9F]  }
0x2c: {  	s7 =	sld [smem:$0x3FA0]  }
0x2d: {  	s3 =	simm.s32 $0x108;
	s8 =	sld [smem:$0x3FA1]  }
0x2e: {  	s3 =	simm.s32 @!p0 $0x1082;
	s9 =	sld [smem:$0x3FA2]  }
0x2f: {  	lr =	sadd.s32 s0, s3;
	s0 =	sld [smem:$0x3F99]  }
0x30: {  	s3 =	sld [smem:$0x3F9C]  }
0x31: {  	[smem:$0x3FA5] =	sst s10  }
0x32: {  	s10 =	sld [smem:$0x3FA3];
	_ =	sdelay $0x3  }
0x33: {  	p0 =	seq.s32 s10, $0x1;
	s10 =	sld [smem:$0x3FA5];
	_ =	sdelay $0x3  }
0x34: {  	[smem:$0x3FA5] =	sst s10  }
0x35: {  	s10 =	sld [smem:$0x3FA4];
	_ =	sdelay $0x3  }
0x36: {  	p1 =	seq.s32 s10, $0x1;
	s10 =	sld [smem:$0x3FA5];
	_ =	sdelay $0x3  }
0x37: {  	[smem:$0x3FA5] =	sst s10  }
0x38: {  	s10 =	sld [smem:$0x3FA6]  }
0x39: {  	_ = 	snop;
	(pc) =	sbr.ind lr, $3  }
0x3a: {  	_ = 	snop  }
0x3b: {  	_ = 	snop  }
0x3c: {  	p2 =	seq.s32 s10, $0x1;
	s10 =	sld [smem:$0x3FA5]  }
0x3d: {  	_ =	shalt  }
0x3e: {  	_ =	shalt  }
0x3f: {  	_ =	shalt  }
0x40: {  	_ =	shalt  }
0x41: {  	_ =	shalt  }
0x42: {  	_ =	shalt  }
0x43: {  	_ =	shalt  }
0x44: {  	_ =	shalt  }
0x45: {  	_ =	shalt  }
0x46: {  	_ =	shalt  }
0x47: {  	_ =	shalt  }
0x48: {  	_ =	shalt  }
0x49: {  	_ =	shalt  }
0x4a: {  	_ =	shalt  }
0x4b: {  	_ =	shalt  }
0x4c: {  	_ =	shalt  }
0x4d: {  	_ =	shalt  }
0x4e: {  	_ =	shalt  }
0x4f: {  	_ =	shalt  }
0x50: {  	_ =	shalt  }
0x51: {  	_ =	shalt  }
0x52: {  	_ =	shalt  }
0x53: {  	_ =	shalt  }
0x54: {  	_ =	shalt  }
0x55: {  	_ =	shalt  }
0x56: {  	_ =	shalt  }
0x57: {  	_ =	shalt  }
0x58: {  	_ =	shalt  }
0x59: {  	_ =	shalt  }
0x5a: {  	_ =	shalt  }
0x5b: {  	_ =	shalt  }
0x5c: {  	_ =	shalt  }
0x5d: {  	_ =	shalt  }
0x5e: {  	_ =	shalt  }
0x5f: {  	_ =	shalt  }
0x60: {  	_ =	shalt  }
0x61: {  	_ =	shalt  }
0x62: {  	_ =	shalt  }
0x63: {  	_ =	shalt  }
0x64: {  	_ =	shalt  }
0x65: {  	_ =	shalt  }
0x66: {  	_ =	shalt  }
0x67: {  	_ =	shalt  }
0x68: {  	_ =	shalt  }
0x69: {  	_ =	shalt  }
0x6a: {  	_ =	shalt  }
0x6b: {  	_ =	shalt  }
0x6c: {  	_ =	shalt  }
0x6d: {  	_ =	shalt  }
0x6e: {  	_ =	shalt  }
0x6f: {  	_ =	shalt  }
0x70: {  	_ =	shalt  }
0x71: {  	_ =	shalt  }
0x72: {  	_ =	shalt  }
0x73: {  	_ =	shalt  }
0x74: {  	_ =	shalt  }
0x75: {  	_ =	shalt  }
0x76: {  	_ =	shalt  }
0x77: {  	_ =	shalt  }
0x78: {  	_ =	shalt  }
0x79: {  	_ =	shalt  }
0x7a: {  	_ =	shalt  }
0x7b: {  	_ =	shalt  }
0x7c: {  	_ =	shalt  }
0x7d: {  	_ =	shalt  }
0x7e: {  	_ =	shalt  }
0x7f: {  	_ =	shalt  }
0x80: {  	_ =	shalt  }
0x81: {  	_ =	shalt  }
0x82: {  	_ =	shalt  }
0x83: {  	_ =	shalt  }
0x84: {  	_ =	shalt  }
0x85: {  	_ =	shalt  }
0x86: {  	_ =	shalt  }
0x87: {  	_ =	shalt  }
.Lfunc_end0:
.L_simem_size_0:
called_computation.6_lowered:
.L_overlay_start_0:
0x88: {  	s2 =	sld [smem:$0x3FD9]  }
0x89: {  	s3 =	sld [smem:$0x3FFE];
	_ =	sdelay $0x1  }
0x8a: {  	s1 =	srdreg.scid  }
0x8b: {  	s0 =	sand.u32 $0x1, s1  }
0x8c: {  	s16 =	sshll.u32 s0, $0xA;
	s2 =	sadd.s32 s3, s2  }
0x8d: {  	s2 =	sadd.s32 s2, s16  }
0x8e: {  	[smem:$0x3FB1] =	sst s2  }
0x8f: {  	_ = 	snop  }
0x90: {  	(tm) =	ssettm $0x1  }
0x91: {  	s17 =	sld [smem:$0x3FFB];
	_ =	sdelay $0x3  }
0x92: {  	_ =	strace s17  }
0x93: {  	s2 =	sld [smem:$0x3FFC];
	_ =	sdelay $0x3  }
0x94: {  	_ =	strace s2  }
0x95: {  	s2 =	sld [smem:$0x3FFD];
	_ =	sdelay $0x3  }
0x96: {  	_ =	strace s2  }
0x97: {  	_ =	strace $0x8FFFFFFF  }
0x98: {  	s18 =	sld [smem:$0x3FDB];
	_ =	sdelay $0x1  }
0x99: {  	s19 =	simm.s32 $_scs_section_size  }
0x9a: {  	s4 =	simm.s32 $_size__tile_overlayer_lowered;
	s5 =	simm.s32 $_tile_overlayer_lowered  }
0x9b: {  	s22 =	simm.s32 $0x1BFF;
	s21 =	sshll.u32 s5, $0x1;
	s2 =	sadd.s32 s19, s18  }
0x9c: {  	s6 =	simm.s32 $0x0;
	s20 =	sshll.u32 s4, $0x1;
	s4 =	sadd.s32 s21, s2  }
0x9d: {  	[timem:s6], [sflag:s22] =	dma.local [hbm:s4], s20  }
0x9e: {  	_ =	swait.ge [sflag:s22], s20  }
0x9f: {  	s3 =	ssub.s32 $0x0, s20;
	[sflag:s22] =	ssyncset.done $0x0  }
0xa0: {  	[sflag:s22] =	ssyncadd.s32 s3;
	_ =	sdelay $0x1  }
0xa1: {  	s23 =	simm.s32 $0x1B8B  }
0xa2: {  	_ =	swait.ge [sflag:s23], $0x1  }
0xa3: {  	[sflag:s23] =	ssyncset.done $0x0  }
0xa4: {  	s25 =	simm.s32 $0x1B8E;
	s24 =	sld [smem:$0x3FFE];
	[sflag:s23] =	ssyncadd.s32 $0xFFFFFFFF  }
0xa5: {  	s26 =	simm.s32 $execute0_lowered;
	[smem:$0x3FD2] =	sst s25  }
0xa6: {  	s4 =	sshll.u32 s26, $0x1;
	_ =	strace $0x80000058;
	[dreg:$0x1] =	wrdreg $0xFFFFFFFF  }
0xa7: {  	s28 =	simm.s32 $_size_execute0_lowered;
	s2 =	sadd.s32 s2, s4;
	[dreg:$0x0] =	wrdreg $0x0  }
0xa8: {  	s4 =	sshll.u32 s28, $0x1;
	[dreg:$0x2] =	wrdreg s2  }
0xa9: {  	[dreg:$0x3] =	wrdreg s4  }
0xaa: {  	[dreg:$0x4] =	wrdreg $0xC0  }
0xab: {  	_ =	task [dreg:s6], $0x5FFFF  }
0xac: {  	[dreg:$0x1] =	wrdreg $0xFFFFFFFF  }
0xad: {  	[dreg:$0x0] =	wrdreg $0x60  }
0xae: {  	[dreg:$0x2] =	wrdreg s24  }
0xaf: {  	[dreg:$0x3] =	wrdreg $0x9  }
0xb0: {  	_ =	task.clear_ibuf [dreg:s6], $0x4FFFF;
	_ =	strace $0x90000058  }
0xb1: {  	s29 =	simm.s32 $0x9;
	_ =	strace $0x8000005A  }
0xb2: {  	_ =	swait.ge [sflag:s29], $0x1  }
0xb3: {  	[sflag:s29] =	ssyncadd.s32 $0xFFFFFFFF  }
0xb4: {  	_ =	strace $0x9000005A  }
0xb5: {  	_ =	sfence  }
0xb6: {  	s30 =	sld [smem:$0x0];
	_ =	sdelay $0x2  }
0xb7: {  	s31 =	sshll.u32 s1, $0xD;
	s1 =	sshrl.u32 s1, $0x2  }
0xb8: {  	s3 =	sand.u32 $0x4000, s31;
	s1 =	sadd.s32 s1, s30  }
0xb9: {  	s0 =	sor.u32 s3, s0;
	s1 =	sshll.u32 s1, $0x11  }
0xba: {  	s0 =	sor.u32 s1, s0  }
0xbb: {  	s0 =	sadd.s32 $0x8F2B, s0  }
0xbc: {  	[sflag:s0] =	ssyncadd.remote.s32 $0x1  }
0xbd: {  	_ =	sfence.sel $0xFFFF  }
0xbe: {  	[dreg:$0x0] =	wrdreg $0xFFFFFFFF;
	(pc) =	sbr.abs _section_cstart, $3  }
0xbf: {  	[dreg:$0x1] =	wrdreg $0xFFFFFFFF  }
0xc0: {  	_ =	task.clear_ibuf [dreg:s6], $0x2FFFF;
	_ =	strace $0x9FFFFFFF  }
0xc1: {  	(tm) =	ssettm $0x7FFFFFFF  }
tec
execute0_lowered:
.L_overlay_start_1:
0x0: {  	(tag) =	ssettag $0x1  }
0x1: {  	s4 =	rddreg [dreg:$0x0]  }
0x2: {  	s0 =	rddreg [dreg:$0x1];
	s2 =	simm.s32 $0x0  }
0x3: {  	s3 =	srdreg.scid;
	s1 =	stileid.u32;
	s11 =	simm.s32 $0xA0  }
0x4: {  	s12 =	simm.s32 $0x5A0;
	s13 =	simm.s32 $0x1;
	s6 =	smul.u32 $0x4E20, s1  }
0x5: {  	s14 =	simm.s32 $0x2;
	s5 =	sand.u32 $0x1, s3;
	s8 =	smul.u32 $0x9C40, s1  }
0x6: {  	s15 =	simm.s32 $0x0;
	[smem:$0x7FF] =	sst s2;
	s7 =	smul.u32 $0x2710, s5  }
0x7: {  	s3 =	sadd.s32 $0x375800, s4;
	s29 =	ssub.s32 $0x2, s5;
	s5 =	smul.u32 $0x4E20, s5  }
0x8: {  	_ =	strace $0x80000059;
	s8 =	sadd.s32 s8, s4;
	s9 =	sshrl.u32 s29, $0x1  }
0x9: {  	s6 =	sadd.s32 s7, s6;
	s30 =	ssub.s32 s29, s9;
	s31 =	sadd.s32 s5, s8  }
0xa: {  	s9 =	simm.s32 $0x3;
	s6 =	sshrl.u32 s6, $0x3;
	s5 =	sadd.s32 $0x1F9A00, s31  }
0xb: {  	s10 =	sadd.s32 s6, s4;
	s4 =	smax.u32 s30, $0x1;
	s6 =	sadd.s32 $0x295E00, s31  }
0xc: {  	s7 =	sadd.s32 $0x11200, s10;
	s8 =	sadd.s32 $0x1B000, s10;
	s10 =	simm.s32 $0x50  }
.LBB2_1:
0xd: {  	s16 =	sadd.s32 $0x0, s8  }
0xe: {  	[tilespmem:s2], [sflag:$0x3] =	stream.linear.gather [hbm4b:s16+s2], $0x50, $0x38;
	[tilespmem:$0xAA0] =	vst v63  }
0xf: {  	_ =	swait.ge [sflag:s9], $0x50  }
0x10: {  	[sflag:s9] =	ssyncset.done $0x0  }
0x11: {  	s31 =	sadd.s32 $0x0, s7;
	[sflag:s9] =	ssyncadd.s32 $0xFFFFFFB0  }
0x12: {  	[tilespmem:s10], [sflag:$0x3] =	stream.linear.gather [hbm4b:s31+s2], $0x50, $0x38;
	[tilespmem:$0xAA0] =	vst v63  }
0x13: {  	_ =	swait.ge [sflag:s9], $0x50  }
0x14: {  	[sflag:s9] =	ssyncset.done $0x0  }
0x15: {  	[sflag:s9] =	ssyncadd.s32 $0xFFFFFFB0  }
0x16: {  	[tilespmem:s11], [sflag:$0x1] =	stream.indirect.gather [hbm4b:s3+s10], $0x10, s2, s10, $0xb8;
	[tilespmem:$0xAA0] =	vst v63  }
0x17: {  	_ = 	snop  }
0x18: {  	[tilespmem:s12], [sflag:$0x2] =	stream.indirect.gather [hbm4b:s3+s10], $0x10, s10, s10, $0xb8;
	[tilespmem:$0xAA0] =	vst v63  }
0x19: {  	_ =	swait.ge [sflag:s13], $0x500  }
0x1a: {  	[sflag:s13] =	ssyncset.done $0x0  }
0x1b: {  	[sflag:s13] =	ssyncadd.s32 $0xFFFFFB00  }
0x1c: {  	_ =	swait.ge [sflag:s14], $0x500  }
0x1d: {  	[sflag:s14] =	ssyncset.done $0x0  }
0x1e: {  	[sflag:s14] =	ssyncadd.s32 $0xFFFFFB00  }
0x1f: {  	[hbm4b:s6+s2] =	stream.linear.scatter [tilespmem:s11], [sflag:$0x3], $0x500, $0x38;
	[tilespmem:$0xAA0] =	vst v63  }
0x20: {  	_ =	swait.ge [sflag:s9], $0x500  }
0x21: {  	[sflag:s9] =	ssyncset.done $0x0  }
0x22: {  	[sflag:s9] =	ssyncadd.s32 $0xFFFFFB00  }
0x23: {  	[hbm4b:s5+s2] =	stream.linear.scatter [tilespmem:s12], [sflag:$0x3], $0x500, $0x38;
	[tilespmem:$0xAA0] =	vst v63  }
0x24: {  	s18 =	simm.s32 $0xA;
	s19 =	simm.s32 $0x14;
	_ =	swait.ge [sflag:s9], $0x500  }
0x25: {  	s17 =	sadd.s32 $0xA0, s6;
	s16 =	sadd.s32 $0xA0, s5;
	[sflag:s9] =	ssyncset.done $0x0  }
.LBB2_2:
0x26: {  	s20 =	sadd.s32 s18, s8  }
0x27: {  	[sflag:s9] =	ssyncadd.s32 $0xFFFFFB00;
	s21 =	smov.u32 s19;
	s22 =	sadd.s32 $0xA, s19  }
0x28: {  	[tilespmem:s2], [sflag:$0x3] =	stream.linear.gather [hbm4b:s20+s2], $0x50, $0x38;
	[tilespmem:$0xAA0] =	vst v63  }
0x29: {  	p0 =	sne.s32 s19, $0x4D8;
	_ =	swait.ge [sflag:s9], $0x50  }
0x2a: {  	[sflag:s9] =	ssyncset.done $0x0  }
0x2b: {  	s19 =	sadd.s32 s18, s7;
	s18 =	smov.u32 s21;
	[sflag:s9] =	ssyncadd.s32 $0xFFFFFFB0  }
0x2c: {  	[tilespmem:s10], [sflag:$0x3] =	stream.linear.gather [hbm4b:s19+s2], $0x50, $0x38;
	[tilespmem:$0xAA0] =	vst v63  }
0x2d: {  	_ =	swait.ge [sflag:s9], $0x50  }
0x2e: {  	[sflag:s9] =	ssyncset.done $0x0  }
0x2f: {  	[sflag:s9] =	ssyncadd.s32 $0xFFFFFFB0  }
0x30: {  	[tilespmem:s11], [sflag:$0x1] =	stream.indirect.gather [hbm4b:s3+s10], $0x10, s2, s10, $0xb8;
	[tilespmem:$0xAA0] =	vst v63  }
0x31: {  	_ = 	snop  }
0x32: {  	[tilespmem:s12], [sflag:$0x2] =	stream.indirect.gather [hbm4b:s3+s10], $0x10, s10, s10, $0xb8;
	[tilespmem:$0xAA0] =	vst v63  }
0x33: {  	_ =	swait.ge [sflag:s13], $0x500  }
0x34: {  	[sflag:s13] =	ssyncset.done $0x0  }
0x35: {  	[sflag:s13] =	ssyncadd.s32 $0xFFFFFB00  }
0x36: {  	_ =	swait.ge [sflag:s14], $0x500  }
0x37: {  	[sflag:s14] =	ssyncset.done $0x0  }
0x38: {  	[sflag:s14] =	ssyncadd.s32 $0xFFFFFB00  }
0x39: {  	[hbm4b:s17+s2] =	stream.linear.scatter [tilespmem:s11], [sflag:$0x3], $0x500, $0x38;
	[tilespmem:$0xAA0] =	vst v63  }
0x3a: {  	_ =	swait.ge [sflag:s9], $0x500  }
.Ltmp0:
0x3b: {  	[sflag:s9] =	ssyncset.done $0x0;
	(pc) =	sbr.rel @p0 .LBB2_2-.Ltmp0, $4  }
0x3c: {  	[sflag:s9] =	ssyncadd.s32 $0xFFFFFB00  }
0x3d: {  	[hbm4b:s16+s2] =	stream.linear.scatter [tilespmem:s12], [sflag:$0x3], $0x500, $0x38;
	[tilespmem:$0xAA0] =	vst v63  }
0x3e: {  	s19 =	smov.u32 s22;
	_ =	swait.ge [sflag:s9], $0x500  }
0x3f: {  	s17 =	sadd.s32 $0xA0, s17;
	s16 =	sadd.s32 $0xA0, s16;
	[sflag:s9] =	ssyncset.done $0x0  }
0x40: {  	s19 =	sadd.s32 s18, s8;
	[sflag:s9] =	ssyncadd.s32 $0xFFFFFB00  }
0x41: {  	[tilespmem:s2], [sflag:$0x3] =	stream.linear.gather [hbm4b:s19+s2], $0x50, $0x38;
	[tilespmem:$0xAA0] =	vst v63  }
0x42: {  	_ =	swait.ge [sflag:s9], $0x50  }
0x43: {  	[sflag:s9] =	ssyncset.done $0x0  }
0x44: {  	s31 =	sadd.s32 s18, s7;
	[sflag:s9] =	ssyncadd.s32 $0xFFFFFFB0  }
0x45: {  	[tilespmem:s10], [sflag:$0x3] =	stream.linear.gather [hbm4b:s31+s2], $0x50, $0x38;
	[tilespmem:$0xAA0] =	vst v63  }
0x46: {  	_ =	swait.ge [sflag:s9], $0x50  }
0x47: {  	[sflag:s9] =	ssyncset.done $0x0  }
0x48: {  	[sflag:s9] =	ssyncadd.s32 $0xFFFFFFB0  }
0x49: {  	[tilespmem:s11], [sflag:$0x1] =	stream.indirect.gather [hbm4b:s3+s10], $0x10, s2, s10, $0xb8;
	[tilespmem:$0xAA0] =	vst v63  }
0x4a: {  	_ = 	snop  }
0x4b: {  	[tilespmem:s12], [sflag:$0x2] =	stream.indirect.gather [hbm4b:s3+s10], $0x10, s10, s10, $0xb8;
	[tilespmem:$0xAA0] =	vst v63  }
0x4c: {  	_ =	swait.ge [sflag:s13], $0x500  }
0x4d: {  	[sflag:s13] =	ssyncset.done $0x0  }
0x4e: {  	[sflag:s13] =	ssyncadd.s32 $0xFFFFFB00  }
0x4f: {  	_ =	swait.ge [sflag:s14], $0x500  }
0x50: {  	[sflag:s14] =	ssyncset.done $0x0  }
0x51: {  	[sflag:s14] =	ssyncadd.s32 $0xFFFFFB00  }
0x52: {  	[hbm4b:s17+s2] =	stream.linear.scatter [tilespmem:s11], [sflag:$0x3], $0x500, $0x38;
	[tilespmem:$0xAA0] =	vst v63  }
0x53: {  	s15 =	sadd.s32 $0x1, s15;
	_ =	swait.ge [sflag:s9], $0x500  }
0x54: {  	p0 =	sne.s32 s15, s4;
	[sflag:s9] =	ssyncset.done $0x0  }
.Ltmp1:
0x55: {  	[sflag:s9] =	ssyncadd.s32 $0xFFFFFB00;
	(pc) =	sbr.rel @p0 .LBB2_1-.Ltmp1, $4  }
0x56: {  	[hbm4b:s16+s2] =	stream.linear.scatter [tilespmem:s12], [sflag:$0x3], $0x500, $0x38;
	[tilespmem:$0xAA0] =	vst v63  }
0x57: {  	_ =	swait.ge [sflag:s9], $0x500  }
0x58: {  	[sflag:s9] =	ssyncset.done $0x0  }
0x59: {  	[sflag:s9] =	ssyncadd.s32 $0xFFFFFB00  }
0x5a: {  	_ =	sfence.sel $0x180000  }
0x5b: {  	[bflag:$0x0] =	sbarrier.arrive $0xFFFF  }
0x5c: {  	p0 =	sne.s32 s1, $0x0;
	_ =	strace $0x90000059  }
0x5d: {  	s0 =	sadd.s32 @!p0 $0x100000, s0;
	[bflag:$0x2] =	sbarrier.arrive $0xFFFF  }
0x5e: {  	[sflag:s0] =	ssyncadd.tile.s32 @!p0 $0x1;
	_ =	shalt  }
.Lfunc_end2:
_tile_overlayer_lowered:
.L_overlay_start_2:
0x5f: {  	(tag) =	ssettag $0x2  }
0x60: {  	s0 =	rddreg [dreg:$0x0];
	s2 =	stileid.u32  }
0x61: {  	s1 =	rddreg [dreg:$0x1];
	p0 =	sne.s32 s2, $0x0  }
0x62: {  	s3 =	rddreg [dreg:$0x2];
	[bflag:$0x3] =	sbarrier.arrive $0xFFFF;
	s2 =	simm.s32 @!p0 $0x1C03  }
0x63: {  	[timem:s3], [sflag:s2] =	dma.local @!p0 [hbm:s0], s1  }
0x64: {  	s0 =	simm.s32 @!p0 $0x3  }
0x65: {  	_ =	swait.ge @!p0 [sflag:s0], s1  }
0x66: {  	s1 =	ssub.s32 @!p0 $0x0, s1;
	[sflag:s0] =	ssyncset.done @!p0 $0x0  }
0x67: {  	[sflag:s0] =	ssyncadd.s32 @!p0 s1  }
0x68: {  	[bflag:$0x3] =	sbarrier.arrive $0xFFFF  }
0x69: {  	_ =	shalt  }

// kernel: kernel.46.cloned.1.call-start
scs
__scs_entry_jumppad:
0x0: {  	(pc) =	sbr.rel $0x88, $3  }
0x1: {  	(tag) =	ssettag $0x0;
	lr =	simm.s32 $0x1  }
0x2: {  	[smem:$0x3F8A] =	sst lr;
	_ =	strace $0xD0000000  }
0x3: {  	_ = 	snop  }
0x4: {  	_ = 	snop  }
0x5: {  	_ = 	snop  }
0x6: {  	_ = 	snop  }
0x7: {  	_ = 	snop  }
__scs_overlays_trampoline_lowered:
0x8: {  	[smem:$0x3F99] =	sst s0  }
0x9: {  	[smem:$0x3F9A] =	sst s1  }
0xa: {  	[smem:$0x3F9B] =	sst s2  }
0xb: {  	[smem:$0x3F9C] =	sst s3  }
0xc: {  	[smem:$0x3F9D] =	sst s4  }
0xd: {  	[smem:$0x3F9E] =	sst s5  }
0xe: {  	[smem:$0x3F9F] =	sst s6  }
0xf: {  	[smem:$0x3FA0] =	sst s7  }
0x10: {  	[smem:$0x3FA1] =	sst s8  }
0x11: {  	[smem:$0x3FA2] =	sst s9;
	s0 =	simm.s32 @!p0 $0x0  }
0x12: {  	s1 =	sld [smem:$0x3F88];
	s0 =	simm.s32 @p0 $0x1  }
0x13: {  	[smem:$0x3FA3] =	sst s0;
	s0 =	simm.s32 @!p1 $0x0  }
0x14: {  	s2 =	sld [smem:$0x3F87];
	s0 =	simm.s32 @p1 $0x1  }
0x15: {  	[smem:$0x3FA4] =	sst s0;
	s0 =	simm.s32 @!p2 $0x0  }
0x16: {  	s3 =	sld [smem:$0x3FDB];
	s0 =	simm.s32 @p2 $0x1  }
0x17: {  	s4 =	simm.s32 $0x1BF5;
	[smem:$0x3FA6] =	sst s0  }
0x18: {  	s0 =	sld [smem:$0x3F89];
	_ =	swait.ge [sflag:s4], $0x0  }
0x19: {  	s7 =	sld [smem:$0x3F8A]  }
0x1a: {  	s8 =	sadd.s32 $0xFFFFE003, lr  }
0x1b: {  	s9 =	sadd.s32 $0xFFFFFEF7, lr;
	s5 =	simm.s32 $0xFFFFFFFF;
	p2 =	slt.u32 s8, $0xFFFFF086  }
0x1c: {  	p1 =	slt.u32 s9, $0xF7A;
	s5 =	simm.s32 @!p2 $0x0  }
0x1d: {  	s5 =	simm.s32 @p1 $0x1;
	p0 =	seq.s32 s7, s2  }
0x1e: {  	s7 =	smul.u32 @!p0 $0xF7A, s2;
	p2 =	seq.s32 @!p0 s5, $0x0  }
0x1f: {  	s9 =	smul.u32 $0xF7A, s1;
	s8 =	simm.s32 @!p0 $0x1BF5;
	p2 =	por !p2, p0  }
0x20: {  	[sflag:s8] =	ssyncset.s32 @!p0 $0xFFFFF086;
	s6 =	sadd.s32 @!p0 s3, s7;
	s7 =	simm.s32 @!p0 $0x108  }
0x21: {  	s3 =	sadd.s32 s3, s9;
	s6 =	sadd.s32 @!p0 $0x88, s6;
	s7 =	simm.s32 @p2 $0x1082  }
0x22: {  	[simem:s7], [sflag:s8] =	dma.local @!p0 [hbm:s6], $0xF7A  }
0x23: {  	s9 =	sor.u32 $0xD0000000, s2;
	s6 =	simm.s32 $0x108;
	_ =	swait.ge @!p0 [sflag:s8], $0x0  }
0x24: {  	s3 =	sadd.s32 $0x88, s3;
	s6 =	simm.s32 @!p1 $0x1082;
	[sflag:s4] =	ssyncset.s32 $0xFFFFF086  }
0x25: {  	[simem:s6], [sflag:s4] =	dma.local [hbm:s3], $0xF7A  }
0x26: {  	[smem:$0x3F8A] =	sst s1;
	(tag) =	ssettag s2;
	_ =	strace s9  }
0x27: {  	s1 =	sld [smem:$0x3F9A]  }
0x28: {  	s2 =	sld [smem:$0x3F9B]  }
0x29: {  	s4 =	sld [smem:$0x3F9D]  }
0x2a: {  	p0 =	seq.s32 s5, $0x0;
	s5 =	sld [smem:$0x3F9E]  }
0x2b: {  	s6 =	sld [smem:$0x3F9F]  }
0x2c: {  	s7 =	sld [smem:$0x3FA0]  }
0x2d: {  	s3 =	simm.s32 $0x108;
	s8 =	sld [smem:$0x3FA1]  }
0x2e: {  	s3 =	simm.s32 @!p0 $0x1082;
	s9 =	sld [smem:$0x3FA2]  }
0x2f: {  	lr =	sadd.s32 s0, s3;
	s0 =	sld [smem:$0x3F99]  }
0x30: {  	s3 =	sld [smem:$0x3F9C]  }
0x31: {  	[smem:$0x3FA5] =	sst s10  }
0x32: {  	s10 =	sld [smem:$0x3FA3];
	_ =	sdelay $0x3  }
0x33: {  	p0 =	seq.s32 s10, $0x1;
	s10 =	sld [smem:$0x3FA5];
	_ =	sdelay $0x3  }
0x34: {  	[smem:$0x3FA5] =	sst s10  }
0x35: {  	s10 =	sld [smem:$0x3FA4];
	_ =	sdelay $0x3  }
0x36: {  	p1 =	seq.s32 s10, $0x1;
	s10 =	sld [smem:$0x3FA5];
	_ =	sdelay $0x3  }
0x37: {  	[smem:$0x3FA5] =	sst s10  }
0x38: {  	s10 =	sld [smem:$0x3FA6]  }
0x39: {  	_ = 	snop;
	(pc) =	sbr.ind lr, $3  }
0x3a: {  	_ = 	snop  }
0x3b: {  	_ = 	snop  }
0x3c: {  	p2 =	seq.s32 s10, $0x1;
	s10 =	sld [smem:$0x3FA5]  }
0x3d: {  	_ =	shalt  }
0x3e: {  	_ =	shalt  }
0x3f: {  	_ =	shalt  }
0x40: {  	_ =	shalt  }
0x41: {  	_ =	shalt  }
0x42: {  	_ =	shalt  }
0x43: {  	_ =	shalt  }
0x44: {  	_ =	shalt  }
0x45: {  	_ =	shalt  }
0x46: {  	_ =	shalt  }
0x47: {  	_ =	shalt  }
0x48: {  	_ =	shalt  }
0x49: {  	_ =	shalt  }
0x4a: {  	_ =	shalt  }
0x4b: {  	_ =	shalt  }
0x4c: {  	_ =	shalt  }
0x4d: {  	_ =	shalt  }
0x4e: {  	_ =	shalt  }
0x4f: {  	_ =	shalt  }
0x50: {  	_ =	shalt  }
0x51: {  	_ =	shalt  }
0x52: {  	_ =	shalt  }
0x53: {  	_ =	shalt  }
0x54: {  	_ =	shalt  }
0x55: {  	_ =	shalt  }
0x56: {  	_ =	shalt  }
0x57: {  	_ =	shalt  }
0x58: {  	_ =	shalt  }
0x59: {  	_ =	shalt  }
0x5a: {  	_ =	shalt  }
0x5b: {  	_ =	shalt  }
0x5c: {  	_ =	shalt  }
0x5d: {  	_ =	shalt  }
0x5e: {  	_ =	shalt  }
0x5f: {  	_ =	shalt  }
0x60: {  	_ =	shalt  }
0x61: {  	_ =	shalt  }
0x62: {  	_ =	shalt  }
0x63: {  	_ =	shalt  }
0x64: {  	_ =	shalt  }
0x65: {  	_ =	shalt  }
0x66: {  	_ =	shalt  }
0x67: {  	_ =	shalt  }
0x68: {  	_ =	shalt  }
0x69: {  	_ =	shalt  }
0x6a: {  	_ =	shalt  }
0x6b: {  	_ =	shalt  }
0x6c: {  	_ =	shalt  }
0x6d: {  	_ =	shalt  }
0x6e: {  	_ =	shalt  }
0x6f: {  	_ =	shalt  }
0x70: {  	_ =	shalt  }
0x71: {  	_ =	shalt  }
0x72: {  	_ =	shalt  }
0x73: {  	_ =	shalt  }
0x74: {  	_ =	shalt  }
0x75: {  	_ =	shalt  }
0x76: {  	_ =	shalt  }
0x77: {  	_ =	shalt  }
0x78: {  	_ =	shalt  }
0x79: {  	_ =	shalt  }
0x7a: {  	_ =	shalt  }
0x7b: {  	_ =	shalt  }
0x7c: {  	_ =	shalt  }
0x7d: {  	_ =	shalt  }
0x7e: {  	_ =	shalt  }
0x7f: {  	_ =	shalt  }
0x80: {  	_ =	shalt  }
0x81: {  	_ =	shalt  }
0x82: {  	_ =	shalt  }
0x83: {  	_ =	shalt  }
0x84: {  	_ =	shalt  }
0x85: {  	_ =	shalt  }
0x86: {  	_ =	shalt  }
0x87: {  	_ =	shalt  }
.Lfunc_end0:
.L_simem_size_0:
called_computation.7_lowered:
.L_overlay_start_0:
0x88: {  	s2 =	sld [smem:$0x3FD9]  }
0x89: {  	s3 =	sld [smem:$0x3FFE];
	_ =	sdelay $0x1  }
0x8a: {  	s1 =	srdreg.scid  }
0x8b: {  	s0 =	sand.u32 $0x1, s1  }
0x8c: {  	s17 =	sshll.u32 s0, $0xA;
	s2 =	sadd.s32 s3, s2  }
0x8d: {  	s2 =	sadd.s32 s2, s17  }
0x8e: {  	[smem:$0x3FB1] =	sst s2  }
0x8f: {  	_ = 	snop  }
0x90: {  	(tm) =	ssettm $0x1  }
0x91: {  	s18 =	sld [smem:$0x3FFB];
	_ =	sdelay $0x3  }
0x92: {  	_ =	strace s18  }
0x93: {  	s2 =	sld [smem:$0x3FFC];
	_ =	sdelay $0x3  }
0x94: {  	_ =	strace s2  }
0x95: {  	s2 =	sld [smem:$0x3FFD];
	_ =	sdelay $0x3  }
0x96: {  	_ =	strace s2  }
0x97: {  	_ =	strace $0x8FFFFFFF  }
0x98: {  	s19 =	sld [smem:$0x3FDB];
	_ =	sdelay $0x1  }
0x99: {  	s20 =	simm.s32 $_scs_section_size  }
0x9a: {  	s4 =	simm.s32 $_size__tile_overlayer_lowered;
	s5 =	simm.s32 $_tile_overlayer_lowered  }
0x9b: {  	s6 =	simm.s32 $0x1BFF;
	s21 =	sshll.u32 s5, $0x1;
	s3 =	sadd.s32 s20, s19  }
0x9c: {  	s22 =	simm.s32 $0x0;
	s4 =	sshll.u32 s4, $0x1;
	s5 =	sadd.s32 s21, s3  }
0x9d: {  	[timem:s22], [sflag:s6] =	dma.local [hbm:s5], s4  }
0x9e: {  	_ =	swait.ge [sflag:s6], s4  }
0x9f: {  	s4 =	ssub.s32 $0x0, s4;
	[sflag:s6] =	ssyncset.done $0x0  }
0xa0: {  	[sflag:s6] =	ssyncadd.s32 s4;
	_ =	sdelay $0x1  }
0xa1: {  	s23 =	simm.s32 $0x1B8B  }
0xa2: {  	_ =	swait.ge [sflag:s23], $0x1  }
0xa3: {  	[sflag:s23] =	ssyncset.done $0x0  }
0xa4: {  	[sflag:s23] =	ssyncadd.s32 $0xFFFFFFFF  }
0xa5: {  	s4 =	sld [smem:$0x0]  }
0xa6: {  	s5 =	sand.u32 $0xFFFFFFFE, s1  }
0xa7: {  	p0 =	sne.s32 s1, s5  }
0xa8: {  	s5 =	sshll.u32 @p0 s5, $0xE  }
0xa9: {  	s5 =	sadd.s32 @p0 $0x11B8D, s5;
	s6 =	sshll.u32 @p0 s4, $0x11  }
0xaa: {  	s5 =	sor.u32 @p0 s6, s5  }
0xab: {  	[sflag:s5] =	ssyncadd.remote.s32 @p0 $0x1;
	_ =	sdelay $0x1  }
0xac: {  	s5 =	simm.s32 @p0 $0x1B8D  }
0xad: {  	_ =	swait.eq @p0 [sflag:s5], $0x1  }
0xae: {  	[sflag:s5] =	ssyncadd.s32 @p0 $0xFFFFFFFF  }
0xaf: {  	s6 =	sshll.u32 @!p0 s1, $0xE  }
0xb0: {  	s6 =	sor.u32 @!p0 $0x4000, s6;
	s5 =	simm.s32 @!p0 $0x1B8D  }
0xb1: {  	s4 =	sshll.u32 @!p0 s4, $0x11;
	s6 =	sadd.s32 @!p0 $0x11B8D, s6;
	_ =	swait.eq @!p0 [sflag:s5], $0x1  }
0xb2: {  	s4 =	sor.u32 @!p0 s4, s6;
	[sflag:s5] =	ssyncadd.s32 @!p0 $0xFFFFFFFF  }
0xb3: {  	s25 =	simm.s32 $0x1B8E;
	s24 =	sld [smem:$0x3FFE];
	[sflag:s4] =	ssyncadd.remote.s32 @!p0 $0x1  }
0xb4: {  	s26 =	simm.s32 $execute0_lowered;
	[smem:$0x3FD2] =	sst s25  }
0xb5: {  	s5 =	sshll.u32 s26, $0x1;
	_ =	strace $0x8000005B;
	[dreg:$0x1] =	wrdreg $0xFFFFFFFF  }
0xb6: {  	s28 =	simm.s32 $_size_execute0_lowered;
	s3 =	sadd.s32 s3, s5;
	[dreg:$0x0] =	wrdreg $0x0  }
0xb7: {  	s5 =	sshll.u32 s28, $0x1;
	[dreg:$0x2] =	wrdreg s3  }
0xb8: {  	[dreg:$0x3] =	wrdreg s5  }
0xb9: {  	[dreg:$0x4] =	wrdreg $0xC0  }
0xba: {  	_ =	task [dreg:s22], $0x5FFFF  }
0xbb: {  	[dreg:$0x1] =	wrdreg $0xFFFFFFFF  }
0xbc: {  	[dreg:$0x0] =	wrdreg $0x60  }
0xbd: {  	[dreg:$0x2] =	wrdreg s24  }
0xbe: {  	[dreg:$0x3] =	wrdreg $0xA  }
0xbf: {  	_ =	task.clear_ibuf [dreg:s22], $0x4FFFF;
	_ =	strace $0x9000005B  }
0xc0: {  	s29 =	simm.s32 $0xA;
	_ =	strace $0x8000005D  }
0xc1: {  	_ =	swait.ge [sflag:s29], $0x1  }
0xc2: {  	[sflag:s29] =	ssyncadd.s32 $0xFFFFFFFF  }
0xc3: {  	_ =	strace $0x9000005D  }
0xc4: {  	_ =	sfence  }
0xc5: {  	s30 =	sld [smem:$0x0];
	_ =	sdelay $0x2  }
0xc6: {  	s31 =	sshll.u32 s1, $0xD;
	s1 =	sshrl.u32 s1, $0x2  }
0xc7: {  	s4 =	sand.u32 $0x4000, s31;
	s1 =	sadd.s32 s1, s30  }
0xc8: {  	s0 =	sor.u32 s4, s0;
	s1 =	sshll.u32 s1, $0x11  }
0xc9: {  	s0 =	sor.u32 s1, s0  }
0xca: {  	s0 =	sadd.s32 $0x8F2B, s0  }
0xcb: {  	[sflag:s0] =	ssyncadd.remote.s32 $0x1  }
0xcc: {  	_ =	sfence.sel $0xFFFF  }
0xcd: {  	[dreg:$0x0] =	wrdreg $0xFFFFFFFF;
	(pc) =	sbr.abs _section_cstart, $3  }
0xce: {  	[dreg:$0x1] =	wrdreg $0xFFFFFFFF  }
0xcf: {  	_ =	task.clear_ibuf [dreg:s22], $0x2FFFF;
	_ =	strace $0x9FFFFFFF  }
0xd0: {  	(tm) =	ssettm $0x7FFFFFFF  }
0xd1: {  	_ =	shalt  }
tec
execute0_lowered:
.L_overlay_start_1:
0x0: {  	(tag) =	ssettag $0x1  }
0x1: {  	s5 =	rddreg [dreg:$0x0]  }
0x2: {  	s0 =	rddreg [dreg:$0x1];
	s2 =	simm.s32 $0x0;
	s3 =	srdreg.scid  }
0x3: {  	s1 =	stileid.u32;
	s12 =	simm.s32 $0xA0;
	s13 =	simm.s32 $0x28A0  }
0x4: {  	s14 =	simm.s32 $0x1;
	s15 =	simm.s32 $0x2;
	s7 =	smul.u32 $0x4E20, s1  }
0x5: {  	s16 =	simm.s32 $0x0;
	s6 =	sand.u32 $0x1, s3;
	s9 =	smul.u32 $0x4E200, s1  }
0x6: {  	[smem:$0x7FF] =	sst s2;
	s3 =	sadd.s32 $0x37A800, s5;
	s8 =	smul.u32 $0x2710, s6  }
0x7: {  	s4 =	sadd.s32 $0x408000, s5;
	s29 =	ssub.s32 $0x2, s6;
	s6 =	smul.u32 $0x27100, s6  }
0x8: {  	_ =	strace $0x8000005C;
	s9 =	sadd.s32 s9, s5;
	s10 =	sshrl.u32 s29, $0x1  }
0x9: {  	s7 =	sadd.s32 s8, s7;
	s30 =	ssub.s32 s29, s10;
	s31 =	sadd.s32 s6, s9  }
0xa: {  	s10 =	simm.s32 $0x3;
	s7 =	sshrl.u32 s7, $0x3;
	s6 =	sadd.s32 $0x1C33200, s31  }
0xb: {  	s11 =	sadd.s32 s7, s5;
	s5 =	smax.u32 s30, $0x1;
	s7 =	sadd.s32 $0x456400, s31  }
0xc: {  	s8 =	sadd.s32 $0x11200, s11;
	s9 =	sadd.s32 $0x1B000, s11;
	s11 =	simm.s32 $0x50  }
.LBB2_1:
0xd: {  	s17 =	sadd.s32 $0x0, s9  }
0xe: {  	[tilespmem:s2], [sflag:$0x3] =	stream.linear.gather [hbm4b:s17+s2], $0x50, $0x38;
	[tilespmem:$0x50A0] =	vst v63  }
0xf: {  	_ =	swait.ge [sflag:s10], $0x50  }
0x10: {  	[sflag:s10] =	ssyncset.done $0x0  }
0x11: {  	s31 =	sadd.s32 $0x0, s8;
	[sflag:s10] =	ssyncadd.s32 $0xFFFFFFB0  }
0x12: {  	[tilespmem:s11], [sflag:$0x3] =	stream.linear.gather [hbm4b:s31+s2], $0x50, $0x38;
	[tilespmem:$0x50A0] =	vst v63  }
0x13: {  	_ =	swait.ge [sflag:s10], $0x50  }
0x14: {  	[sflag:s10] =	ssyncset.done $0x0  }
0x15: {  	[sflag:s10] =	ssyncadd.s32 $0xFFFFFFB0  }
0x16: {  	[tilespmem:s12], [sflag:$0x1] =	stream.indirect.gather [hbm4b:s3+s11], $0x80, s2, s11, $0xb8;
	[tilespmem:$0x50A0] =	vst v63  }
0x17: {  	_ = 	snop  }
0x18: {  	[tilespmem:s13], [sflag:$0x2] =	stream.indirect.gather [hbm4b:s4+s11], $0x80, s11, s11, $0xb8;
	[tilespmem:$0x50A0] =	vst v63  }
0x19: {  	_ =	swait.ge [sflag:s14], $0x2800  }
0x1a: {  	[sflag:s14] =	ssyncset.done $0x0  }
0x1b: {  	[sflag:s14] =	ssyncadd.s32 $0xFFFFD800  }
0x1c: {  	_ =	swait.ge [sflag:s15], $0x2800  }
0x1d: {  	[sflag:s15] =	ssyncset.done $0x0  }
0x1e: {  	[sflag:s15] =	ssyncadd.s32 $0xFFFFD800  }
0x1f: {  	[hbm4b:s7+s2] =	stream.linear.scatter [tilespmem:s12], [sflag:$0x3], $0x2800, $0x38;
	[tilespmem:$0x50A0] =	vst v63  }
0x20: {  	_ =	swait.ge [sflag:s10], $0x2800  }
0x21: {  	[sflag:s10] =	ssyncset.done $0x0  }
0x22: {  	[sflag:s10] =	ssyncadd.s32 $0xFFFFD800  }
0x23: {  	[hbm4b:s6+s2] =	stream.linear.scatter [tilespmem:s13], [sflag:$0x3], $0x2800, $0x38;
	[tilespmem:$0x50A0] =	vst v63  }
0x24: {  	s19 =	simm.s32 $0xA;
	s20 =	simm.s32 $0x14;
	_ =	swait.ge [sflag:s10], $0x2800  }
0x25: {  	s18 =	sadd.s32 $0x500, s7;
	s17 =	sadd.s32 $0x500, s6;
	[sflag:s10] =	ssyncset.done $0x0  }
.LBB2_2:
0x26: {  	s21 =	sadd.s32 s19, s9  }
0x27: {  	[sflag:s10] =	ssyncadd.s32 $0xFFFFD800;
	s22 =	smov.u32 s20;
	s23 =	sadd.s32 $0xA, s20  }
0x28: {  	[tilespmem:s2], [sflag:$0x3] =	stream.linear.gather [hbm4b:s21+s2], $0x50, $0x38;
	[tilespmem:$0x50A0] =	vst v63  }
0x29: {  	p0 =	sne.s32 s20, $0x4D8;
	_ =	swait.ge [sflag:s10], $0x50  }
0x2a: {  	[sflag:s10] =	ssyncset.done $0x0  }
0x2b: {  	s20 =	sadd.s32 s19, s8;
	s19 =	smov.u32 s22;
	[sflag:s10] =	ssyncadd.s32 $0xFFFFFFB0  }
0x2c: {  	[tilespmem:s11], [sflag:$0x3] =	stream.linear.gather [hbm4b:s20+s2], $0x50, $0x38;
	[tilespmem:$0x50A0] =	vst v63  }
0x2d: {  	_ =	swait.ge [sflag:s10], $0x50  }
0x2e: {  	[sflag:s10] =	ssyncset.done $0x0  }
0x2f: {  	[sflag:s10] =	ssyncadd.s32 $0xFFFFFFB0  }
0x30: {  	[tilespmem:s12], [sflag:$0x1] =	stream.indirect.gather [hbm4b:s3+s11], $0x80, s2, s11, $0xb8;
	[tilespmem:$0x50A0] =	vst v63  }
0x31: {  	_ = 	snop  }
0x32: {  	[tilespmem:s13], [sflag:$0x2] =	stream.indirect.gather [hbm4b:s4+s11], $0x80, s11, s11, $0xb8;
	[tilespmem:$0x50A0] =	vst v63  }
0x33: {  	_ =	swait.ge [sflag:s14], $0x2800  }
0x34: {  	[sflag:s14] =	ssyncset.done $0x0  }
0x35: {  	[sflag:s14] =	ssyncadd.s32 $0xFFFFD800  }
0x36: {  	_ =	swait.ge [sflag:s15], $0x2800  }
0x37: {  	[sflag:s15] =	ssyncset.done $0x0  }
0x38: {  	[sflag:s15] =	ssyncadd.s32 $0xFFFFD800  }
0x39: {  	[hbm4b:s18+s2] =	stream.linear.scatter [tilespmem:s12], [sflag:$0x3], $0x2800, $0x38;
	[tilespmem:$0x50A0] =	vst v63  }
0x3a: {  	_ =	swait.ge [sflag:s10], $0x2800  }
.Ltmp0:
0x3b: {  	[sflag:s10] =	ssyncset.done $0x0;
	(pc) =	sbr.rel @p0 .LBB2_2-.Ltmp0, $4  }
0x3c: {  	[sflag:s10] =	ssyncadd.s32 $0xFFFFD800  }
0x3d: {  	[hbm4b:s17+s2] =	stream.linear.scatter [tilespmem:s13], [sflag:$0x3], $0x2800, $0x38;
	[tilespmem:$0x50A0] =	vst v63  }
0x3e: {  	s20 =	smov.u32 s23;
	_ =	swait.ge [sflag:s10], $0x2800  }
0x3f: {  	s18 =	sadd.s32 $0x500, s18;
	s17 =	sadd.s32 $0x500, s17;
	[sflag:s10] =	ssyncset.done $0x0  }
0x40: {  	s20 =	sadd.s32 s19, s9;
	[sflag:s10] =	ssyncadd.s32 $0xFFFFD800  }
0x41: {  	[tilespmem:s2], [sflag:$0x3] =	stream.linear.gather [hbm4b:s20+s2], $0x50, $0x38;
	[tilespmem:$0x50A0] =	vst v63  }
0x42: {  	_ =	swait.ge [sflag:s10], $0x50  }
0x43: {  	[sflag:s10] =	ssyncset.done $0x0  }
0x44: {  	s31 =	sadd.s32 s19, s8;
	[sflag:s10] =	ssyncadd.s32 $0xFFFFFFB0  }
0x45: {  	[tilespmem:s11], [sflag:$0x3] =	stream.linear.gather [hbm4b:s31+s2], $0x50, $0x38;
	[tilespmem:$0x50A0] =	vst v63  }
0x46: {  	_ =	swait.ge [sflag:s10], $0x50  }
0x47: {  	[sflag:s10] =	ssyncset.done $0x0  }
0x48: {  	[sflag:s10] =	ssyncadd.s32 $0xFFFFFFB0  }
0x49: {  	[tilespmem:s12], [sflag:$0x1] =	stream.indirect.gather [hbm4b:s3+s11], $0x80, s2, s11, $0xb8;
	[tilespmem:$0x50A0] =	vst v63  }
0x4a: {  	_ = 	snop  }
0x4b: {  	[tilespmem:s13], [sflag:$0x2] =	stream.indirect.gather [hbm4b:s4+s11], $0x80, s11, s11, $0xb8;
	[tilespmem:$0x50A0] =	vst v63  }
0x4c: {  	_ =	swait.ge [sflag:s14], $0x2800  }
0x4d: {  	[sflag:s14] =	ssyncset.done $0x0  }
0x4e: {  	[sflag:s14] =	ssyncadd.s32 $0xFFFFD800  }
0x4f: {  	_ =	swait.ge [sflag:s15], $0x2800  }
0x50: {  	[sflag:s15] =	ssyncset.done $0x0  }
0x51: {  	[sflag:s15] =	ssyncadd.s32 $0xFFFFD800  }
0x52: {  	[hbm4b:s18+s2] =	stream.linear.scatter [tilespmem:s12], [sflag:$0x3], $0x2800, $0x38;
	[tilespmem:$0x50A0] =	vst v63  }
0x53: {  	s16 =	sadd.s32 $0x1, s16;
	_ =	swait.ge [sflag:s10], $0x2800  }
0x54: {  	p0 =	sne.s32 s16, s5;
	[sflag:s10] =	ssyncset.done $0x0  }
.Ltmp1:
0x55: {  	[sflag:s10] =	ssyncadd.s32 $0xFFFFD800;
	(pc) =	sbr.rel @p0 .LBB2_1-.Ltmp1, $4  }
0x56: {  	[hbm4b:s17+s2] =	stream.linear.scatter [tilespmem:s13], [sflag:$0x3], $0x2800, $0x38;
	[tilespmem:$0x50A0] =	vst v63  }
0x57: {  	_ =	swait.ge [sflag:s10], $0x2800  }
0x58: {  	[sflag:s10] =	ssyncset.done $0x0  }
0x59: {  	[sflag:s10] =	ssyncadd.s32 $0xFFFFD800  }
0x5a: {  	_ =	sfence.sel $0x180000  }
0x5b: {  	[bflag:$0x0] =	sbarrier.arrive $0xFFFF  }
0x5c: {  	p0 =	sne.s32 s1, $0x0;
	_ =	strace $0x9000005C  }
0x5d: {  	s0 =	sadd.s32 @!p0 $0x100000, s0;
	[bflag:$0x2] =	sbarrier.arrive $0xFFFF  }
0x5e: {  	[sflag:s0] =	ssyncadd.tile.s32 @!p0 $0x1;
	_ =	shalt  }
.Lfunc_end2:
_tile_overlayer_lowered:
.L_overlay_start_2:
0x5f: {  	(tag) =	ssettag $0x2  }
0x60: {  	s0 =	rddreg [dreg:$0x0];
	s2 =	stileid.u32  }
0x61: {  	s1 =	rddreg [dreg:$0x1];
	p0 =	sne.s32 s2, $0x0  }
0x62: {  	s3 =	rddreg [dreg:$0x2];
	[bflag:$0x3] =	sbarrier.arrive $0xFFFF;
	s2 =	simm.s32 @!p0 $0x1C03  }
0x63: {  	[timem:s3], [sflag:s2] =	dma.local @!p0 [hbm:s0], s1  }
0x64: {  	s0 =	simm.s32 @!p0 $0x3  }
0x65: {  	_ =	swait.ge @!p0 [sflag:s0], s1  }
0x66: {  	s1 =	ssub.s32 @!p0 $0x0, s1;
	[sflag:s0] =	ssyncset.done @!p0 $0x0  }
0x67: {  	[sflag:s0] =	ssyncadd.s32 @!p0 s1  }
0x68: {  	[bflag:$0x3] =	sbarrier.arrive $0xFFFF  }
0x69: {  	_ =	shalt  }

// kernel: kernel.49.cloned.1.call-start
scs
__scs_entry_jumppad:
0x0: {  	(pc) =	sbr.rel $0x88, $3  }
0x1: {  	(tag) =	ssettag $0x0;
	lr =	simm.s32 $0x1  }
0x2: {  	[smem:$0x3F8A] =	sst lr;
	_ =	strace $0xD0000000  }
0x3: {  	_ = 	snop  }
0x4: {  	_ = 	snop  }
0x5: {  	_ = 	snop  }
0x6: {  	_ = 	snop  }
0x7: {  	_ = 	snop  }
__scs_overlays_trampoline_lowered:
0x8: {  	[smem:$0x3F99] =	sst s0  }
0x9: {  	[smem:$0x3F9A] =	sst s1  }
0xa: {  	[smem:$0x3F9B] =	sst s2  }
0xb: {  	[smem:$0x3F9C] =	sst s3  }
0xc: {  	[smem:$0x3F9D] =	sst s4  }
0xd: {  	[smem:$0x3F9E] =	sst s5  }
0xe: {  	[smem:$0x3F9F] =	sst s6  }
0xf: {  	[smem:$0x3FA0] =	sst s7  }
0x10: {  	[smem:$0x3FA1] =	sst s8  }
0x11: {  	[smem:$0x3FA2] =	sst s9;
	s0 =	simm.s32 @!p0 $0x0  }
0x12: {  	s1 =	sld [smem:$0x3F88];
	s0 =	simm.s32 @p0 $0x1  }
0x13: {  	[smem:$0x3FA3] =	sst s0;
	s0 =	simm.s32 @!p1 $0x0  }
0x14: {  	s2 =	sld [smem:$0x3F87];
	s0 =	simm.s32 @p1 $0x1  }
0x15: {  	[smem:$0x3FA4] =	sst s0;
	s0 =	simm.s32 @!p2 $0x0  }
0x16: {  	s3 =	sld [smem:$0x3FDB];
	s0 =	simm.s32 @p2 $0x1  }
0x17: {  	s4 =	simm.s32 $0x1BF5;
	[smem:$0x3FA6] =	sst s0  }
0x18: {  	s0 =	sld [smem:$0x3F89];
	_ =	swait.ge [sflag:s4], $0x0  }
0x19: {  	s7 =	sld [smem:$0x3F8A]  }
0x1a: {  	s8 =	sadd.s32 $0xFFFFE003, lr  }
0x1b: {  	s9 =	sadd.s32 $0xFFFFFEF7, lr;
	s5 =	simm.s32 $0xFFFFFFFF;
	p2 =	slt.u32 s8, $0xFFFFF086  }
0x1c: {  	p1 =	slt.u32 s9, $0xF7A;
	s5 =	simm.s32 @!p2 $0x0  }
0x1d: {  	s5 =	simm.s32 @p1 $0x1;
	p0 =	seq.s32 s7, s2  }
0x1e: {  	s7 =	smul.u32 @!p0 $0xF7A, s2;
	p2 =	seq.s32 @!p0 s5, $0x0  }
0x1f: {  	s9 =	smul.u32 $0xF7A, s1;
	s8 =	simm.s32 @!p0 $0x1BF5;
	p2 =	por !p2, p0  }
0x20: {  	[sflag:s8] =	ssyncset.s32 @!p0 $0xFFFFF086;
	s6 =	sadd.s32 @!p0 s3, s7;
	s7 =	simm.s32 @!p0 $0x108  }
0x21: {  	s3 =	sadd.s32 s3, s9;
	s6 =	sadd.s32 @!p0 $0x88, s6;
	s7 =	simm.s32 @p2 $0x1082  }
0x22: {  	[simem:s7], [sflag:s8] =	dma.local @!p0 [hbm:s6], $0xF7A  }
0x23: {  	s9 =	sor.u32 $0xD0000000, s2;
	s6 =	simm.s32 $0x108;
	_ =	swait.ge @!p0 [sflag:s8], $0x0  }
0x24: {  	s3 =	sadd.s32 $0x88, s3;
	s6 =	simm.s32 @!p1 $0x1082;
	[sflag:s4] =	ssyncset.s32 $0xFFFFF086  }
0x25: {  	[simem:s6], [sflag:s4] =	dma.local [hbm:s3], $0xF7A  }
0x26: {  	[smem:$0x3F8A] =	sst s1;
	(tag) =	ssettag s2;
	_ =	strace s9  }
0x27: {  	s1 =	sld [smem:$0x3F9A]  }
0x28: {  	s2 =	sld [smem:$0x3F9B]  }
0x29: {  	s4 =	sld [smem:$0x3F9D]  }
0x2a: {  	p0 =	seq.s32 s5, $0x0;
	s5 =	sld [smem:$0x3F9E]  }
0x2b: {  	s6 =	sld [smem:$0x3F9F]  }
0x2c: {  	s7 =	sld [smem:$0x3FA0]  }
0x2d: {  	s3 =	simm.s32 $0x108;
	s8 =	sld [smem:$0x3FA1]  }
0x2e: {  	s3 =	simm.s32 @!p0 $0x1082;
	s9 =	sld [smem:$0x3FA2]  }
0x2f: {  	lr =	sadd.s32 s0, s3;
	s0 =	sld [smem:$0x3F99]  }
0x30: {  	s3 =	sld [smem:$0x3F9C]  }
0x31: {  	[smem:$0x3FA5] =	sst s10  }
0x32: {  	s10 =	sld [smem:$0x3FA3];
	_ =	sdelay $0x3  }
0x33: {  	p0 =	seq.s32 s10, $0x1;
	s10 =	sld [smem:$0x3FA5];
	_ =	sdelay $0x3  }
0x34: {  	[smem:$0x3FA5] =	sst s10  }
0x35: {  	s10 =	sld [smem:$0x3FA4];
	_ =	sdelay $0x3  }
0x36: {  	p1 =	seq.s32 s10, $0x1;
	s10 =	sld [smem:$0x3FA5];
	_ =	sdelay $0x3  }
0x37: {  	[smem:$0x3FA5] =	sst s10  }
0x38: {  	s10 =	sld [smem:$0x3FA6]  }
0x39: {  	_ = 	snop;
	(pc) =	sbr.ind lr, $3  }
0x3a: {  	_ = 	snop  }
0x3b: {  	_ = 	snop  }
0x3c: {  	p2 =	seq.s32 s10, $0x1;
	s10 =	sld [smem:$0x3FA5]  }
0x3d: {  	_ =	shalt  }
0x3e: {  	_ =	shalt  }
0x3f: {  	_ =	shalt  }
0x40: {  	_ =	shalt  }
0x41: {  	_ =	shalt  }
0x42: {  	_ =	shalt  }
0x43: {  	_ =	shalt  }
0x44: {  	_ =	shalt  }
0x45: {  	_ =	shalt  }
0x46: {  	_ =	shalt  }
0x47: {  	_ =	shalt  }
0x48: {  	_ =	shalt  }
0x49: {  	_ =	shalt  }
0x4a: {  	_ =	shalt  }
0x4b: {  	_ =	shalt  }
0x4c: {  	_ =	shalt  }
0x4d: {  	_ =	shalt  }
0x4e: {  	_ =	shalt  }
0x4f: {  	_ =	shalt  }
0x50: {  	_ =	shalt  }
0x51: {  	_ =	shalt  }
0x52: {  	_ =	shalt  }
0x53: {  	_ =	shalt  }
0x54: {  	_ =	shalt  }
0x55: {  	_ =	shalt  }
0x56: {  	_ =	shalt  }
0x57: {  	_ =	shalt  }
0x58: {  	_ =	shalt  }
0x59: {  	_ =	shalt  }
0x5a: {  	_ =	shalt  }
0x5b: {  	_ =	shalt  }
0x5c: {  	_ =	shalt  }
0x5d: {  	_ =	shalt  }
0x5e: {  	_ =	shalt  }
0x5f: {  	_ =	shalt  }
0x60: {  	_ =	shalt  }
0x61: {  	_ =	shalt  }
0x62: {  	_ =	shalt  }
0x63: {  	_ =	shalt  }
0x64: {  	_ =	shalt  }
0x65: {  	_ =	shalt  }
0x66: {  	_ =	shalt  }
0x67: {  	_ =	shalt  }
0x68: {  	_ =	shalt  }
0x69: {  	_ =	shalt  }
0x6a: {  	_ =	shalt  }
0x6b: {  	_ =	shalt  }
0x6c: {  	_ =	shalt  }
0x6d: {  	_ =	shalt  }
0x6e: {  	_ =	shalt  }
0x6f: {  	_ =	shalt  }
0x70: {  	_ =	shalt  }
0x71: {  	_ =	shalt  }
0x72: {  	_ =	shalt  }
0x73: {  	_ =	shalt  }
0x74: {  	_ =	shalt  }
0x75: {  	_ =	shalt  }
0x76: {  	_ =	shalt  }
0x77: {  	_ =	shalt  }
0x78: {  	_ =	shalt  }
0x79: {  	_ =	shalt  }
0x7a: {  	_ =	shalt  }
0x7b: {  	_ =	shalt  }
0x7c: {  	_ =	shalt  }
0x7d: {  	_ =	shalt  }
0x7e: {  	_ =	shalt  }
0x7f: {  	_ =	shalt  }
0x80: {  	_ =	shalt  }
0x81: {  	_ =	shalt  }
0x82: {  	_ =	shalt  }
0x83: {  	_ =	shalt  }
0x84: {  	_ =	shalt  }
0x85: {  	_ =	shalt  }
0x86: {  	_ =	shalt  }
0x87: {  	_ =	shalt  }
.Lfunc_end0:
.L_simem_size_0:
called_computation.8_lowered:
.L_overlay_start_0:
0x88: {  	s2 =	sld [smem:$0x3FD9]  }
0x89: {  	s3 =	sld [smem:$0x3FFE];
	_ =	sdelay $0x1  }
0x8a: {  	s1 =	srdreg.scid  }
0x8b: {  	s0 =	sand.u32 $0x1, s1  }
0x8c: {  	s16 =	sshll.u32 s0, $0xA;
	s2 =	sadd.s32 s3, s2  }
0x8d: {  	s2 =	sadd.s32 s2, s16  }
0x8e: {  	[smem:$0x3FB1] =	sst s2  }
0x8f: {  	_ = 	snop  }
0x90: {  	(tm) =	ssettm $0x1  }
0x91: {  	s17 =	sld [smem:$0x3FFB];
	_ =	sdelay $0x3  }
0x92: {  	_ =	strace s17  }
0x93: {  	s2 =	sld [smem:$0x3FFC];
	_ =	sdelay $0x3  }
0x94: {  	_ =	strace s2  }
0x95: {  	s2 =	sld [smem:$0x3FFD];
	_ =	sdelay $0x3  }
0x96: {  	_ =	strace s2  }
0x97: {  	_ =	strace $0x8FFFFFFF  }
0x98: {  	s18 =	sld [smem:$0x3FDB];
	_ =	sdelay $0x1  }
0x99: {  	s19 =	simm.s32 $_scs_section_size  }
0x9a: {  	s4 =	simm.s32 $_size__tile_overlayer_lowered;
	s5 =	simm.s32 $_tile_overlayer_lowered  }
0x9b: {  	s22 =	simm.s32 $0x1BFF;
	s21 =	sshll.u32 s5, $0x1;
	s2 =	sadd.s32 s19, s18  }
0x9c: {  	s6 =	simm.s32 $0x0;
	s20 =	sshll.u32 s4, $0x1;
	s4 =	sadd.s32 s21, s2  }
0x9d: {  	[timem:s6], [sflag:s22] =	dma.local [hbm:s4], s20  }
0x9e: {  	_ =	swait.ge [sflag:s22], s20  }
0x9f: {  	s3 =	ssub.s32 $0x0, s20;
	[sflag:s22] =	ssyncset.done $0x0  }
0xa0: {  	[sflag:s22] =	ssyncadd.s32 s3;
	_ =	sdelay $0x1  }
0xa1: {  	s23 =	simm.s32 $0x1B8B  }
0xa2: {  	_ =	swait.ge [sflag:s23], $0x1  }
0xa3: {  	[sflag:s23] =	ssyncset.done $0x0  }
0xa4: {  	s25 =	simm.s32 $0x1B8E;
	s24 =	sld [smem:$0x3FFE];
	[sflag:s23] =	ssyncadd.s32 $0xFFFFFFFF  }
0xa5: {  	s26 =	simm.s32 $execute0_lowered;
	[smem:$0x3FD2] =	sst s25  }
0xa6: {  	s4 =	sshll.u32 s26, $0x1;
	_ =	strace $0x8000005E;
	[dreg:$0x1] =	wrdreg $0xFFFFFFFF  }
0xa7: {  	s28 =	simm.s32 $_size_execute0_lowered;
	s2 =	sadd.s32 s2, s4;
	[dreg:$0x0] =	wrdreg $0x0  }
0xa8: {  	s4 =	sshll.u32 s28, $0x1;
	[dreg:$0x2] =	wrdreg s2  }
0xa9: {  	[dreg:$0x3] =	wrdreg s4  }
0xaa: {  	[dreg:$0x4] =	wrdreg $0xC0  }
0xab: {  	_ =	task [dreg:s6], $0x5FFFF  }
0xac: {  	[dreg:$0x1] =	wrdreg $0xFFFFFFFF  }
0xad: {  	[dreg:$0x0] =	wrdreg $0x60  }
0xae: {  	[dreg:$0x2] =	wrdreg s24  }
0xaf: {  	[dreg:$0x3] =	wrdreg $0xAA00  }
0xb0: {  	[dreg:$0x4] =	wrdreg $0x9  }
0xb1: {  	_ =	task.clear_ibuf [dreg:s6], $0x5FFFF;
	_ =	strace $0x9000005E  }
0xb2: {  	s29 =	simm.s32 $0x9;
	_ =	strace $0x80000060  }
0xb3: {  	_ =	swait.ge [sflag:s29], $0x1  }
0xb4: {  	[sflag:s29] =	ssyncadd.s32 $0xFFFFFFFF  }
0xb5: {  	_ =	strace $0x90000060  }
0xb6: {  	_ =	sfence  }
0xb7: {  	s30 =	sld [smem:$0x0];
	_ =	sdelay $0x2  }
0xb8: {  	s31 =	sshll.u32 s1, $0xD;
	s1 =	sshrl.u32 s1, $0x2  }
0xb9: {  	s3 =	sand.u32 $0x4000, s31;
	s1 =	sadd.s32 s1, s30  }
0xba: {  	s0 =	sor.u32 s3, s0;
	s1 =	sshll.u32 s1, $0x11  }
0xbb: {  	s0 =	sor.u32 s1, s0  }
0xbc: {  	s0 =	sadd.s32 $0x8F2B, s0  }
0xbd: {  	[sflag:s0] =	ssyncadd.remote.s32 $0x1  }
0xbe: {  	_ =	sfence.sel $0xFFFF  }
0xbf: {  	[dreg:$0x0] =	wrdreg $0xFFFFFFFF;
	(pc) =	sbr.abs _section_cstart, $3  }
0xc0: {  	[dreg:$0x1] =	wrdreg $0xFFFFFFFF  }
0xc1: {  	_ =	task.clear_ibuf [dreg:s6], $0x2FFFF;
	_ =	strace $0x9FFFFFFF  }
0xc2: {  	(tm) =	ssettm $0x7FFFFFFF  }
0xc3: {  	_ =	shalt  }
tec
execute0_lowered:
.L_overlay_start_1:
0x0: {  	(tag) =	ssettag $0x1  }
0x1: {  	s0 =	srdreg.scid  }
0x2: {  	s4 =	rddreg [dreg:$0x0];
	s5 =	sand.u32 $0x1, s0  }
0x3: {  	s0 =	stileid.u32;
	s6 =	smul.u32 $0x27100, s5  }
0x4: {  	s2 =	rddreg [dreg:$0x1];
	s7 =	smul.u32 $0x2710, s0  }
0x5: {  	s1 =	rddreg [dreg:$0x2];
	s8 =	smul.u32 $0x9C400, s5  }
0x6: {  	s3 =	simm.s32 $0x0;
	s14 =	simm.s32 $0xA0;
	s29 =	smul.u32 $0x4E20, s0  }
0x7: {  	s15 =	simm.s32 $0x0;
	[smem:$0x7FF] =	sst s3;
	s9 =	smul.u32 $0x4E200, s5  }
0x8: {  	_ =	strace $0x8000005F;
	s5 =	ssub.s32 $0x2, s5;
	s12 =	smul.u32 $0x9C40, s0  }
0x9: {  	s31 =	sshll.u32 s0, $0x6;
	s11 =	sshrl.u32 s5, $0x1;
	s6 =	sadd.s32 s7, s6  }
0xa: {  	s8 =	sadd.s32 s8, s4;
	s30 =	sshrl.u32 s29, $0x3;
	s9 =	sadd.s32 s29, s9  }
0xb: {  	s11 =	ssub.s32 s5, s11;
	s13 =	sadd.s32 s29, s2;
	s5 =	sor.u32 $0x1C01, s31  }
0xc: {  	s6 =	sshrl.u32 s6, $0x3;
	s9 =	sshrl.u32 s9, $0x3;
	s8 =	sadd.s32 s12, s8  }
0xd: {  	s7 =	smax.u32 s11, $0x1;
	s11 =	sshrl.u32 s13, $0x3;
	s12 =	simm.s32 $0x1  }
0xe: {  	s13 =	simm.s32 $0x50;
	s10 =	sadd.s32 s6, s4;
	s6 =	sadd.s32 s30, s4  }
0xf: {  	s9 =	sadd.s32 s9, s4;
	s8 =	sadd.s32 $0x1F9A00, s8;
	s4 =	sadd.s32 $0x344800, s6  }
0x10: {  	s6 =	sadd.s32 $0x408000, s9;
	s9 =	sadd.s32 $0x11200, s10;
	s10 =	sadd.s32 $0x1B000, s10  }
.LBB2_1:
0x11: {  	[spmem:s11], [sflag:s5] =	dma.local [hbm:s4], $0x9C4  }
0x12: {  	_ =	swait.ge [sflag:s12], $0x9C4  }
0x13: {  	[sflag:s12] =	ssyncset.done $0x0  }
0x14: {  	[sflag:s12] =	ssyncadd.s32 $0xFFFFF63C  }
0x15: {  	s16 =	sadd.s32 $0x0, s10;
	[bflag:$0x0] =	sbarrier.arrive $0xFFFF  }
0x16: {  	[tilespmem:s3], [sflag:$0x1] =	stream.linear.gather [hbm4b:s16+s3], $0x50, $0x38;
	[tilespmem:$0x58C0] =	vst v63  }
0x17: {  	_ =	swait.ge [sflag:s12], $0x50  }
0x18: {  	[sflag:s12] =	ssyncset.done $0x0  }
0x19: {  	s31 =	sadd.s32 $0x0, s9;
	[sflag:s12] =	ssyncadd.s32 $0xFFFFFFB0  }
0x1a: {  	[tilespmem:s13], [sflag:$0x1] =	stream.linear.gather [hbm4b:s31+s3], $0x50, $0x38;
	[tilespmem:$0x58C0] =	vst v63  }
0x1b: {  	_ =	swait.ge [sflag:s12], $0x50  }
0x1c: {  	[sflag:s12] =	ssyncset.done $0x0  }
0x1d: {  	[sflag:s12] =	ssyncadd.s32 $0xFFFFFFB0  }
0x1e: {  	[tilespmem:s14], [sflag:$0x1] =	stream.linear.gather [hbm4b:s8+s3], $0xA00, $0x38;
	[tilespmem:$0x58C0] =	vst v63  }
0x1f: {  	_ =	swait.ge [sflag:s12], $0xA00  }
0x20: {  	[sflag:s12] =	ssyncset.done $0x0  }
0x21: {  	[sflag:s12] =	ssyncadd.s32 $0xFFFFF600  }
0x22: {  	[spmem:s2] =	stream.indirect.scatter.add.f32 [tilespmem:s14], [sflag:$0x1], $0x20, s3, s13, $0xb8;
	[tilespmem:$0x58C0] =	vst v63  }
0x23: {  	_ =	swait.ge [sflag:s12], $0xA00  }
0x24: {  	[sflag:s12] =	ssyncset.done $0x0  }
0x25: {  	[sflag:s12] =	ssyncadd.s32 $0xFFFFF600  }
0x26: {  	[spmem:s2] =	stream.indirect.scatter.add.f32 [tilespmem:s14], [sflag:$0x1], $0x20, s13, s13, $0xb8;
	[tilespmem:$0x58C0] =	vst v63  }
0x27: {  	s17 =	simm.s32 $0xA;
	_ =	swait.ge [sflag:s12], $0xA00  }
0x28: {  	s18 =	simm.s32 $0x14;
	s16 =	sadd.s32 $0x140, s8;
	[sflag:s12] =	ssyncset.done $0x0  }
.LBB2_2:
0x29: {  	s19 =	sadd.s32 s17, s10  }
0x2a: {  	[sflag:s12] =	ssyncadd.s32 $0xFFFFF600;
	s20 =	smov.u32 s18;
	s21 =	sadd.s32 $0xA, s18  }
0x2b: {  	[tilespmem:s3], [sflag:$0x1] =	stream.linear.gather [hbm4b:s19+s3], $0x50, $0x38;
	[tilespmem:$0x58C0] =	vst v63  }
0x2c: {  	p0 =	sne.s32 s18, $0x4D8;
	_ =	swait.ge [sflag:s12], $0x50  }
0x2d: {  	[sflag:s12] =	ssyncset.done $0x0  }
0x2e: {  	s18 =	sadd.s32 s17, s9;
	s17 =	smov.u32 s20;
	[sflag:s12] =	ssyncadd.s32 $0xFFFFFFB0  }
0x2f: {  	[tilespmem:s13], [sflag:$0x1] =	stream.linear.gather [hbm4b:s18+s3], $0x50, $0x38;
	[tilespmem:$0x58C0] =	vst v63  }
0x30: {  	_ =	swait.ge [sflag:s12], $0x50  }
0x31: {  	[sflag:s12] =	ssyncset.done $0x0  }
0x32: {  	[sflag:s12] =	ssyncadd.s32 $0xFFFFFFB0  }
0x33: {  	[tilespmem:s14], [sflag:$0x1] =	stream.linear.gather [hbm4b:s16+s3], $0xA00, $0x38;
	[tilespmem:$0x58C0] =	vst v63  }
0x34: {  	_ =	swait.ge [sflag:s12], $0xA00  }
0x35: {  	[sflag:s12] =	ssyncset.done $0x0  }
0x36: {  	[sflag:s12] =	ssyncadd.s32 $0xFFFFF600  }
0x37: {  	[spmem:s2] =	stream.indirect.scatter.add.f32 [tilespmem:s14], [sflag:$0x1], $0x20, s3, s13, $0xb8;
	[tilespmem:$0x58C0] =	vst v63  }
0x38: {  	_ =	swait.ge [sflag:s12], $0xA00  }
.Ltmp0:
0x39: {  	[sflag:s12] =	ssyncset.done $0x0;
	(pc) =	sbr.rel @p0 .LBB2_2-.Ltmp0, $4  }
0x3a: {  	[sflag:s12] =	ssyncadd.s32 $0xFFFFF600  }
0x3b: {  	[spmem:s2] =	stream.indirect.scatter.add.f32 [tilespmem:s14], [sflag:$0x1], $0x20, s13, s13, $0xb8;
	[tilespmem:$0x58C0] =	vst v63  }
0x3c: {  	_ =	swait.ge [sflag:s12], $0xA00  }
0x3d: {  	s18 =	smov.u32 s21;
	s16 =	sadd.s32 $0x140, s16;
	[sflag:s12] =	ssyncset.done $0x0  }
0x3e: {  	s18 =	sadd.s32 s17, s10;
	[sflag:s12] =	ssyncadd.s32 $0xFFFFF600  }
0x3f: {  	[tilespmem:s3], [sflag:$0x1] =	stream.linear.gather [hbm4b:s18+s3], $0x50, $0x38;
	[tilespmem:$0x58C0] =	vst v63  }
0x40: {  	_ =	swait.ge [sflag:s12], $0x50  }
0x41: {  	[sflag:s12] =	ssyncset.done $0x0  }
0x42: {  	s31 =	sadd.s32 s17, s9;
	[sflag:s12] =	ssyncadd.s32 $0xFFFFFFB0  }
0x43: {  	[tilespmem:s13], [sflag:$0x1] =	stream.linear.gather [hbm4b:s31+s3], $0x50, $0x38;
	[tilespmem:$0x58C0] =	vst v63  }
0x44: {  	_ =	swait.ge [sflag:s12], $0x50  }
0x45: {  	[sflag:s12] =	ssyncset.done $0x0  }
0x46: {  	[sflag:s12] =	ssyncadd.s32 $0xFFFFFFB0  }
0x47: {  	[tilespmem:s14], [sflag:$0x1] =	stream.linear.gather [hbm4b:s16+s3], $0xA00, $0x38;
	[tilespmem:$0x58C0] =	vst v63  }
0x48: {  	_ =	swait.ge [sflag:s12], $0xA00  }
0x49: {  	[sflag:s12] =	ssyncset.done $0x0  }
0x4a: {  	[sflag:s12] =	ssyncadd.s32 $0xFFFFF600  }
0x4b: {  	[spmem:s2] =	stream.indirect.scatter.add.f32 [tilespmem:s14], [sflag:$0x1], $0x20, s3, s13, $0xb8;
	[tilespmem:$0x58C0] =	vst v63  }
0x4c: {  	_ =	swait.ge [sflag:s12], $0xA00  }
0x4d: {  	[sflag:s12] =	ssyncset.done $0x0  }
0x4e: {  	[sflag:s12] =	ssyncadd.s32 $0xFFFFF600  }
0x4f: {  	[spmem:s2] =	stream.indirect.scatter.add.f32 [tilespmem:s14], [sflag:$0x1], $0x20, s13, s13, $0xb8;
	[tilespmem:$0x58C0] =	vst v63  }
0x50: {  	_ =	swait.ge [sflag:s12], $0xA00  }
0x51: {  	s15 =	sadd.s32 $0x1, s15;
	[sflag:s12] =	ssyncset.done $0x0  }
0x52: {  	p0 =	sne.s32 s15, s7;
	[sflag:s12] =	ssyncadd.s32 $0xFFFFF600  }
.Ltmp1:
0x53: {  	[bflag:$0x0] =	sbarrier.arrive $0xFFFF;
	(pc) =	sbr.rel @p0 .LBB2_1-.Ltmp1, $4  }
0x54: {  	[hbm:s6], [sflag:s5] =	dma.local [spmem:s11], $0x9C4  }
0x55: {  	_ =	swait.ge [sflag:s12], $0x9C4  }
0x56: {  	[sflag:s12] =	ssyncset.done $0x0  }
0x57: {  	[sflag:s12] =	ssyncadd.s32 $0xFFFFF63C  }
0x58: {  	_ =	sfence.sel $0x180000  }
0x59: {  	[bflag:$0x0] =	sbarrier.arrive $0xFFFF  }
0x5a: {  	p0 =	sne.s32 s0, $0x0;
	_ =	strace $0x9000005F  }
0x5b: {  	s0 =	sadd.s32 @!p0 $0x100000, s1;
	[bflag:$0x2] =	sbarrier.arrive $0xFFFF  }
0x5c: {  	[sflag:s0] =	ssyncadd.tile.s32 @!p0 $0x1;
	_ =	shalt  }
.Lfunc_end2:
_tile_overlayer_lowered:
.L_overlay_start_2:
0x5d: {  	(tag) =	ssettag $0x2  }
0x5e: {  	s0 =	rddreg [dreg:$0x0];
	s2 =	stileid.u32  }
0x5f: {  	s1 =	rddreg [dreg:$0x1];
	p0 =	sne.s32 s2, $0x0  }
0x60: {  	s3 =	rddreg [dreg:$0x2];
	[bflag:$0x3] =	sbarrier.arrive $0xFFFF;
	s2 =	simm.s32 @!p0 $0x1C01  }
0x61: {  	[timem:s3], [sflag:s2] =	dma.local @!p0 [hbm:s0], s1  }
0x62: {  	s0 =	simm.s32 @!p0 $0x1  }
0x63: {  	_ =	swait.ge @!p0 [sflag:s0], s1  }
0x64: {  	s1 =	ssub.s32 @!p0 $0x0, s1;
	[sflag:s0] =	ssyncset.done @!p0 $0x0  }
0x65: {  	[sflag:s0] =	ssyncadd.s32 @!p0 s1  }
0x66: {  	[bflag:$0x3] =	sbarrier.arrive $0xFFFF  }
0x67: {  	_ =	shalt  }

// kernel: kernel.52.cloned.1.call-start
scs
__scs_entry_jumppad:
0x0: {  	(pc) =	sbr.rel $0x88, $3  }
0x1: {  	(tag) =	ssettag $0x0;
	lr =	simm.s32 $0x1  }
0x2: {  	[smem:$0x3F8A] =	sst lr;
	_ =	strace $0xD0000000  }
0x3: {  	_ = 	snop  }
0x4: {  	_ = 	snop  }
0x5: {  	_ = 	snop  }
0x6: {  	_ = 	snop  }
0x7: {  	_ = 	snop  }
__scs_overlays_trampoline_lowered:
0x8: {  	[smem:$0x3F99] =	sst s0  }
0x9: {  	[smem:$0x3F9A] =	sst s1  }
0xa: {  	[smem:$0x3F9B] =	sst s2  }
0xb: {  	[smem:$0x3F9C] =	sst s3  }
0xc: {  	[smem:$0x3F9D] =	sst s4  }
0xd: {  	[smem:$0x3F9E] =	sst s5  }
0xe: {  	[smem:$0x3F9F] =	sst s6  }
0xf: {  	[smem:$0x3FA0] =	sst s7  }
0x10: {  	[smem:$0x3FA1] =	sst s8  }
0x11: {  	[smem:$0x3FA2] =	sst s9;
	s0 =	simm.s32 @!p0 $0x0  }
0x12: {  	s1 =	sld [smem:$0x3F88];
	s0 =	simm.s32 @p0 $0x1  }
0x13: {  	[smem:$0x3FA3] =	sst s0;
	s0 =	simm.s32 @!p1 $0x0  }
0x14: {  	s2 =	sld [smem:$0x3F87];
	s0 =	simm.s32 @p1 $0x1  }
0x15: {  	[smem:$0x3FA4] =	sst s0;
	s0 =	simm.s32 @!p2 $0x0  }
0x16: {  	s3 =	sld [smem:$0x3FDB];
	s0 =	simm.s32 @p2 $0x1  }
0x17: {  	s4 =	simm.s32 $0x1BF5;
	[smem:$0x3FA6] =	sst s0  }
0x18: {  	s0 =	sld [smem:$0x3F89];
	_ =	swait.ge [sflag:s4], $0x0  }
0x19: {  	s7 =	sld [smem:$0x3F8A]  }
0x1a: {  	s8 =	sadd.s32 $0xFFFFE003, lr  }
0x1b: {  	s9 =	sadd.s32 $0xFFFFFEF7, lr;
	s5 =	simm.s32 $0xFFFFFFFF;
	p2 =	slt.u32 s8, $0xFFFFF086  }
0x1c: {  	p1 =	slt.u32 s9, $0xF7A;
	s5 =	simm.s32 @!p2 $0x0  }
0x1d: {  	s5 =	simm.s32 @p1 $0x1;
	p0 =	seq.s32 s7, s2  }
0x1e: {  	s7 =	smul.u32 @!p0 $0xF7A, s2;
	p2 =	seq.s32 @!p0 s5, $0x0  }
0x1f: {  	s9 =	smul.u32 $0xF7A, s1;
	s8 =	simm.s32 @!p0 $0x1BF5;
	p2 =	por !p2, p0  }
0x20: {  	[sflag:s8] =	ssyncset.s32 @!p0 $0xFFFFF086;
	s6 =	sadd.s32 @!p0 s3, s7;
	s7 =	simm.s32 @!p0 $0x108  }
0x21: {  	s3 =	sadd.s32 s3, s9;
	s6 =	sadd.s32 @!p0 $0x88, s6;
	s7 =	simm.s32 @p2 $0x1082  }
0x22: {  	[simem:s7], [sflag:s8] =	dma.local @!p0 [hbm:s6], $0xF7A  }
0x23: {  	s9 =	sor.u32 $0xD0000000, s2;
	s6 =	simm.s32 $0x108;
	_ =	swait.ge @!p0 [sflag:s8], $0x0  }
0x24: {  	s3 =	sadd.s32 $0x88, s3;
	s6 =	simm.s32 @!p1 $0x1082;
	[sflag:s4] =	ssyncset.s32 $0xFFFFF086  }
0x25: {  	[simem:s6], [sflag:s4] =	dma.local [hbm:s3], $0xF7A  }
0x26: {  	[smem:$0x3F8A] =	sst s1;
	(tag) =	ssettag s2;
	_ =	strace s9  }
0x27: {  	s1 =	sld [smem:$0x3F9A]  }
0x28: {  	s2 =	sld [smem:$0x3F9B]  }
0x29: {  	s4 =	sld [smem:$0x3F9D]  }
0x2a: {  	p0 =	seq.s32 s5, $0x0;
	s5 =	sld [smem:$0x3F9E]  }
0x2b: {  	s6 =	sld [smem:$0x3F9F]  }
0x2c: {  	s7 =	sld [smem:$0x3FA0]  }
0x2d: {  	s3 =	simm.s32 $0x108;
	s8 =	sld [smem:$0x3FA1]  }
0x2e: {  	s3 =	simm.s32 @!p0 $0x1082;
	s9 =	sld [smem:$0x3FA2]  }
0x2f: {  	lr =	sadd.s32 s0, s3;
	s0 =	sld [smem:$0x3F99]  }
0x30: {  	s3 =	sld [smem:$0x3F9C]  }
0x31: {  	[smem:$0x3FA5] =	sst s10  }
0x32: {  	s10 =	sld [smem:$0x3FA3];
	_ =	sdelay $0x3  }
0x33: {  	p0 =	seq.s32 s10, $0x1;
	s10 =	sld [smem:$0x3FA5];
	_ =	sdelay $0x3  }
0x34: {  	[smem:$0x3FA5] =	sst s10  }
0x35: {  	s10 =	sld [smem:$0x3FA4];
	_ =	sdelay $0x3  }
0x36: {  	p1 =	seq.s32 s10, $0x1;
	s10 =	sld [smem:$0x3FA5];
	_ =	sdelay $0x3  }
0x37: {  	[smem:$0x3FA5] =	sst s10  }
0x38: {  	s10 =	sld [smem:$0x3FA6]  }
0x39: {  	_ = 	snop;
	(pc) =	sbr.ind lr, $3  }
0x3a: {  	_ = 	snop  }
0x3b: {  	_ = 	snop  }
0x3c: {  	p2 =	seq.s32 s10, $0x1;
	s10 =	sld [smem:$0x3FA5]  }
0x3d: {  	_ =	shalt  }
0x3e: {  	_ =	shalt  }
0x3f: {  	_ =	shalt  }
0x40: {  	_ =	shalt  }
0x41: {  	_ =	shalt  }
0x42: {  	_ =	shalt  }
0x43: {  	_ =	shalt  }
0x44: {  	_ =	shalt  }
0x45: {  	_ =	shalt  }
0x46: {  	_ =	shalt  }
0x47: {  	_ =	shalt  }
0x48: {  	_ =	shalt  }
0x49: {  	_ =	shalt  }
0x4a: {  	_ =	shalt  }
0x4b: {  	_ =	shalt  }
0x4c: {  	_ =	shalt  }
0x4d: {  	_ =	shalt  }
0x4e: {  	_ =	shalt  }
0x4f: {  	_ =	shalt  }
0x50: {  	_ =	shalt  }
0x51: {  	_ =	shalt  }
0x52: {  	_ =	shalt  }
0x53: {  	_ =	shalt  }
0x54: {  	_ =	shalt  }
0x55: {  	_ =	shalt  }
0x56: {  	_ =	shalt  }
0x57: {  	_ =	shalt  }
0x58: {  	_ =	shalt  }
0x59: {  	_ =	shalt  }
0x5a: {  	_ =	shalt  }
0x5b: {  	_ =	shalt  }
0x5c: {  	_ =	shalt  }
0x5d: {  	_ =	shalt  }
0x5e: {  	_ =	shalt  }
0x5f: {  	_ =	shalt  }
0x60: {  	_ =	shalt  }
0x61: {  	_ =	shalt  }
0x62: {  	_ =	shalt  }
0x63: {  	_ =	shalt  }
0x64: {  	_ =	shalt  }
0x65: {  	_ =	shalt  }
0x66: {  	_ =	shalt  }
0x67: {  	_ =	shalt  }
0x68: {  	_ =	shalt  }
0x69: {  	_ =	shalt  }
0x6a: {  	_ =	shalt  }
0x6b: {  	_ =	shalt  }
0x6c: {  	_ =	shalt  }
0x6d: {  	_ =	shalt  }
0x6e: {  	_ =	shalt  }
0x6f: {  	_ =	shalt  }
0x70: {  	_ =	shalt  }
0x71: {  	_ =	shalt  }
0x72: {  	_ =	shalt  }
0x73: {  	_ =	shalt  }
0x74: {  	_ =	shalt  }
0x75: {  	_ =	shalt  }
0x76: {  	_ =	shalt  }
0x77: {  	_ =	shalt  }
0x78: {  	_ =	shalt  }
0x79: {  	_ =	shalt  }
0x7a: {  	_ =	shalt  }
0x7b: {  	_ =	shalt  }
0x7c: {  	_ =	shalt  }
0x7d: {  	_ =	shalt  }
0x7e: {  	_ =	shalt  }
0x7f: {  	_ =	shalt  }
0x80: {  	_ =	shalt  }
0x81: {  	_ =	shalt  }
0x82: {  	_ =	shalt  }
0x83: {  	_ =	shalt  }
0x84: {  	_ =	shalt  }
0x85: {  	_ =	shalt  }
0x86: {  	_ =	shalt  }
0x87: {  	_ =	shalt  }
.Lfunc_end0:
.L_simem_size_0:
called_computation.9_lowered:
.L_overlay_start_0:
0x88: {  	s2 =	sld [smem:$0x3FD9]  }
0x89: {  	s3 =	sld [smem:$0x3FFE];
	_ =	sdelay $0x1  }
0x8a: {  	s1 =	srdreg.scid  }
0x8b: {  	s0 =	sand.u32 $0x1, s1  }
0x8c: {  	s16 =	sshll.u32 s0, $0xA;
	s2 =	sadd.s32 s3, s2  }
0x8d: {  	s2 =	sadd.s32 s2, s16  }
0x8e: {  	[smem:$0x3FB1] =	sst s2  }
0x8f: {  	_ = 	snop  }
0x90: {  	(tm) =	ssettm $0x1  }
0x91: {  	s17 =	sld [smem:$0x3FFB];
	_ =	sdelay $0x3  }
0x92: {  	_ =	strace s17  }
0x93: {  	s2 =	sld [smem:$0x3FFC];
	_ =	sdelay $0x3  }
0x94: {  	_ =	strace s2  }
0x95: {  	s2 =	sld [smem:$0x3FFD];
	_ =	sdelay $0x3  }
0x96: {  	_ =	strace s2  }
0x97: {  	_ =	strace $0x8FFFFFFF  }
0x98: {  	s18 =	sld [smem:$0x3FDB];
	_ =	sdelay $0x1  }
0x99: {  	s19 =	simm.s32 $_scs_section_size  }
0x9a: {  	s4 =	simm.s32 $_size__tile_overlayer_lowered;
	s5 =	simm.s32 $_tile_overlayer_lowered  }
0x9b: {  	s22 =	simm.s32 $0x1BFF;
	s21 =	sshll.u32 s5, $0x1;
	s2 =	sadd.s32 s19, s18  }
0x9c: {  	s6 =	simm.s32 $0x0;
	s20 =	sshll.u32 s4, $0x1;
	s4 =	sadd.s32 s21, s2  }
0x9d: {  	[timem:s6], [sflag:s22] =	dma.local [hbm:s4], s20  }
0x9e: {  	_ =	swait.ge [sflag:s22], s20  }
0x9f: {  	s3 =	ssub.s32 $0x0, s20;
	[sflag:s22] =	ssyncset.done $0x0  }
0xa0: {  	[sflag:s22] =	ssyncadd.s32 s3;
	_ =	sdelay $0x1  }
0xa1: {  	s23 =	simm.s32 $0x1B8B  }
0xa2: {  	_ =	swait.ge [sflag:s23], $0x1  }
0xa3: {  	[sflag:s23] =	ssyncset.done $0x0  }
0xa4: {  	s25 =	simm.s32 $0x1B8E;
	s24 =	sld [smem:$0x3FFE];
	[sflag:s23] =	ssyncadd.s32 $0xFFFFFFFF  }
0xa5: {  	s26 =	simm.s32 $execute0_lowered;
	[smem:$0x3FD2] =	sst s25  }
0xa6: {  	s4 =	sshll.u32 s26, $0x1;
	_ =	strace $0x80000061;
	[dreg:$0x1] =	wrdreg $0xFFFFFFFF  }
0xa7: {  	s28 =	simm.s32 $_size_execute0_lowered;
	s2 =	sadd.s32 s2, s4;
	[dreg:$0x0] =	wrdreg $0x0  }
0xa8: {  	s4 =	sshll.u32 s28, $0x1;
	[dreg:$0x2] =	wrdreg s2  }
0xa9: {  	[dreg:$0x3] =	wrdreg s4  }
0xaa: {  	[dreg:$0x4] =	wrdreg $0xC0  }
0xab: {  	_ =	task [dreg:s6], $0x5FFFF  }
0xac: {  	[dreg:$0x1] =	wrdreg $0xFFFFFFFF  }
0xad: {  	[dreg:$0x0] =	wrdreg $0x60  }
0xae: {  	[dreg:$0x2] =	wrdreg s24  }
0xaf: {  	[dreg:$0x3] =	wrdreg $0x9  }
0xb0: {  	_ =	task.clear_ibuf [dreg:s6], $0x4FFFF;
	_ =	strace $0x90000061  }
0xb1: {  	s29 =	simm.s32 $0x9;
	_ =	strace $0x80000063  }
0xb2: {  	_ =	swait.ge [sflag:s29], $0x1  }
0xb3: {  	[sflag:s29] =	ssyncadd.s32 $0xFFFFFFFF  }
0xb4: {  	_ =	strace $0x90000063  }
0xb5: {  	_ =	sfence  }
0xb6: {  	s30 =	sld [smem:$0x0];
	_ =	sdelay $0x2  }
0xb7: {  	s31 =	sshll.u32 s1, $0xD;
	s1 =	sshrl.u32 s1, $0x2  }
0xb8: {  	s3 =	sand.u32 $0x4000, s31;
	s1 =	sadd.s32 s1, s30  }
0xb9: {  	s0 =	sor.u32 s3, s0;
	s1 =	sshll.u32 s1, $0x11  }
0xba: {  	s0 =	sor.u32 s1, s0  }
0xbb: {  	s0 =	sadd.s32 $0x8F2B, s0  }
0xbc: {  	[sflag:s0] =	ssyncadd.remote.s32 $0x1  }
0xbd: {  	_ =	sfence.sel $0xFFFF  }
0xbe: {  	[dreg:$0x0] =	wrdreg $0xFFFFFFFF;
	(pc) =	sbr.abs _section_cstart, $3  }
0xbf: {  	[dreg:$0x1] =	wrdreg $0xFFFFFFFF  }
0xc0: {  	_ =	task.clear_ibuf [dreg:s6], $0x2FFFF;
	_ =	strace $0x9FFFFFFF  }
0xc1: {  	(tm) =	ssettm $0x7FFFFFFF  }
tec
execute0_lowered:
.L_overlay_start_1:
0x0: {  	(tag) =	ssettag $0x1  }
0x1: {  	s5 =	rddreg [dreg:$0x0]  }
0x2: {  	s0 =	rddreg [dreg:$0x1];
	s2 =	simm.s32 $0x0;
	s3 =	srdreg.scid  }
0x3: {  	s1 =	stileid.u32;
	s12 =	simm.s32 $0xA0;
	s13 =	simm.s32 $0x28A0  }
0x4: {  	s14 =	simm.s32 $0x1;
	s15 =	simm.s32 $0x2;
	s7 =	smul.u32 $0x4E20, s1  }
0x5: {  	s16 =	simm.s32 $0x0;
	s6 =	sand.u32 $0x1, s3;
	s9 =	smul.u32 $0x4E200, s1  }
0x6: {  	[smem:$0x7FF] =	sst s2;
	s3 =	sadd.s32 $0x375800, s5;
	s8 =	smul.u32 $0x2710, s6  }
0x7: {  	s4 =	sadd.s32 $0x1F9A00, s5;
	s29 =	ssub.s32 $0x2, s6;
	s6 =	smul.u32 $0x27100, s6  }
0x8: {  	_ =	strace $0x80000062;
	s9 =	sadd.s32 s9, s5;
	s10 =	sshrl.u32 s29, $0x1  }
0x9: {  	s7 =	sadd.s32 s8, s7;
	s30 =	ssub.s32 s29, s10;
	s31 =	sadd.s32 s6, s9  }
0xa: {  	s10 =	simm.s32 $0x3;
	s7 =	sshrl.u32 s7, $0x3;
	s6 =	sadd.s32 $0x408000, s31  }
0xb: {  	s11 =	sadd.s32 s7, s5;
	s5 =	smax.u32 s30, $0x1;
	s7 =	sadd.s32 $0x25F7200, s31  }
0xc: {  	s8 =	sadd.s32 $0x11200, s11;
	s9 =	sadd.s32 $0x1B000, s11;
	s11 =	simm.s32 $0x50  }
.LBB2_1:
0xd: {  	s17 =	sadd.s32 $0x0, s9  }
0xe: {  	[tilespmem:s2], [sflag:$0x3] =	stream.linear.gather [hbm4b:s17+s2], $0x50, $0x38;
	[tilespmem:$0x50A0] =	vst v63  }
0xf: {  	_ =	swait.ge [sflag:s10], $0x50  }
0x10: {  	[sflag:s10] =	ssyncset.done $0x0  }
0x11: {  	s31 =	sadd.s32 $0x0, s8;
	[sflag:s10] =	ssyncadd.s32 $0xFFFFFFB0  }
0x12: {  	[tilespmem:s11], [sflag:$0x3] =	stream.linear.gather [hbm4b:s31+s2], $0x50, $0x38;
	[tilespmem:$0x50A0] =	vst v63  }
0x13: {  	_ =	swait.ge [sflag:s10], $0x50  }
0x14: {  	[sflag:s10] =	ssyncset.done $0x0  }
0x15: {  	[sflag:s10] =	ssyncadd.s32 $0xFFFFFFB0  }
0x16: {  	[tilespmem:s12], [sflag:$0x1] =	stream.indirect.gather [hbm4b:s3+s11], $0x80, s2, s11, $0xb8;
	[tilespmem:$0x50A0] =	vst v63  }
0x17: {  	_ = 	snop  }
0x18: {  	[tilespmem:s13], [sflag:$0x2] =	stream.indirect.gather [hbm4b:s4+s11], $0x80, s11, s11, $0xb8;
	[tilespmem:$0x50A0] =	vst v63  }
0x19: {  	_ =	swait.ge [sflag:s14], $0x2800  }
0x1a: {  	[sflag:s14] =	ssyncset.done $0x0  }
0x1b: {  	[sflag:s14] =	ssyncadd.s32 $0xFFFFD800  }
0x1c: {  	_ =	swait.ge [sflag:s15], $0x2800  }
0x1d: {  	[sflag:s15] =	ssyncset.done $0x0  }
0x1e: {  	[sflag:s15] =	ssyncadd.s32 $0xFFFFD800  }
0x1f: {  	[hbm4b:s7+s2] =	stream.linear.scatter [tilespmem:s12], [sflag:$0x3], $0x2800, $0x38;
	[tilespmem:$0x50A0] =	vst v63  }
0x20: {  	_ =	swait.ge [sflag:s10], $0x2800  }
0x21: {  	[sflag:s10] =	ssyncset.done $0x0  }
0x22: {  	[sflag:s10] =	ssyncadd.s32 $0xFFFFD800  }
0x23: {  	[hbm4b:s6+s2] =	stream.linear.scatter [tilespmem:s13], [sflag:$0x3], $0x2800, $0x38;
	[tilespmem:$0x50A0] =	vst v63  }
0x24: {  	s19 =	simm.s32 $0xA;
	s20 =	simm.s32 $0x14;
	_ =	swait.ge [sflag:s10], $0x2800  }
0x25: {  	s18 =	sadd.s32 $0x500, s7;
	s17 =	sadd.s32 $0x500, s6;
	[sflag:s10] =	ssyncset.done $0x0  }
.LBB2_2:
0x26: {  	s21 =	sadd.s32 s19, s9  }
0x27: {  	[sflag:s10] =	ssyncadd.s32 $0xFFFFD800;
	s22 =	smov.u32 s20;
	s23 =	sadd.s32 $0xA, s20  }
0x28: {  	[tilespmem:s2], [sflag:$0x3] =	stream.linear.gather [hbm4b:s21+s2], $0x50, $0x38;
	[tilespmem:$0x50A0] =	vst v63  }
0x29: {  	p0 =	sne.s32 s20, $0x4D8;
	_ =	swait.ge [sflag:s10], $0x50  }
0x2a: {  	[sflag:s10] =	ssyncset.done $0x0  }
0x2b: {  	s20 =	sadd.s32 s19, s8;
	s19 =	smov.u32 s22;
	[sflag:s10] =	ssyncadd.s32 $0xFFFFFFB0  }
0x2c: {  	[tilespmem:s11], [sflag:$0x3] =	stream.linear.gather [hbm4b:s20+s2], $0x50, $0x38;
	[tilespmem:$0x50A0] =	vst v63  }
0x2d: {  	_ =	swait.ge [sflag:s10], $0x50  }
0x2e: {  	[sflag:s10] =	ssyncset.done $0x0  }
0x2f: {  	[sflag:s10] =	ssyncadd.s32 $0xFFFFFFB0  }
0x30: {  	[tilespmem:s12], [sflag:$0x1] =	stream.indirect.gather [hbm4b:s3+s11], $0x80, s2, s11, $0xb8;
	[tilespmem:$0x50A0] =	vst v63  }
0x31: {  	_ = 	snop  }
0x32: {  	[tilespmem:s13], [sflag:$0x2] =	stream.indirect.gather [hbm4b:s4+s11], $0x80, s11, s11, $0xb8;
	[tilespmem:$0x50A0] =	vst v63  }
0x33: {  	_ =	swait.ge [sflag:s14], $0x2800  }
0x34: {  	[sflag:s14] =	ssyncset.done $0x0  }
0x35: {  	[sflag:s14] =	ssyncadd.s32 $0xFFFFD800  }
0x36: {  	_ =	swait.ge [sflag:s15], $0x2800  }
0x37: {  	[sflag:s15] =	ssyncset.done $0x0  }
0x38: {  	[sflag:s15] =	ssyncadd.s32 $0xFFFFD800  }
0x39: {  	[hbm4b:s18+s2] =	stream.linear.scatter [tilespmem:s12], [sflag:$0x3], $0x2800, $0x38;
	[tilespmem:$0x50A0] =	vst v63  }
0x3a: {  	_ =	swait.ge [sflag:s10], $0x2800  }
.Ltmp0:
0x3b: {  	[sflag:s10] =	ssyncset.done $0x0;
	(pc) =	sbr.rel @p0 .LBB2_2-.Ltmp0, $4  }
0x3c: {  	[sflag:s10] =	ssyncadd.s32 $0xFFFFD800  }
0x3d: {  	[hbm4b:s17+s2] =	stream.linear.scatter [tilespmem:s13], [sflag:$0x3], $0x2800, $0x38;
	[tilespmem:$0x50A0] =	vst v63  }
0x3e: {  	s20 =	smov.u32 s23;
	_ =	swait.ge [sflag:s10], $0x2800  }
0x3f: {  	s18 =	sadd.s32 $0x500, s18;
	s17 =	sadd.s32 $0x500, s17;
	[sflag:s10] =	ssyncset.done $0x0  }
0x40: {  	s20 =	sadd.s32 s19, s9;
	[sflag:s10] =	ssyncadd.s32 $0xFFFFD800  }
0x41: {  	[tilespmem:s2], [sflag:$0x3] =	stream.linear.gather [hbm4b:s20+s2], $0x50, $0x38;
	[tilespmem:$0x50A0] =	vst v63  }
0x42: {  	_ =	swait.ge [sflag:s10], $0x50  }
0x43: {  	[sflag:s10] =	ssyncset.done $0x0  }
0x44: {  	s31 =	sadd.s32 s19, s8;
	[sflag:s10] =	ssyncadd.s32 $0xFFFFFFB0  }
0x45: {  	[tilespmem:s11], [sflag:$0x3] =	stream.linear.gather [hbm4b:s31+s2], $0x50, $0x38;
	[tilespmem:$0x50A0] =	vst v63  }
0x46: {  	_ =	swait.ge [sflag:s10], $0x50  }
0x47: {  	[sflag:s10] =	ssyncset.done $0x0  }
0x48: {  	[sflag:s10] =	ssyncadd.s32 $0xFFFFFFB0  }
0x49: {  	[tilespmem:s12], [sflag:$0x1] =	stream.indirect.gather [hbm4b:s3+s11], $0x80, s2, s11, $0xb8;
	[tilespmem:$0x50A0] =	vst v63  }
0x4a: {  	_ = 	snop  }
0x4b: {  	[tilespmem:s13], [sflag:$0x2] =	stream.indirect.gather [hbm4b:s4+s11], $0x80, s11, s11, $0xb8;
	[tilespmem:$0x50A0] =	vst v63  }
0x4c: {  	_ =	swait.ge [sflag:s14], $0x2800  }
0x4d: {  	[sflag:s14] =	ssyncset.done $0x0  }
0x4e: {  	[sflag:s14] =	ssyncadd.s32 $0xFFFFD800  }
0x4f: {  	_ =	swait.ge [sflag:s15], $0x2800  }
0x50: {  	[sflag:s15] =	ssyncset.done $0x0  }
0x51: {  	[sflag:s15] =	ssyncadd.s32 $0xFFFFD800  }
0x52: {  	[hbm4b:s18+s2] =	stream.linear.scatter [tilespmem:s12], [sflag:$0x3], $0x2800, $0x38;
	[tilespmem:$0x50A0] =	vst v63  }
0x53: {  	s16 =	sadd.s32 $0x1, s16;
	_ =	swait.ge [sflag:s10], $0x2800  }
0x54: {  	p0 =	sne.s32 s16, s5;
	[sflag:s10] =	ssyncset.done $0x0  }
.Ltmp1:
0x55: {  	[sflag:s10] =	ssyncadd.s32 $0xFFFFD800;
	(pc) =	sbr.rel @p0 .LBB2_1-.Ltmp1, $4  }
0x56: {  	[hbm4b:s17+s2] =	stream.linear.scatter [tilespmem:s13], [sflag:$0x3], $0x2800, $0x38;
	[tilespmem:$0x50A0] =	vst v63  }
0x57: {  	_ =	swait.ge [sflag:s10], $0x2800  }
0x58: {  	[sflag:s10] =	ssyncset.done $0x0  }
0x59: {  	[sflag:s10] =	ssyncadd.s32 $0xFFFFD800  }
0x5a: {  	_ =	sfence.sel $0x180000  }
0x5b: {  	[bflag:$0x0] =	sbarrier.arrive $0xFFFF  }
0x5c: {  	p0 =	sne.s32 s1, $0x0;
	_ =	strace $0x90000062  }
0x5d: {  	s0 =	sadd.s32 @!p0 $0x100000, s0;
	[bflag:$0x2] =	sbarrier.arrive $0xFFFF  }
0x5e: {  	[sflag:s0] =	ssyncadd.tile.s32 @!p0 $0x1;
	_ =	shalt  }
.Lfunc_end2:
_tile_overlayer_lowered:
.L_overlay_start_2:
0x5f: {  	(tag) =	ssettag $0x2  }
0x60: {  	s0 =	rddreg [dreg:$0x0];
	s2 =	stileid.u32  }
0x61: {  	s1 =	rddreg [dreg:$0x1];
	p0 =	sne.s32 s2, $0x0  }
0x62: {  	s3 =	rddreg [dreg:$0x2];
	[bflag:$0x3] =	sbarrier.arrive $0xFFFF;
	s2 =	simm.s32 @!p0 $0x1C03  }
0x63: {  	[timem:s3], [sflag:s2] =	dma.local @!p0 [hbm:s0], s1  }
0x64: {  	s0 =	simm.s32 @!p0 $0x3  }
0x65: {  	_ =	swait.ge @!p0 [sflag:s0], s1  }
0x66: {  	s1 =	ssub.s32 @!p0 $0x0, s1;
	[sflag:s0] =	ssyncset.done @!p0 $0x0  }
0x67: {  	[sflag:s0] =	ssyncadd.s32 @!p0 s1  }
0x68: {  	[bflag:$0x3] =	sbarrier.arrive $0xFFFF  }
0x69: {  	_ =	shalt  }

// kernel: kernel.55.cloned.1.call-start
scs
__scs_entry_jumppad:
0x0: {  	(pc) =	sbr.rel $0x88, $3  }
0x1: {  	(tag) =	ssettag $0x0;
	lr =	simm.s32 $0x1  }
0x2: {  	[smem:$0x3F8A] =	sst lr;
	_ =	strace $0xD0000000  }
0x3: {  	_ = 	snop  }
0x4: {  	_ = 	snop  }
0x5: {  	_ = 	snop  }
0x6: {  	_ = 	snop  }
0x7: {  	_ = 	snop  }
__scs_overlays_trampoline_lowered:
0x8: {  	[smem:$0x3F99] =	sst s0  }
0x9: {  	[smem:$0x3F9A] =	sst s1  }
0xa: {  	[smem:$0x3F9B] =	sst s2  }
0xb: {  	[smem:$0x3F9C] =	sst s3  }
0xc: {  	[smem:$0x3F9D] =	sst s4  }
0xd: {  	[smem:$0x3F9E] =	sst s5  }
0xe: {  	[smem:$0x3F9F] =	sst s6  }
0xf: {  	[smem:$0x3FA0] =	sst s7  }
0x10: {  	[smem:$0x3FA1] =	sst s8  }
0x11: {  	[smem:$0x3FA2] =	sst s9;
	s0 =	simm.s32 @!p0 $0x0  }
0x12: {  	s1 =	sld [smem:$0x3F88];
	s0 =	simm.s32 @p0 $0x1  }
0x13: {  	[smem:$0x3FA3] =	sst s0;
	s0 =	simm.s32 @!p1 $0x0  }
0x14: {  	s2 =	sld [smem:$0x3F87];
	s0 =	simm.s32 @p1 $0x1  }
0x15: {  	[smem:$0x3FA4] =	sst s0;
	s0 =	simm.s32 @!p2 $0x0  }
0x16: {  	s3 =	sld [smem:$0x3FDB];
	s0 =	simm.s32 @p2 $0x1  }
0x17: {  	s4 =	simm.s32 $0x1BF5;
	[smem:$0x3FA6] =	sst s0  }
0x18: {  	s0 =	sld [smem:$0x3F89];
	_ =	swait.ge [sflag:s4], $0x0  }
0x19: {  	s7 =	sld [smem:$0x3F8A]  }
0x1a: {  	s8 =	sadd.s32 $0xFFFFE003, lr  }
0x1b: {  	s9 =	sadd.s32 $0xFFFFFEF7, lr;
	s5 =	simm.s32 $0xFFFFFFFF;
	p2 =	slt.u32 s8, $0xFFFFF086  }
0x1c: {  	p1 =	slt.u32 s9, $0xF7A;
	s5 =	simm.s32 @!p2 $0x0  }
0x1d: {  	s5 =	simm.s32 @p1 $0x1;
	p0 =	seq.s32 s7, s2  }
0x1e: {  	s7 =	smul.u32 @!p0 $0xF7A, s2;
	p2 =	seq.s32 @!p0 s5, $0x0  }
0x1f: {  	s9 =	smul.u32 $0xF7A, s1;
	s8 =	simm.s32 @!p0 $0x1BF5;
	p2 =	por !p2, p0  }
0x20: {  	[sflag:s8] =	ssyncset.s32 @!p0 $0xFFFFF086;
	s6 =	sadd.s32 @!p0 s3, s7;
	s7 =	simm.s32 @!p0 $0x108  }
0x21: {  	s3 =	sadd.s32 s3, s9;
	s6 =	sadd.s32 @!p0 $0x88, s6;
	s7 =	simm.s32 @p2 $0x1082  }
0x22: {  	[simem:s7], [sflag:s8] =	dma.local @!p0 [hbm:s6], $0xF7A  }
0x23: {  	s9 =	sor.u32 $0xD0000000, s2;
	s6 =	simm.s32 $0x108;
	_ =	swait.ge @!p0 [sflag:s8], $0x0  }
0x24: {  	s3 =	sadd.s32 $0x88, s3;
	s6 =	simm.s32 @!p1 $0x1082;
	[sflag:s4] =	ssyncset.s32 $0xFFFFF086  }
0x25: {  	[simem:s6], [sflag:s4] =	dma.local [hbm:s3], $0xF7A  }
0x26: {  	[smem:$0x3F8A] =	sst s1;
	(tag) =	ssettag s2;
	_ =	strace s9  }
0x27: {  	s1 =	sld [smem:$0x3F9A]  }
0x28: {  	s2 =	sld [smem:$0x3F9B]  }
0x29: {  	s4 =	sld [smem:$0x3F9D]  }
0x2a: {  	p0 =	seq.s32 s5, $0x0;
	s5 =	sld [smem:$0x3F9E]  }
0x2b: {  	s6 =	sld [smem:$0x3F9F]  }
0x2c: {  	s7 =	sld [smem:$0x3FA0]  }
0x2d: {  	s3 =	simm.s32 $0x108;
	s8 =	sld [smem:$0x3FA1]  }
0x2e: {  	s3 =	simm.s32 @!p0 $0x1082;
	s9 =	sld [smem:$0x3FA2]  }
0x2f: {  	lr =	sadd.s32 s0, s3;
	s0 =	sld [smem:$0x3F99]  }
0x30: {  	s3 =	sld [smem:$0x3F9C]  }
0x31: {  	[smem:$0x3FA5] =	sst s10  }
0x32: {  	s10 =	sld [smem:$0x3FA3];
	_ =	sdelay $0x3  }
0x33: {  	p0 =	seq.s32 s10, $0x1;
	s10 =	sld [smem:$0x3FA5];
	_ =	sdelay $0x3  }
0x34: {  	[smem:$0x3FA5] =	sst s10  }
0x35: {  	s10 =	sld [smem:$0x3FA4];
	_ =	sdelay $0x3  }
0x36: {  	p1 =	seq.s32 s10, $0x1;
	s10 =	sld [smem:$0x3FA5];
	_ =	sdelay $0x3  }
0x37: {  	[smem:$0x3FA5] =	sst s10  }
0x38: {  	s10 =	sld [smem:$0x3FA6]  }
0x39: {  	_ = 	snop;
	(pc) =	sbr.ind lr, $3  }
0x3a: {  	_ = 	snop  }
0x3b: {  	_ = 	snop  }
0x3c: {  	p2 =	seq.s32 s10, $0x1;
	s10 =	sld [smem:$0x3FA5]  }
0x3d: {  	_ =	shalt  }
0x3e: {  	_ =	shalt  }
0x3f: {  	_ =	shalt  }
0x40: {  	_ =	shalt  }
0x41: {  	_ =	shalt  }
0x42: {  	_ =	shalt  }
0x43: {  	_ =	shalt  }
0x44: {  	_ =	shalt  }
0x45: {  	_ =	shalt  }
0x46: {  	_ =	shalt  }
0x47: {  	_ =	shalt  }
0x48: {  	_ =	shalt  }
0x49: {  	_ =	shalt  }
0x4a: {  	_ =	shalt  }
0x4b: {  	_ =	shalt  }
0x4c: {  	_ =	shalt  }
0x4d: {  	_ =	shalt  }
0x4e: {  	_ =	shalt  }
0x4f: {  	_ =	shalt  }
0x50: {  	_ =	shalt  }
0x51: {  	_ =	shalt  }
0x52: {  	_ =	shalt  }
0x53: {  	_ =	shalt  }
0x54: {  	_ =	shalt  }
0x55: {  	_ =	shalt  }
0x56: {  	_ =	shalt  }
0x57: {  	_ =	shalt  }
0x58: {  	_ =	shalt  }
0x59: {  	_ =	shalt  }
0x5a: {  	_ =	shalt  }
0x5b: {  	_ =	shalt  }
0x5c: {  	_ =	shalt  }
0x5d: {  	_ =	shalt  }
0x5e: {  	_ =	shalt  }
0x5f: {  	_ =	shalt  }
0x60: {  	_ =	shalt  }
0x61: {  	_ =	shalt  }
0x62: {  	_ =	shalt  }
0x63: {  	_ =	shalt  }
0x64: {  	_ =	shalt  }
0x65: {  	_ =	shalt  }
0x66: {  	_ =	shalt  }
0x67: {  	_ =	shalt  }
0x68: {  	_ =	shalt  }
0x69: {  	_ =	shalt  }
0x6a: {  	_ =	shalt  }
0x6b: {  	_ =	shalt  }
0x6c: {  	_ =	shalt  }
0x6d: {  	_ =	shalt  }
0x6e: {  	_ =	shalt  }
0x6f: {  	_ =	shalt  }
0x70: {  	_ =	shalt  }
0x71: {  	_ =	shalt  }
0x72: {  	_ =	shalt  }
0x73: {  	_ =	shalt  }
0x74: {  	_ =	shalt  }
0x75: {  	_ =	shalt  }
0x76: {  	_ =	shalt  }
0x77: {  	_ =	shalt  }
0x78: {  	_ =	shalt  }
0x79: {  	_ =	shalt  }
0x7a: {  	_ =	shalt  }
0x7b: {  	_ =	shalt  }
0x7c: {  	_ =	shalt  }
0x7d: {  	_ =	shalt  }
0x7e: {  	_ =	shalt  }
0x7f: {  	_ =	shalt  }
0x80: {  	_ =	shalt  }
0x81: {  	_ =	shalt  }
0x82: {  	_ =	shalt  }
0x83: {  	_ =	shalt  }
0x84: {  	_ =	shalt  }
0x85: {  	_ =	shalt  }
0x86: {  	_ =	shalt  }
0x87: {  	_ =	shalt  }
.Lfunc_end0:
.L_simem_size_0:
called_computation.10_lowered:
.L_overlay_start_0:
0x88: {  	s2 =	sld [smem:$0x3FD9]  }
0x89: {  	s3 =	sld [smem:$0x3FFE];
	_ =	sdelay $0x1  }
0x8a: {  	s1 =	srdreg.scid  }
0x8b: {  	s0 =	sand.u32 $0x1, s1  }
0x8c: {  	s16 =	sshll.u32 s0, $0xA;
	s2 =	sadd.s32 s3, s2  }
0x8d: {  	s2 =	sadd.s32 s2, s16  }
0x8e: {  	[smem:$0x3FB1] =	sst s2  }
0x8f: {  	_ = 	snop  }
0x90: {  	(tm) =	ssettm $0x1  }
0x91: {  	s17 =	sld [smem:$0x3FFB];
	_ =	sdelay $0x3  }
0x92: {  	_ =	strace s17  }
0x93: {  	s2 =	sld [smem:$0x3FFC];
	_ =	sdelay $0x3  }
0x94: {  	_ =	strace s2  }
0x95: {  	s2 =	sld [smem:$0x3FFD];
	_ =	sdelay $0x3  }
0x96: {  	_ =	strace s2  }
0x97: {  	_ =	strace $0x8FFFFFFF  }
0x98: {  	s18 =	sld [smem:$0x3FDB];
	_ =	sdelay $0x1  }
0x99: {  	s19 =	simm.s32 $_scs_section_size  }
0x9a: {  	s4 =	simm.s32 $_size__tile_overlayer_lowered;
	s5 =	simm.s32 $_tile_overlayer_lowered  }
0x9b: {  	s22 =	simm.s32 $0x1BFF;
	s21 =	sshll.u32 s5, $0x1;
	s2 =	sadd.s32 s19, s18  }
0x9c: {  	s6 =	simm.s32 $0x0;
	s20 =	sshll.u32 s4, $0x1;
	s4 =	sadd.s32 s21, s2  }
0x9d: {  	[timem:s6], [sflag:s22] =	dma.local [hbm:s4], s20  }
0x9e: {  	_ =	swait.ge [sflag:s22], s20  }
0x9f: {  	s3 =	ssub.s32 $0x0, s20;
	[sflag:s22] =	ssyncset.done $0x0  }
0xa0: {  	[sflag:s22] =	ssyncadd.s32 s3;
	_ =	sdelay $0x1  }
0xa1: {  	s23 =	simm.s32 $0x1B8B  }
0xa2: {  	_ =	swait.ge [sflag:s23], $0x1  }
0xa3: {  	[sflag:s23] =	ssyncset.done $0x0  }
0xa4: {  	s25 =	simm.s32 $0x1B8E;
	s24 =	sld [smem:$0x3FFE];
	[sflag:s23] =	ssyncadd.s32 $0xFFFFFFFF  }
0xa5: {  	s26 =	simm.s32 $execute0_lowered;
	[smem:$0x3FD2] =	sst s25  }
0xa6: {  	s4 =	sshll.u32 s26, $0x1;
	_ =	strace $0x80000064;
	[dreg:$0x1] =	wrdreg $0xFFFFFFFF  }
0xa7: {  	s28 =	simm.s32 $_size_execute0_lowered;
	s2 =	sadd.s32 s2, s4;
	[dreg:$0x0] =	wrdreg $0x0  }
0xa8: {  	s4 =	sshll.u32 s28, $0x1;
	[dreg:$0x2] =	wrdreg s2  }
0xa9: {  	[dreg:$0x3] =	wrdreg s4  }
0xaa: {  	[dreg:$0x4] =	wrdreg $0xC0  }
0xab: {  	_ =	task [dreg:s6], $0x5FFFF  }
0xac: {  	[dreg:$0x1] =	wrdreg $0xFFFFFFFF  }
0xad: {  	[dreg:$0x0] =	wrdreg $0x60  }
0xae: {  	[dreg:$0x2] =	wrdreg s24  }
0xaf: {  	[dreg:$0x3] =	wrdreg $0xAA00  }
0xb0: {  	[dreg:$0x4] =	wrdreg $0x9  }
0xb1: {  	_ =	task.clear_ibuf [dreg:s6], $0x5FFFF;
	_ =	strace $0x90000064  }
0xb2: {  	s29 =	simm.s32 $0x9;
	_ =	strace $0x80000066  }
0xb3: {  	_ =	swait.ge [sflag:s29], $0x1  }
0xb4: {  	[sflag:s29] =	ssyncadd.s32 $0xFFFFFFFF  }
0xb5: {  	_ =	strace $0x90000066  }
0xb6: {  	_ =	sfence  }
0xb7: {  	s30 =	sld [smem:$0x0];
	_ =	sdelay $0x2  }
0xb8: {  	s31 =	sshll.u32 s1, $0xD;
	s1 =	sshrl.u32 s1, $0x2  }
0xb9: {  	s3 =	sand.u32 $0x4000, s31;
	s1 =	sadd.s32 s1, s30  }
0xba: {  	s0 =	sor.u32 s3, s0;
	s1 =	sshll.u32 s1, $0x11  }
0xbb: {  	s0 =	sor.u32 s1, s0  }
0xbc: {  	s0 =	sadd.s32 $0x8F2B, s0  }
0xbd: {  	[sflag:s0] =	ssyncadd.remote.s32 $0x1  }
0xbe: {  	_ =	sfence.sel $0xFFFF  }
0xbf: {  	[dreg:$0x0] =	wrdreg $0xFFFFFFFF;
	(pc) =	sbr.abs _section_cstart, $3  }
0xc0: {  	[dreg:$0x1] =	wrdreg $0xFFFFFFFF  }
0xc1: {  	_ =	task.clear_ibuf [dreg:s6], $0x2FFFF;
	_ =	strace $0x9FFFFFFF  }
0xc2: {  	(tm) =	ssettm $0x7FFFFFFF  }
0xc3: {  	_ =	shalt  }
tec
execute0_lowered:
.L_overlay_start_1:
0x0: {  	(tag) =	ssettag $0x1  }
0x1: {  	s0 =	srdreg.scid  }
0x2: {  	s4 =	rddreg [dreg:$0x0];
	s5 =	sand.u32 $0x1, s0  }
0x3: {  	s0 =	stileid.u32;
	s6 =	smul.u32 $0x27100, s5  }
0x4: {  	s2 =	rddreg [dreg:$0x1];
	s7 =	smul.u32 $0x2710, s0  }
0x5: {  	s1 =	rddreg [dreg:$0x2];
	s8 =	smul.u32 $0x9C400, s5  }
0x6: {  	s3 =	simm.s32 $0x0;
	s14 =	simm.s32 $0xA0;
	s29 =	smul.u32 $0x4E20, s0  }
0x7: {  	s15 =	simm.s32 $0x0;
	[smem:$0x7FF] =	sst s3;
	s9 =	smul.u32 $0x4E200, s5  }
0x8: {  	_ =	strace $0x80000065;
	s5 =	ssub.s32 $0x2, s5;
	s12 =	smul.u32 $0x9C40, s0  }
0x9: {  	s31 =	sshll.u32 s0, $0x6;
	s11 =	sshrl.u32 s5, $0x1;
	s6 =	sadd.s32 s7, s6  }
0xa: {  	s8 =	sadd.s32 s8, s4;
	s30 =	sshrl.u32 s29, $0x3;
	s9 =	sadd.s32 s29, s9  }
0xb: {  	s11 =	ssub.s32 s5, s11;
	s13 =	sadd.s32 s29, s2;
	s5 =	sor.u32 $0x1C01, s31  }
0xc: {  	s6 =	sshrl.u32 s6, $0x3;
	s9 =	sshrl.u32 s9, $0x3;
	s8 =	sadd.s32 s12, s8  }
0xd: {  	s7 =	smax.u32 s11, $0x1;
	s11 =	sshrl.u32 s13, $0x3;
	s12 =	simm.s32 $0x1  }
0xe: {  	s13 =	simm.s32 $0x50;
	s10 =	sadd.s32 s6, s4;
	s6 =	sadd.s32 s30, s4  }
0xf: {  	s9 =	sadd.s32 s9, s4;
	s8 =	sadd.s32 $0x408000, s8;
	s4 =	sadd.s32 $0x344800, s6  }
0x10: {  	s6 =	sadd.s32 $0x1F9A00, s9;
	s9 =	sadd.s32 $0x11200, s10;
	s10 =	sadd.s32 $0x1B000, s10  }
.LBB2_1:
0x11: {  	[spmem:s11], [sflag:s5] =	dma.local [hbm:s4], $0x9C4  }
0x12: {  	_ =	swait.ge [sflag:s12], $0x9C4  }
0x13: {  	[sflag:s12] =	ssyncset.done $0x0  }
0x14: {  	[sflag:s12] =	ssyncadd.s32 $0xFFFFF63C  }
0x15: {  	s16 =	sadd.s32 $0x0, s10;
	[bflag:$0x0] =	sbarrier.arrive $0xFFFF  }
0x16: {  	[tilespmem:s3], [sflag:$0x1] =	stream.linear.gather [hbm4b:s16+s3], $0x50, $0x38;
	[tilespmem:$0x58C0] =	vst v63  }
0x17: {  	_ =	swait.ge [sflag:s12], $0x50  }
0x18: {  	[sflag:s12] =	ssyncset.done $0x0  }
0x19: {  	s31 =	sadd.s32 $0x0, s9;
	[sflag:s12] =	ssyncadd.s32 $0xFFFFFFB0  }
0x1a: {  	[tilespmem:s13], [sflag:$0x1] =	stream.linear.gather [hbm4b:s31+s3], $0x50, $0x38;
	[tilespmem:$0x58C0] =	vst v63  }
0x1b: {  	_ =	swait.ge [sflag:s12], $0x50  }
0x1c: {  	[sflag:s12] =	ssyncset.done $0x0  }
0x1d: {  	[sflag:s12] =	ssyncadd.s32 $0xFFFFFFB0  }
0x1e: {  	[tilespmem:s14], [sflag:$0x1] =	stream.linear.gather [hbm4b:s8+s3], $0xA00, $0x38;
	[tilespmem:$0x58C0] =	vst v63  }
0x1f: {  	_ =	swait.ge [sflag:s12], $0xA00  }
0x20: {  	[sflag:s12] =	ssyncset.done $0x0  }
0x21: {  	[sflag:s12] =	ssyncadd.s32 $0xFFFFF600  }
0x22: {  	[spmem:s2] =	stream.indirect.scatter.add.f32 [tilespmem:s14], [sflag:$0x1], $0x20, s3, s13, $0xb8;
	[tilespmem:$0x58C0] =	vst v63  }
0x23: {  	_ =	swait.ge [sflag:s12], $0xA00  }
0x24: {  	[sflag:s12] =	ssyncset.done $0x0  }
0x25: {  	[sflag:s12] =	ssyncadd.s32 $0xFFFFF600  }
0x26: {  	[spmem:s2] =	stream.indirect.scatter.add.f32 [tilespmem:s14], [sflag:$0x1], $0x20, s13, s13, $0xb8;
	[tilespmem:$0x58C0] =	vst v63  }
0x27: {  	s17 =	simm.s32 $0xA;
	_ =	swait.ge [sflag:s12], $0xA00  }
0x28: {  	s18 =	simm.s32 $0x14;
	s16 =	sadd.s32 $0x140, s8;
	[sflag:s12] =	ssyncset.done $0x0  }
.LBB2_2:
0x29: {  	s19 =	sadd.s32 s17, s10  }
0x2a: {  	[sflag:s12] =	ssyncadd.s32 $0xFFFFF600;
	s20 =	smov.u32 s18;
	s21 =	sadd.s32 $0xA, s18  }
0x2b: {  	[tilespmem:s3], [sflag:$0x1] =	stream.linear.gather [hbm4b:s19+s3], $0x50, $0x38;
	[tilespmem:$0x58C0] =	vst v63  }
0x2c: {  	p0 =	sne.s32 s18, $0x4D8;
	_ =	swait.ge [sflag:s12], $0x50  }
0x2d: {  	[sflag:s12] =	ssyncset.done $0x0  }
0x2e: {  	s18 =	sadd.s32 s17, s9;
	s17 =	smov.u32 s20;
	[sflag:s12] =	ssyncadd.s32 $0xFFFFFFB0  }
0x2f: {  	[tilespmem:s13], [sflag:$0x1] =	stream.linear.gather [hbm4b:s18+s3], $0x50, $0x38;
	[tilespmem:$0x58C0] =	vst v63  }
0x30: {  	_ =	swait.ge [sflag:s12], $0x50  }
0x31: {  	[sflag:s12] =	ssyncset.done $0x0  }
0x32: {  	[sflag:s12] =	ssyncadd.s32 $0xFFFFFFB0  }
0x33: {  	[tilespmem:s14], [sflag:$0x1] =	stream.linear.gather [hbm4b:s16+s3], $0xA00, $0x38;
	[tilespmem:$0x58C0] =	vst v63  }
0x34: {  	_ =	swait.ge [sflag:s12], $0xA00  }
0x35: {  	[sflag:s12] =	ssyncset.done $0x0  }
0x36: {  	[sflag:s12] =	ssyncadd.s32 $0xFFFFF600  }
0x37: {  	[spmem:s2] =	stream.indirect.scatter.add.f32 [tilespmem:s14], [sflag:$0x1], $0x20, s3, s13, $0xb8;
	[tilespmem:$0x58C0] =	vst v63  }
0x38: {  	_ =	swait.ge [sflag:s12], $0xA00  }
.Ltmp0:
0x39: {  	[sflag:s12] =	ssyncset.done $0x0;
	(pc) =	sbr.rel @p0 .LBB2_2-.Ltmp0, $4  }
0x3a: {  	[sflag:s12] =	ssyncadd.s32 $0xFFFFF600  }
0x3b: {  	[spmem:s2] =	stream.indirect.scatter.add.f32 [tilespmem:s14], [sflag:$0x1], $0x20, s13, s13, $0xb8;
	[tilespmem:$0x58C0] =	vst v63  }
0x3c: {  	_ =	swait.ge [sflag:s12], $0xA00  }
0x3d: {  	s18 =	smov.u32 s21;
	s16 =	sadd.s32 $0x140, s16;
	[sflag:s12] =	ssyncset.done $0x0  }
0x3e: {  	s18 =	sadd.s32 s17, s10;
	[sflag:s12] =	ssyncadd.s32 $0xFFFFF600  }
0x3f: {  	[tilespmem:s3], [sflag:$0x1] =	stream.linear.gather [hbm4b:s18+s3], $0x50, $0x38;
	[tilespmem:$0x58C0] =	vst v63  }
0x40: {  	_ =	swait.ge [sflag:s12], $0x50  }
0x41: {  	[sflag:s12] =	ssyncset.done $0x0  }
0x42: {  	s31 =	sadd.s32 s17, s9;
	[sflag:s12] =	ssyncadd.s32 $0xFFFFFFB0  }
0x43: {  	[tilespmem:s13], [sflag:$0x1] =	stream.linear.gather [hbm4b:s31+s3], $0x50, $0x38;
	[tilespmem:$0x58C0] =	vst v63  }
0x44: {  	_ =	swait.ge [sflag:s12], $0x50  }
0x45: {  	[sflag:s12] =	ssyncset.done $0x0  }
0x46: {  	[sflag:s12] =	ssyncadd.s32 $0xFFFFFFB0  }
0x47: {  	[tilespmem:s14], [sflag:$0x1] =	stream.linear.gather [hbm4b:s16+s3], $0xA00, $0x38;
	[tilespmem:$0x58C0] =	vst v63  }
0x48: {  	_ =	swait.ge [sflag:s12], $0xA00  }
0x49: {  	[sflag:s12] =	ssyncset.done $0x0  }
0x4a: {  	[sflag:s12] =	ssyncadd.s32 $0xFFFFF600  }
0x4b: {  	[spmem:s2] =	stream.indirect.scatter.add.f32 [tilespmem:s14], [sflag:$0x1], $0x20, s3, s13, $0xb8;
	[tilespmem:$0x58C0] =	vst v63  }
0x4c: {  	_ =	swait.ge [sflag:s12], $0xA00  }
0x4d: {  	[sflag:s12] =	ssyncset.done $0x0  }
0x4e: {  	[sflag:s12] =	ssyncadd.s32 $0xFFFFF600  }
0x4f: {  	[spmem:s2] =	stream.indirect.scatter.add.f32 [tilespmem:s14], [sflag:$0x1], $0x20, s13, s13, $0xb8;
	[tilespmem:$0x58C0] =	vst v63  }
0x50: {  	_ =	swait.ge [sflag:s12], $0xA00  }
0x51: {  	s15 =	sadd.s32 $0x1, s15;
	[sflag:s12] =	ssyncset.done $0x0  }
0x52: {  	p0 =	sne.s32 s15, s7;
	[sflag:s12] =	ssyncadd.s32 $0xFFFFF600  }
.Ltmp1:
0x53: {  	[bflag:$0x0] =	sbarrier.arrive $0xFFFF;
	(pc) =	sbr.rel @p0 .LBB2_1-.Ltmp1, $4  }
0x54: {  	[hbm:s6], [sflag:s5] =	dma.local [spmem:s11], $0x9C4  }
0x55: {  	_ =	swait.ge [sflag:s12], $0x9C4  }
0x56: {  	[sflag:s12] =	ssyncset.done $0x0  }
0x57: {  	[sflag:s12] =	ssyncadd.s32 $0xFFFFF63C  }
0x58: {  	_ =	sfence.sel $0x180000  }
0x59: {  	[bflag:$0x0] =	sbarrier.arrive $0xFFFF  }
0x5a: {  	p0 =	sne.s32 s0, $0x0;
	_ =	strace $0x90000065  }
0x5b: {  	s0 =	sadd.s32 @!p0 $0x100000, s1;
	[bflag:$0x2] =	sbarrier.arrive $0xFFFF  }
0x5c: {  	[sflag:s0] =	ssyncadd.tile.s32 @!p0 $0x1;
	_ =	shalt  }
.Lfunc_end2:
_tile_overlayer_lowered:
.L_overlay_start_2:
0x5d: {  	(tag) =	ssettag $0x2  }
0x5e: {  	s0 =	rddreg [dreg:$0x0];
	s2 =	stileid.u32  }
0x5f: {  	s1 =	rddreg [dreg:$0x1];
	p0 =	sne.s32 s2, $0x0  }
0x60: {  	s3 =	rddreg [dreg:$0x2];
	[bflag:$0x3] =	sbarrier.arrive $0xFFFF;
	s2 =	simm.s32 @!p0 $0x1C01  }
0x61: {  	[timem:s3], [sflag:s2] =	dma.local @!p0 [hbm:s0], s1  }
0x62: {  	s0 =	simm.s32 @!p0 $0x1  }
0x63: {  	_ =	swait.ge @!p0 [sflag:s0], s1  }
0x64: {  	s1 =	ssub.s32 @!p0 $0x0, s1;
	[sflag:s0] =	ssyncset.done @!p0 $0x0  }
0x65: {  	[sflag:s0] =	ssyncadd.s32 @!p0 s1  }
0x66: {  	[bflag:$0x3] =	sbarrier.arrive $0xFFFF  }
0x67: {  	_ =	shalt  }

</sc_bundles>
